<compile_context>
chip_gen: v7x
topology: tpu7x:2x2x1
jax: 0.10.2.dev20260603
libtpu: 0.0.44.dev20260713+nightly
codegen_flags: <defaults>
</compile_context>

<pallas_src>
import functools

import jax
import jax.numpy as jnp
from jax import lax
from jax.experimental import pallas as pl
from jax.experimental.pallas import tpu as pltpu
from jax.experimental.pallas import tpu_sc as plsc

N = 10000
E = 160000
NP = 10240
RPT = NP // 16
NC, NS = 2, 16
K1 = 40
K2 = 40
DH = 128
D2 = 128

_HIGH = jax.lax.Precision.HIGHEST


@functools.cache
def _sc_mesh():
    return plsc.VectorSubcoreMesh(
        core_axis_name="c", subcore_axis_name="s",
        num_cores=NC, num_subcores=NS)


_HN = NP // 2
_HW = 16 * (_HN + 8)


def _deg_body(edge, out, idxall, hist):
    c = lax.axis_index("c")
    s = lax.axis_index("s")
    ept = E // NS
    iota = lax.iota(jnp.int32, 16)
    ones = jnp.ones((16,), jnp.float32)
    zero16 = jnp.zeros((16,), jnp.float32)
    pltpu.sync_copy(edge.at[pl.ds(c * 2 * E + s * ept, ept)], idxall)

    for p in range(2):
        def zhist(r, _):
            for j in range(8):
                hist[pl.ds(r * 128 + j * 16, 16)] = zero16
            return 0
        lax.fori_loop(0, _HW // 128, zhist, 0)

        lo = p * _HN

        def ebody(k, _):
            idx16 = idxall[pl.ds(k * 16, 16)]
            rel = idx16 - lo
            inr = (rel >= 0) & (rel < _HN)
            rel2 = jnp.where(inr, rel, _HN)
            plsc.addupdate_scatter(hist, [rel2 * 16 + iota], ones)
            return 0
        lax.fori_loop(0, ept // 16, ebody, 0)

        pltpu.sync_copy(
            hist, out.at[pl.ds((((c * NS) + s) * 2 + p) * _HW, _HW)])


@functools.cache
def _deg_call():
    return pl.kernel(
        _deg_body,
        out_type=jax.ShapeDtypeStruct((NC * NS * 2 * _HW,), jnp.float32),
        mesh=_sc_mesh(),
        compiler_params=pltpu.CompilerParams(needs_layout_passes=False),
        scratch_types=[
            pltpu.VMEM((E // NS,), jnp.int32),
            pltpu.VMEM((_HW,), jnp.float32),
        ],
    )


NBUF = 5


def _make_edge(K, ept, width, use_core_offset):
    nchunks = ept // K
    assert nchunks % NBUF == 0

    def body(edge3, table, out, rows, sidx, didx, acc, gsem, isem, dsem):
        c = lax.axis_index("c")
        s = lax.axis_index("s")
        zero16 = jnp.zeros((16,), jnp.float32)
        if use_core_offset:
            sbase = c * E + s * ept
            dbase = 2 * E + s * ept
        else:
            half = c * (E // NC)
            sbase = half + s * ept
            dbase = 2 * E + half + s * ept

        def init_zero(r, _):
            for b in range(NBUF):
                for j in range(width // 16):
                    rows[b][r, pl.ds(j * 16, 16)] = zero16
            return 0
        lax.fori_loop(0, K, init_zero, 0)
        for t in range(RPT // K):
            pltpu.sync_copy(rows[t % NBUF],
                            acc.at[pl.ds(s * RPT + t * K, K)])
        plsc.subcore_barrier()

        def group(t, _):
            start0 = t * (NBUF * K)
            idescs = []
            ddescs = []
            for b in range(NBUF):
                idescs.append(pltpu.async_copy(
                    edge3.at[pl.ds(sbase + start0 + b * K, K)],
                    sidx[b], isem[b]))
                ddescs.append(pltpu.async_copy(
                    edge3.at[pl.ds(dbase + start0 + b * K, K)],
                    didx[b], dsem[b]))
            gathers = []
            for b in range(NBUF):
                idescs[b].wait()
                gathers.append(
                    pltpu.async_copy(table.at[sidx[b]], rows[b], gsem[b]))
            for b in range(NBUF):
                gathers[b].wait()
                ddescs[b].wait()
                pltpu.sync_copy(rows[b], acc.at[didx[b]], add=True)
            return 0
        lax.fori_loop(0, nchunks // NBUF, group, 0)
        plsc.subcore_barrier()

        for t in range(RPT // K):
            r0 = s * RPT + t * K
            b = t % NBUF
            pltpu.sync_copy(acc.at[pl.ds(r0, K)], rows[b])
            pltpu.sync_copy(rows[b], out.at[c, pl.ds(r0, K)])

    return pl.kernel(
        body,
        out_type=jax.ShapeDtypeStruct((NC, NP, width), jnp.float32),
        mesh=_sc_mesh(),
        scratch_types=[
            [pltpu.VMEM((K, width), jnp.float32) for _ in range(NBUF)],
            [pltpu.VMEM((K,), jnp.int32) for _ in range(NBUF)],
            [pltpu.VMEM((K,), jnp.int32) for _ in range(NBUF)],
            pltpu.VMEM_SHARED((NP, width), jnp.float32),
            [pltpu.SemaphoreType.DMA for _ in range(NBUF)],
            [pltpu.SemaphoreType.DMA for _ in range(NBUF)],
            [pltpu.SemaphoreType.DMA for _ in range(NBUF)],
        ],
    )


@functools.cache
def _edge1_call():
    return _make_edge(K1, E // NS, DH, use_core_offset=True)


@functools.cache
def _edge2_call():
    return _make_edge(K2, E // NC // NS, D2, use_core_offset=False)


def _deg_sum(deg_block):
    return jnp.sum(jnp.sum(deg_block, axis=-1), axis=0)


def _tc1_body(x_ref, w_ref, deg_ref, o_ref):
    nsrc = lax.rsqrt(jnp.maximum(_deg_sum(deg_ref[0]), 1.0))
    y = jnp.dot(x_ref[...], w_ref[...],
                preferred_element_type=jnp.float32, precision=_HIGH)
    row = pl.program_id(0) * RPT + lax.broadcasted_iota(
        jnp.int32, (RPT, 1), 0)
    o_ref[...] = jnp.where(row < N, y * nsrc[:, None], 0.0)


_tc1_call = pl.pallas_call(
    _tc1_body,
    grid=(16, 2),
    in_specs=[
        pl.BlockSpec((RPT, 256), lambda i, j: (i, 0)),
        pl.BlockSpec((256, DH), lambda i, j: (0, j)),
        pl.BlockSpec((1, NS, RPT, 16), lambda i, j: (0, 0, i, 0)),
    ],
    out_specs=pl.BlockSpec((RPT, DH), lambda i, j: (j * 16 + i, 0)),
    out_shape=jax.ShapeDtypeStruct((NC * NP, DH), jnp.float32),
)


def _tc2_body(a1_ref, deg_ref, b1_ref, w2_ref, wfc_ref, o_ref):
    cat = jnp.concatenate([a1_ref[0], a1_ref[1]], axis=1)
    ndst = lax.rsqrt(jnp.maximum(_deg_sum(deg_ref[1]), 1.0))[:, None]
    nsrc = lax.rsqrt(jnp.maximum(_deg_sum(deg_ref[0]), 1.0))[:, None]
    h1 = jnp.maximum(cat * ndst + b1_ref[0][None, :], 0.0)
    w2fc = jnp.dot(w2_ref[...], wfc_ref[...],
                   preferred_element_type=jnp.float32, precision=_HIGH)
    y2 = jnp.dot(h1, w2fc, preferred_element_type=jnp.float32,
                 precision=_HIGH) * nsrc
    row = pl.program_id(0) * RPT + lax.broadcasted_iota(
        jnp.int32, (RPT, 1), 0)
    y2 = jnp.where(row < N, y2, 0.0)
    o_ref[...] = jnp.concatenate(
        [y2, jnp.zeros((y2.shape[0], D2 - 40), jnp.float32)], axis=1)


_tc2_call = pl.pallas_call(
    _tc2_body,
    grid=(16,),
    in_specs=[
        pl.BlockSpec((2, RPT, DH), lambda i: (0, i, 0)),
        pl.BlockSpec((2, NS, RPT, 16), lambda i: (0, 0, i, 0)),
        pl.BlockSpec((1, 256), lambda i: (0, 0)),
        pl.BlockSpec((256, DH), lambda i: (0, 0)),
        pl.BlockSpec((DH, 40), lambda i: (0, 0)),
    ],
    out_specs=pl.BlockSpec((RPT, D2), lambda i: (i, 0)),
    out_shape=jax.ShapeDtypeStruct((NP, D2), jnp.float32),
)


def _tc3_body(a2_ref, deg_ref, b2_ref, wfc_ref, bfc_ref, o_ref):
    ssum = a2_ref[0, :, 0:40] + a2_ref[1, :, 0:40]
    ndst = lax.rsqrt(jnp.maximum(_deg_sum(deg_ref[0]), 1.0))[:, None]
    bias = jnp.dot(b2_ref[...], wfc_ref[...],
                   preferred_element_type=jnp.float32, precision=_HIGH) \
        + bfc_ref[...]
    z = ssum * ndst + bias
    m = jnp.max(z, axis=1, keepdims=True)
    lse = jnp.log(jnp.sum(jnp.exp(z - m), axis=1, keepdims=True)) + m
    o_ref[...] = z - lse


_tc3_call = pl.pallas_call(
    _tc3_body,
    grid=(10,),
    in_specs=[
        pl.BlockSpec((2, 1000, D2), lambda i: (0, i, 0)),
        pl.BlockSpec((1, NS, 1000, 16), lambda i: (1, 0, i, 0)),
        pl.BlockSpec((1, DH), lambda i: (0, 0)),
        pl.BlockSpec((DH, 40), lambda i: (0, 0)),
        pl.BlockSpec((1, 40), lambda i: (0, 0)),
    ],
    out_specs=pl.BlockSpec((1000, 40), lambda i: (i, 0)),
    out_shape=jax.ShapeDtypeStruct((N, 40), jnp.float32),
)


def kernel(x, edge_index, W1, b1, W2, b2, Wfc, bfc):
    src, dst = edge_index[0].astype(jnp.int32), edge_index[1].astype(jnp.int32)
    edge = jnp.concatenate([src, src + NP, dst])
    deg4 = _deg_call()(edge).reshape(NC, NS, 2, _HN + 8, 16)
    deg = jnp.concatenate(
        [deg4[:, :, 0, :_HN, :], deg4[:, :, 1, :_HN, :]], axis=2)
    y1t = _tc1_call(x, W1, deg)
    a1 = _edge1_call()(edge, y1t)
    y2t = _tc2_call(a1, deg, b1[None, :], W2, Wfc)
    a2 = _edge2_call()(edge, y2t)
    return _tc3_call(a2, deg, b2[None, :], Wfc, bfc[None, :])

# --- scband reference (transcript-rebuilt; emitter-appended) ---
"""Pipeline reference for scband-gcn-69939247448340 (READ-ONLY COPY).

The authoritative reference and input builder live on the scoring server;
editing this copy changes nothing except your own understanding.
"""

import jax, jax.numpy as jnp
import numpy as np

N_NODES = 10000

def _gcn_conv(x, src, dst, W, b, n_nodes):
    ones = jnp.ones((src.shape[0],), dtype=x.dtype)
    deg_out = jax.ops.segment_sum(ones, src, num_segments=n_nodes)
    deg_in = jax.ops.segment_sum(ones, dst, num_segments=n_nodes)
    norm_src = jax.lax.rsqrt(jnp.clip(deg_out, 1.0))
    norm_dst = jax.lax.rsqrt(jnp.clip(deg_in, 1.0))
    h = x * norm_src[:, None]
    m = jnp.take(h, src, axis=0)
    agg = jax.ops.segment_sum(m, dst, num_segments=n_nodes)
    agg = agg * norm_dst[:, None]
    return agg @ W + b

def setup_inputs(seed: int = 0) -> dict:
    key = jax.random.key(seed)
    ks = jax.random.split(key, 10)
    x = jax.random.normal(ks[0], (N_NODES, 256), dtype=jnp.float32)
    edge_index = jax.random.randint(ks[1], (2, 160000), 0, N_NODES, dtype=jnp.int64 if jax.config.jax_enable_x64 else jnp.int32).astype(jnp.int32)
    W1 = jax.random.normal(ks[2], (256, 256), dtype=jnp.float32) * (1.0 / np.sqrt(256))
    b1 = jnp.zeros((256,), dtype=jnp.float32)
    W2 = jax.random.normal(ks[3], (256, 128), dtype=jnp.float32) * (1.0 / np.sqrt(256))
    b2 = jnp.zeros((128,), dtype=jnp.float32)
    Wfc = jax.random.normal(ks[4], (128, 40), dtype=jnp.float32) * (1.0 / np.sqrt(128))
    bfc = jnp.zeros((40,), dtype=jnp.float32)
    return {"x": x, "edge_index": edge_index, "W1": W1, "b1": b1, "W2": W2, "b2": b2, "Wfc": Wfc, "bfc": bfc}

def reference(x, edge_index, W1, b1, W2, b2, Wfc, bfc):
    src = edge_index[0]
    dst = edge_index[1]
    h = _gcn_conv(x, src, dst, W1, b1, N_NODES)
    h = jax.nn.relu(h)
    h = _gcn_conv(h, src, dst, W2, b2, N_NODES)
    h = h @ Wfc + bfc
    h = jax.nn.log_softmax(h, axis=-1)
    return h

if __name__ == "__main__":
    import jax
    _d = setup_inputs()
    print(jax.jit(kernel)(*tuple(_d.values())))

</pallas_src>

<mosaic_0001>
#map = affine_map<(d0, d1) -> (0)>
module attributes {stable_mosaic.version = 14 : i64} {
  func.func @_deg_body(%arg0: i32, %arg1: i32, %arg2: memref<480000xi32, #tpu.memory_space<hbm>>, %arg3: memref<5251072xf32, #tpu.memory_space<hbm>>, %arg4: memref<10000xi32, #tpu.memory_space<vmem>>, %arg5: memref<82048xf32, #tpu.memory_space<vmem>>) attributes {dimension_semantics = [#tpu.dimension_semantics<core_parallel>, #tpu.dimension_semantics<subcore_parallel>], iteration_bounds = array<i64: 2, 16>, scalar_prefetch = 0 : i64, scratch_operands = 2 : i64, tpu.core_type = #tpu.core_type<sc_vector_subcore>, window_params = [{transform_indices = #map}, {transform_indices = #map}]} {
    %iota3A = tpu.iota {dimensions = array<i32: 0>} : vector<16xi32>
    %broadcast_in_dim3A = arith.constant 1.000000e+00 : f32
    %broadcast_in_dim3A_0 = vector.broadcast %broadcast_in_dim3A : f32 to vector<16xf32>
    %broadcast_in_dim3A_1 = arith.constant 0.000000e+00 : f32
    %broadcast_in_dim3A_2 = vector.broadcast %broadcast_in_dim3A_1 : f32 to vector<16xf32>
    %mul3A = arith.constant 2 : i32
    %mul3A_3 = arith.muli %arg0, %mul3A : i32
    %mul3A_4 = arith.constant 160000 : i32
    %mul3A_5 = arith.muli %mul3A_3, %mul3A_4 : i32
    %mul3A_6 = arith.constant 10000 : i32
    %mul3A_7 = arith.muli %arg1, %mul3A_6 : i32
    %add3A = arith.addi %mul3A_5, %mul3A_7 : i32
    "tpu.region"() ({
      %run_scoped3A = tpu.sem_alloc : memref<!tpu.dma_semaphore, #tpu.memory_space<semaphore_mem>>
      %dma_start3A = tpu.memref_slice %arg2[%add3A] : memref<480000xi32, #tpu.memory_space<hbm>> -> memref<10000xi32, #tpu.memory_space<hbm>>
      %dma_start3A_53 = tpu.memref_slice %arg2[%add3A] : memref<480000xi32, #tpu.memory_space<hbm>> -> memref<10000xi32, #tpu.memory_space<hbm>>
      tpu.enqueue_dma source(%dma_start3A_53 : memref<10000xi32, #tpu.memory_space<hbm>>) target(%arg4 : memref<10000xi32, #tpu.memory_space<vmem>>) target_semaphore(%run_scoped3A : memref<!tpu.dma_semaphore, #tpu.memory_space<semaphore_mem>>)
      %dma_wait3A = tpu.memref_slice %arg2[%add3A] : memref<480000xi32, #tpu.memory_space<hbm>> -> memref<10000xi32, #tpu.memory_space<hbm>>
      %dma_wait3A_54 = tpu.memref_slice %arg2[%add3A] : memref<480000xi32, #tpu.memory_space<hbm>> -> memref<10000xi32, #tpu.memory_space<hbm>>
      tpu.wait_dma2 semaphore(%run_scoped3A : memref<!tpu.dma_semaphore, #tpu.memory_space<semaphore_mem>>) src(%dma_wait3A_54 : memref<10000xi32, #tpu.memory_space<hbm>>) dst(%arg4 : memref<10000xi32, #tpu.memory_space<vmem>>)
      tpu.yield
    }) : () -> ()
    %scan3A = arith.constant 0 : i32
    %scan3A_8 = arith.constant 0 : i32
    %scan3A_9 = arith.constant 641 : i32
    %scan3A_10 = arith.addi %scan3A_8, %scan3A_9 : i32
    %scan3A_11 = arith.constant 1 : i32
    %scan3A_12 = scf.for %scan3A_53 = %scan3A_8 to %scan3A_10 step %scan3A_11 iter_args(%scan3A_54 = %scan3A) -> (i32)  : i32 {
      %mul3A_55 = arith.constant 128 : i32
      %mul3A_56 = arith.muli %scan3A_53, %mul3A_55 : i32
      %add3A_57 = arith.constant 0 : i32
      %add3A_58 = arith.addi %mul3A_56, %add3A_57 : i32
      %swap3A = arith.index_cast %add3A_58 : i32 to index
      %swap3A_59 = tpu.vector_load %arg5[%swap3A] {strides = array<i32>} : memref<82048xf32, #tpu.memory_space<vmem>>, vector<16xf32>,
      tpu.vector_store %arg5[%swap3A], %broadcast_in_dim3A_2 {strides = array<i32>} : memref<82048xf32, #tpu.memory_space<vmem>>, vector<16xf32>,
      %mul3A_60 = arith.constant 128 : i32
      %mul3A_61 = arith.muli %scan3A_53, %mul3A_60 : i32
      %add3A_62 = arith.constant 16 : i32
      %add3A_63 = arith.addi %mul3A_61, %add3A_62 : i32
      %swap3A_64 = arith.index_cast %add3A_63 : i32 to index
      %swap3A_65 = tpu.vector_load %arg5[%swap3A_64] {strides = array<i32>} : memref<82048xf32, #tpu.memory_space<vmem>>, vector<16xf32>,
      tpu.vector_store %arg5[%swap3A_64], %broadcast_in_dim3A_2 {strides = array<i32>} : memref<82048xf32, #tpu.memory_space<vmem>>, vector<16xf32>,
      %mul3A_66 = arith.constant 128 : i32
      %mul3A_67 = arith.muli %scan3A_53, %mul3A_66 : i32
      %add3A_68 = arith.constant 32 : i32
      %add3A_69 = arith.addi %mul3A_67, %add3A_68 : i32
      %swap3A_70 = arith.index_cast %add3A_69 : i32 to index
      %swap3A_71 = tpu.vector_load %arg5[%swap3A_70] {strides = array<i32>} : memref<82048xf32, #tpu.memory_space<vmem>>, vector<16xf32>,
      tpu.vector_store %arg5[%swap3A_70], %broadcast_in_dim3A_2 {strides = array<i32>} : memref<82048xf32, #tpu.memory_space<vmem>>, vector<16xf32>,
      %mul3A_72 = arith.constant 128 : i32
      %mul3A_73 = arith.muli %scan3A_53, %mul3A_72 : i32
      %add3A_74 = arith.constant 48 : i32
      %add3A_75 = arith.addi %mul3A_73, %add3A_74 : i32
      %swap3A_76 = arith.index_cast %add3A_75 : i32 to index
      %swap3A_77 = tpu.vector_load %arg5[%swap3A_76] {strides = array<i32>} : memref<82048xf32, #tpu.memory_space<vmem>>, vector<16xf32>,
      tpu.vector_store %arg5[%swap3A_76], %broadcast_in_dim3A_2 {strides = array<i32>} : memref<82048xf32, #tpu.memory_space<vmem>>, vector<16xf32>,
      %mul3A_78 = arith.constant 128 : i32
      %mul3A_79 = arith.muli %scan3A_53, %mul3A_78 : i32
      %add3A_80 = arith.constant 64 : i32
      %add3A_81 = arith.addi %mul3A_79, %add3A_80 : i32
      %swap3A_82 = arith.index_cast %add3A_81 : i32 to index
      %swap3A_83 = tpu.vector_load %arg5[%swap3A_82] {strides = array<i32>} : memref<82048xf32, #tpu.memory_space<vmem>>, vector<16xf32>,
      tpu.vector_store %arg5[%swap3A_82], %broadcast_in_dim3A_2 {strides = array<i32>} : memref<82048xf32, #tpu.memory_space<vmem>>, vector<16xf32>,
      %mul3A_84 = arith.constant 128 : i32
      %mul3A_85 = arith.muli %scan3A_53, %mul3A_84 : i32
      %add3A_86 = arith.constant 80 : i32
      %add3A_87 = arith.addi %mul3A_85, %add3A_86 : i32
      %swap3A_88 = arith.index_cast %add3A_87 : i32 to index
      %swap3A_89 = tpu.vector_load %arg5[%swap3A_88] {strides = array<i32>} : memref<82048xf32, #tpu.memory_space<vmem>>, vector<16xf32>,
      tpu.vector_store %arg5[%swap3A_88], %broadcast_in_dim3A_2 {strides = array<i32>} : memref<82048xf32, #tpu.memory_space<vmem>>, vector<16xf32>,
      %mul3A_90 = arith.constant 128 : i32
      %mul3A_91 = arith.muli %scan3A_53, %mul3A_90 : i32
      %add3A_92 = arith.constant 96 : i32
      %add3A_93 = arith.addi %mul3A_91, %add3A_92 : i32
      %swap3A_94 = arith.index_cast %add3A_93 : i32 to index
      %swap3A_95 = tpu.vector_load %arg5[%swap3A_94] {strides = array<i32>} : memref<82048xf32, #tpu.memory_space<vmem>>, vector<16xf32>,
      tpu.vector_store %arg5[%swap3A_94], %broadcast_in_dim3A_2 {strides = array<i32>} : memref<82048xf32, #tpu.memory_space<vmem>>, vector<16xf32>,
      %mul3A_96 = arith.constant 128 : i32
      %mul3A_97 = arith.muli %scan3A_53, %mul3A_96 : i32
      %add3A_98 = arith.constant 112 : i32
      %add3A_99 = arith.addi %mul3A_97, %add3A_98 : i32
      %swap3A_100 = arith.index_cast %add3A_99 : i32 to index
      %swap3A_101 = tpu.vector_load %arg5[%swap3A_100] {strides = array<i32>} : memref<82048xf32, #tpu.memory_space<vmem>>, vector<16xf32>,
      tpu.vector_store %arg5[%swap3A_100], %broadcast_in_dim3A_2 {strides = array<i32>} : memref<82048xf32, #tpu.memory_space<vmem>>, vector<16xf32>,
      %scan3A_102 = arith.constant 0 : i32
      scf.yield %scan3A_102 : i32
    }
    %scan3A_13 = arith.constant 641 : i32
    %scan3A_14 = arith.constant 0 : i32
    %scan3A_15 = arith.constant 0 : i32
    %scan3A_16 = arith.constant 625 : i32
    %scan3A_17 = arith.addi %scan3A_15, %scan3A_16 : i32
    %scan3A_18 = arith.constant 1 : i32
    %scan3A_19 = scf.for %scan3A_53 = %scan3A_15 to %scan3A_17 step %scan3A_18 iter_args(%scan3A_54 = %scan3A_14) -> (i32)  : i32 {
      %mul3A_55 = arith.constant 16 : i32
      %mul3A_56 = arith.muli %scan3A_53, %mul3A_55 : i32
      %get3A = arith.index_cast %mul3A_56 : i32 to index
      %get3A_57 = tpu.vector_load %arg4[%get3A] {strides = array<i32>} : memref<10000xi32, #tpu.memory_space<vmem>>, vector<16xi32>,
      %sub3A = arith.constant 0 : i32
      %sub3A_58 = vector.broadcast %sub3A : i32 to vector<16xi32>
      %sub3A_59 = arith.subi %get3A_57, %sub3A_58 : vector<16xi32>
      %ge3A = arith.constant 0 : i32
      %ge3A_60 = vector.broadcast %ge3A : i32 to vector<16xi32>
      %ge3A_61 = arith.cmpi sge, %sub3A_59, %ge3A_60 : vector<16xi32>
      %lt3A = arith.constant 5120 : i32
      %lt3A_62 = vector.broadcast %lt3A : i32 to vector<16xi32>
      %lt3A_63 = arith.cmpi slt, %sub3A_59, %lt3A_62 : vector<16xi32>
      %and3A = arith.andi %ge3A_61, %lt3A_63 : vector<16xi1>
      %jit3A = arith.constant 5120 : i32
      %broadcast_in_dim3A_64 = vector.broadcast %jit3A : i32 to vector<16xi32>
      %select_n3A = arith.select %and3A, %sub3A_59, %broadcast_in_dim3A_64 : vector<16xi1>, vector<16xi32>
      %mul3A_65 = arith.constant 16 : i32
      %mul3A_66 = vector.broadcast %mul3A_65 : i32 to vector<16xi32>
      %mul3A_67 = arith.muli %select_n3A, %mul3A_66 : vector<16xi32>
      %add3A_68 = arith.addi %mul3A_67, %iota3A : vector<16xi32>
      tpu.vector_store_idx %arg5[%add3A_68], %broadcast_in_dim3A_0 {add = true} : memref<82048xf32, #tpu.memory_space<vmem>>[vector<16xi32>], vector<16xf32>,
      %scan3A_69 = arith.constant 0 : i32
      scf.yield %scan3A_69 : i32
    }
    %scan3A_20 = arith.constant 625 : i32
    %mul3A_21 = arith.constant 16 : i32
    %mul3A_22 = arith.muli %arg0, %mul3A_21 : i32
    %add3A_23 = arith.addi %mul3A_22, %arg1 : i32
    %mul3A_24 = arith.constant 2 : i32
    %mul3A_25 = arith.muli %add3A_23, %mul3A_24 : i32
    %add3A_26 = arith.constant 0 : i32
    %add3A_27 = arith.addi %mul3A_25, %add3A_26 : i32
    %mul3A_28 = arith.constant 82048 : i32
    %mul3A_29 = arith.muli %add3A_27, %mul3A_28 : i32
    "tpu.region"() ({
      %run_scoped3A = tpu.sem_alloc : memref<!tpu.dma_semaphore, #tpu.memory_space<semaphore_mem>>
      %dma_start3A = tpu.memref_slice %arg3[%mul3A_29] : memref<5251072xf32, #tpu.memory_space<hbm>> -> memref<82048xf32, #tpu.memory_space<hbm>>
      %dma_start3A_53 = tpu.memref_slice %arg3[%mul3A_29] : memref<5251072xf32, #tpu.memory_space<hbm>> -> memref<82048xf32, #tpu.memory_space<hbm>>
      tpu.enqueue_dma source(%arg5 : memref<82048xf32, #tpu.memory_space<vmem>>) target(%dma_start3A_53 : memref<82048xf32, #tpu.memory_space<hbm>>) target_semaphore(%run_scoped3A : memref<!tpu.dma_semaphore, #tpu.memory_space<semaphore_mem>>)
      %dma_wait3A = tpu.memref_slice %arg3[%mul3A_29] : memref<5251072xf32, #tpu.memory_space<hbm>> -> memref<82048xf32, #tpu.memory_space<hbm>>
      %dma_wait3A_54 = tpu.memref_slice %arg3[%mul3A_29] : memref<5251072xf32, #tpu.memory_space<hbm>> -> memref<82048xf32, #tpu.memory_space<hbm>>
      tpu.wait_dma2 semaphore(%run_scoped3A : memref<!tpu.dma_semaphore, #tpu.memory_space<semaphore_mem>>) src(%arg5 : memref<82048xf32, #tpu.memory_space<vmem>>) dst(%dma_wait3A_54 : memref<82048xf32, #tpu.memory_space<hbm>>)
      tpu.yield
    }) : () -> ()
    %scan3A_30 = arith.constant 0 : i32
    %scan3A_31 = arith.constant 0 : i32
    %scan3A_32 = arith.constant 641 : i32
    %scan3A_33 = arith.addi %scan3A_31, %scan3A_32 : i32
    %scan3A_34 = arith.constant 1 : i32
    %scan3A_35 = scf.for %scan3A_53 = %scan3A_31 to %scan3A_33 step %scan3A_34 iter_args(%scan3A_54 = %scan3A_30) -> (i32)  : i32 {
      %mul3A_55 = arith.constant 128 : i32
      %mul3A_56 = arith.muli %scan3A_53, %mul3A_55 : i32
      %add3A_57 = arith.constant 0 : i32
      %add3A_58 = arith.addi %mul3A_56, %add3A_57 : i32
      %swap3A = arith.index_cast %add3A_58 : i32 to index
      %swap3A_59 = tpu.vector_load %arg5[%swap3A] {strides = array<i32>} : memref<82048xf32, #tpu.memory_space<vmem>>, vector<16xf32>,
      tpu.vector_store %arg5[%swap3A], %broadcast_in_dim3A_2 {strides = array<i32>} : memref<82048xf32, #tpu.memory_space<vmem>>, vector<16xf32>,
      %mul3A_60 = arith.constant 128 : i32
      %mul3A_61 = arith.muli %scan3A_53, %mul3A_60 : i32
      %add3A_62 = arith.constant 16 : i32
      %add3A_63 = arith.addi %mul3A_61, %add3A_62 : i32
      %swap3A_64 = arith.index_cast %add3A_63 : i32 to index
      %swap3A_65 = tpu.vector_load %arg5[%swap3A_64] {strides = array<i32>} : memref<82048xf32, #tpu.memory_space<vmem>>, vector<16xf32>,
      tpu.vector_store %arg5[%swap3A_64], %broadcast_in_dim3A_2 {strides = array<i32>} : memref<82048xf32, #tpu.memory_space<vmem>>, vector<16xf32>,
      %mul3A_66 = arith.constant 128 : i32
      %mul3A_67 = arith.muli %scan3A_53, %mul3A_66 : i32
      %add3A_68 = arith.constant 32 : i32
      %add3A_69 = arith.addi %mul3A_67, %add3A_68 : i32
      %swap3A_70 = arith.index_cast %add3A_69 : i32 to index
      %swap3A_71 = tpu.vector_load %arg5[%swap3A_70] {strides = array<i32>} : memref<82048xf32, #tpu.memory_space<vmem>>, vector<16xf32>,
      tpu.vector_store %arg5[%swap3A_70], %broadcast_in_dim3A_2 {strides = array<i32>} : memref<82048xf32, #tpu.memory_space<vmem>>, vector<16xf32>,
      %mul3A_72 = arith.constant 128 : i32
      %mul3A_73 = arith.muli %scan3A_53, %mul3A_72 : i32
      %add3A_74 = arith.constant 48 : i32
      %add3A_75 = arith.addi %mul3A_73, %add3A_74 : i32
      %swap3A_76 = arith.index_cast %add3A_75 : i32 to index
      %swap3A_77 = tpu.vector_load %arg5[%swap3A_76] {strides = array<i32>} : memref<82048xf32, #tpu.memory_space<vmem>>, vector<16xf32>,
      tpu.vector_store %arg5[%swap3A_76], %broadcast_in_dim3A_2 {strides = array<i32>} : memref<82048xf32, #tpu.memory_space<vmem>>, vector<16xf32>,
      %mul3A_78 = arith.constant 128 : i32
      %mul3A_79 = arith.muli %scan3A_53, %mul3A_78 : i32
      %add3A_80 = arith.constant 64 : i32
      %add3A_81 = arith.addi %mul3A_79, %add3A_80 : i32
      %swap3A_82 = arith.index_cast %add3A_81 : i32 to index
      %swap3A_83 = tpu.vector_load %arg5[%swap3A_82] {strides = array<i32>} : memref<82048xf32, #tpu.memory_space<vmem>>, vector<16xf32>,
      tpu.vector_store %arg5[%swap3A_82], %broadcast_in_dim3A_2 {strides = array<i32>} : memref<82048xf32, #tpu.memory_space<vmem>>, vector<16xf32>,
      %mul3A_84 = arith.constant 128 : i32
      %mul3A_85 = arith.muli %scan3A_53, %mul3A_84 : i32
      %add3A_86 = arith.constant 80 : i32
      %add3A_87 = arith.addi %mul3A_85, %add3A_86 : i32
      %swap3A_88 = arith.index_cast %add3A_87 : i32 to index
      %swap3A_89 = tpu.vector_load %arg5[%swap3A_88] {strides = array<i32>} : memref<82048xf32, #tpu.memory_space<vmem>>, vector<16xf32>,
      tpu.vector_store %arg5[%swap3A_88], %broadcast_in_dim3A_2 {strides = array<i32>} : memref<82048xf32, #tpu.memory_space<vmem>>, vector<16xf32>,
      %mul3A_90 = arith.constant 128 : i32
      %mul3A_91 = arith.muli %scan3A_53, %mul3A_90 : i32
      %add3A_92 = arith.constant 96 : i32
      %add3A_93 = arith.addi %mul3A_91, %add3A_92 : i32
      %swap3A_94 = arith.index_cast %add3A_93 : i32 to index
      %swap3A_95 = tpu.vector_load %arg5[%swap3A_94] {strides = array<i32>} : memref<82048xf32, #tpu.memory_space<vmem>>, vector<16xf32>,
      tpu.vector_store %arg5[%swap3A_94], %broadcast_in_dim3A_2 {strides = array<i32>} : memref<82048xf32, #tpu.memory_space<vmem>>, vector<16xf32>,
      %mul3A_96 = arith.constant 128 : i32
      %mul3A_97 = arith.muli %scan3A_53, %mul3A_96 : i32
      %add3A_98 = arith.constant 112 : i32
      %add3A_99 = arith.addi %mul3A_97, %add3A_98 : i32
      %swap3A_100 = arith.index_cast %add3A_99 : i32 to index
      %swap3A_101 = tpu.vector_load %arg5[%swap3A_100] {strides = array<i32>} : memref<82048xf32, #tpu.memory_space<vmem>>, vector<16xf32>,
      tpu.vector_store %arg5[%swap3A_100], %broadcast_in_dim3A_2 {strides = array<i32>} : memref<82048xf32, #tpu.memory_space<vmem>>, vector<16xf32>,
      %scan3A_102 = arith.constant 0 : i32
      scf.yield %scan3A_102 : i32
    }
    %scan3A_36 = arith.constant 641 : i32
    %scan3A_37 = arith.constant 0 : i32
    %scan3A_38 = arith.constant 0 : i32
    %scan3A_39 = arith.constant 625 : i32
    %scan3A_40 = arith.addi %scan3A_38, %scan3A_39 : i32
    %scan3A_41 = arith.constant 1 : i32
    %scan3A_42 = scf.for %scan3A_53 = %scan3A_38 to %scan3A_40 step %scan3A_41 iter_args(%scan3A_54 = %scan3A_37) -> (i32)  : i32 {
      %mul3A_55 = arith.constant 16 : i32
      %mul3A_56 = arith.muli %scan3A_53, %mul3A_55 : i32
      %get3A = arith.index_cast %mul3A_56 : i32 to index
      %get3A_57 = tpu.vector_load %arg4[%get3A] {strides = array<i32>} : memref<10000xi32, #tpu.memory_space<vmem>>, vector<16xi32>,
      %sub3A = arith.constant 5120 : i32
      %sub3A_58 = vector.broadcast %sub3A : i32 to vector<16xi32>
      %sub3A_59 = arith.subi %get3A_57, %sub3A_58 : vector<16xi32>
      %ge3A = arith.constant 0 : i32
      %ge3A_60 = vector.broadcast %ge3A : i32 to vector<16xi32>
      %ge3A_61 = arith.cmpi sge, %sub3A_59, %ge3A_60 : vector<16xi32>
      %lt3A = arith.constant 5120 : i32
      %lt3A_62 = vector.broadcast %lt3A : i32 to vector<16xi32>
      %lt3A_63 = arith.cmpi slt, %sub3A_59, %lt3A_62 : vector<16xi32>
      %and3A = arith.andi %ge3A_61, %lt3A_63 : vector<16xi1>
      %jit3A = arith.constant 5120 : i32
      %broadcast_in_dim3A_64 = vector.broadcast %jit3A : i32 to vector<16xi32>
      %select_n3A = arith.select %and3A, %sub3A_59, %broadcast_in_dim3A_64 : vector<16xi1>, vector<16xi32>
      %mul3A_65 = arith.constant 16 : i32
      %mul3A_66 = vector.broadcast %mul3A_65 : i32 to vector<16xi32>
      %mul3A_67 = arith.muli %select_n3A, %mul3A_66 : vector<16xi32>
      %add3A_68 = arith.addi %mul3A_67, %iota3A : vector<16xi32>
      tpu.vector_store_idx %arg5[%add3A_68], %broadcast_in_dim3A_0 {add = true} : memref<82048xf32, #tpu.memory_space<vmem>>[vector<16xi32>], vector<16xf32>,
      %scan3A_69 = arith.constant 0 : i32
      scf.yield %scan3A_69 : i32
    }
    %scan3A_43 = arith.constant 625 : i32
    %mul3A_44 = arith.constant 16 : i32
    %mul3A_45 = arith.muli %arg0, %mul3A_44 : i32
    %add3A_46 = arith.addi %mul3A_45, %arg1 : i32
    %mul3A_47 = arith.constant 2 : i32
    %mul3A_48 = arith.muli %add3A_46, %mul3A_47 : i32
    %add3A_49 = arith.constant 1 : i32
    %add3A_50 = arith.addi %mul3A_48, %add3A_49 : i32
    %mul3A_51 = arith.constant 82048 : i32
    %mul3A_52 = arith.muli %add3A_50, %mul3A_51 : i32
    "tpu.region"() ({
      %run_scoped3A = tpu.sem_alloc : memref<!tpu.dma_semaphore, #tpu.memory_space<semaphore_mem>>
      %dma_start3A = tpu.memref_slice %arg3[%mul3A_52] : memref<5251072xf32, #tpu.memory_space<hbm>> -> memref<82048xf32, #tpu.memory_space<hbm>>
      %dma_start3A_53 = tpu.memref_slice %arg3[%mul3A_52] : memref<5251072xf32, #tpu.memory_space<hbm>> -> memref<82048xf32, #tpu.memory_space<hbm>>
      tpu.enqueue_dma source(%arg5 : memref<82048xf32, #tpu.memory_space<vmem>>) target(%dma_start3A_53 : memref<82048xf32, #tpu.memory_space<hbm>>) target_semaphore(%run_scoped3A : memref<!tpu.dma_semaphore, #tpu.memory_space<semaphore_mem>>)
      %dma_wait3A = tpu.memref_slice %arg3[%mul3A_52] : memref<5251072xf32, #tpu.memory_space<hbm>> -> memref<82048xf32, #tpu.memory_space<hbm>>
      %dma_wait3A_54 = tpu.memref_slice %arg3[%mul3A_52] : memref<5251072xf32, #tpu.memory_space<hbm>> -> memref<82048xf32, #tpu.memory_space<hbm>>
      tpu.wait_dma2 semaphore(%run_scoped3A : memref<!tpu.dma_semaphore, #tpu.memory_space<semaphore_mem>>) src(%arg5 : memref<82048xf32, #tpu.memory_space<vmem>>) dst(%dma_wait3A_54 : memref<82048xf32, #tpu.memory_space<hbm>>)
      tpu.yield
    }) : () -> ()
    return
  }
}

#map = affine_map<(d0, d1) -> (0)>
#map1 = affine_map<(d0, d1) -> (0, 0)>
#map2 = affine_map<(d0, d1) -> (0, 0, 0)>
module attributes {stable_mosaic.version = 14 : i64} {
  func.func @body(%arg0: i32, %arg1: i32, %arg2: memref<480000xi32, #tpu.memory_space<hbm>>, %arg3: memref<20480x128xf32, #tpu.memory_space<hbm>>, %arg4: memref<2x10240x128xf32, #tpu.memory_space<hbm>>, %arg5: memref<40x128xf32, #tpu.memory_space<vmem>>, %arg6: memref<40x128xf32, #tpu.memory_space<vmem>>, %arg7: memref<40x128xf32, #tpu.memory_space<vmem>>, %arg8: memref<40x128xf32, #tpu.memory_space<vmem>>, %arg9: memref<40x128xf32, #tpu.memory_space<vmem>>, %arg10: memref<40xi32, #tpu.memory_space<vmem>>, %arg11: memref<40xi32, #tpu.memory_space<vmem>>, %arg12: memref<40xi32, #tpu.memory_space<vmem>>, %arg13: memref<40xi32, #tpu.memory_space<vmem>>, %arg14: memref<40xi32, #tpu.memory_space<vmem>>, %arg15: memref<40xi32, #tpu.memory_space<vmem>>, %arg16: memref<40xi32, #tpu.memory_space<vmem>>, %arg17: memref<40xi32, #tpu.memory_space<vmem>>, %arg18: memref<40xi32, #tpu.memory_space<vmem>>, %arg19: memref<40xi32, #tpu.memory_space<vmem>>, %arg20: memref<10240x128xf32, #tpu.memory_space<vmem_shared>>, %arg21: memref<!tpu.dma_semaphore, #tpu.memory_space<semaphore_mem>>, %arg22: memref<!tpu.dma_semaphore, #tpu.memory_space<semaphore_mem>>, %arg23: memref<!tpu.dma_semaphore, #tpu.memory_space<semaphore_mem>>, %arg24: memref<!tpu.dma_semaphore, #tpu.memory_space<semaphore_mem>>, %arg25: memref<!tpu.dma_semaphore, #tpu.memory_space<semaphore_mem>>, %arg26: memref<!tpu.dma_semaphore, #tpu.memory_space<semaphore_mem>>, %arg27: memref<!tpu.dma_semaphore, #tpu.memory_space<semaphore_mem>>, %arg28: memref<!tpu.dma_semaphore, #tpu.memory_space<semaphore_mem>>, %arg29: memref<!tpu.dma_semaphore, #tpu.memory_space<semaphore_mem>>, %arg30: memref<!tpu.dma_semaphore, #tpu.memory_space<semaphore_mem>>, %arg31: memref<!tpu.dma_semaphore, #tpu.memory_space<semaphore_mem>>, %arg32: memref<!tpu.dma_semaphore, #tpu.memory_space<semaphore_mem>>, %arg33: memref<!tpu.dma_semaphore, #tpu.memory_space<semaphore_mem>>, %arg34: memref<!tpu.dma_semaphore, #tpu.memory_space<semaphore_mem>>, %arg35: memref<!tpu.dma_semaphore, #tpu.memory_space<semaphore_mem>>) attributes {dimension_semantics = [#tpu.dimension_semantics<core_parallel>, #tpu.dimension_semantics<subcore_parallel>], iteration_bounds = array<i64: 2, 16>, scalar_prefetch = 0 : i64, scratch_operands = 31 : i64, tpu.core_type = #tpu.core_type<sc_vector_subcore>, window_params = [{transform_indices = #map}, {transform_indices = #map1}, {transform_indices = #map2}]} {
    %broadcast_in_dim3A = arith.constant 0.000000e+00 : f32
    %broadcast_in_dim3A_0 = vector.broadcast %broadcast_in_dim3A : f32 to vector<16xf32>
    %mul3A = arith.constant 160000 : i32
    %mul3A_1 = arith.muli %arg0, %mul3A : i32
    %mul3A_2 = arith.constant 10000 : i32
    %mul3A_3 = arith.muli %arg1, %mul3A_2 : i32
    %add3A = arith.addi %mul3A_1, %mul3A_3 : i32
    %mul3A_4 = arith.constant 10000 : i32
    %mul3A_5 = arith.muli %arg1, %mul3A_4 : i32
    %add3A_6 = arith.constant 320000 : i32
    %add3A_7 = arith.addi %add3A_6, %mul3A_5 : i32
    %scan3A = arith.constant 0 : i32
    %scan3A_8 = arith.constant 0 : i32
    %scan3A_9 = arith.constant 40 : i32
    %scan3A_10 = arith.addi %scan3A_8, %scan3A_9 : i32
    %scan3A_11 = arith.constant 1 : i32
    %scan3A_12 = scf.for %scan3A_150 = %scan3A_8 to %scan3A_10 step %scan3A_11 iter_args(%scan3A_151 = %scan3A) -> (i32)  : i32 {
      %swap3A = arith.index_cast %scan3A_150 : i32 to index
      %swap3A_152 = arith.constant 0 : index
      %swap3A_153 = tpu.vector_load %arg5[%swap3A, %swap3A_152] {strides = array<i32>} : memref<40x128xf32, #tpu.memory_space<vmem>>, vector<1x16xf32>,
      %swap3A_154 = vector.shape_cast %swap3A_153 : vector<1x16xf32> to vector<16xf32>
      %swap3A_155 = vector.shape_cast %broadcast_in_dim3A_0 : vector<16xf32> to vector<1x16xf32>
      tpu.vector_store %arg5[%swap3A, %swap3A_152], %swap3A_155 {strides = array<i32>} : memref<40x128xf32, #tpu.memory_space<vmem>>, vector<1x16xf32>,
      %swap3A_156 = arith.index_cast %scan3A_150 : i32 to index
      %swap3A_157 = arith.constant 16 : index
      %swap3A_158 = tpu.vector_load %arg5[%swap3A_156, %swap3A_157] {strides = array<i32>} : memref<40x128xf32, #tpu.memory_space<vmem>>, vector<1x16xf32>,
      %swap3A_159 = vector.shape_cast %swap3A_158 : vector<1x16xf32> to vector<16xf32>
      %swap3A_160 = vector.shape_cast %broadcast_in_dim3A_0 : vector<16xf32> to vector<1x16xf32>
      tpu.vector_store %arg5[%swap3A_156, %swap3A_157], %swap3A_160 {strides = array<i32>} : memref<40x128xf32, #tpu.memory_space<vmem>>, vector<1x16xf32>,
      %swap3A_161 = arith.index_cast %scan3A_150 : i32 to index
      %swap3A_162 = arith.constant 32 : index
      %swap3A_163 = tpu.vector_load %arg5[%swap3A_161, %swap3A_162] {strides = array<i32>} : memref<40x128xf32, #tpu.memory_space<vmem>>, vector<1x16xf32>,
      %swap3A_164 = vector.shape_cast %swap3A_163 : vector<1x16xf32> to vector<16xf32>
      %swap3A_165 = vector.shape_cast %broadcast_in_dim3A_0 : vector<16xf32> to vector<1x16xf32>
      tpu.vector_store %arg5[%swap3A_161, %swap3A_162], %swap3A_165 {strides = array<i32>} : memref<40x128xf32, #tpu.memory_space<vmem>>, vector<1x16xf32>,
      %swap3A_166 = arith.index_cast %scan3A_150 : i32 to index
      %swap3A_167 = arith.constant 48 : index
      %swap3A_168 = tpu.vector_load %arg5[%swap3A_166, %swap3A_167] {strides = array<i32>} : memref<40x128xf32, #tpu.memory_space<vmem>>, vector<1x16xf32>,
      %swap3A_169 = vector.shape_cast %swap3A_168 : vector<1x16xf32> to vector<16xf32>
      %swap3A_170 = vector.shape_cast %broadcast_in_dim3A_0 : vector<16xf32> to vector<1x16xf32>
      tpu.vector_store %arg5[%swap3A_166, %swap3A_167], %swap3A_170 {strides = array<i32>} : memref<40x128xf32, #tpu.memory_space<vmem>>, vector<1x16xf32>,
      %swap3A_171 = arith.index_cast %scan3A_150 : i32 to index
      %swap3A_172 = arith.constant 64 : index
      %swap3A_173 = tpu.vector_load %arg5[%swap3A_171, %swap3A_172] {strides = array<i32>} : memref<40x128xf32, #tpu.memory_space<vmem>>, vector<1x16xf32>,
      %swap3A_174 = vector.shape_cast %swap3A_173 : vector<1x16xf32> to vector<16xf32>
      %swap3A_175 = vector.shape_cast %broadcast_in_dim3A_0 : vector<16xf32> to vector<1x16xf32>
      tpu.vector_store %arg5[%swap3A_171, %swap3A_172], %swap3A_175 {strides = array<i32>} : memref<40x128xf32, #tpu.memory_space<vmem>>, vector<1x16xf32>,
      %swap3A_176 = arith.index_cast %scan3A_150 : i32 to index
      %swap3A_177 = arith.constant 80 : index
      %swap3A_178 = tpu.vector_load %arg5[%swap3A_176, %swap3A_177] {strides = array<i32>} : memref<40x128xf32, #tpu.memory_space<vmem>>, vector<1x16xf32>,
      %swap3A_179 = vector.shape_cast %swap3A_178 : vector<1x16xf32> to vector<16xf32>
      %swap3A_180 = vector.shape_cast %broadcast_in_dim3A_0 : vector<16xf32> to vector<1x16xf32>
      tpu.vector_store %arg5[%swap3A_176, %swap3A_177], %swap3A_180 {strides = array<i32>} : memref<40x128xf32, #tpu.memory_space<vmem>>, vector<1x16xf32>,
      %swap3A_181 = arith.index_cast %scan3A_150 : i32 to index
      %swap3A_182 = arith.constant 96 : index
      %swap3A_183 = tpu.vector_load %arg5[%swap3A_181, %swap3A_182] {strides = array<i32>} : memref<40x128xf32, #tpu.memory_space<vmem>>, vector<1x16xf32>,
      %swap3A_184 = vector.shape_cast %swap3A_183 : vector<1x16xf32> to vector<16xf32>
      %swap3A_185 = vector.shape_cast %broadcast_in_dim3A_0 : vector<16xf32> to vector<1x16xf32>
      tpu.vector_store %arg5[%swap3A_181, %swap3A_182], %swap3A_185 {strides = array<i32>} : memref<40x128xf32, #tpu.memory_space<vmem>>, vector<1x16xf32>,
      %swap3A_186 = arith.index_cast %scan3A_150 : i32 to index
      %swap3A_187 = arith.constant 112 : index
      %swap3A_188 = tpu.vector_load %arg5[%swap3A_186, %swap3A_187] {strides = array<i32>} : memref<40x128xf32, #tpu.memory_space<vmem>>, vector<1x16xf32>,
      %swap3A_189 = vector.shape_cast %swap3A_188 : vector<1x16xf32> to vector<16xf32>
      %swap3A_190 = vector.shape_cast %broadcast_in_dim3A_0 : vector<16xf32> to vector<1x16xf32>
      tpu.vector_store %arg5[%swap3A_186, %swap3A_187], %swap3A_190 {strides = array<i32>} : memref<40x128xf32, #tpu.memory_space<vmem>>, vector<1x16xf32>,
      %swap3A_191 = arith.index_cast %scan3A_150 : i32 to index
      %swap3A_192 = arith.constant 0 : index
      %swap3A_193 = tpu.vector_load %arg6[%swap3A_191, %swap3A_192] {strides = array<i32>} : memref<40x128xf32, #tpu.memory_space<vmem>>, vector<1x16xf32>,
      %swap3A_194 = vector.shape_cast %swap3A_193 : vector<1x16xf32> to vector<16xf32>
      %swap3A_195 = vector.shape_cast %broadcast_in_dim3A_0 : vector<16xf32> to vector<1x16xf32>
      tpu.vector_store %arg6[%swap3A_191, %swap3A_192], %swap3A_195 {strides = array<i32>} : memref<40x128xf32, #tpu.memory_space<vmem>>, vector<1x16xf32>,
      %swap3A_196 = arith.index_cast %scan3A_150 : i32 to index
      %swap3A_197 = arith.constant 16 : index
      %swap3A_198 = tpu.vector_load %arg6[%swap3A_196, %swap3A_197] {strides = array<i32>} : memref<40x128xf32, #tpu.memory_space<vmem>>, vector<1x16xf32>,
      %swap3A_199 = vector.shape_cast %swap3A_198 : vector<1x16xf32> to vector<16xf32>
      %swap3A_200 = vector.shape_cast %broadcast_in_dim3A_0 : vector<16xf32> to vector<1x16xf32>
      tpu.vector_store %arg6[%swap3A_196, %swap3A_197], %swap3A_200 {strides = array<i32>} : memref<40x128xf32, #tpu.memory_space<vmem>>, vector<1x16xf32>,
      %swap3A_201 = arith.index_cast %scan3A_150 : i32 to index
      %swap3A_202 = arith.constant 32 : index
      %swap3A_203 = tpu.vector_load %arg6[%swap3A_201, %swap3A_202] {strides = array<i32>} : memref<40x128xf32, #tpu.memory_space<vmem>>, vector<1x16xf32>,
      %swap3A_204 = vector.shape_cast %swap3A_203 : vector<1x16xf32> to vector<16xf32>
      %swap3A_205 = vector.shape_cast %broadcast_in_dim3A_0 : vector<16xf32> to vector<1x16xf32>
      tpu.vector_store %arg6[%swap3A_201, %swap3A_202], %swap3A_205 {strides = array<i32>} : memref<40x128xf32, #tpu.memory_space<vmem>>, vector<1x16xf32>,
      %swap3A_206 = arith.index_cast %scan3A_150 : i32 to index
      %swap3A_207 = arith.constant 48 : index
      %swap3A_208 = tpu.vector_load %arg6[%swap3A_206, %swap3A_207] {strides = array<i32>} : memref<40x128xf32, #tpu.memory_space<vmem>>, vector<1x16xf32>,
      %swap3A_209 = vector.shape_cast %swap3A_208 : vector<1x16xf32> to vector<16xf32>
      %swap3A_210 = vector.shape_cast %broadcast_in_dim3A_0 : vector<16xf32> to vector<1x16xf32>
      tpu.vector_store %arg6[%swap3A_206, %swap3A_207], %swap3A_210 {strides = array<i32>} : memref<40x128xf32, #tpu.memory_space<vmem>>, vector<1x16xf32>,
      %swap3A_211 = arith.index_cast %scan3A_150 : i32 to index
      %swap3A_212 = arith.constant 64 : index
      %swap3A_213 = tpu.vector_load %arg6[%swap3A_211, %swap3A_212] {strides = array<i32>} : memref<40x128xf32, #tpu.memory_space<vmem>>, vector<1x16xf32>,
      %swap3A_214 = vector.shape_cast %swap3A_213 : vector<1x16xf32> to vector<16xf32>
      %swap3A_215 = vector.shape_cast %broadcast_in_dim3A_0 : vector<16xf32> to vector<1x16xf32>
      tpu.vector_store %arg6[%swap3A_211, %swap3A_212], %swap3A_215 {strides = array<i32>} : memref<40x128xf32, #tpu.memory_space<vmem>>, vector<1x16xf32>,
      %swap3A_216 = arith.index_cast %scan3A_150 : i32 to index
      %swap3A_217 = arith.constant 80 : index
      %swap3A_218 = tpu.vector_load %arg6[%swap3A_216, %swap3A_217] {strides = array<i32>} : memref<40x128xf32, #tpu.memory_space<vmem>>, vector<1x16xf32>,
      %swap3A_219 = vector.shape_cast %swap3A_218 : vector<1x16xf32> to vector<16xf32>
      %swap3A_220 = vector.shape_cast %broadcast_in_dim3A_0 : vector<16xf32> to vector<1x16xf32>
      tpu.vector_store %arg6[%swap3A_216, %swap3A_217], %swap3A_220 {strides = array<i32>} : memref<40x128xf32, #tpu.memory_space<vmem>>, vector<1x16xf32>,
      %swap3A_221 = arith.index_cast %scan3A_150 : i32 to index
      %swap3A_222 = arith.constant 96 : index
      %swap3A_223 = tpu.vector_load %arg6[%swap3A_221, %swap3A_222] {strides = array<i32>} : memref<40x128xf32, #tpu.memory_space<vmem>>, vector<1x16xf32>,
      %swap3A_224 = vector.shape_cast %swap3A_223 : vector<1x16xf32> to vector<16xf32>
      %swap3A_225 = vector.shape_cast %broadcast_in_dim3A_0 : vector<16xf32> to vector<1x16xf32>
      tpu.vector_store %arg6[%swap3A_221, %swap3A_222], %swap3A_225 {strides = array<i32>} : memref<40x128xf32, #tpu.memory_space<vmem>>, vector<1x16xf32>,
      %swap3A_226 = arith.index_cast %scan3A_150 : i32 to index
      %swap3A_227 = arith.constant 112 : index
      %swap3A_228 = tpu.vector_load %arg6[%swap3A_226, %swap3A_227] {strides = array<i32>} : memref<40x128xf32, #tpu.memory_space<vmem>>, vector<1x16xf32>,
      %swap3A_229 = vector.shape_cast %swap3A_228 : vector<1x16xf32> to vector<16xf32>
      %swap3A_230 = vector.shape_cast %broadcast_in_dim3A_0 : vector<16xf32> to vector<1x16xf32>
      tpu.vector_store %arg6[%swap3A_226, %swap3A_227], %swap3A_230 {strides = array<i32>} : memref<40x128xf32, #tpu.memory_space<vmem>>, vector<1x16xf32>,
      %swap3A_231 = arith.index_cast %scan3A_150 : i32 to index
      %swap3A_232 = arith.constant 0 : index
      %swap3A_233 = tpu.vector_load %arg7[%swap3A_231, %swap3A_232] {strides = array<i32>} : memref<40x128xf32, #tpu.memory_space<vmem>>, vector<1x16xf32>,
      %swap3A_234 = vector.shape_cast %swap3A_233 : vector<1x16xf32> to vector<16xf32>
      %swap3A_235 = vector.shape_cast %broadcast_in_dim3A_0 : vector<16xf32> to vector<1x16xf32>
      tpu.vector_store %arg7[%swap3A_231, %swap3A_232], %swap3A_235 {strides = array<i32>} : memref<40x128xf32, #tpu.memory_space<vmem>>, vector<1x16xf32>,
      %swap3A_236 = arith.index_cast %scan3A_150 : i32 to index
      %swap3A_237 = arith.constant 16 : index
      %swap3A_238 = tpu.vector_load %arg7[%swap3A_236, %swap3A_237] {strides = array<i32>} : memref<40x128xf32, #tpu.memory_space<vmem>>, vector<1x16xf32>,
      %swap3A_239 = vector.shape_cast %swap3A_238 : vector<1x16xf32> to vector<16xf32>
      %swap3A_240 = vector.shape_cast %broadcast_in_dim3A_0 : vector<16xf32> to vector<1x16xf32>
      tpu.vector_store %arg7[%swap3A_236, %swap3A_237], %swap3A_240 {strides = array<i32>} : memref<40x128xf32, #tpu.memory_space<vmem>>, vector<1x16xf32>,
      %swap3A_241 = arith.index_cast %scan3A_150 : i32 to index
      %swap3A_242 = arith.constant 32 : index
      %swap3A_243 = tpu.vector_load %arg7[%swap3A_241, %swap3A_242] {strides = array<i32>} : memref<40x128xf32, #tpu.memory_space<vmem>>, vector<1x16xf32>,
      %swap3A_244 = vector.shape_cast %swap3A_243 : vector<1x16xf32> to vector<16xf32>
      %swap3A_245 = vector.shape_cast %broadcast_in_dim3A_0 : vector<16xf32> to vector<1x16xf32>
      tpu.vector_store %arg7[%swap3A_241, %swap3A_242], %swap3A_245 {strides = array<i32>} : memref<40x128xf32, #tpu.memory_space<vmem>>, vector<1x16xf32>,
      %swap3A_246 = arith.index_cast %scan3A_150 : i32 to index
      %swap3A_247 = arith.constant 48 : index
      %swap3A_248 = tpu.vector_load %arg7[%swap3A_246, %swap3A_247] {strides = array<i32>} : memref<40x128xf32, #tpu.memory_space<vmem>>, vector<1x16xf32>,
      %swap3A_249 = vector.shape_cast %swap3A_248 : vector<1x16xf32> to vector<16xf32>
      %swap3A_250 = vector.shape_cast %broadcast_in_dim3A_0 : vector<16xf32> to vector<1x16xf32>
      tpu.vector_store %arg7[%swap3A_246, %swap3A_247], %swap3A_250 {strides = array<i32>} : memref<40x128xf32, #tpu.memory_space<vmem>>, vector<1x16xf32>,
      %swap3A_251 = arith.index_cast %scan3A_150 : i32 to index
      %swap3A_252 = arith.constant 64 : index
      %swap3A_253 = tpu.vector_load %arg7[%swap3A_251, %swap3A_252] {strides = array<i32>} : memref<40x128xf32, #tpu.memory_space<vmem>>, vector<1x16xf32>,
      %swap3A_254 = vector.shape_cast %swap3A_253 : vector<1x16xf32> to vector<16xf32>
      %swap3A_255 = vector.shape_cast %broadcast_in_dim3A_0 : vector<16xf32> to vector<1x16xf32>
      tpu.vector_store %arg7[%swap3A_251, %swap3A_252], %swap3A_255 {strides = array<i32>} : memref<40x128xf32, #tpu.memory_space<vmem>>, vector<1x16xf32>,
      %swap3A_256 = arith.index_cast %scan3A_150 : i32 to index
      %swap3A_257 = arith.constant 80 : index
      %swap3A_258 = tpu.vector_load %arg7[%swap3A_256, %swap3A_257] {strides = array<i32>} : memref<40x128xf32, #tpu.memory_space<vmem>>, vector<1x16xf32>,
      %swap3A_259 = vector.shape_cast %swap3A_258 : vector<1x16xf32> to vector<16xf32>
      %swap3A_260 = vector.shape_cast %broadcast_in_dim3A_0 : vector<16xf32> to vector<1x16xf32>
      tpu.vector_store %arg7[%swap3A_256, %swap3A_257], %swap3A_260 {strides = array<i32>} : memref<40x128xf32, #tpu.memory_space<vmem>>, vector<1x16xf32>,
      %swap3A_261 = arith.index_cast %scan3A_150 : i32 to index
      %swap3A_262 = arith.constant 96 : index
      %swap3A_263 = tpu.vector_load %arg7[%swap3A_261, %swap3A_262] {strides = array<i32>} : memref<40x128xf32, #tpu.memory_space<vmem>>, vector<1x16xf32>,
      %swap3A_264 = vector.shape_cast %swap3A_263 : vector<1x16xf32> to vector<16xf32>
      %swap3A_265 = vector.shape_cast %broadcast_in_dim3A_0 : vector<16xf32> to vector<1x16xf32>
      tpu.vector_store %arg7[%swap3A_261, %swap3A_262], %swap3A_265 {strides = array<i32>} : memref<40x128xf32, #tpu.memory_space<vmem>>, vector<1x16xf32>,
      %swap3A_266 = arith.index_cast %scan3A_150 : i32 to index
      %swap3A_267 = arith.constant 112 : index
      %swap3A_268 = tpu.vector_load %arg7[%swap3A_266, %swap3A_267] {strides = array<i32>} : memref<40x128xf32, #tpu.memory_space<vmem>>, vector<1x16xf32>,
      %swap3A_269 = vector.shape_cast %swap3A_268 : vector<1x16xf32> to vector<16xf32>
      %swap3A_270 = vector.shape_cast %broadcast_in_dim3A_0 : vector<16xf32> to vector<1x16xf32>
      tpu.vector_store %arg7[%swap3A_266, %swap3A_267], %swap3A_270 {strides = array<i32>} : memref<40x128xf32, #tpu.memory_space<vmem>>, vector<1x16xf32>,
      %swap3A_271 = arith.index_cast %scan3A_150 : i32 to index
      %swap3A_272 = arith.constant 0 : index
      %swap3A_273 = tpu.vector_load %arg8[%swap3A_271, %swap3A_272] {strides = array<i32>} : memref<40x128xf32, #tpu.memory_space<vmem>>, vector<1x16xf32>,
      %swap3A_274 = vector.shape_cast %swap3A_273 : vector<1x16xf32> to vector<16xf32>
      %swap3A_275 = vector.shape_cast %broadcast_in_dim3A_0 : vector<16xf32> to vector<1x16xf32>
      tpu.vector_store %arg8[%swap3A_271, %swap3A_272], %swap3A_275 {strides = array<i32>} : memref<40x128xf32, #tpu.memory_space<vmem>>, vector<1x16xf32>,
      %swap3A_276 = arith.index_cast %scan3A_150 : i32 to index
      %swap3A_277 = arith.constant 16 : index
      %swap3A_278 = tpu.vector_load %arg8[%swap3A_276, %swap3A_277] {strides = array<i32>} : memref<40x128xf32, #tpu.memory_space<vmem>>, vector<1x16xf32>,
      %swap3A_279 = vector.shape_cast %swap3A_278 : vector<1x16xf32> to vector<16xf32>
      %swap3A_280 = vector.shape_cast %broadcast_in_dim3A_0 : vector<16xf32> to vector<1x16xf32>
      tpu.vector_store %arg8[%swap3A_276, %swap3A_277], %swap3A_280 {strides = array<i32>} : memref<40x128xf32, #tpu.memory_space<vmem>>, vector<1x16xf32>,
      %swap3A_281 = arith.index_cast %scan3A_150 : i32 to index
      %swap3A_282 = arith.constant 32 : index
      %swap3A_283 = tpu.vector_load %arg8[%swap3A_281, %swap3A_282] {strides = array<i32>} : memref<40x128xf32, #tpu.memory_space<vmem>>, vector<1x16xf32>,
      %swap3A_284 = vector.shape_cast %swap3A_283 : vector<1x16xf32> to vector<16xf32>
      %swap3A_285 = vector.shape_cast %broadcast_in_dim3A_0 : vector<16xf32> to vector<1x16xf32>
      tpu.vector_store %arg8[%swap3A_281, %swap3A_282], %swap3A_285 {strides = array<i32>} : memref<40x128xf32, #tpu.memory_space<vmem>>, vector<1x16xf32>,
      %swap3A_286 = arith.index_cast %scan3A_150 : i32 to index
      %swap3A_287 = arith.constant 48 : index
      %swap3A_288 = tpu.vector_load %arg8[%swap3A_286, %swap3A_287] {strides = array<i32>} : memref<40x128xf32, #tpu.memory_space<vmem>>, vector<1x16xf32>,
      %swap3A_289 = vector.shape_cast %swap3A_288 : vector<1x16xf32> to vector<16xf32>
      %swap3A_290 = vector.shape_cast %broadcast_in_dim3A_0 : vector<16xf32> to vector<1x16xf32>
      tpu.vector_store %arg8[%swap3A_286, %swap3A_287], %swap3A_290 {strides = array<i32>} : memref<40x128xf32, #tpu.memory_space<vmem>>, vector<1x16xf32>,
      %swap3A_291 = arith.index_cast %scan3A_150 : i32 to index
      %swap3A_292 = arith.constant 64 : index
      %swap3A_293 = tpu.vector_load %arg8[%swap3A_291, %swap3A_292] {strides = array<i32>} : memref<40x128xf32, #tpu.memory_space<vmem>>, vector<1x16xf32>,
      %swap3A_294 = vector.shape_cast %swap3A_293 : vector<1x16xf32> to vector<16xf32>
      %swap3A_295 = vector.shape_cast %broadcast_in_dim3A_0 : vector<16xf32> to vector<1x16xf32>
      tpu.vector_store %arg8[%swap3A_291, %swap3A_292], %swap3A_295 {strides = array<i32>} : memref<40x128xf32, #tpu.memory_space<vmem>>, vector<1x16xf32>,
      %swap3A_296 = arith.index_cast %scan3A_150 : i32 to index
      %swap3A_297 = arith.constant 80 : index
      %swap3A_298 = tpu.vector_load %arg8[%swap3A_296, %swap3A_297] {strides = array<i32>} : memref<40x128xf32, #tpu.memory_space<vmem>>, vector<1x16xf32>,
      %swap3A_299 = vector.shape_cast %swap3A_298 : vector<1x16xf32> to vector<16xf32>
      %swap3A_300 = vector.shape_cast %broadcast_in_dim3A_0 : vector<16xf32> to vector<1x16xf32>
      tpu.vector_store %arg8[%swap3A_296, %swap3A_297], %swap3A_300 {strides = array<i32>} : memref<40x128xf32, #tpu.memory_space<vmem>>, vector<1x16xf32>,
      %swap3A_301 = arith.index_cast %scan3A_150 : i32 to index
      %swap3A_302 = arith.constant 96 : index
      %swap3A_303 = tpu.vector_load %arg8[%swap3A_301, %swap3A_302] {strides = array<i32>} : memref<40x128xf32, #tpu.memory_space<vmem>>, vector<1x16xf32>,
      %swap3A_304 = vector.shape_cast %swap3A_303 : vector<1x16xf32> to vector<16xf32>
      %swap3A_305 = vector.shape_cast %broadcast_in_dim3A_0 : vector<16xf32> to vector<1x16xf32>
      tpu.vector_store %arg8[%swap3A_301, %swap3A_302], %swap3A_305 {strides = array<i32>} : memref<40x128xf32, #tpu.memory_space<vmem>>, vector<1x16xf32>,
      %swap3A_306 = arith.index_cast %scan3A_150 : i32 to index
      %swap3A_307 = arith.constant 112 : index
      %swap3A_308 = tpu.vector_load %arg8[%swap3A_306, %swap3A_307] {strides = array<i32>} : memref<40x128xf32, #tpu.memory_space<vmem>>, vector<1x16xf32>,
      %swap3A_309 = vector.shape_cast %swap3A_308 : vector<1x16xf32> to vector<16xf32>
      %swap3A_310 = vector.shape_cast %broadcast_in_dim3A_0 : vector<16xf32> to vector<1x16xf32>
      tpu.vector_store %arg8[%swap3A_306, %swap3A_307], %swap3A_310 {strides = array<i32>} : memref<40x128xf32, #tpu.memory_space<vmem>>, vector<1x16xf32>,
      %swap3A_311 = arith.index_cast %scan3A_150 : i32 to index
      %swap3A_312 = arith.constant 0 : index
      %swap3A_313 = tpu.vector_load %arg9[%swap3A_311, %swap3A_312] {strides = array<i32>} : memref<40x128xf32, #tpu.memory_space<vmem>>, vector<1x16xf32>,
      %swap3A_314 = vector.shape_cast %swap3A_313 : vector<1x16xf32> to vector<16xf32>
      %swap3A_315 = vector.shape_cast %broadcast_in_dim3A_0 : vector<16xf32> to vector<1x16xf32>
      tpu.vector_store %arg9[%swap3A_311, %swap3A_312], %swap3A_315 {strides = array<i32>} : memref<40x128xf32, #tpu.memory_space<vmem>>, vector<1x16xf32>,
      %swap3A_316 = arith.index_cast %scan3A_150 : i32 to index
      %swap3A_317 = arith.constant 16 : index
      %swap3A_318 = tpu.vector_load %arg9[%swap3A_316, %swap3A_317] {strides = array<i32>} : memref<40x128xf32, #tpu.memory_space<vmem>>, vector<1x16xf32>,
      %swap3A_319 = vector.shape_cast %swap3A_318 : vector<1x16xf32> to vector<16xf32>
      %swap3A_320 = vector.shape_cast %broadcast_in_dim3A_0 : vector<16xf32> to vector<1x16xf32>
      tpu.vector_store %arg9[%swap3A_316, %swap3A_317], %swap3A_320 {strides = array<i32>} : memref<40x128xf32, #tpu.memory_space<vmem>>, vector<1x16xf32>,
      %swap3A_321 = arith.index_cast %scan3A_150 : i32 to index
      %swap3A_322 = arith.constant 32 : index
      %swap3A_323 = tpu.vector_load %arg9[%swap3A_321, %swap3A_322] {strides = array<i32>} : memref<40x128xf32, #tpu.memory_space<vmem>>, vector<1x16xf32>,
      %swap3A_324 = vector.shape_cast %swap3A_323 : vector<1x16xf32> to vector<16xf32>
      %swap3A_325 = vector.shape_cast %broadcast_in_dim3A_0 : vector<16xf32> to vector<1x16xf32>
      tpu.vector_store %arg9[%swap3A_321, %swap3A_322], %swap3A_325 {strides = array<i32>} : memref<40x128xf32, #tpu.memory_space<vmem>>, vector<1x16xf32>,
      %swap3A_326 = arith.index_cast %scan3A_150 : i32 to index
      %swap3A_327 = arith.constant 48 : index
      %swap3A_328 = tpu.vector_load %arg9[%swap3A_326, %swap3A_327] {strides = array<i32>} : memref<40x128xf32, #tpu.memory_space<vmem>>, vector<1x16xf32>,
      %swap3A_329 = vector.shape_cast %swap3A_328 : vector<1x16xf32> to vector<16xf32>
      %swap3A_330 = vector.shape_cast %broadcast_in_dim3A_0 : vector<16xf32> to vector<1x16xf32>
      tpu.vector_store %arg9[%swap3A_326, %swap3A_327], %swap3A_330 {strides = array<i32>} : memref<40x128xf32, #tpu.memory_space<vmem>>, vector<1x16xf32>,
      %swap3A_331 = arith.index_cast %scan3A_150 : i32 to index
      %swap3A_332 = arith.constant 64 : index
      %swap3A_333 = tpu.vector_load %arg9[%swap3A_331, %swap3A_332] {strides = array<i32>} : memref<40x128xf32, #tpu.memory_space<vmem>>, vector<1x16xf32>,
      %swap3A_334 = vector.shape_cast %swap3A_333 : vector<1x16xf32> to vector<16xf32>
      %swap3A_335 = vector.shape_cast %broadcast_in_dim3A_0 : vector<16xf32> to vector<1x16xf32>
      tpu.vector_store %arg9[%swap3A_331, %swap3A_332], %swap3A_335 {strides = array<i32>} : memref<40x128xf32, #tpu.memory_space<vmem>>, vector<1x16xf32>,
      %swap3A_336 = arith.index_cast %scan3A_150 : i32 to index
      %swap3A_337 = arith.constant 80 : index
      %swap3A_338 = tpu.vector_load %arg9[%swap3A_336, %swap3A_337] {strides = array<i32>} : memref<40x128xf32, #tpu.memory_space<vmem>>, vector<1x16xf32>,
      %swap3A_339 = vector.shape_cast %swap3A_338 : vector<1x16xf32> to vector<16xf32>
      %swap3A_340 = vector.shape_cast %broadcast_in_dim3A_0 : vector<16xf32> to vector<1x16xf32>
      tpu.vector_store %arg9[%swap3A_336, %swap3A_337], %swap3A_340 {strides = array<i32>} : memref<40x128xf32, #tpu.memory_space<vmem>>, vector<1x16xf32>,
      %swap3A_341 = arith.index_cast %scan3A_150 : i32 to index
      %swap3A_342 = arith.constant 96 : index
      %swap3A_343 = tpu.vector_load %arg9[%swap3A_341, %swap3A_342] {strides = array<i32>} : memref<40x128xf32, #tpu.memory_space<vmem>>, vector<1x16xf32>,
      %swap3A_344 = vector.shape_cast %swap3A_343 : vector<1x16xf32> to vector<16xf32>
      %swap3A_345 = vector.shape_cast %broadcast_in_dim3A_0 : vector<16xf32> to vector<1x16xf32>
      tpu.vector_store %arg9[%swap3A_341, %swap3A_342], %swap3A_345 {strides = array<i32>} : memref<40x128xf32, #tpu.memory_space<vmem>>, vector<1x16xf32>,
      %swap3A_346 = arith.index_cast %scan3A_150 : i32 to index
      %swap3A_347 = arith.constant 112 : index
      %swap3A_348 = tpu.vector_load %arg9[%swap3A_346, %swap3A_347] {strides = array<i32>} : memref<40x128xf32, #tpu.memory_space<vmem>>, vector<1x16xf32>,
      %swap3A_349 = vector.shape_cast %swap3A_348 : vector<1x16xf32> to vector<16xf32>
      %swap3A_350 = vector.shape_cast %broadcast_in_dim3A_0 : vector<16xf32> to vector<1x16xf32>
      tpu.vector_store %arg9[%swap3A_346, %swap3A_347], %swap3A_350 {strides = array<i32>} : memref<40x128xf32, #tpu.memory_space<vmem>>, vector<1x16xf32>,
      %scan3A_351 = arith.constant 0 : i32
      scf.yield %scan3A_351 : i32
    }
    %scan3A_13 = arith.constant 40 : i32
    %mul3A_14 = arith.constant 640 : i32
    %mul3A_15 = arith.muli %arg1, %mul3A_14 : i32
    %add3A_16 = arith.constant 0 : i32
    %add3A_17 = arith.addi %mul3A_15, %add3A_16 : i32
    "tpu.region"() ({
      %run_scoped3A = tpu.sem_alloc : memref<!tpu.dma_semaphore, #tpu.memory_space<semaphore_mem>>
      %dma_start3A = arith.constant 0 : i32
      %dma_start3A_150 = tpu.memref_slice %arg20[%add3A_17, %dma_start3A] : memref<10240x128xf32, #tpu.memory_space<vmem_shared>> -> memref<40x128xf32, #tpu.memory_space<vmem_shared>>
      %dma_start3A_151 = arith.constant 0 : i32
      %dma_start3A_152 = tpu.memref_slice %arg20[%add3A_17, %dma_start3A_151] : memref<10240x128xf32, #tpu.memory_space<vmem_shared>> -> memref<40x128xf32, #tpu.memory_space<vmem_shared>>
      tpu.enqueue_dma source(%arg5 : memref<40x128xf32, #tpu.memory_space<vmem>>) target(%dma_start3A_152 : memref<40x128xf32, #tpu.memory_space<vmem_shared>>) target_semaphore(%run_scoped3A : memref<!tpu.dma_semaphore, #tpu.memory_space<semaphore_mem>>)
      %dma_wait3A = arith.constant 0 : i32
      %dma_wait3A_153 = tpu.memref_slice %arg20[%add3A_17, %dma_wait3A] : memref<10240x128xf32, #tpu.memory_space<vmem_shared>> -> memref<40x128xf32, #tpu.memory_space<vmem_shared>>
      %dma_wait3A_154 = arith.constant 0 : i32
      %dma_wait3A_155 = tpu.memref_slice %arg20[%add3A_17, %dma_wait3A_154] : memref<10240x128xf32, #tpu.memory_space<vmem_shared>> -> memref<40x128xf32, #tpu.memory_space<vmem_shared>>
      tpu.wait_dma2 semaphore(%run_scoped3A : memref<!tpu.dma_semaphore, #tpu.memory_space<semaphore_mem>>) src(%arg5 : memref<40x128xf32, #tpu.memory_space<vmem>>) dst(%dma_wait3A_155 : memref<40x128xf32, #tpu.memory_space<vmem_shared>>)
      tpu.yield
    }) : () -> ()
    %mul3A_18 = arith.constant 640 : i32
    %mul3A_19 = arith.muli %arg1, %mul3A_18 : i32
    %add3A_20 = arith.constant 40 : i32
    %add3A_21 = arith.addi %mul3A_19, %add3A_20 : i32
    "tpu.region"() ({
      %run_scoped3A = tpu.sem_alloc : memref<!tpu.dma_semaphore, #tpu.memory_space<semaphore_mem>>
      %dma_start3A = arith.constant 0 : i32
      %dma_start3A_150 = tpu.memref_slice %arg20[%add3A_21, %dma_start3A] : memref<10240x128xf32, #tpu.memory_space<vmem_shared>> -> memref<40x128xf32, #tpu.memory_space<vmem_shared>>
      %dma_start3A_151 = arith.constant 0 : i32
      %dma_start3A_152 = tpu.memref_slice %arg20[%add3A_21, %dma_start3A_151] : memref<10240x128xf32, #tpu.memory_space<vmem_shared>> -> memref<40x128xf32, #tpu.memory_space<vmem_shared>>
      tpu.enqueue_dma source(%arg6 : memref<40x128xf32, #tpu.memory_space<vmem>>) target(%dma_start3A_152 : memref<40x128xf32, #tpu.memory_space<vmem_shared>>) target_semaphore(%run_scoped3A : memref<!tpu.dma_semaphore, #tpu.memory_space<semaphore_mem>>)
      %dma_wait3A = arith.constant 0 : i32
      %dma_wait3A_153 = tpu.memref_slice %arg20[%add3A_21, %dma_wait3A] : memref<10240x128xf32, #tpu.memory_space<vmem_shared>> -> memref<40x128xf32, #tpu.memory_space<vmem_shared>>
      %dma_wait3A_154 = arith.constant 0 : i32
      %dma_wait3A_155 = tpu.memref_slice %arg20[%add3A_21, %dma_wait3A_154] : memref<10240x128xf32, #tpu.memory_space<vmem_shared>> -> memref<40x128xf32, #tpu.memory_space<vmem_shared>>
      tpu.wait_dma2 semaphore(%run_scoped3A : memref<!tpu.dma_semaphore, #tpu.memory_space<semaphore_mem>>) src(%arg6 : memref<40x128xf32, #tpu.memory_space<vmem>>) dst(%dma_wait3A_155 : memref<40x128xf32, #tpu.memory_space<vmem_shared>>)
      tpu.yield
    }) : () -> ()
    %mul3A_22 = arith.constant 640 : i32
    %mul3A_23 = arith.muli %arg1, %mul3A_22 : i32
    %add3A_24 = arith.constant 80 : i32
    %add3A_25 = arith.addi %mul3A_23, %add3A_24 : i32
    "tpu.region"() ({
      %run_scoped3A = tpu.sem_alloc : memref<!tpu.dma_semaphore, #tpu.memory_space<semaphore_mem>>
      %dma_start3A = arith.constant 0 : i32
      %dma_start3A_150 = tpu.memref_slice %arg20[%add3A_25, %dma_start3A] : memref<10240x128xf32, #tpu.memory_space<vmem_shared>> -> memref<40x128xf32, #tpu.memory_space<vmem_shared>>
      %dma_start3A_151 = arith.constant 0 : i32
      %dma_start3A_152 = tpu.memref_slice %arg20[%add3A_25, %dma_start3A_151] : memref<10240x128xf32, #tpu.memory_space<vmem_shared>> -> memref<40x128xf32, #tpu.memory_space<vmem_shared>>
      tpu.enqueue_dma source(%arg7 : memref<40x128xf32, #tpu.memory_space<vmem>>) target(%dma_start3A_152 : memref<40x128xf32, #tpu.memory_space<vmem_shared>>) target_semaphore(%run_scoped3A : memref<!tpu.dma_semaphore, #tpu.memory_space<semaphore_mem>>)
      %dma_wait3A = arith.constant 0 : i32
      %dma_wait3A_153 = tpu.memref_slice %arg20[%add3A_25, %dma_wait3A] : memref<10240x128xf32, #tpu.memory_space<vmem_shared>> -> memref<40x128xf32, #tpu.memory_space<vmem_shared>>
      %dma_wait3A_154 = arith.constant 0 : i32
      %dma_wait3A_155 = tpu.memref_slice %arg20[%add3A_25, %dma_wait3A_154] : memref<10240x128xf32, #tpu.memory_space<vmem_shared>> -> memref<40x128xf32, #tpu.memory_space<vmem_shared>>
      tpu.wait_dma2 semaphore(%run_scoped3A : memref<!tpu.dma_semaphore, #tpu.memory_space<semaphore_mem>>) src(%arg7 : memref<40x128xf32, #tpu.memory_space<vmem>>) dst(%dma_wait3A_155 : memref<40x128xf32, #tpu.memory_space<vmem_shared>>)
      tpu.yield
    }) : () -> ()
    %mul3A_26 = arith.constant 640 : i32
    %mul3A_27 = arith.muli %arg1, %mul3A_26 : i32
    %add3A_28 = arith.constant 120 : i32
    %add3A_29 = arith.addi %mul3A_27, %add3A_28 : i32
    "tpu.region"() ({
      %run_scoped3A = tpu.sem_alloc : memref<!tpu.dma_semaphore, #tpu.memory_space<semaphore_mem>>
      %dma_start3A = arith.constant 0 : i32
      %dma_start3A_150 = tpu.memref_slice %arg20[%add3A_29, %dma_start3A] : memref<10240x128xf32, #tpu.memory_space<vmem_shared>> -> memref<40x128xf32, #tpu.memory_space<vmem_shared>>
      %dma_start3A_151 = arith.constant 0 : i32
      %dma_start3A_152 = tpu.memref_slice %arg20[%add3A_29, %dma_start3A_151] : memref<10240x128xf32, #tpu.memory_space<vmem_shared>> -> memref<40x128xf32, #tpu.memory_space<vmem_shared>>
      tpu.enqueue_dma source(%arg8 : memref<40x128xf32, #tpu.memory_space<vmem>>) target(%dma_start3A_152 : memref<40x128xf32, #tpu.memory_space<vmem_shared>>) target_semaphore(%run_scoped3A : memref<!tpu.dma_semaphore, #tpu.memory_space<semaphore_mem>>)
      %dma_wait3A = arith.constant 0 : i32
      %dma_wait3A_153 = tpu.memref_slice %arg20[%add3A_29, %dma_wait3A] : memref<10240x128xf32, #tpu.memory_space<vmem_shared>> -> memref<40x128xf32, #tpu.memory_space<vmem_shared>>
      %dma_wait3A_154 = arith.constant 0 : i32
      %dma_wait3A_155 = tpu.memref_slice %arg20[%add3A_29, %dma_wait3A_154] : memref<10240x128xf32, #tpu.memory_space<vmem_shared>> -> memref<40x128xf32, #tpu.memory_space<vmem_shared>>
      tpu.wait_dma2 semaphore(%run_scoped3A : memref<!tpu.dma_semaphore, #tpu.memory_space<semaphore_mem>>) src(%arg8 : memref<40x128xf32, #tpu.memory_space<vmem>>) dst(%dma_wait3A_155 : memref<40x128xf32, #tpu.memory_space<vmem_shared>>)
      tpu.yield
    }) : () -> ()
    %mul3A_30 = arith.constant 640 : i32
    %mul3A_31 = arith.muli %arg1, %mul3A_30 : i32
    %add3A_32 = arith.constant 160 : i32
    %add3A_33 = arith.addi %mul3A_31, %add3A_32 : i32
    "tpu.region"() ({
      %run_scoped3A = tpu.sem_alloc : memref<!tpu.dma_semaphore, #tpu.memory_space<semaphore_mem>>
      %dma_start3A = arith.constant 0 : i32
      %dma_start3A_150 = tpu.memref_slice %arg20[%add3A_33, %dma_start3A] : memref<10240x128xf32, #tpu.memory_space<vmem_shared>> -> memref<40x128xf32, #tpu.memory_space<vmem_shared>>
      %dma_start3A_151 = arith.constant 0 : i32
      %dma_start3A_152 = tpu.memref_slice %arg20[%add3A_33, %dma_start3A_151] : memref<10240x128xf32, #tpu.memory_space<vmem_shared>> -> memref<40x128xf32, #tpu.memory_space<vmem_shared>>
      tpu.enqueue_dma source(%arg9 : memref<40x128xf32, #tpu.memory_space<vmem>>) target(%dma_start3A_152 : memref<40x128xf32, #tpu.memory_space<vmem_shared>>) target_semaphore(%run_scoped3A : memref<!tpu.dma_semaphore, #tpu.memory_space<semaphore_mem>>)
      %dma_wait3A = arith.constant 0 : i32
      %dma_wait3A_153 = tpu.memref_slice %arg20[%add3A_33, %dma_wait3A] : memref<10240x128xf32, #tpu.memory_space<vmem_shared>> -> memref<40x128xf32, #tpu.memory_space<vmem_shared>>
      %dma_wait3A_154 = arith.constant 0 : i32
      %dma_wait3A_155 = tpu.memref_slice %arg20[%add3A_33, %dma_wait3A_154] : memref<10240x128xf32, #tpu.memory_space<vmem_shared>> -> memref<40x128xf32, #tpu.memory_space<vmem_shared>>
      tpu.wait_dma2 semaphore(%run_scoped3A : memref<!tpu.dma_semaphore, #tpu.memory_space<semaphore_mem>>) src(%arg9 : memref<40x128xf32, #tpu.memory_space<vmem>>) dst(%dma_wait3A_155 : memref<40x128xf32, #tpu.memory_space<vmem_shared>>)
      tpu.yield
    }) : () -> ()
    %mul3A_34 = arith.constant 640 : i32
    %mul3A_35 = arith.muli %arg1, %mul3A_34 : i32
    %add3A_36 = arith.constant 200 : i32
    %add3A_37 = arith.addi %mul3A_35, %add3A_36 : i32
    "tpu.region"() ({
      %run_scoped3A = tpu.sem_alloc : memref<!tpu.dma_semaphore, #tpu.memory_space<semaphore_mem>>
      %dma_start3A = arith.constant 0 : i32
      %dma_start3A_150 = tpu.memref_slice %arg20[%add3A_37, %dma_start3A] : memref<10240x128xf32, #tpu.memory_space<vmem_shared>> -> memref<40x128xf32, #tpu.memory_space<vmem_shared>>
      %dma_start3A_151 = arith.constant 0 : i32
      %dma_start3A_152 = tpu.memref_slice %arg20[%add3A_37, %dma_start3A_151] : memref<10240x128xf32, #tpu.memory_space<vmem_shared>> -> memref<40x128xf32, #tpu.memory_space<vmem_shared>>
      tpu.enqueue_dma source(%arg5 : memref<40x128xf32, #tpu.memory_space<vmem>>) target(%dma_start3A_152 : memref<40x128xf32, #tpu.memory_space<vmem_shared>>) target_semaphore(%run_scoped3A : memref<!tpu.dma_semaphore, #tpu.memory_space<semaphore_mem>>)
      %dma_wait3A = arith.constant 0 : i32
      %dma_wait3A_153 = tpu.memref_slice %arg20[%add3A_37, %dma_wait3A] : memref<10240x128xf32, #tpu.memory_space<vmem_shared>> -> memref<40x128xf32, #tpu.memory_space<vmem_shared>>
      %dma_wait3A_154 = arith.constant 0 : i32
      %dma_wait3A_155 = tpu.memref_slice %arg20[%add3A_37, %dma_wait3A_154] : memref<10240x128xf32, #tpu.memory_space<vmem_shared>> -> memref<40x128xf32, #tpu.memory_space<vmem_shared>>
      tpu.wait_dma2 semaphore(%run_scoped3A : memref<!tpu.dma_semaphore, #tpu.memory_space<semaphore_mem>>) src(%arg5 : memref<40x128xf32, #tpu.memory_space<vmem>>) dst(%dma_wait3A_155 : memref<40x128xf32, #tpu.memory_space<vmem_shared>>)
      tpu.yield
    }) : () -> ()
    %mul3A_38 = arith.constant 640 : i32
    %mul3A_39 = arith.muli %arg1, %mul3A_38 : i32
    %add3A_40 = arith.constant 240 : i32
    %add3A_41 = arith.addi %mul3A_39, %add3A_40 : i32
    "tpu.region"() ({
      %run_scoped3A = tpu.sem_alloc : memref<!tpu.dma_semaphore, #tpu.memory_space<semaphore_mem>>
      %dma_start3A = arith.constant 0 : i32
      %dma_start3A_150 = tpu.memref_slice %arg20[%add3A_41, %dma_start3A] : memref<10240x128xf32, #tpu.memory_space<vmem_shared>> -> memref<40x128xf32, #tpu.memory_space<vmem_shared>>
      %dma_start3A_151 = arith.constant 0 : i32
      %dma_start3A_152 = tpu.memref_slice %arg20[%add3A_41, %dma_start3A_151] : memref<10240x128xf32, #tpu.memory_space<vmem_shared>> -> memref<40x128xf32, #tpu.memory_space<vmem_shared>>
      tpu.enqueue_dma source(%arg6 : memref<40x128xf32, #tpu.memory_space<vmem>>) target(%dma_start3A_152 : memref<40x128xf32, #tpu.memory_space<vmem_shared>>) target_semaphore(%run_scoped3A : memref<!tpu.dma_semaphore, #tpu.memory_space<semaphore_mem>>)
      %dma_wait3A = arith.constant 0 : i32
      %dma_wait3A_153 = tpu.memref_slice %arg20[%add3A_41, %dma_wait3A] : memref<10240x128xf32, #tpu.memory_space<vmem_shared>> -> memref<40x128xf32, #tpu.memory_space<vmem_shared>>
      %dma_wait3A_154 = arith.constant 0 : i32
      %dma_wait3A_155 = tpu.memref_slice %arg20[%add3A_41, %dma_wait3A_154] : memref<10240x128xf32, #tpu.memory_space<vmem_shared>> -> memref<40x128xf32, #tpu.memory_space<vmem_shared>>
      tpu.wait_dma2 semaphore(%run_scoped3A : memref<!tpu.dma_semaphore, #tpu.memory_space<semaphore_mem>>) src(%arg6 : memref<40x128xf32, #tpu.memory_space<vmem>>) dst(%dma_wait3A_155 : memref<40x128xf32, #tpu.memory_space<vmem_shared>>)
      tpu.yield
    }) : () -> ()
    %mul3A_42 = arith.constant 640 : i32
    %mul3A_43 = arith.muli %arg1, %mul3A_42 : i32
    %add3A_44 = arith.constant 280 : i32
    %add3A_45 = arith.addi %mul3A_43, %add3A_44 : i32
    "tpu.region"() ({
      %run_scoped3A = tpu.sem_alloc : memref<!tpu.dma_semaphore, #tpu.memory_space<semaphore_mem>>
      %dma_start3A = arith.constant 0 : i32
      %dma_start3A_150 = tpu.memref_slice %arg20[%add3A_45, %dma_start3A] : memref<10240x128xf32, #tpu.memory_space<vmem_shared>> -> memref<40x128xf32, #tpu.memory_space<vmem_shared>>
      %dma_start3A_151 = arith.constant 0 : i32
      %dma_start3A_152 = tpu.memref_slice %arg20[%add3A_45, %dma_start3A_151] : memref<10240x128xf32, #tpu.memory_space<vmem_shared>> -> memref<40x128xf32, #tpu.memory_space<vmem_shared>>
      tpu.enqueue_dma source(%arg7 : memref<40x128xf32, #tpu.memory_space<vmem>>) target(%dma_start3A_152 : memref<40x128xf32, #tpu.memory_space<vmem_shared>>) target_semaphore(%run_scoped3A : memref<!tpu.dma_semaphore, #tpu.memory_space<semaphore_mem>>)
      %dma_wait3A = arith.constant 0 : i32
      %dma_wait3A_153 = tpu.memref_slice %arg20[%add3A_45, %dma_wait3A] : memref<10240x128xf32, #tpu.memory_space<vmem_shared>> -> memref<40x128xf32, #tpu.memory_space<vmem_shared>>
      %dma_wait3A_154 = arith.constant 0 : i32
      %dma_wait3A_155 = tpu.memref_slice %arg20[%add3A_45, %dma_wait3A_154] : memref<10240x128xf32, #tpu.memory_space<vmem_shared>> -> memref<40x128xf32, #tpu.memory_space<vmem_shared>>
      tpu.wait_dma2 semaphore(%run_scoped3A : memref<!tpu.dma_semaphore, #tpu.memory_space<semaphore_mem>>) src(%arg7 : memref<40x128xf32, #tpu.memory_space<vmem>>) dst(%dma_wait3A_155 : memref<40x128xf32, #tpu.memory_space<vmem_shared>>)
      tpu.yield
    }) : () -> ()
    %mul3A_46 = arith.constant 640 : i32
    %mul3A_47 = arith.muli %arg1, %mul3A_46 : i32
    %add3A_48 = arith.constant 320 : i32
    %add3A_49 = arith.addi %mul3A_47, %add3A_48 : i32
    "tpu.region"() ({
      %run_scoped3A = tpu.sem_alloc : memref<!tpu.dma_semaphore, #tpu.memory_space<semaphore_mem>>
      %dma_start3A = arith.constant 0 : i32
      %dma_start3A_150 = tpu.memref_slice %arg20[%add3A_49, %dma_start3A] : memref<10240x128xf32, #tpu.memory_space<vmem_shared>> -> memref<40x128xf32, #tpu.memory_space<vmem_shared>>
      %dma_start3A_151 = arith.constant 0 : i32
      %dma_start3A_152 = tpu.memref_slice %arg20[%add3A_49, %dma_start3A_151] : memref<10240x128xf32, #tpu.memory_space<vmem_shared>> -> memref<40x128xf32, #tpu.memory_space<vmem_shared>>
      tpu.enqueue_dma source(%arg8 : memref<40x128xf32, #tpu.memory_space<vmem>>) target(%dma_start3A_152 : memref<40x128xf32, #tpu.memory_space<vmem_shared>>) target_semaphore(%run_scoped3A : memref<!tpu.dma_semaphore, #tpu.memory_space<semaphore_mem>>)
      %dma_wait3A = arith.constant 0 : i32
      %dma_wait3A_153 = tpu.memref_slice %arg20[%add3A_49, %dma_wait3A] : memref<10240x128xf32, #tpu.memory_space<vmem_shared>> -> memref<40x128xf32, #tpu.memory_space<vmem_shared>>
      %dma_wait3A_154 = arith.constant 0 : i32
      %dma_wait3A_155 = tpu.memref_slice %arg20[%add3A_49, %dma_wait3A_154] : memref<10240x128xf32, #tpu.memory_space<vmem_shared>> -> memref<40x128xf32, #tpu.memory_space<vmem_shared>>
      tpu.wait_dma2 semaphore(%run_scoped3A : memref<!tpu.dma_semaphore, #tpu.memory_space<semaphore_mem>>) src(%arg8 : memref<40x128xf32, #tpu.memory_space<vmem>>) dst(%dma_wait3A_155 : memref<40x128xf32, #tpu.memory_space<vmem_shared>>)
      tpu.yield
    }) : () -> ()
    %mul3A_50 = arith.constant 640 : i32
    %mul3A_51 = arith.muli %arg1, %mul3A_50 : i32
    %add3A_52 = arith.constant 360 : i32
    %add3A_53 = arith.addi %mul3A_51, %add3A_52 : i32
    "tpu.region"() ({
      %run_scoped3A = tpu.sem_alloc : memref<!tpu.dma_semaphore, #tpu.memory_space<semaphore_mem>>
      %dma_start3A = arith.constant 0 : i32
      %dma_start3A_150 = tpu.memref_slice %arg20[%add3A_53, %dma_start3A] : memref<10240x128xf32, #tpu.memory_space<vmem_shared>> -> memref<40x128xf32, #tpu.memory_space<vmem_shared>>
      %dma_start3A_151 = arith.constant 0 : i32
      %dma_start3A_152 = tpu.memref_slice %arg20[%add3A_53, %dma_start3A_151] : memref<10240x128xf32, #tpu.memory_space<vmem_shared>> -> memref<40x128xf32, #tpu.memory_space<vmem_shared>>
      tpu.enqueue_dma source(%arg9 : memref<40x128xf32, #tpu.memory_space<vmem>>) target(%dma_start3A_152 : memref<40x128xf32, #tpu.memory_space<vmem_shared>>) target_semaphore(%run_scoped3A : memref<!tpu.dma_semaphore, #tpu.memory_space<semaphore_mem>>)
      %dma_wait3A = arith.constant 0 : i32
      %dma_wait3A_153 = tpu.memref_slice %arg20[%add3A_53, %dma_wait3A] : memref<10240x128xf32, #tpu.memory_space<vmem_shared>> -> memref<40x128xf32, #tpu.memory_space<vmem_shared>>
      %dma_wait3A_154 = arith.constant 0 : i32
      %dma_wait3A_155 = tpu.memref_slice %arg20[%add3A_53, %dma_wait3A_154] : memref<10240x128xf32, #tpu.memory_space<vmem_shared>> -> memref<40x128xf32, #tpu.memory_space<vmem_shared>>
      tpu.wait_dma2 semaphore(%run_scoped3A : memref<!tpu.dma_semaphore, #tpu.memory_space<semaphore_mem>>) src(%arg9 : memref<40x128xf32, #tpu.memory_space<vmem>>) dst(%dma_wait3A_155 : memref<40x128xf32, #tpu.memory_space<vmem_shared>>)
      tpu.yield
    }) : () -> ()
    %mul3A_54 = arith.constant 640 : i32
    %mul3A_55 = arith.muli %arg1, %mul3A_54 : i32
    %add3A_56 = arith.constant 400 : i32
    %add3A_57 = arith.addi %mul3A_55, %add3A_56 : i32
    "tpu.region"() ({
      %run_scoped3A = tpu.sem_alloc : memref<!tpu.dma_semaphore, #tpu.memory_space<semaphore_mem>>
      %dma_start3A = arith.constant 0 : i32
      %dma_start3A_150 = tpu.memref_slice %arg20[%add3A_57, %dma_start3A] : memref<10240x128xf32, #tpu.memory_space<vmem_shared>> -> memref<40x128xf32, #tpu.memory_space<vmem_shared>>
      %dma_start3A_151 = arith.constant 0 : i32
      %dma_start3A_152 = tpu.memref_slice %arg20[%add3A_57, %dma_start3A_151] : memref<10240x128xf32, #tpu.memory_space<vmem_shared>> -> memref<40x128xf32, #tpu.memory_space<vmem_shared>>
      tpu.enqueue_dma source(%arg5 : memref<40x128xf32, #tpu.memory_space<vmem>>) target(%dma_start3A_152 : memref<40x128xf32, #tpu.memory_space<vmem_shared>>) target_semaphore(%run_scoped3A : memref<!tpu.dma_semaphore, #tpu.memory_space<semaphore_mem>>)
      %dma_wait3A = arith.constant 0 : i32
      %dma_wait3A_153 = tpu.memref_slice %arg20[%add3A_57, %dma_wait3A] : memref<10240x128xf32, #tpu.memory_space<vmem_shared>> -> memref<40x128xf32, #tpu.memory_space<vmem_shared>>
      %dma_wait3A_154 = arith.constant 0 : i32
      %dma_wait3A_155 = tpu.memref_slice %arg20[%add3A_57, %dma_wait3A_154] : memref<10240x128xf32, #tpu.memory_space<vmem_shared>> -> memref<40x128xf32, #tpu.memory_space<vmem_shared>>
      tpu.wait_dma2 semaphore(%run_scoped3A : memref<!tpu.dma_semaphore, #tpu.memory_space<semaphore_mem>>) src(%arg5 : memref<40x128xf32, #tpu.memory_space<vmem>>) dst(%dma_wait3A_155 : memref<40x128xf32, #tpu.memory_space<vmem_shared>>)
      tpu.yield
    }) : () -> ()
    %mul3A_58 = arith.constant 640 : i32
    %mul3A_59 = arith.muli %arg1, %mul3A_58 : i32
    %add3A_60 = arith.constant 440 : i32
    %add3A_61 = arith.addi %mul3A_59, %add3A_60 : i32
    "tpu.region"() ({
      %run_scoped3A = tpu.sem_alloc : memref<!tpu.dma_semaphore, #tpu.memory_space<semaphore_mem>>
      %dma_start3A = arith.constant 0 : i32
      %dma_start3A_150 = tpu.memref_slice %arg20[%add3A_61, %dma_start3A] : memref<10240x128xf32, #tpu.memory_space<vmem_shared>> -> memref<40x128xf32, #tpu.memory_space<vmem_shared>>
      %dma_start3A_151 = arith.constant 0 : i32
      %dma_start3A_152 = tpu.memref_slice %arg20[%add3A_61, %dma_start3A_151] : memref<10240x128xf32, #tpu.memory_space<vmem_shared>> -> memref<40x128xf32, #tpu.memory_space<vmem_shared>>
      tpu.enqueue_dma source(%arg6 : memref<40x128xf32, #tpu.memory_space<vmem>>) target(%dma_start3A_152 : memref<40x128xf32, #tpu.memory_space<vmem_shared>>) target_semaphore(%run_scoped3A : memref<!tpu.dma_semaphore, #tpu.memory_space<semaphore_mem>>)
      %dma_wait3A = arith.constant 0 : i32
      %dma_wait3A_153 = tpu.memref_slice %arg20[%add3A_61, %dma_wait3A] : memref<10240x128xf32, #tpu.memory_space<vmem_shared>> -> memref<40x128xf32, #tpu.memory_space<vmem_shared>>
      %dma_wait3A_154 = arith.constant 0 : i32
      %dma_wait3A_155 = tpu.memref_slice %arg20[%add3A_61, %dma_wait3A_154] : memref<10240x128xf32, #tpu.memory_space<vmem_shared>> -> memref<40x128xf32, #tpu.memory_space<vmem_shared>>
      tpu.wait_dma2 semaphore(%run_scoped3A : memref<!tpu.dma_semaphore, #tpu.memory_space<semaphore_mem>>) src(%arg6 : memref<40x128xf32, #tpu.memory_space<vmem>>) dst(%dma_wait3A_155 : memref<40x128xf32, #tpu.memory_space<vmem_shared>>)
      tpu.yield
    }) : () -> ()
    %mul3A_62 = arith.constant 640 : i32
    %mul3A_63 = arith.muli %arg1, %mul3A_62 : i32
    %add3A_64 = arith.constant 480 : i32
    %add3A_65 = arith.addi %mul3A_63, %add3A_64 : i32
    "tpu.region"() ({
      %run_scoped3A = tpu.sem_alloc : memref<!tpu.dma_semaphore, #tpu.memory_space<semaphore_mem>>
      %dma_start3A = arith.constant 0 : i32
      %dma_start3A_150 = tpu.memref_slice %arg20[%add3A_65, %dma_start3A] : memref<10240x128xf32, #tpu.memory_space<vmem_shared>> -> memref<40x128xf32, #tpu.memory_space<vmem_shared>>
      %dma_start3A_151 = arith.constant 0 : i32
      %dma_start3A_152 = tpu.memref_slice %arg20[%add3A_65, %dma_start3A_151] : memref<10240x128xf32, #tpu.memory_space<vmem_shared>> -> memref<40x128xf32, #tpu.memory_space<vmem_shared>>
      tpu.enqueue_dma source(%arg7 : memref<40x128xf32, #tpu.memory_space<vmem>>) target(%dma_start3A_152 : memref<40x128xf32, #tpu.memory_space<vmem_shared>>) target_semaphore(%run_scoped3A : memref<!tpu.dma_semaphore, #tpu.memory_space<semaphore_mem>>)
      %dma_wait3A = arith.constant 0 : i32
      %dma_wait3A_153 = tpu.memref_slice %arg20[%add3A_65, %dma_wait3A] : memref<10240x128xf32, #tpu.memory_space<vmem_shared>> -> memref<40x128xf32, #tpu.memory_space<vmem_shared>>
      %dma_wait3A_154 = arith.constant 0 : i32
      %dma_wait3A_155 = tpu.memref_slice %arg20[%add3A_65, %dma_wait3A_154] : memref<10240x128xf32, #tpu.memory_space<vmem_shared>> -> memref<40x128xf32, #tpu.memory_space<vmem_shared>>
      tpu.wait_dma2 semaphore(%run_scoped3A : memref<!tpu.dma_semaphore, #tpu.memory_space<semaphore_mem>>) src(%arg7 : memref<40x128xf32, #tpu.memory_space<vmem>>) dst(%dma_wait3A_155 : memref<40x128xf32, #tpu.memory_space<vmem_shared>>)
      tpu.yield
    }) : () -> ()
    %mul3A_66 = arith.constant 640 : i32
    %mul3A_67 = arith.muli %arg1, %mul3A_66 : i32
    %add3A_68 = arith.constant 520 : i32
    %add3A_69 = arith.addi %mul3A_67, %add3A_68 : i32
    "tpu.region"() ({
      %run_scoped3A = tpu.sem_alloc : memref<!tpu.dma_semaphore, #tpu.memory_space<semaphore_mem>>
      %dma_start3A = arith.constant 0 : i32
      %dma_start3A_150 = tpu.memref_slice %arg20[%add3A_69, %dma_start3A] : memref<10240x128xf32, #tpu.memory_space<vmem_shared>> -> memref<40x128xf32, #tpu.memory_space<vmem_shared>>
      %dma_start3A_151 = arith.constant 0 : i32
      %dma_start3A_152 = tpu.memref_slice %arg20[%add3A_69, %dma_start3A_151] : memref<10240x128xf32, #tpu.memory_space<vmem_shared>> -> memref<40x128xf32, #tpu.memory_space<vmem_shared>>
      tpu.enqueue_dma source(%arg8 : memref<40x128xf32, #tpu.memory_space<vmem>>) target(%dma_start3A_152 : memref<40x128xf32, #tpu.memory_space<vmem_shared>>) target_semaphore(%run_scoped3A : memref<!tpu.dma_semaphore, #tpu.memory_space<semaphore_mem>>)
      %dma_wait3A = arith.constant 0 : i32
      %dma_wait3A_153 = tpu.memref_slice %arg20[%add3A_69, %dma_wait3A] : memref<10240x128xf32, #tpu.memory_space<vmem_shared>> -> memref<40x128xf32, #tpu.memory_space<vmem_shared>>
      %dma_wait3A_154 = arith.constant 0 : i32
      %dma_wait3A_155 = tpu.memref_slice %arg20[%add3A_69, %dma_wait3A_154] : memref<10240x128xf32, #tpu.memory_space<vmem_shared>> -> memref<40x128xf32, #tpu.memory_space<vmem_shared>>
      tpu.wait_dma2 semaphore(%run_scoped3A : memref<!tpu.dma_semaphore, #tpu.memory_space<semaphore_mem>>) src(%arg8 : memref<40x128xf32, #tpu.memory_space<vmem>>) dst(%dma_wait3A_155 : memref<40x128xf32, #tpu.memory_space<vmem_shared>>)
      tpu.yield
    }) : () -> ()
    %mul3A_70 = arith.constant 640 : i32
    %mul3A_71 = arith.muli %arg1, %mul3A_70 : i32
    %add3A_72 = arith.constant 560 : i32
    %add3A_73 = arith.addi %mul3A_71, %add3A_72 : i32
    "tpu.region"() ({
      %run_scoped3A = tpu.sem_alloc : memref<!tpu.dma_semaphore, #tpu.memory_space<semaphore_mem>>
      %dma_start3A = arith.constant 0 : i32
      %dma_start3A_150 = tpu.memref_slice %arg20[%add3A_73, %dma_start3A] : memref<10240x128xf32, #tpu.memory_space<vmem_shared>> -> memref<40x128xf32, #tpu.memory_space<vmem_shared>>
      %dma_start3A_151 = arith.constant 0 : i32
      %dma_start3A_152 = tpu.memref_slice %arg20[%add3A_73, %dma_start3A_151] : memref<10240x128xf32, #tpu.memory_space<vmem_shared>> -> memref<40x128xf32, #tpu.memory_space<vmem_shared>>
      tpu.enqueue_dma source(%arg9 : memref<40x128xf32, #tpu.memory_space<vmem>>) target(%dma_start3A_152 : memref<40x128xf32, #tpu.memory_space<vmem_shared>>) target_semaphore(%run_scoped3A : memref<!tpu.dma_semaphore, #tpu.memory_space<semaphore_mem>>)
      %dma_wait3A = arith.constant 0 : i32
      %dma_wait3A_153 = tpu.memref_slice %arg20[%add3A_73, %dma_wait3A] : memref<10240x128xf32, #tpu.memory_space<vmem_shared>> -> memref<40x128xf32, #tpu.memory_space<vmem_shared>>
      %dma_wait3A_154 = arith.constant 0 : i32
      %dma_wait3A_155 = tpu.memref_slice %arg20[%add3A_73, %dma_wait3A_154] : memref<10240x128xf32, #tpu.memory_space<vmem_shared>> -> memref<40x128xf32, #tpu.memory_space<vmem_shared>>
      tpu.wait_dma2 semaphore(%run_scoped3A : memref<!tpu.dma_semaphore, #tpu.memory_space<semaphore_mem>>) src(%arg9 : memref<40x128xf32, #tpu.memory_space<vmem>>) dst(%dma_wait3A_155 : memref<40x128xf32, #tpu.memory_space<vmem_shared>>)
      tpu.yield
    }) : () -> ()
    %mul3A_74 = arith.constant 640 : i32
    %mul3A_75 = arith.muli %arg1, %mul3A_74 : i32
    %add3A_76 = arith.constant 600 : i32
    %add3A_77 = arith.addi %mul3A_75, %add3A_76 : i32
    "tpu.region"() ({
      %run_scoped3A = tpu.sem_alloc : memref<!tpu.dma_semaphore, #tpu.memory_space<semaphore_mem>>
      %dma_start3A = arith.constant 0 : i32
      %dma_start3A_150 = tpu.memref_slice %arg20[%add3A_77, %dma_start3A] : memref<10240x128xf32, #tpu.memory_space<vmem_shared>> -> memref<40x128xf32, #tpu.memory_space<vmem_shared>>
      %dma_start3A_151 = arith.constant 0 : i32
      %dma_start3A_152 = tpu.memref_slice %arg20[%add3A_77, %dma_start3A_151] : memref<10240x128xf32, #tpu.memory_space<vmem_shared>> -> memref<40x128xf32, #tpu.memory_space<vmem_shared>>
      tpu.enqueue_dma source(%arg5 : memref<40x128xf32, #tpu.memory_space<vmem>>) target(%dma_start3A_152 : memref<40x128xf32, #tpu.memory_space<vmem_shared>>) target_semaphore(%run_scoped3A : memref<!tpu.dma_semaphore, #tpu.memory_space<semaphore_mem>>)
      %dma_wait3A = arith.constant 0 : i32
      %dma_wait3A_153 = tpu.memref_slice %arg20[%add3A_77, %dma_wait3A] : memref<10240x128xf32, #tpu.memory_space<vmem_shared>> -> memref<40x128xf32, #tpu.memory_space<vmem_shared>>
      %dma_wait3A_154 = arith.constant 0 : i32
      %dma_wait3A_155 = tpu.memref_slice %arg20[%add3A_77, %dma_wait3A_154] : memref<10240x128xf32, #tpu.memory_space<vmem_shared>> -> memref<40x128xf32, #tpu.memory_space<vmem_shared>>
      tpu.wait_dma2 semaphore(%run_scoped3A : memref<!tpu.dma_semaphore, #tpu.memory_space<semaphore_mem>>) src(%arg5 : memref<40x128xf32, #tpu.memory_space<vmem>>) dst(%dma_wait3A_155 : memref<40x128xf32, #tpu.memory_space<vmem_shared>>)
      tpu.yield
    }) : () -> ()
    %barrier3A = arith.constant 0 : index
    tpu.barrier barrier_id(%barrier3A)
    %scan3A_78 = arith.constant 0 : i32
    %scan3A_79 = arith.constant 0 : i32
    %scan3A_80 = arith.constant 50 : i32
    %scan3A_81 = arith.addi %scan3A_79, %scan3A_80 : i32
    %scan3A_82 = arith.constant 1 : i32
    %scan3A_83 = scf.for %scan3A_150 = %scan3A_79 to %scan3A_81 step %scan3A_82 iter_args(%scan3A_151 = %scan3A_78) -> (i32)  : i32 {
      %mul3A_152 = arith.constant 200 : i32
      %mul3A_153 = arith.muli %scan3A_150, %mul3A_152 : i32
      %add3A_154 = arith.addi %add3A, %mul3A_153 : i32
      %add3A_155 = arith.constant 0 : i32
      %add3A_156 = arith.addi %add3A_154, %add3A_155 : i32
      %dma_start3A = tpu.memref_slice %arg2[%add3A_156] : memref<480000xi32, #tpu.memory_space<hbm>> -> memref<40xi32, #tpu.memory_space<hbm>>
      %dma_start3A_157 = tpu.memref_slice %arg2[%add3A_156] : memref<480000xi32, #tpu.memory_space<hbm>> -> memref<40xi32, #tpu.memory_space<hbm>>
      tpu.enqueue_dma source(%dma_start3A_157 : memref<40xi32, #tpu.memory_space<hbm>>) target(%arg10 : memref<40xi32, #tpu.memory_space<vmem>>) target_semaphore(%arg26 : memref<!tpu.dma_semaphore, #tpu.memory_space<semaphore_mem>>)
      %add3A_158 = arith.addi %add3A_7, %mul3A_153 : i32
      %add3A_159 = arith.constant 0 : i32
      %add3A_160 = arith.addi %add3A_158, %add3A_159 : i32
      %dma_start3A_161 = tpu.memref_slice %arg2[%add3A_160] : memref<480000xi32, #tpu.memory_space<hbm>> -> memref<40xi32, #tpu.memory_space<hbm>>
      %dma_start3A_162 = tpu.memref_slice %arg2[%add3A_160] : memref<480000xi32, #tpu.memory_space<hbm>> -> memref<40xi32, #tpu.memory_space<hbm>>
      tpu.enqueue_dma source(%dma_start3A_162 : memref<40xi32, #tpu.memory_space<hbm>>) target(%arg15 : memref<40xi32, #tpu.memory_space<vmem>>) target_semaphore(%arg31 : memref<!tpu.dma_semaphore, #tpu.memory_space<semaphore_mem>>)
      %add3A_163 = arith.addi %add3A, %mul3A_153 : i32
      %add3A_164 = arith.constant 40 : i32
      %add3A_165 = arith.addi %add3A_163, %add3A_164 : i32
      %dma_start3A_166 = tpu.memref_slice %arg2[%add3A_165] : memref<480000xi32, #tpu.memory_space<hbm>> -> memref<40xi32, #tpu.memory_space<hbm>>
      %dma_start3A_167 = tpu.memref_slice %arg2[%add3A_165] : memref<480000xi32, #tpu.memory_space<hbm>> -> memref<40xi32, #tpu.memory_space<hbm>>
      tpu.enqueue_dma source(%dma_start3A_167 : memref<40xi32, #tpu.memory_space<hbm>>) target(%arg11 : memref<40xi32, #tpu.memory_space<vmem>>) target_semaphore(%arg27 : memref<!tpu.dma_semaphore, #tpu.memory_space<semaphore_mem>>)
      %add3A_168 = arith.addi %add3A_7, %mul3A_153 : i32
      %add3A_169 = arith.constant 40 : i32
      %add3A_170 = arith.addi %add3A_168, %add3A_169 : i32
      %dma_start3A_171 = tpu.memref_slice %arg2[%add3A_170] : memref<480000xi32, #tpu.memory_space<hbm>> -> memref<40xi32, #tpu.memory_space<hbm>>
      %dma_start3A_172 = tpu.memref_slice %arg2[%add3A_170] : memref<480000xi32, #tpu.memory_space<hbm>> -> memref<40xi32, #tpu.memory_space<hbm>>
      tpu.enqueue_dma source(%dma_start3A_172 : memref<40xi32, #tpu.memory_space<hbm>>) target(%arg16 : memref<40xi32, #tpu.memory_space<vmem>>) target_semaphore(%arg32 : memref<!tpu.dma_semaphore, #tpu.memory_space<semaphore_mem>>)
      %add3A_173 = arith.addi %add3A, %mul3A_153 : i32
      %add3A_174 = arith.constant 80 : i32
      %add3A_175 = arith.addi %add3A_173, %add3A_174 : i32
      %dma_start3A_176 = tpu.memref_slice %arg2[%add3A_175] : memref<480000xi32, #tpu.memory_space<hbm>> -> memref<40xi32, #tpu.memory_space<hbm>>
      %dma_start3A_177 = tpu.memref_slice %arg2[%add3A_175] : memref<480000xi32, #tpu.memory_space<hbm>> -> memref<40xi32, #tpu.memory_space<hbm>>
      tpu.enqueue_dma source(%dma_start3A_177 : memref<40xi32, #tpu.memory_space<hbm>>) target(%arg12 : memref<40xi32, #tpu.memory_space<vmem>>) target_semaphore(%arg28 : memref<!tpu.dma_semaphore, #tpu.memory_space<semaphore_mem>>)
      %add3A_178 = arith.addi %add3A_7, %mul3A_153 : i32
      %add3A_179 = arith.constant 80 : i32
      %add3A_180 = arith.addi %add3A_178, %add3A_179 : i32
      %dma_start3A_181 = tpu.memref_slice %arg2[%add3A_180] : memref<480000xi32, #tpu.memory_space<hbm>> -> memref<40xi32, #tpu.memory_space<hbm>>
      %dma_start3A_182 = tpu.memref_slice %arg2[%add3A_180] : memref<480000xi32, #tpu.memory_space<hbm>> -> memref<40xi32, #tpu.memory_space<hbm>>
      tpu.enqueue_dma source(%dma_start3A_182 : memref<40xi32, #tpu.memory_space<hbm>>) target(%arg17 : memref<40xi32, #tpu.memory_space<vmem>>) target_semaphore(%arg33 : memref<!tpu.dma_semaphore, #tpu.memory_space<semaphore_mem>>)
      %add3A_183 = arith.addi %add3A, %mul3A_153 : i32
      %add3A_184 = arith.constant 120 : i32
      %add3A_185 = arith.addi %add3A_183, %add3A_184 : i32
      %dma_start3A_186 = tpu.memref_slice %arg2[%add3A_185] : memref<480000xi32, #tpu.memory_space<hbm>> -> memref<40xi32, #tpu.memory_space<hbm>>
      %dma_start3A_187 = tpu.memref_slice %arg2[%add3A_185] : memref<480000xi32, #tpu.memory_space<hbm>> -> memref<40xi32, #tpu.memory_space<hbm>>
      tpu.enqueue_dma source(%dma_start3A_187 : memref<40xi32, #tpu.memory_space<hbm>>) target(%arg13 : memref<40xi32, #tpu.memory_space<vmem>>) target_semaphore(%arg29 : memref<!tpu.dma_semaphore, #tpu.memory_space<semaphore_mem>>)
      %add3A_188 = arith.addi %add3A_7, %mul3A_153 : i32
      %add3A_189 = arith.constant 120 : i32
      %add3A_190 = arith.addi %add3A_188, %add3A_189 : i32
      %dma_start3A_191 = tpu.memref_slice %arg2[%add3A_190] : memref<480000xi32, #tpu.memory_space<hbm>> -> memref<40xi32, #tpu.memory_space<hbm>>
      %dma_start3A_192 = tpu.memref_slice %arg2[%add3A_190] : memref<480000xi32, #tpu.memory_space<hbm>> -> memref<40xi32, #tpu.memory_space<hbm>>
      tpu.enqueue_dma source(%dma_start3A_192 : memref<40xi32, #tpu.memory_space<hbm>>) target(%arg18 : memref<40xi32, #tpu.memory_space<vmem>>) target_semaphore(%arg34 : memref<!tpu.dma_semaphore, #tpu.memory_space<semaphore_mem>>)
      %add3A_193 = arith.addi %add3A, %mul3A_153 : i32
      %add3A_194 = arith.constant 160 : i32
      %add3A_195 = arith.addi %add3A_193, %add3A_194 : i32
      %dma_start3A_196 = tpu.memref_slice %arg2[%add3A_195] : memref<480000xi32, #tpu.memory_space<hbm>> -> memref<40xi32, #tpu.memory_space<hbm>>
      %dma_start3A_197 = tpu.memref_slice %arg2[%add3A_195] : memref<480000xi32, #tpu.memory_space<hbm>> -> memref<40xi32, #tpu.memory_space<hbm>>
      tpu.enqueue_dma source(%dma_start3A_197 : memref<40xi32, #tpu.memory_space<hbm>>) target(%arg14 : memref<40xi32, #tpu.memory_space<vmem>>) target_semaphore(%arg30 : memref<!tpu.dma_semaphore, #tpu.memory_space<semaphore_mem>>)
      %add3A_198 = arith.addi %add3A_7, %mul3A_153 : i32
      %add3A_199 = arith.constant 160 : i32
      %add3A_200 = arith.addi %add3A_198, %add3A_199 : i32
      %dma_start3A_201 = tpu.memref_slice %arg2[%add3A_200] : memref<480000xi32, #tpu.memory_space<hbm>> -> memref<40xi32, #tpu.memory_space<hbm>>
      %dma_start3A_202 = tpu.memref_slice %arg2[%add3A_200] : memref<480000xi32, #tpu.memory_space<hbm>> -> memref<40xi32, #tpu.memory_space<hbm>>
      tpu.enqueue_dma source(%dma_start3A_202 : memref<40xi32, #tpu.memory_space<hbm>>) target(%arg19 : memref<40xi32, #tpu.memory_space<vmem>>) target_semaphore(%arg35 : memref<!tpu.dma_semaphore, #tpu.memory_space<semaphore_mem>>)
      %dma_wait3A = tpu.memref_slice %arg2[%add3A_156] : memref<480000xi32, #tpu.memory_space<hbm>> -> memref<40xi32, #tpu.memory_space<hbm>>
      %dma_wait3A_203 = tpu.memref_slice %arg2[%add3A_156] : memref<480000xi32, #tpu.memory_space<hbm>> -> memref<40xi32, #tpu.memory_space<hbm>>
      tpu.wait_dma2 semaphore(%arg26 : memref<!tpu.dma_semaphore, #tpu.memory_space<semaphore_mem>>) src(%dma_wait3A_203 : memref<40xi32, #tpu.memory_space<hbm>>) dst(%arg10 : memref<40xi32, #tpu.memory_space<vmem>>)
      %dma_start3A_204 = arith.constant 0 : i32
      %dma_start3A_205 = arith.constant 0 : i32
      %dma_start3A_206 = tpu.memref_slice %arg3[%dma_start3A_204, %dma_start3A_205] : memref<20480x128xf32, #tpu.memory_space<hbm>> -> memref<20480x128xf32, #tpu.memory_space<hbm>>
      tpu.enqueue_indirect_dma source(%dma_start3A_206 : memref<20480x128xf32, #tpu.memory_space<hbm>>) target(%arg5 : memref<40x128xf32, #tpu.memory_space<vmem>>) offsets(%arg10 : memref<40xi32, #tpu.memory_space<vmem>>) semaphore(%arg21 : memref<!tpu.dma_semaphore, #tpu.memory_space<semaphore_mem>>)
      %dma_wait3A_207 = tpu.memref_slice %arg2[%add3A_165] : memref<480000xi32, #tpu.memory_space<hbm>> -> memref<40xi32, #tpu.memory_space<hbm>>
      %dma_wait3A_208 = tpu.memref_slice %arg2[%add3A_165] : memref<480000xi32, #tpu.memory_space<hbm>> -> memref<40xi32, #tpu.memory_space<hbm>>
      tpu.wait_dma2 semaphore(%arg27 : memref<!tpu.dma_semaphore, #tpu.memory_space<semaphore_mem>>) src(%dma_wait3A_208 : memref<40xi32, #tpu.memory_space<hbm>>) dst(%arg11 : memref<40xi32, #tpu.memory_space<vmem>>)
      %dma_start3A_209 = arith.constant 0 : i32
      %dma_start3A_210 = arith.constant 0 : i32
      %dma_start3A_211 = tpu.memref_slice %arg3[%dma_start3A_209, %dma_start3A_210] : memref<20480x128xf32, #tpu.memory_space<hbm>> -> memref<20480x128xf32, #tpu.memory_space<hbm>>
      tpu.enqueue_indirect_dma source(%dma_start3A_211 : memref<20480x128xf32, #tpu.memory_space<hbm>>) target(%arg6 : memref<40x128xf32, #tpu.memory_space<vmem>>) offsets(%arg11 : memref<40xi32, #tpu.memory_space<vmem>>) semaphore(%arg22 : memref<!tpu.dma_semaphore, #tpu.memory_space<semaphore_mem>>)
      %dma_wait3A_212 = tpu.memref_slice %arg2[%add3A_175] : memref<480000xi32, #tpu.memory_space<hbm>> -> memref<40xi32, #tpu.memory_space<hbm>>
      %dma_wait3A_213 = tpu.memref_slice %arg2[%add3A_175] : memref<480000xi32, #tpu.memory_space<hbm>> -> memref<40xi32, #tpu.memory_space<hbm>>
      tpu.wait_dma2 semaphore(%arg28 : memref<!tpu.dma_semaphore, #tpu.memory_space<semaphore_mem>>) src(%dma_wait3A_213 : memref<40xi32, #tpu.memory_space<hbm>>) dst(%arg12 : memref<40xi32, #tpu.memory_space<vmem>>)
      %dma_start3A_214 = arith.constant 0 : i32
      %dma_start3A_215 = arith.constant 0 : i32
      %dma_start3A_216 = tpu.memref_slice %arg3[%dma_start3A_214, %dma_start3A_215] : memref<20480x128xf32, #tpu.memory_space<hbm>> -> memref<20480x128xf32, #tpu.memory_space<hbm>>
      tpu.enqueue_indirect_dma source(%dma_start3A_216 : memref<20480x128xf32, #tpu.memory_space<hbm>>) target(%arg7 : memref<40x128xf32, #tpu.memory_space<vmem>>) offsets(%arg12 : memref<40xi32, #tpu.memory_space<vmem>>) semaphore(%arg23 : memref<!tpu.dma_semaphore, #tpu.memory_space<semaphore_mem>>)
      %dma_wait3A_217 = tpu.memref_slice %arg2[%add3A_185] : memref<480000xi32, #tpu.memory_space<hbm>> -> memref<40xi32, #tpu.memory_space<hbm>>
      %dma_wait3A_218 = tpu.memref_slice %arg2[%add3A_185] : memref<480000xi32, #tpu.memory_space<hbm>> -> memref<40xi32, #tpu.memory_space<hbm>>
      tpu.wait_dma2 semaphore(%arg29 : memref<!tpu.dma_semaphore, #tpu.memory_space<semaphore_mem>>) src(%dma_wait3A_218 : memref<40xi32, #tpu.memory_space<hbm>>) dst(%arg13 : memref<40xi32, #tpu.memory_space<vmem>>)
      %dma_start3A_219 = arith.constant 0 : i32
      %dma_start3A_220 = arith.constant 0 : i32
      %dma_start3A_221 = tpu.memref_slice %arg3[%dma_start3A_219, %dma_start3A_220] : memref<20480x128xf32, #tpu.memory_space<hbm>> -> memref<20480x128xf32, #tpu.memory_space<hbm>>
      tpu.enqueue_indirect_dma source(%dma_start3A_221 : memref<20480x128xf32, #tpu.memory_space<hbm>>) target(%arg8 : memref<40x128xf32, #tpu.memory_space<vmem>>) offsets(%arg13 : memref<40xi32, #tpu.memory_space<vmem>>) semaphore(%arg24 : memref<!tpu.dma_semaphore, #tpu.memory_space<semaphore_mem>>)
      %dma_wait3A_222 = tpu.memref_slice %arg2[%add3A_195] : memref<480000xi32, #tpu.memory_space<hbm>> -> memref<40xi32, #tpu.memory_space<hbm>>
      %dma_wait3A_223 = tpu.memref_slice %arg2[%add3A_195] : memref<480000xi32, #tpu.memory_space<hbm>> -> memref<40xi32, #tpu.memory_space<hbm>>
      tpu.wait_dma2 semaphore(%arg30 : memref<!tpu.dma_semaphore, #tpu.memory_space<semaphore_mem>>) src(%dma_wait3A_223 : memref<40xi32, #tpu.memory_space<hbm>>) dst(%arg14 : memref<40xi32, #tpu.memory_space<vmem>>)
      %dma_start3A_224 = arith.constant 0 : i32
      %dma_start3A_225 = arith.constant 0 : i32
      %dma_start3A_226 = tpu.memref_slice %arg3[%dma_start3A_224, %dma_start3A_225] : memref<20480x128xf32, #tpu.memory_space<hbm>> -> memref<20480x128xf32, #tpu.memory_space<hbm>>
      tpu.enqueue_indirect_dma source(%dma_start3A_226 : memref<20480x128xf32, #tpu.memory_space<hbm>>) target(%arg9 : memref<40x128xf32, #tpu.memory_space<vmem>>) offsets(%arg14 : memref<40xi32, #tpu.memory_space<vmem>>) semaphore(%arg25 : memref<!tpu.dma_semaphore, #tpu.memory_space<semaphore_mem>>)
      %dma_wait3A_227 = arith.constant 0 : i32
      %dma_wait3A_228 = arith.constant 0 : i32
      %dma_wait3A_229 = tpu.memref_slice %arg3[%dma_wait3A_227, %dma_wait3A_228] : memref<20480x128xf32, #tpu.memory_space<hbm>> -> memref<20480x128xf32, #tpu.memory_space<hbm>>
      tpu.wait_indirect_dma semaphore(%arg21 : memref<!tpu.dma_semaphore, #tpu.memory_space<semaphore_mem>>) src(%dma_wait3A_229 : memref<20480x128xf32, #tpu.memory_space<hbm>>) dst(%arg5 : memref<40x128xf32, #tpu.memory_space<vmem>>)
      %dma_wait3A_230 = tpu.memref_slice %arg2[%add3A_160] : memref<480000xi32, #tpu.memory_space<hbm>> -> memref<40xi32, #tpu.memory_space<hbm>>
      %dma_wait3A_231 = tpu.memref_slice %arg2[%add3A_160] : memref<480000xi32, #tpu.memory_space<hbm>> -> memref<40xi32, #tpu.memory_space<hbm>>
      tpu.wait_dma2 semaphore(%arg31 : memref<!tpu.dma_semaphore, #tpu.memory_space<semaphore_mem>>) src(%dma_wait3A_231 : memref<40xi32, #tpu.memory_space<hbm>>) dst(%arg15 : memref<40xi32, #tpu.memory_space<vmem>>)
      "tpu.region"() ({
        %run_scoped3A = tpu.sem_alloc : memref<!tpu.dma_semaphore, #tpu.memory_space<semaphore_mem>>
        %dma_start3A_253 = arith.constant 0 : i32
        %dma_start3A_254 = arith.constant 0 : i32
        %dma_start3A_255 = tpu.memref_slice %arg20[%dma_start3A_253, %dma_start3A_254] : memref<10240x128xf32, #tpu.memory_space<vmem_shared>> -> memref<10240x128xf32, #tpu.memory_space<vmem_shared>>
        tpu.enqueue_indirect_dma source(%arg5 : memref<40x128xf32, #tpu.memory_space<vmem>>) target(%dma_start3A_255 : memref<10240x128xf32, #tpu.memory_space<vmem_shared>>) offsets(%arg15 : memref<40xi32, #tpu.memory_space<vmem>>) semaphore(%run_scoped3A : memref<!tpu.dma_semaphore, #tpu.memory_space<semaphore_mem>>) {add = true}
        %dma_wait3A_256 = arith.constant 0 : i32
        %dma_wait3A_257 = arith.constant 0 : i32
        %dma_wait3A_258 = tpu.memref_slice %arg20[%dma_wait3A_256, %dma_wait3A_257] : memref<10240x128xf32, #tpu.memory_space<vmem_shared>> -> memref<10240x128xf32, #tpu.memory_space<vmem_shared>>
        tpu.wait_indirect_dma semaphore(%run_scoped3A : memref<!tpu.dma_semaphore, #tpu.memory_space<semaphore_mem>>) src(%arg5 : memref<40x128xf32, #tpu.memory_space<vmem>>) dst(%dma_wait3A_258 : memref<10240x128xf32, #tpu.memory_space<vmem_shared>>)
        tpu.yield
      }) : () -> ()
      %dma_wait3A_232 = arith.constant 0 : i32
      %dma_wait3A_233 = arith.constant 0 : i32
      %dma_wait3A_234 = tpu.memref_slice %arg3[%dma_wait3A_232, %dma_wait3A_233] : memref<20480x128xf32, #tpu.memory_space<hbm>> -> memref<20480x128xf32, #tpu.memory_space<hbm>>
      tpu.wait_indirect_dma semaphore(%arg22 : memref<!tpu.dma_semaphore, #tpu.memory_space<semaphore_mem>>) src(%dma_wait3A_234 : memref<20480x128xf32, #tpu.memory_space<hbm>>) dst(%arg6 : memref<40x128xf32, #tpu.memory_space<vmem>>)
      %dma_wait3A_235 = tpu.memref_slice %arg2[%add3A_170] : memref<480000xi32, #tpu.memory_space<hbm>> -> memref<40xi32, #tpu.memory_space<hbm>>
      %dma_wait3A_236 = tpu.memref_slice %arg2[%add3A_170] : memref<480000xi32, #tpu.memory_space<hbm>> -> memref<40xi32, #tpu.memory_space<hbm>>
      tpu.wait_dma2 semaphore(%arg32 : memref<!tpu.dma_semaphore, #tpu.memory_space<semaphore_mem>>) src(%dma_wait3A_236 : memref<40xi32, #tpu.memory_space<hbm>>) dst(%arg16 : memref<40xi32, #tpu.memory_space<vmem>>)
      "tpu.region"() ({
        %run_scoped3A = tpu.sem_alloc : memref<!tpu.dma_semaphore, #tpu.memory_space<semaphore_mem>>
        %dma_start3A_253 = arith.constant 0 : i32
        %dma_start3A_254 = arith.constant 0 : i32
        %dma_start3A_255 = tpu.memref_slice %arg20[%dma_start3A_253, %dma_start3A_254] : memref<10240x128xf32, #tpu.memory_space<vmem_shared>> -> memref<10240x128xf32, #tpu.memory_space<vmem_shared>>
        tpu.enqueue_indirect_dma source(%arg6 : memref<40x128xf32, #tpu.memory_space<vmem>>) target(%dma_start3A_255 : memref<10240x128xf32, #tpu.memory_space<vmem_shared>>) offsets(%arg16 : memref<40xi32, #tpu.memory_space<vmem>>) semaphore(%run_scoped3A : memref<!tpu.dma_semaphore, #tpu.memory_space<semaphore_mem>>) {add = true}
        %dma_wait3A_256 = arith.constant 0 : i32
        %dma_wait3A_257 = arith.constant 0 : i32
        %dma_wait3A_258 = tpu.memref_slice %arg20[%dma_wait3A_256, %dma_wait3A_257] : memref<10240x128xf32, #tpu.memory_space<vmem_shared>> -> memref<10240x128xf32, #tpu.memory_space<vmem_shared>>
        tpu.wait_indirect_dma semaphore(%run_scoped3A : memref<!tpu.dma_semaphore, #tpu.memory_space<semaphore_mem>>) src(%arg6 : memref<40x128xf32, #tpu.memory_space<vmem>>) dst(%dma_wait3A_258 : memref<10240x128xf32, #tpu.memory_space<vmem_shared>>)
        tpu.yield
      }) : () -> ()
      %dma_wait3A_237 = arith.constant 0 : i32
      %dma_wait3A_238 = arith.constant 0 : i32
      %dma_wait3A_239 = tpu.memref_slice %arg3[%dma_wait3A_237, %dma_wait3A_238] : memref<20480x128xf32, #tpu.memory_space<hbm>> -> memref<20480x128xf32, #tpu.memory_space<hbm>>
      tpu.wait_indirect_dma semaphore(%arg23 : memref<!tpu.dma_semaphore, #tpu.memory_space<semaphore_mem>>) src(%dma_wait3A_239 : memref<20480x128xf32, #tpu.memory_space<hbm>>) dst(%arg7 : memref<40x128xf32, #tpu.memory_space<vmem>>)
      %dma_wait3A_240 = tpu.memref_slice %arg2[%add3A_180] : memref<480000xi32, #tpu.memory_space<hbm>> -> memref<40xi32, #tpu.memory_space<hbm>>
      %dma_wait3A_241 = tpu.memref_slice %arg2[%add3A_180] : memref<480000xi32, #tpu.memory_space<hbm>> -> memref<40xi32, #tpu.memory_space<hbm>>
      tpu.wait_dma2 semaphore(%arg33 : memref<!tpu.dma_semaphore, #tpu.memory_space<semaphore_mem>>) src(%dma_wait3A_241 : memref<40xi32, #tpu.memory_space<hbm>>) dst(%arg17 : memref<40xi32, #tpu.memory_space<vmem>>)
      "tpu.region"() ({
        %run_scoped3A = tpu.sem_alloc : memref<!tpu.dma_semaphore, #tpu.memory_space<semaphore_mem>>
        %dma_start3A_253 = arith.constant 0 : i32
        %dma_start3A_254 = arith.constant 0 : i32
        %dma_start3A_255 = tpu.memref_slice %arg20[%dma_start3A_253, %dma_start3A_254] : memref<10240x128xf32, #tpu.memory_space<vmem_shared>> -> memref<10240x128xf32, #tpu.memory_space<vmem_shared>>
        tpu.enqueue_indirect_dma source(%arg7 : memref<40x128xf32, #tpu.memory_space<vmem>>) target(%dma_start3A_255 : memref<10240x128xf32, #tpu.memory_space<vmem_shared>>) offsets(%arg17 : memref<40xi32, #tpu.memory_space<vmem>>) semaphore(%run_scoped3A : memref<!tpu.dma_semaphore, #tpu.memory_space<semaphore_mem>>) {add = true}
        %dma_wait3A_256 = arith.constant 0 : i32
        %dma_wait3A_257 = arith.constant 0 : i32
        %dma_wait3A_258 = tpu.memref_slice %arg20[%dma_wait3A_256, %dma_wait3A_257] : memref<10240x128xf32, #tpu.memory_space<vmem_shared>> -> memref<10240x128xf32, #tpu.memory_space<vmem_shared>>
        tpu.wait_indirect_dma semaphore(%run_scoped3A : memref<!tpu.dma_semaphore, #tpu.memory_space<semaphore_mem>>) src(%arg7 : memref<40x128xf32, #tpu.memory_space<vmem>>) dst(%dma_wait3A_258 : memref<10240x128xf32, #tpu.memory_space<vmem_shared>>)
        tpu.yield
      }) : () -> ()
      %dma_wait3A_242 = arith.constant 0 : i32
      %dma_wait3A_243 = arith.constant 0 : i32
      %dma_wait3A_244 = tpu.memref_slice %arg3[%dma_wait3A_242, %dma_wait3A_243] : memref<20480x128xf32, #tpu.memory_space<hbm>> -> memref<20480x128xf32, #tpu.memory_space<hbm>>
      tpu.wait_indirect_dma semaphore(%arg24 : memref<!tpu.dma_semaphore, #tpu.memory_space<semaphore_mem>>) src(%dma_wait3A_244 : memref<20480x128xf32, #tpu.memory_space<hbm>>) dst(%arg8 : memref<40x128xf32, #tpu.memory_space<vmem>>)
      %dma_wait3A_245 = tpu.memref_slice %arg2[%add3A_190] : memref<480000xi32, #tpu.memory_space<hbm>> -> memref<40xi32, #tpu.memory_space<hbm>>
      %dma_wait3A_246 = tpu.memref_slice %arg2[%add3A_190] : memref<480000xi32, #tpu.memory_space<hbm>> -> memref<40xi32, #tpu.memory_space<hbm>>
      tpu.wait_dma2 semaphore(%arg34 : memref<!tpu.dma_semaphore, #tpu.memory_space<semaphore_mem>>) src(%dma_wait3A_246 : memref<40xi32, #tpu.memory_space<hbm>>) dst(%arg18 : memref<40xi32, #tpu.memory_space<vmem>>)
      "tpu.region"() ({
        %run_scoped3A = tpu.sem_alloc : memref<!tpu.dma_semaphore, #tpu.memory_space<semaphore_mem>>
        %dma_start3A_253 = arith.constant 0 : i32
        %dma_start3A_254 = arith.constant 0 : i32
        %dma_start3A_255 = tpu.memref_slice %arg20[%dma_start3A_253, %dma_start3A_254] : memref<10240x128xf32, #tpu.memory_space<vmem_shared>> -> memref<10240x128xf32, #tpu.memory_space<vmem_shared>>
        tpu.enqueue_indirect_dma source(%arg8 : memref<40x128xf32, #tpu.memory_space<vmem>>) target(%dma_start3A_255 : memref<10240x128xf32, #tpu.memory_space<vmem_shared>>) offsets(%arg18 : memref<40xi32, #tpu.memory_space<vmem>>) semaphore(%run_scoped3A : memref<!tpu.dma_semaphore, #tpu.memory_space<semaphore_mem>>) {add = true}
        %dma_wait3A_256 = arith.constant 0 : i32
        %dma_wait3A_257 = arith.constant 0 : i32
        %dma_wait3A_258 = tpu.memref_slice %arg20[%dma_wait3A_256, %dma_wait3A_257] : memref<10240x128xf32, #tpu.memory_space<vmem_shared>> -> memref<10240x128xf32, #tpu.memory_space<vmem_shared>>
        tpu.wait_indirect_dma semaphore(%run_scoped3A : memref<!tpu.dma_semaphore, #tpu.memory_space<semaphore_mem>>) src(%arg8 : memref<40x128xf32, #tpu.memory_space<vmem>>) dst(%dma_wait3A_258 : memref<10240x128xf32, #tpu.memory_space<vmem_shared>>)
        tpu.yield
      }) : () -> ()
      %dma_wait3A_247 = arith.constant 0 : i32
      %dma_wait3A_248 = arith.constant 0 : i32
      %dma_wait3A_249 = tpu.memref_slice %arg3[%dma_wait3A_247, %dma_wait3A_248] : memref<20480x128xf32, #tpu.memory_space<hbm>> -> memref<20480x128xf32, #tpu.memory_space<hbm>>
      tpu.wait_indirect_dma semaphore(%arg25 : memref<!tpu.dma_semaphore, #tpu.memory_space<semaphore_mem>>) src(%dma_wait3A_249 : memref<20480x128xf32, #tpu.memory_space<hbm>>) dst(%arg9 : memref<40x128xf32, #tpu.memory_space<vmem>>)
      %dma_wait3A_250 = tpu.memref_slice %arg2[%add3A_200] : memref<480000xi32, #tpu.memory_space<hbm>> -> memref<40xi32, #tpu.memory_space<hbm>>
      %dma_wait3A_251 = tpu.memref_slice %arg2[%add3A_200] : memref<480000xi32, #tpu.memory_space<hbm>> -> memref<40xi32, #tpu.memory_space<hbm>>
      tpu.wait_dma2 semaphore(%arg35 : memref<!tpu.dma_semaphore, #tpu.memory_space<semaphore_mem>>) src(%dma_wait3A_251 : memref<40xi32, #tpu.memory_space<hbm>>) dst(%arg19 : memref<40xi32, #tpu.memory_space<vmem>>)
      "tpu.region"() ({
        %run_scoped3A = tpu.sem_alloc : memref<!tpu.dma_semaphore, #tpu.memory_space<semaphore_mem>>
        %dma_start3A_253 = arith.constant 0 : i32
        %dma_start3A_254 = arith.constant 0 : i32
        %dma_start3A_255 = tpu.memref_slice %arg20[%dma_start3A_253, %dma_start3A_254] : memref<10240x128xf32, #tpu.memory_space<vmem_shared>> -> memref<10240x128xf32, #tpu.memory_space<vmem_shared>>
        tpu.enqueue_indirect_dma source(%arg9 : memref<40x128xf32, #tpu.memory_space<vmem>>) target(%dma_start3A_255 : memref<10240x128xf32, #tpu.memory_space<vmem_shared>>) offsets(%arg19 : memref<40xi32, #tpu.memory_space<vmem>>) semaphore(%run_scoped3A : memref<!tpu.dma_semaphore, #tpu.memory_space<semaphore_mem>>) {add = true}
        %dma_wait3A_256 = arith.constant 0 : i32
        %dma_wait3A_257 = arith.constant 0 : i32
        %dma_wait3A_258 = tpu.memref_slice %arg20[%dma_wait3A_256, %dma_wait3A_257] : memref<10240x128xf32, #tpu.memory_space<vmem_shared>> -> memref<10240x128xf32, #tpu.memory_space<vmem_shared>>
        tpu.wait_indirect_dma semaphore(%run_scoped3A : memref<!tpu.dma_semaphore, #tpu.memory_space<semaphore_mem>>) src(%arg9 : memref<40x128xf32, #tpu.memory_space<vmem>>) dst(%dma_wait3A_258 : memref<10240x128xf32, #tpu.memory_space<vmem_shared>>)
        tpu.yield
      }) : () -> ()
      %scan3A_252 = arith.constant 0 : i32
      scf.yield %scan3A_252 : i32
    }
    %scan3A_84 = arith.constant 50 : i32
    %barrier3A_85 = arith.constant 0 : index
    tpu.barrier barrier_id(%barrier3A_85)
    %mul3A_86 = arith.constant 640 : i32
    %mul3A_87 = arith.muli %arg1, %mul3A_86 : i32
    %add3A_88 = arith.constant 0 : i32
    %add3A_89 = arith.addi %mul3A_87, %add3A_88 : i32
    "tpu.region"() ({
      %run_scoped3A = tpu.sem_alloc : memref<!tpu.dma_semaphore, #tpu.memory_space<semaphore_mem>>
      %dma_start3A = arith.constant 0 : i32
      %dma_start3A_150 = tpu.memref_slice %arg20[%add3A_89, %dma_start3A] : memref<10240x128xf32, #tpu.memory_space<vmem_shared>> -> memref<40x128xf32, #tpu.memory_space<vmem_shared>>
      %dma_start3A_151 = arith.constant 0 : i32
      %dma_start3A_152 = tpu.memref_slice %arg20[%add3A_89, %dma_start3A_151] : memref<10240x128xf32, #tpu.memory_space<vmem_shared>> -> memref<40x128xf32, #tpu.memory_space<vmem_shared>>
      tpu.enqueue_dma source(%dma_start3A_152 : memref<40x128xf32, #tpu.memory_space<vmem_shared>>) target(%arg5 : memref<40x128xf32, #tpu.memory_space<vmem>>) target_semaphore(%run_scoped3A : memref<!tpu.dma_semaphore, #tpu.memory_space<semaphore_mem>>)
      %dma_wait3A = arith.constant 0 : i32
      %dma_wait3A_153 = tpu.memref_slice %arg20[%add3A_89, %dma_wait3A] : memref<10240x128xf32, #tpu.memory_space<vmem_shared>> -> memref<40x128xf32, #tpu.memory_space<vmem_shared>>
      %dma_wait3A_154 = arith.constant 0 : i32
      %dma_wait3A_155 = tpu.memref_slice %arg20[%add3A_89, %dma_wait3A_154] : memref<10240x128xf32, #tpu.memory_space<vmem_shared>> -> memref<40x128xf32, #tpu.memory_space<vmem_shared>>
      tpu.wait_dma2 semaphore(%run_scoped3A : memref<!tpu.dma_semaphore, #tpu.memory_space<semaphore_mem>>) src(%dma_wait3A_155 : memref<40x128xf32, #tpu.memory_space<vmem_shared>>) dst(%arg5 : memref<40x128xf32, #tpu.memory_space<vmem>>)
      tpu.yield
    }) : () -> ()
    "tpu.region"() ({
      %run_scoped3A = tpu.sem_alloc : memref<!tpu.dma_semaphore, #tpu.memory_space<semaphore_mem>>
      %dma_start3A = arith.constant 0 : i32
      %dma_start3A_150 = tpu.memref_slice %arg4[%arg0, %add3A_89, %dma_start3A] : memref<2x10240x128xf32, #tpu.memory_space<hbm>> -> memref<1x40x128xf32, #tpu.memory_space<hbm>>
      %dma_start3A_151 = tpu.memref_squeeze %dma_start3A_150 : memref<1x40x128xf32, #tpu.memory_space<hbm>> -> memref<40x128xf32, #tpu.memory_space<hbm>>
      %dma_start3A_152 = arith.constant 0 : i32
      %dma_start3A_153 = tpu.memref_slice %arg4[%arg0, %add3A_89, %dma_start3A_152] : memref<2x10240x128xf32, #tpu.memory_space<hbm>> -> memref<1x40x128xf32, #tpu.memory_space<hbm>>
      %dma_start3A_154 = tpu.memref_squeeze %dma_start3A_153 : memref<1x40x128xf32, #tpu.memory_space<hbm>> -> memref<40x128xf32, #tpu.memory_space<hbm>>
      tpu.enqueue_dma source(%arg5 : memref<40x128xf32, #tpu.memory_space<vmem>>) target(%dma_start3A_154 : memref<40x128xf32, #tpu.memory_space<hbm>>) target_semaphore(%run_scoped3A : memref<!tpu.dma_semaphore, #tpu.memory_space<semaphore_mem>>)
      %dma_wait3A = arith.constant 0 : i32
      %dma_wait3A_155 = tpu.memref_slice %arg4[%arg0, %add3A_89, %dma_wait3A] : memref<2x10240x128xf32, #tpu.memory_space<hbm>> -> memref<1x40x128xf32, #tpu.memory_space<hbm>>
      %dma_wait3A_156 = tpu.memref_squeeze %dma_wait3A_155 : memref<1x40x128xf32, #tpu.memory_space<hbm>> -> memref<40x128xf32, #tpu.memory_space<hbm>>
      %dma_wait3A_157 = arith.constant 0 : i32
      %dma_wait3A_158 = tpu.memref_slice %arg4[%arg0, %add3A_89, %dma_wait3A_157] : memref<2x10240x128xf32, #tpu.memory_space<hbm>> -> memref<1x40x128xf32, #tpu.memory_space<hbm>>
      %dma_wait3A_159 = tpu.memref_squeeze %dma_wait3A_158 : memref<1x40x128xf32, #tpu.memory_space<hbm>> -> memref<40x128xf32, #tpu.memory_space<hbm>>
      tpu.wait_dma2 semaphore(%run_scoped3A : memref<!tpu.dma_semaphore, #tpu.memory_space<semaphore_mem>>) src(%arg5 : memref<40x128xf32, #tpu.memory_space<vmem>>) dst(%dma_wait3A_159 : memref<40x128xf32, #tpu.memory_space<hbm>>)
      tpu.yield
    }) : () -> ()
    %mul3A_90 = arith.constant 640 : i32
    %mul3A_91 = arith.muli %arg1, %mul3A_90 : i32
    %add3A_92 = arith.constant 40 : i32
    %add3A_93 = arith.addi %mul3A_91, %add3A_92 : i32
    "tpu.region"() ({
      %run_scoped3A = tpu.sem_alloc : memref<!tpu.dma_semaphore, #tpu.memory_space<semaphore_mem>>
      %dma_start3A = arith.constant 0 : i32
      %dma_start3A_150 = tpu.memref_slice %arg20[%add3A_93, %dma_start3A] : memref<10240x128xf32, #tpu.memory_space<vmem_shared>> -> memref<40x128xf32, #tpu.memory_space<vmem_shared>>
      %dma_start3A_151 = arith.constant 0 : i32
      %dma_start3A_152 = tpu.memref_slice %arg20[%add3A_93, %dma_start3A_151] : memref<10240x128xf32, #tpu.memory_space<vmem_shared>> -> memref<40x128xf32, #tpu.memory_space<vmem_shared>>
      tpu.enqueue_dma source(%dma_start3A_152 : memref<40x128xf32, #tpu.memory_space<vmem_shared>>) target(%arg6 : memref<40x128xf32, #tpu.memory_space<vmem>>) target_semaphore(%run_scoped3A : memref<!tpu.dma_semaphore, #tpu.memory_space<semaphore_mem>>)
      %dma_wait3A = arith.constant 0 : i32
      %dma_wait3A_153 = tpu.memref_slice %arg20[%add3A_93, %dma_wait3A] : memref<10240x128xf32, #tpu.memory_space<vmem_shared>> -> memref<40x128xf32, #tpu.memory_space<vmem_shared>>
      %dma_wait3A_154 = arith.constant 0 : i32
      %dma_wait3A_155 = tpu.memref_slice %arg20[%add3A_93, %dma_wait3A_154] : memref<10240x128xf32, #tpu.memory_space<vmem_shared>> -> memref<40x128xf32, #tpu.memory_space<vmem_shared>>
      tpu.wait_dma2 semaphore(%run_scoped3A : memref<!tpu.dma_semaphore, #tpu.memory_space<semaphore_mem>>) src(%dma_wait3A_155 : memref<40x128xf32, #tpu.memory_space<vmem_shared>>) dst(%arg6 : memref<40x128xf32, #tpu.memory_space<vmem>>)
      tpu.yield
    }) : () -> ()
    "tpu.region"() ({
      %run_scoped3A = tpu.sem_alloc : memref<!tpu.dma_semaphore, #tpu.memory_space<semaphore_mem>>
      %dma_start3A = arith.constant 0 : i32
      %dma_start3A_150 = tpu.memref_slice %arg4[%arg0, %add3A_93, %dma_start3A] : memref<2x10240x128xf32, #tpu.memory_space<hbm>> -> memref<1x40x128xf32, #tpu.memory_space<hbm>>
      %dma_start3A_151 = tpu.memref_squeeze %dma_start3A_150 : memref<1x40x128xf32, #tpu.memory_space<hbm>> -> memref<40x128xf32, #tpu.memory_space<hbm>>
      %dma_start3A_152 = arith.constant 0 : i32
      %dma_start3A_153 = tpu.memref_slice %arg4[%arg0, %add3A_93, %dma_start3A_152] : memref<2x10240x128xf32, #tpu.memory_space<hbm>> -> memref<1x40x128xf32, #tpu.memory_space<hbm>>
      %dma_start3A_154 = tpu.memref_squeeze %dma_start3A_153 : memref<1x40x128xf32, #tpu.memory_space<hbm>> -> memref<40x128xf32, #tpu.memory_space<hbm>>
      tpu.enqueue_dma source(%arg6 : memref<40x128xf32, #tpu.memory_space<vmem>>) target(%dma_start3A_154 : memref<40x128xf32, #tpu.memory_space<hbm>>) target_semaphore(%run_scoped3A : memref<!tpu.dma_semaphore, #tpu.memory_space<semaphore_mem>>)
      %dma_wait3A = arith.constant 0 : i32
      %dma_wait3A_155 = tpu.memref_slice %arg4[%arg0, %add3A_93, %dma_wait3A] : memref<2x10240x128xf32, #tpu.memory_space<hbm>> -> memref<1x40x128xf32, #tpu.memory_space<hbm>>
      %dma_wait3A_156 = tpu.memref_squeeze %dma_wait3A_155 : memref<1x40x128xf32, #tpu.memory_space<hbm>> -> memref<40x128xf32, #tpu.memory_space<hbm>>
      %dma_wait3A_157 = arith.constant 0 : i32
      %dma_wait3A_158 = tpu.memref_slice %arg4[%arg0, %add3A_93, %dma_wait3A_157] : memref<2x10240x128xf32, #tpu.memory_space<hbm>> -> memref<1x40x128xf32, #tpu.memory_space<hbm>>
      %dma_wait3A_159 = tpu.memref_squeeze %dma_wait3A_158 : memref<1x40x128xf32, #tpu.memory_space<hbm>> -> memref<40x128xf32, #tpu.memory_space<hbm>>
      tpu.wait_dma2 semaphore(%run_scoped3A : memref<!tpu.dma_semaphore, #tpu.memory_space<semaphore_mem>>) src(%arg6 : memref<40x128xf32, #tpu.memory_space<vmem>>) dst(%dma_wait3A_159 : memref<40x128xf32, #tpu.memory_space<hbm>>)
      tpu.yield
    }) : () -> ()
    %mul3A_94 = arith.constant 640 : i32
    %mul3A_95 = arith.muli %arg1, %mul3A_94 : i32
    %add3A_96 = arith.constant 80 : i32
    %add3A_97 = arith.addi %mul3A_95, %add3A_96 : i32
    "tpu.region"() ({
      %run_scoped3A = tpu.sem_alloc : memref<!tpu.dma_semaphore, #tpu.memory_space<semaphore_mem>>
      %dma_start3A = arith.constant 0 : i32
      %dma_start3A_150 = tpu.memref_slice %arg20[%add3A_97, %dma_start3A] : memref<10240x128xf32, #tpu.memory_space<vmem_shared>> -> memref<40x128xf32, #tpu.memory_space<vmem_shared>>
      %dma_start3A_151 = arith.constant 0 : i32
      %dma_start3A_152 = tpu.memref_slice %arg20[%add3A_97, %dma_start3A_151] : memref<10240x128xf32, #tpu.memory_space<vmem_shared>> -> memref<40x128xf32, #tpu.memory_space<vmem_shared>>
      tpu.enqueue_dma source(%dma_start3A_152 : memref<40x128xf32, #tpu.memory_space<vmem_shared>>) target(%arg7 : memref<40x128xf32, #tpu.memory_space<vmem>>) target_semaphore(%run_scoped3A : memref<!tpu.dma_semaphore, #tpu.memory_space<semaphore_mem>>)
      %dma_wait3A = arith.constant 0 : i32
      %dma_wait3A_153 = tpu.memref_slice %arg20[%add3A_97, %dma_wait3A] : memref<10240x128xf32, #tpu.memory_space<vmem_shared>> -> memref<40x128xf32, #tpu.memory_space<vmem_shared>>
      %dma_wait3A_154 = arith.constant 0 : i32
      %dma_wait3A_155 = tpu.memref_slice %arg20[%add3A_97, %dma_wait3A_154] : memref<10240x128xf32, #tpu.memory_space<vmem_shared>> -> memref<40x128xf32, #tpu.memory_space<vmem_shared>>
      tpu.wait_dma2 semaphore(%run_scoped3A : memref<!tpu.dma_semaphore, #tpu.memory_space<semaphore_mem>>) src(%dma_wait3A_155 : memref<40x128xf32, #tpu.memory_space<vmem_shared>>) dst(%arg7 : memref<40x128xf32, #tpu.memory_space<vmem>>)
      tpu.yield
    }) : () -> ()
    "tpu.region"() ({
      %run_scoped3A = tpu.sem_alloc : memref<!tpu.dma_semaphore, #tpu.memory_space<semaphore_mem>>
      %dma_start3A = arith.constant 0 : i32
      %dma_start3A_150 = tpu.memref_slice %arg4[%arg0, %add3A_97, %dma_start3A] : memref<2x10240x128xf32, #tpu.memory_space<hbm>> -> memref<1x40x128xf32, #tpu.memory_space<hbm>>
      %dma_start3A_151 = tpu.memref_squeeze %dma_start3A_150 : memref<1x40x128xf32, #tpu.memory_space<hbm>> -> memref<40x128xf32, #tpu.memory_space<hbm>>
      %dma_start3A_152 = arith.constant 0 : i32
      %dma_start3A_153 = tpu.memref_slice %arg4[%arg0, %add3A_97, %dma_start3A_152] : memref<2x10240x128xf32, #tpu.memory_space<hbm>> -> memref<1x40x128xf32, #tpu.memory_space<hbm>>
      %dma_start3A_154 = tpu.memref_squeeze %dma_start3A_153 : memref<1x40x128xf32, #tpu.memory_space<hbm>> -> memref<40x128xf32, #tpu.memory_space<hbm>>
      tpu.enqueue_dma source(%arg7 : memref<40x128xf32, #tpu.memory_space<vmem>>) target(%dma_start3A_154 : memref<40x128xf32, #tpu.memory_space<hbm>>) target_semaphore(%run_scoped3A : memref<!tpu.dma_semaphore, #tpu.memory_space<semaphore_mem>>)
      %dma_wait3A = arith.constant 0 : i32
      %dma_wait3A_155 = tpu.memref_slice %arg4[%arg0, %add3A_97, %dma_wait3A] : memref<2x10240x128xf32, #tpu.memory_space<hbm>> -> memref<1x40x128xf32, #tpu.memory_space<hbm>>
      %dma_wait3A_156 = tpu.memref_squeeze %dma_wait3A_155 : memref<1x40x128xf32, #tpu.memory_space<hbm>> -> memref<40x128xf32, #tpu.memory_space<hbm>>
      %dma_wait3A_157 = arith.constant 0 : i32
      %dma_wait3A_158 = tpu.memref_slice %arg4[%arg0, %add3A_97, %dma_wait3A_157] : memref<2x10240x128xf32, #tpu.memory_space<hbm>> -> memref<1x40x128xf32, #tpu.memory_space<hbm>>
      %dma_wait3A_159 = tpu.memref_squeeze %dma_wait3A_158 : memref<1x40x128xf32, #tpu.memory_space<hbm>> -> memref<40x128xf32, #tpu.memory_space<hbm>>
      tpu.wait_dma2 semaphore(%run_scoped3A : memref<!tpu.dma_semaphore, #tpu.memory_space<semaphore_mem>>) src(%arg7 : memref<40x128xf32, #tpu.memory_space<vmem>>) dst(%dma_wait3A_159 : memref<40x128xf32, #tpu.memory_space<hbm>>)
      tpu.yield
    }) : () -> ()
    %mul3A_98 = arith.constant 640 : i32
    %mul3A_99 = arith.muli %arg1, %mul3A_98 : i32
    %add3A_100 = arith.constant 120 : i32
    %add3A_101 = arith.addi %mul3A_99, %add3A_100 : i32
    "tpu.region"() ({
      %run_scoped3A = tpu.sem_alloc : memref<!tpu.dma_semaphore, #tpu.memory_space<semaphore_mem>>
      %dma_start3A = arith.constant 0 : i32
      %dma_start3A_150 = tpu.memref_slice %arg20[%add3A_101, %dma_start3A] : memref<10240x128xf32, #tpu.memory_space<vmem_shared>> -> memref<40x128xf32, #tpu.memory_space<vmem_shared>>
      %dma_start3A_151 = arith.constant 0 : i32
      %dma_start3A_152 = tpu.memref_slice %arg20[%add3A_101, %dma_start3A_151] : memref<10240x128xf32, #tpu.memory_space<vmem_shared>> -> memref<40x128xf32, #tpu.memory_space<vmem_shared>>
      tpu.enqueue_dma source(%dma_start3A_152 : memref<40x128xf32, #tpu.memory_space<vmem_shared>>) target(%arg8 : memref<40x128xf32, #tpu.memory_space<vmem>>) target_semaphore(%run_scoped3A : memref<!tpu.dma_semaphore, #tpu.memory_space<semaphore_mem>>)
      %dma_wait3A = arith.constant 0 : i32
      %dma_wait3A_153 = tpu.memref_slice %arg20[%add3A_101, %dma_wait3A] : memref<10240x128xf32, #tpu.memory_space<vmem_shared>> -> memref<40x128xf32, #tpu.memory_space<vmem_shared>>
      %dma_wait3A_154 = arith.constant 0 : i32
      %dma_wait3A_155 = tpu.memref_slice %arg20[%add3A_101, %dma_wait3A_154] : memref<10240x128xf32, #tpu.memory_space<vmem_shared>> -> memref<40x128xf32, #tpu.memory_space<vmem_shared>>
      tpu.wait_dma2 semaphore(%run_scoped3A : memref<!tpu.dma_semaphore, #tpu.memory_space<semaphore_mem>>) src(%dma_wait3A_155 : memref<40x128xf32, #tpu.memory_space<vmem_shared>>) dst(%arg8 : memref<40x128xf32, #tpu.memory_space<vmem>>)
      tpu.yield
    }) : () -> ()
    "tpu.region"() ({
      %run_scoped3A = tpu.sem_alloc : memref<!tpu.dma_semaphore, #tpu.memory_space<semaphore_mem>>
      %dma_start3A = arith.constant 0 : i32
      %dma_start3A_150 = tpu.memref_slice %arg4[%arg0, %add3A_101, %dma_start3A] : memref<2x10240x128xf32, #tpu.memory_space<hbm>> -> memref<1x40x128xf32, #tpu.memory_space<hbm>>
      %dma_start3A_151 = tpu.memref_squeeze %dma_start3A_150 : memref<1x40x128xf32, #tpu.memory_space<hbm>> -> memref<40x128xf32, #tpu.memory_space<hbm>>
      %dma_start3A_152 = arith.constant 0 : i32
      %dma_start3A_153 = tpu.memref_slice %arg4[%arg0, %add3A_101, %dma_start3A_152] : memref<2x10240x128xf32, #tpu.memory_space<hbm>> -> memref<1x40x128xf32, #tpu.memory_space<hbm>>
      %dma_start3A_154 = tpu.memref_squeeze %dma_start3A_153 : memref<1x40x128xf32, #tpu.memory_space<hbm>> -> memref<40x128xf32, #tpu.memory_space<hbm>>
      tpu.enqueue_dma source(%arg8 : memref<40x128xf32, #tpu.memory_space<vmem>>) target(%dma_start3A_154 : memref<40x128xf32, #tpu.memory_space<hbm>>) target_semaphore(%run_scoped3A : memref<!tpu.dma_semaphore, #tpu.memory_space<semaphore_mem>>)
      %dma_wait3A = arith.constant 0 : i32
      %dma_wait3A_155 = tpu.memref_slice %arg4[%arg0, %add3A_101, %dma_wait3A] : memref<2x10240x128xf32, #tpu.memory_space<hbm>> -> memref<1x40x128xf32, #tpu.memory_space<hbm>>
      %dma_wait3A_156 = tpu.memref_squeeze %dma_wait3A_155 : memref<1x40x128xf32, #tpu.memory_space<hbm>> -> memref<40x128xf32, #tpu.memory_space<hbm>>
      %dma_wait3A_157 = arith.constant 0 : i32
      %dma_wait3A_158 = tpu.memref_slice %arg4[%arg0, %add3A_101, %dma_wait3A_157] : memref<2x10240x128xf32, #tpu.memory_space<hbm>> -> memref<1x40x128xf32, #tpu.memory_space<hbm>>
      %dma_wait3A_159 = tpu.memref_squeeze %dma_wait3A_158 : memref<1x40x128xf32, #tpu.memory_space<hbm>> -> memref<40x128xf32, #tpu.memory_space<hbm>>
      tpu.wait_dma2 semaphore(%run_scoped3A : memref<!tpu.dma_semaphore, #tpu.memory_space<semaphore_mem>>) src(%arg8 : memref<40x128xf32, #tpu.memory_space<vmem>>) dst(%dma_wait3A_159 : memref<40x128xf32, #tpu.memory_space<hbm>>)
      tpu.yield
    }) : () -> ()
    %mul3A_102 = arith.constant 640 : i32
    %mul3A_103 = arith.muli %arg1, %mul3A_102 : i32
    %add3A_104 = arith.constant 160 : i32
    %add3A_105 = arith.addi %mul3A_103, %add3A_104 : i32
    "tpu.region"() ({
      %run_scoped3A = tpu.sem_alloc : memref<!tpu.dma_semaphore, #tpu.memory_space<semaphore_mem>>
      %dma_start3A = arith.constant 0 : i32
      %dma_start3A_150 = tpu.memref_slice %arg20[%add3A_105, %dma_start3A] : memref<10240x128xf32, #tpu.memory_space<vmem_shared>> -> memref<40x128xf32, #tpu.memory_space<vmem_shared>>
      %dma_start3A_151 = arith.constant 0 : i32
      %dma_start3A_152 = tpu.memref_slice %arg20[%add3A_105, %dma_start3A_151] : memref<10240x128xf32, #tpu.memory_space<vmem_shared>> -> memref<40x128xf32, #tpu.memory_space<vmem_shared>>
      tpu.enqueue_dma source(%dma_start3A_152 : memref<40x128xf32, #tpu.memory_space<vmem_shared>>) target(%arg9 : memref<40x128xf32, #tpu.memory_space<vmem>>) target_semaphore(%run_scoped3A : memref<!tpu.dma_semaphore, #tpu.memory_space<semaphore_mem>>)
      %dma_wait3A = arith.constant 0 : i32
      %dma_wait3A_153 = tpu.memref_slice %arg20[%add3A_105, %dma_wait3A] : memref<10240x128xf32, #tpu.memory_space<vmem_shared>> -> memref<40x128xf32, #tpu.memory_space<vmem_shared>>
      %dma_wait3A_154 = arith.constant 0 : i32
      %dma_wait3A_155 = tpu.memref_slice %arg20[%add3A_105, %dma_wait3A_154] : memref<10240x128xf32, #tpu.memory_space<vmem_shared>> -> memref<40x128xf32, #tpu.memory_space<vmem_shared>>
      tpu.wait_dma2 semaphore(%run_scoped3A : memref<!tpu.dma_semaphore, #tpu.memory_space<semaphore_mem>>) src(%dma_wait3A_155 : memref<40x128xf32, #tpu.memory_space<vmem_shared>>) dst(%arg9 : memref<40x128xf32, #tpu.memory_space<vmem>>)
      tpu.yield
    }) : () -> ()
    "tpu.region"() ({
      %run_scoped3A = tpu.sem_alloc : memref<!tpu.dma_semaphore, #tpu.memory_space<semaphore_mem>>
      %dma_start3A = arith.constant 0 : i32
      %dma_start3A_150 = tpu.memref_slice %arg4[%arg0, %add3A_105, %dma_start3A] : memref<2x10240x128xf32, #tpu.memory_space<hbm>> -> memref<1x40x128xf32, #tpu.memory_space<hbm>>
      %dma_start3A_151 = tpu.memref_squeeze %dma_start3A_150 : memref<1x40x128xf32, #tpu.memory_space<hbm>> -> memref<40x128xf32, #tpu.memory_space<hbm>>
      %dma_start3A_152 = arith.constant 0 : i32
      %dma_start3A_153 = tpu.memref_slice %arg4[%arg0, %add3A_105, %dma_start3A_152] : memref<2x10240x128xf32, #tpu.memory_space<hbm>> -> memref<1x40x128xf32, #tpu.memory_space<hbm>>
      %dma_start3A_154 = tpu.memref_squeeze %dma_start3A_153 : memref<1x40x128xf32, #tpu.memory_space<hbm>> -> memref<40x128xf32, #tpu.memory_space<hbm>>
      tpu.enqueue_dma source(%arg9 : memref<40x128xf32, #tpu.memory_space<vmem>>) target(%dma_start3A_154 : memref<40x128xf32, #tpu.memory_space<hbm>>) target_semaphore(%run_scoped3A : memref<!tpu.dma_semaphore, #tpu.memory_space<semaphore_mem>>)
      %dma_wait3A = arith.constant 0 : i32
      %dma_wait3A_155 = tpu.memref_slice %arg4[%arg0, %add3A_105, %dma_wait3A] : memref<2x10240x128xf32, #tpu.memory_space<hbm>> -> memref<1x40x128xf32, #tpu.memory_space<hbm>>
      %dma_wait3A_156 = tpu.memref_squeeze %dma_wait3A_155 : memref<1x40x128xf32, #tpu.memory_space<hbm>> -> memref<40x128xf32, #tpu.memory_space<hbm>>
      %dma_wait3A_157 = arith.constant 0 : i32
      %dma_wait3A_158 = tpu.memref_slice %arg4[%arg0, %add3A_105, %dma_wait3A_157] : memref<2x10240x128xf32, #tpu.memory_space<hbm>> -> memref<1x40x128xf32, #tpu.memory_space<hbm>>
      %dma_wait3A_159 = tpu.memref_squeeze %dma_wait3A_158 : memref<1x40x128xf32, #tpu.memory_space<hbm>> -> memref<40x128xf32, #tpu.memory_space<hbm>>
      tpu.wait_dma2 semaphore(%run_scoped3A : memref<!tpu.dma_semaphore, #tpu.memory_space<semaphore_mem>>) src(%arg9 : memref<40x128xf32, #tpu.memory_space<vmem>>) dst(%dma_wait3A_159 : memref<40x128xf32, #tpu.memory_space<hbm>>)
      tpu.yield
    }) : () -> ()
    %mul3A_106 = arith.constant 640 : i32
    %mul3A_107 = arith.muli %arg1, %mul3A_106 : i32
    %add3A_108 = arith.constant 200 : i32
    %add3A_109 = arith.addi %mul3A_107, %add3A_108 : i32
    "tpu.region"() ({
      %run_scoped3A = tpu.sem_alloc : memref<!tpu.dma_semaphore, #tpu.memory_space<semaphore_mem>>
      %dma_start3A = arith.constant 0 : i32
      %dma_start3A_150 = tpu.memref_slice %arg20[%add3A_109, %dma_start3A] : memref<10240x128xf32, #tpu.memory_space<vmem_shared>> -> memref<40x128xf32, #tpu.memory_space<vmem_shared>>
      %dma_start3A_151 = arith.constant 0 : i32
      %dma_start3A_152 = tpu.memref_slice %arg20[%add3A_109, %dma_start3A_151] : memref<10240x128xf32, #tpu.memory_space<vmem_shared>> -> memref<40x128xf32, #tpu.memory_space<vmem_shared>>
      tpu.enqueue_dma source(%dma_start3A_152 : memref<40x128xf32, #tpu.memory_space<vmem_shared>>) target(%arg5 : memref<40x128xf32, #tpu.memory_space<vmem>>) target_semaphore(%run_scoped3A : memref<!tpu.dma_semaphore, #tpu.memory_space<semaphore_mem>>)
      %dma_wait3A = arith.constant 0 : i32
      %dma_wait3A_153 = tpu.memref_slice %arg20[%add3A_109, %dma_wait3A] : memref<10240x128xf32, #tpu.memory_space<vmem_shared>> -> memref<40x128xf32, #tpu.memory_space<vmem_shared>>
      %dma_wait3A_154 = arith.constant 0 : i32
      %dma_wait3A_155 = tpu.memref_slice %arg20[%add3A_109, %dma_wait3A_154] : memref<10240x128xf32, #tpu.memory_space<vmem_shared>> -> memref<40x128xf32, #tpu.memory_space<vmem_shared>>
      tpu.wait_dma2 semaphore(%run_scoped3A : memref<!tpu.dma_semaphore, #tpu.memory_space<semaphore_mem>>) src(%dma_wait3A_155 : memref<40x128xf32, #tpu.memory_space<vmem_shared>>) dst(%arg5 : memref<40x128xf32, #tpu.memory_space<vmem>>)
      tpu.yield
    }) : () -> ()
    "tpu.region"() ({
      %run_scoped3A = tpu.sem_alloc : memref<!tpu.dma_semaphore, #tpu.memory_space<semaphore_mem>>
      %dma_start3A = arith.constant 0 : i32
      %dma_start3A_150 = tpu.memref_slice %arg4[%arg0, %add3A_109, %dma_start3A] : memref<2x10240x128xf32, #tpu.memory_space<hbm>> -> memref<1x40x128xf32, #tpu.memory_space<hbm>>
      %dma_start3A_151 = tpu.memref_squeeze %dma_start3A_150 : memref<1x40x128xf32, #tpu.memory_space<hbm>> -> memref<40x128xf32, #tpu.memory_space<hbm>>
      %dma_start3A_152 = arith.constant 0 : i32
      %dma_start3A_153 = tpu.memref_slice %arg4[%arg0, %add3A_109, %dma_start3A_152] : memref<2x10240x128xf32, #tpu.memory_space<hbm>> -> memref<1x40x128xf32, #tpu.memory_space<hbm>>
      %dma_start3A_154 = tpu.memref_squeeze %dma_start3A_153 : memref<1x40x128xf32, #tpu.memory_space<hbm>> -> memref<40x128xf32, #tpu.memory_space<hbm>>
      tpu.enqueue_dma source(%arg5 : memref<40x128xf32, #tpu.memory_space<vmem>>) target(%dma_start3A_154 : memref<40x128xf32, #tpu.memory_space<hbm>>) target_semaphore(%run_scoped3A : memref<!tpu.dma_semaphore, #tpu.memory_space<semaphore_mem>>)
      %dma_wait3A = arith.constant 0 : i32
      %dma_wait3A_155 = tpu.memref_slice %arg4[%arg0, %add3A_109, %dma_wait3A] : memref<2x10240x128xf32, #tpu.memory_space<hbm>> -> memref<1x40x128xf32, #tpu.memory_space<hbm>>
      %dma_wait3A_156 = tpu.memref_squeeze %dma_wait3A_155 : memref<1x40x128xf32, #tpu.memory_space<hbm>> -> memref<40x128xf32, #tpu.memory_space<hbm>>
      %dma_wait3A_157 = arith.constant 0 : i32
      %dma_wait3A_158 = tpu.memref_slice %arg4[%arg0, %add3A_109, %dma_wait3A_157] : memref<2x10240x128xf32, #tpu.memory_space<hbm>> -> memref<1x40x128xf32, #tpu.memory_space<hbm>>
      %dma_wait3A_159 = tpu.memref_squeeze %dma_wait3A_158 : memref<1x40x128xf32, #tpu.memory_space<hbm>> -> memref<40x128xf32, #tpu.memory_space<hbm>>
      tpu.wait_dma2 semaphore(%run_scoped3A : memref<!tpu.dma_semaphore, #tpu.memory_space<semaphore_mem>>) src(%arg5 : memref<40x128xf32, #tpu.memory_space<vmem>>) dst(%dma_wait3A_159 : memref<40x128xf32, #tpu.memory_space<hbm>>)
      tpu.yield
    }) : () -> ()
    %mul3A_110 = arith.constant 640 : i32
    %mul3A_111 = arith.muli %arg1, %mul3A_110 : i32
    %add3A_112 = arith.constant 240 : i32
    %add3A_113 = arith.addi %mul3A_111, %add3A_112 : i32
    "tpu.region"() ({
      %run_scoped3A = tpu.sem_alloc : memref<!tpu.dma_semaphore, #tpu.memory_space<semaphore_mem>>
      %dma_start3A = arith.constant 0 : i32
      %dma_start3A_150 = tpu.memref_slice %arg20[%add3A_113, %dma_start3A] : memref<10240x128xf32, #tpu.memory_space<vmem_shared>> -> memref<40x128xf32, #tpu.memory_space<vmem_shared>>
      %dma_start3A_151 = arith.constant 0 : i32
      %dma_start3A_152 = tpu.memref_slice %arg20[%add3A_113, %dma_start3A_151] : memref<10240x128xf32, #tpu.memory_space<vmem_shared>> -> memref<40x128xf32, #tpu.memory_space<vmem_shared>>
      tpu.enqueue_dma source(%dma_start3A_152 : memref<40x128xf32, #tpu.memory_space<vmem_shared>>) target(%arg6 : memref<40x128xf32, #tpu.memory_space<vmem>>) target_semaphore(%run_scoped3A : memref<!tpu.dma_semaphore, #tpu.memory_space<semaphore_mem>>)
      %dma_wait3A = arith.constant 0 : i32
      %dma_wait3A_153 = tpu.memref_slice %arg20[%add3A_113, %dma_wait3A] : memref<10240x128xf32, #tpu.memory_space<vmem_shared>> -> memref<40x128xf32, #tpu.memory_space<vmem_shared>>
      %dma_wait3A_154 = arith.constant 0 : i32
      %dma_wait3A_155 = tpu.memref_slice %arg20[%add3A_113, %dma_wait3A_154] : memref<10240x128xf32, #tpu.memory_space<vmem_shared>> -> memref<40x128xf32, #tpu.memory_space<vmem_shared>>
      tpu.wait_dma2 semaphore(%run_scoped3A : memref<!tpu.dma_semaphore, #tpu.memory_space<semaphore_mem>>) src(%dma_wait3A_155 : memref<40x128xf32, #tpu.memory_space<vmem_shared>>) dst(%arg6 : memref<40x128xf32, #tpu.memory_space<vmem>>)
      tpu.yield
    }) : () -> ()
    "tpu.region"() ({
      %run_scoped3A = tpu.sem_alloc : memref<!tpu.dma_semaphore, #tpu.memory_space<semaphore_mem>>
      %dma_start3A = arith.constant 0 : i32
      %dma_start3A_150 = tpu.memref_slice %arg4[%arg0, %add3A_113, %dma_start3A] : memref<2x10240x128xf32, #tpu.memory_space<hbm>> -> memref<1x40x128xf32, #tpu.memory_space<hbm>>
      %dma_start3A_151 = tpu.memref_squeeze %dma_start3A_150 : memref<1x40x128xf32, #tpu.memory_space<hbm>> -> memref<40x128xf32, #tpu.memory_space<hbm>>
      %dma_start3A_152 = arith.constant 0 : i32
      %dma_start3A_153 = tpu.memref_slice %arg4[%arg0, %add3A_113, %dma_start3A_152] : memref<2x10240x128xf32, #tpu.memory_space<hbm>> -> memref<1x40x128xf32, #tpu.memory_space<hbm>>
      %dma_start3A_154 = tpu.memref_squeeze %dma_start3A_153 : memref<1x40x128xf32, #tpu.memory_space<hbm>> -> memref<40x128xf32, #tpu.memory_space<hbm>>
      tpu.enqueue_dma source(%arg6 : memref<40x128xf32, #tpu.memory_space<vmem>>) target(%dma_start3A_154 : memref<40x128xf32, #tpu.memory_space<hbm>>) target_semaphore(%run_scoped3A : memref<!tpu.dma_semaphore, #tpu.memory_space<semaphore_mem>>)
      %dma_wait3A = arith.constant 0 : i32
      %dma_wait3A_155 = tpu.memref_slice %arg4[%arg0, %add3A_113, %dma_wait3A] : memref<2x10240x128xf32, #tpu.memory_space<hbm>> -> memref<1x40x128xf32, #tpu.memory_space<hbm>>
      %dma_wait3A_156 = tpu.memref_squeeze %dma_wait3A_155 : memref<1x40x128xf32, #tpu.memory_space<hbm>> -> memref<40x128xf32, #tpu.memory_space<hbm>>
      %dma_wait3A_157 = arith.constant 0 : i32
      %dma_wait3A_158 = tpu.memref_slice %arg4[%arg0, %add3A_113, %dma_wait3A_157] : memref<2x10240x128xf32, #tpu.memory_space<hbm>> -> memref<1x40x128xf32, #tpu.memory_space<hbm>>
      %dma_wait3A_159 = tpu.memref_squeeze %dma_wait3A_158 : memref<1x40x128xf32, #tpu.memory_space<hbm>> -> memref<40x128xf32, #tpu.memory_space<hbm>>
      tpu.wait_dma2 semaphore(%run_scoped3A : memref<!tpu.dma_semaphore, #tpu.memory_space<semaphore_mem>>) src(%arg6 : memref<40x128xf32, #tpu.memory_space<vmem>>) dst(%dma_wait3A_159 : memref<40x128xf32, #tpu.memory_space<hbm>>)
      tpu.yield
    }) : () -> ()
    %mul3A_114 = arith.constant 640 : i32
    %mul3A_115 = arith.muli %arg1, %mul3A_114 : i32
    %add3A_116 = arith.constant 280 : i32
    %add3A_117 = arith.addi %mul3A_115, %add3A_116 : i32
    "tpu.region"() ({
      %run_scoped3A = tpu.sem_alloc : memref<!tpu.dma_semaphore, #tpu.memory_space<semaphore_mem>>
      %dma_start3A = arith.constant 0 : i32
      %dma_start3A_150 = tpu.memref_slice %arg20[%add3A_117, %dma_start3A] : memref<10240x128xf32, #tpu.memory_space<vmem_shared>> -> memref<40x128xf32, #tpu.memory_space<vmem_shared>>
      %dma_start3A_151 = arith.constant 0 : i32
      %dma_start3A_152 = tpu.memref_slice %arg20[%add3A_117, %dma_start3A_151] : memref<10240x128xf32, #tpu.memory_space<vmem_shared>> -> memref<40x128xf32, #tpu.memory_space<vmem_shared>>
      tpu.enqueue_dma source(%dma_start3A_152 : memref<40x128xf32, #tpu.memory_space<vmem_shared>>) target(%arg7 : memref<40x128xf32, #tpu.memory_space<vmem>>) target_semaphore(%run_scoped3A : memref<!tpu.dma_semaphore, #tpu.memory_space<semaphore_mem>>)
      %dma_wait3A = arith.constant 0 : i32
      %dma_wait3A_153 = tpu.memref_slice %arg20[%add3A_117, %dma_wait3A] : memref<10240x128xf32, #tpu.memory_space<vmem_shared>> -> memref<40x128xf32, #tpu.memory_space<vmem_shared>>
      %dma_wait3A_154 = arith.constant 0 : i32
      %dma_wait3A_155 = tpu.memref_slice %arg20[%add3A_117, %dma_wait3A_154] : memref<10240x128xf32, #tpu.memory_space<vmem_shared>> -> memref<40x128xf32, #tpu.memory_space<vmem_shared>>
      tpu.wait_dma2 semaphore(%run_scoped3A : memref<!tpu.dma_semaphore, #tpu.memory_space<semaphore_mem>>) src(%dma_wait3A_155 : memref<40x128xf32, #tpu.memory_space<vmem_shared>>) dst(%arg7 : memref<40x128xf32, #tpu.memory_space<vmem>>)
      tpu.yield
    }) : () -> ()
    "tpu.region"() ({
      %run_scoped3A = tpu.sem_alloc : memref<!tpu.dma_semaphore, #tpu.memory_space<semaphore_mem>>
      %dma_start3A = arith.constant 0 : i32
      %dma_start3A_150 = tpu.memref_slice %arg4[%arg0, %add3A_117, %dma_start3A] : memref<2x10240x128xf32, #tpu.memory_space<hbm>> -> memref<1x40x128xf32, #tpu.memory_space<hbm>>
      %dma_start3A_151 = tpu.memref_squeeze %dma_start3A_150 : memref<1x40x128xf32, #tpu.memory_space<hbm>> -> memref<40x128xf32, #tpu.memory_space<hbm>>
      %dma_start3A_152 = arith.constant 0 : i32
      %dma_start3A_153 = tpu.memref_slice %arg4[%arg0, %add3A_117, %dma_start3A_152] : memref<2x10240x128xf32, #tpu.memory_space<hbm>> -> memref<1x40x128xf32, #tpu.memory_space<hbm>>
      %dma_start3A_154 = tpu.memref_squeeze %dma_start3A_153 : memref<1x40x128xf32, #tpu.memory_space<hbm>> -> memref<40x128xf32, #tpu.memory_space<hbm>>
      tpu.enqueue_dma source(%arg7 : memref<40x128xf32, #tpu.memory_space<vmem>>) target(%dma_start3A_154 : memref<40x128xf32, #tpu.memory_space<hbm>>) target_semaphore(%run_scoped3A : memref<!tpu.dma_semaphore, #tpu.memory_space<semaphore_mem>>)
      %dma_wait3A = arith.constant 0 : i32
      %dma_wait3A_155 = tpu.memref_slice %arg4[%arg0, %add3A_117, %dma_wait3A] : memref<2x10240x128xf32, #tpu.memory_space<hbm>> -> memref<1x40x128xf32, #tpu.memory_space<hbm>>
      %dma_wait3A_156 = tpu.memref_squeeze %dma_wait3A_155 : memref<1x40x128xf32, #tpu.memory_space<hbm>> -> memref<40x128xf32, #tpu.memory_space<hbm>>
      %dma_wait3A_157 = arith.constant 0 : i32
      %dma_wait3A_158 = tpu.memref_slice %arg4[%arg0, %add3A_117, %dma_wait3A_157] : memref<2x10240x128xf32, #tpu.memory_space<hbm>> -> memref<1x40x128xf32, #tpu.memory_space<hbm>>
      %dma_wait3A_159 = tpu.memref_squeeze %dma_wait3A_158 : memref<1x40x128xf32, #tpu.memory_space<hbm>> -> memref<40x128xf32, #tpu.memory_space<hbm>>
      tpu.wait_dma2 semaphore(%run_scoped3A : memref<!tpu.dma_semaphore, #tpu.memory_space<semaphore_mem>>) src(%arg7 : memref<40x128xf32, #tpu.memory_space<vmem>>) dst(%dma_wait3A_159 : memref<40x128xf32, #tpu.memory_space<hbm>>)
      tpu.yield
    }) : () -> ()
    %mul3A_118 = arith.constant 640 : i32
    %mul3A_119 = arith.muli %arg1, %mul3A_118 : i32
    %add3A_120 = arith.constant 320 : i32
    %add3A_121 = arith.addi %mul3A_119, %add3A_120 : i32
    "tpu.region"() ({
      %run_scoped3A = tpu.sem_alloc : memref<!tpu.dma_semaphore, #tpu.memory_space<semaphore_mem>>
      %dma_start3A = arith.constant 0 : i32
      %dma_start3A_150 = tpu.memref_slice %arg20[%add3A_121, %dma_start3A] : memref<10240x128xf32, #tpu.memory_space<vmem_shared>> -> memref<40x128xf32, #tpu.memory_space<vmem_shared>>
      %dma_start3A_151 = arith.constant 0 : i32
      %dma_start3A_152 = tpu.memref_slice %arg20[%add3A_121, %dma_start3A_151] : memref<10240x128xf32, #tpu.memory_space<vmem_shared>> -> memref<40x128xf32, #tpu.memory_space<vmem_shared>>
      tpu.enqueue_dma source(%dma_start3A_152 : memref<40x128xf32, #tpu.memory_space<vmem_shared>>) target(%arg8 : memref<40x128xf32, #tpu.memory_space<vmem>>) target_semaphore(%run_scoped3A : memref<!tpu.dma_semaphore, #tpu.memory_space<semaphore_mem>>)
      %dma_wait3A = arith.constant 0 : i32
      %dma_wait3A_153 = tpu.memref_slice %arg20[%add3A_121, %dma_wait3A] : memref<10240x128xf32, #tpu.memory_space<vmem_shared>> -> memref<40x128xf32, #tpu.memory_space<vmem_shared>>
      %dma_wait3A_154 = arith.constant 0 : i32
      %dma_wait3A_155 = tpu.memref_slice %arg20[%add3A_121, %dma_wait3A_154] : memref<10240x128xf32, #tpu.memory_space<vmem_shared>> -> memref<40x128xf32, #tpu.memory_space<vmem_shared>>
      tpu.wait_dma2 semaphore(%run_scoped3A : memref<!tpu.dma_semaphore, #tpu.memory_space<semaphore_mem>>) src(%dma_wait3A_155 : memref<40x128xf32, #tpu.memory_space<vmem_shared>>) dst(%arg8 : memref<40x128xf32, #tpu.memory_space<vmem>>)
      tpu.yield
    }) : () -> ()
    "tpu.region"() ({
      %run_scoped3A = tpu.sem_alloc : memref<!tpu.dma_semaphore, #tpu.memory_space<semaphore_mem>>
      %dma_start3A = arith.constant 0 : i32
      %dma_start3A_150 = tpu.memref_slice %arg4[%arg0, %add3A_121, %dma_start3A] : memref<2x10240x128xf32, #tpu.memory_space<hbm>> -> memref<1x40x128xf32, #tpu.memory_space<hbm>>
      %dma_start3A_151 = tpu.memref_squeeze %dma_start3A_150 : memref<1x40x128xf32, #tpu.memory_space<hbm>> -> memref<40x128xf32, #tpu.memory_space<hbm>>
      %dma_start3A_152 = arith.constant 0 : i32
      %dma_start3A_153 = tpu.memref_slice %arg4[%arg0, %add3A_121, %dma_start3A_152] : memref<2x10240x128xf32, #tpu.memory_space<hbm>> -> memref<1x40x128xf32, #tpu.memory_space<hbm>>
      %dma_start3A_154 = tpu.memref_squeeze %dma_start3A_153 : memref<1x40x128xf32, #tpu.memory_space<hbm>> -> memref<40x128xf32, #tpu.memory_space<hbm>>
      tpu.enqueue_dma source(%arg8 : memref<40x128xf32, #tpu.memory_space<vmem>>) target(%dma_start3A_154 : memref<40x128xf32, #tpu.memory_space<hbm>>) target_semaphore(%run_scoped3A : memref<!tpu.dma_semaphore, #tpu.memory_space<semaphore_mem>>)
      %dma_wait3A = arith.constant 0 : i32
      %dma_wait3A_155 = tpu.memref_slice %arg4[%arg0, %add3A_121, %dma_wait3A] : memref<2x10240x128xf32, #tpu.memory_space<hbm>> -> memref<1x40x128xf32, #tpu.memory_space<hbm>>
      %dma_wait3A_156 = tpu.memref_squeeze %dma_wait3A_155 : memref<1x40x128xf32, #tpu.memory_space<hbm>> -> memref<40x128xf32, #tpu.memory_space<hbm>>
      %dma_wait3A_157 = arith.constant 0 : i32
      %dma_wait3A_158 = tpu.memref_slice %arg4[%arg0, %add3A_121, %dma_wait3A_157] : memref<2x10240x128xf32, #tpu.memory_space<hbm>> -> memref<1x40x128xf32, #tpu.memory_space<hbm>>
      %dma_wait3A_159 = tpu.memref_squeeze %dma_wait3A_158 : memref<1x40x128xf32, #tpu.memory_space<hbm>> -> memref<40x128xf32, #tpu.memory_space<hbm>>
      tpu.wait_dma2 semaphore(%run_scoped3A : memref<!tpu.dma_semaphore, #tpu.memory_space<semaphore_mem>>) src(%arg8 : memref<40x128xf32, #tpu.memory_space<vmem>>) dst(%dma_wait3A_159 : memref<40x128xf32, #tpu.memory_space<hbm>>)
      tpu.yield
    }) : () -> ()
    %mul3A_122 = arith.constant 640 : i32
    %mul3A_123 = arith.muli %arg1, %mul3A_122 : i32
    %add3A_124 = arith.constant 360 : i32
    %add3A_125 = arith.addi %mul3A_123, %add3A_124 : i32
    "tpu.region"() ({
      %run_scoped3A = tpu.sem_alloc : memref<!tpu.dma_semaphore, #tpu.memory_space<semaphore_mem>>
      %dma_start3A = arith.constant 0 : i32
      %dma_start3A_150 = tpu.memref_slice %arg20[%add3A_125, %dma_start3A] : memref<10240x128xf32, #tpu.memory_space<vmem_shared>> -> memref<40x128xf32, #tpu.memory_space<vmem_shared>>
      %dma_start3A_151 = arith.constant 0 : i32
      %dma_start3A_152 = tpu.memref_slice %arg20[%add3A_125, %dma_start3A_151] : memref<10240x128xf32, #tpu.memory_space<vmem_shared>> -> memref<40x128xf32, #tpu.memory_space<vmem_shared>>
      tpu.enqueue_dma source(%dma_start3A_152 : memref<40x128xf32, #tpu.memory_space<vmem_shared>>) target(%arg9 : memref<40x128xf32, #tpu.memory_space<vmem>>) target_semaphore(%run_scoped3A : memref<!tpu.dma_semaphore, #tpu.memory_space<semaphore_mem>>)
      %dma_wait3A = arith.constant 0 : i32
      %dma_wait3A_153 = tpu.memref_slice %arg20[%add3A_125, %dma_wait3A] : memref<10240x128xf32, #tpu.memory_space<vmem_shared>> -> memref<40x128xf32, #tpu.memory_space<vmem_shared>>
      %dma_wait3A_154 = arith.constant 0 : i32
      %dma_wait3A_155 = tpu.memref_slice %arg20[%add3A_125, %dma_wait3A_154] : memref<10240x128xf32, #tpu.memory_space<vmem_shared>> -> memref<40x128xf32, #tpu.memory_space<vmem_shared>>
      tpu.wait_dma2 semaphore(%run_scoped3A : memref<!tpu.dma_semaphore, #tpu.memory_space<semaphore_mem>>) src(%dma_wait3A_155 : memref<40x128xf32, #tpu.memory_space<vmem_shared>>) dst(%arg9 : memref<40x128xf32, #tpu.memory_space<vmem>>)
      tpu.yield
    }) : () -> ()
    "tpu.region"() ({
      %run_scoped3A = tpu.sem_alloc : memref<!tpu.dma_semaphore, #tpu.memory_space<semaphore_mem>>
      %dma_start3A = arith.constant 0 : i32
      %dma_start3A_150 = tpu.memref_slice %arg4[%arg0, %add3A_125, %dma_start3A] : memref<2x10240x128xf32, #tpu.memory_space<hbm>> -> memref<1x40x128xf32, #tpu.memory_space<hbm>>
      %dma_start3A_151 = tpu.memref_squeeze %dma_start3A_150 : memref<1x40x128xf32, #tpu.memory_space<hbm>> -> memref<40x128xf32, #tpu.memory_space<hbm>>
      %dma_start3A_152 = arith.constant 0 : i32
      %dma_start3A_153 = tpu.memref_slice %arg4[%arg0, %add3A_125, %dma_start3A_152] : memref<2x10240x128xf32, #tpu.memory_space<hbm>> -> memref<1x40x128xf32, #tpu.memory_space<hbm>>
      %dma_start3A_154 = tpu.memref_squeeze %dma_start3A_153 : memref<1x40x128xf32, #tpu.memory_space<hbm>> -> memref<40x128xf32, #tpu.memory_space<hbm>>
      tpu.enqueue_dma source(%arg9 : memref<40x128xf32, #tpu.memory_space<vmem>>) target(%dma_start3A_154 : memref<40x128xf32, #tpu.memory_space<hbm>>) target_semaphore(%run_scoped3A : memref<!tpu.dma_semaphore, #tpu.memory_space<semaphore_mem>>)
      %dma_wait3A = arith.constant 0 : i32
      %dma_wait3A_155 = tpu.memref_slice %arg4[%arg0, %add3A_125, %dma_wait3A] : memref<2x10240x128xf32, #tpu.memory_space<hbm>> -> memref<1x40x128xf32, #tpu.memory_space<hbm>>
      %dma_wait3A_156 = tpu.memref_squeeze %dma_wait3A_155 : memref<1x40x128xf32, #tpu.memory_space<hbm>> -> memref<40x128xf32, #tpu.memory_space<hbm>>
      %dma_wait3A_157 = arith.constant 0 : i32
      %dma_wait3A_158 = tpu.memref_slice %arg4[%arg0, %add3A_125, %dma_wait3A_157] : memref<2x10240x128xf32, #tpu.memory_space<hbm>> -> memref<1x40x128xf32, #tpu.memory_space<hbm>>
      %dma_wait3A_159 = tpu.memref_squeeze %dma_wait3A_158 : memref<1x40x128xf32, #tpu.memory_space<hbm>> -> memref<40x128xf32, #tpu.memory_space<hbm>>
      tpu.wait_dma2 semaphore(%run_scoped3A : memref<!tpu.dma_semaphore, #tpu.memory_space<semaphore_mem>>) src(%arg9 : memref<40x128xf32, #tpu.memory_space<vmem>>) dst(%dma_wait3A_159 : memref<40x128xf32, #tpu.memory_space<hbm>>)
      tpu.yield
    }) : () -> ()
    %mul3A_126 = arith.constant 640 : i32
    %mul3A_127 = arith.muli %arg1, %mul3A_126 : i32
    %add3A_128 = arith.constant 400 : i32
    %add3A_129 = arith.addi %mul3A_127, %add3A_128 : i32
    "tpu.region"() ({
      %run_scoped3A = tpu.sem_alloc : memref<!tpu.dma_semaphore, #tpu.memory_space<semaphore_mem>>
      %dma_start3A = arith.constant 0 : i32
      %dma_start3A_150 = tpu.memref_slice %arg20[%add3A_129, %dma_start3A] : memref<10240x128xf32, #tpu.memory_space<vmem_shared>> -> memref<40x128xf32, #tpu.memory_space<vmem_shared>>
      %dma_start3A_151 = arith.constant 0 : i32
      %dma_start3A_152 = tpu.memref_slice %arg20[%add3A_129, %dma_start3A_151] : memref<10240x128xf32, #tpu.memory_space<vmem_shared>> -> memref<40x128xf32, #tpu.memory_space<vmem_shared>>
      tpu.enqueue_dma source(%dma_start3A_152 : memref<40x128xf32, #tpu.memory_space<vmem_shared>>) target(%arg5 : memref<40x128xf32, #tpu.memory_space<vmem>>) target_semaphore(%run_scoped3A : memref<!tpu.dma_semaphore, #tpu.memory_space<semaphore_mem>>)
      %dma_wait3A = arith.constant 0 : i32
      %dma_wait3A_153 = tpu.memref_slice %arg20[%add3A_129, %dma_wait3A] : memref<10240x128xf32, #tpu.memory_space<vmem_shared>> -> memref<40x128xf32, #tpu.memory_space<vmem_shared>>
      %dma_wait3A_154 = arith.constant 0 : i32
      %dma_wait3A_155 = tpu.memref_slice %arg20[%add3A_129, %dma_wait3A_154] : memref<10240x128xf32, #tpu.memory_space<vmem_shared>> -> memref<40x128xf32, #tpu.memory_space<vmem_shared>>
      tpu.wait_dma2 semaphore(%run_scoped3A : memref<!tpu.dma_semaphore, #tpu.memory_space<semaphore_mem>>) src(%dma_wait3A_155 : memref<40x128xf32, #tpu.memory_space<vmem_shared>>) dst(%arg5 : memref<40x128xf32, #tpu.memory_space<vmem>>)
      tpu.yield
    }) : () -> ()
    "tpu.region"() ({
      %run_scoped3A = tpu.sem_alloc : memref<!tpu.dma_semaphore, #tpu.memory_space<semaphore_mem>>
      %dma_start3A = arith.constant 0 : i32
      %dma_start3A_150 = tpu.memref_slice %arg4[%arg0, %add3A_129, %dma_start3A] : memref<2x10240x128xf32, #tpu.memory_space<hbm>> -> memref<1x40x128xf32, #tpu.memory_space<hbm>>
      %dma_start3A_151 = tpu.memref_squeeze %dma_start3A_150 : memref<1x40x128xf32, #tpu.memory_space<hbm>> -> memref<40x128xf32, #tpu.memory_space<hbm>>
      %dma_start3A_152 = arith.constant 0 : i32
      %dma_start3A_153 = tpu.memref_slice %arg4[%arg0, %add3A_129, %dma_start3A_152] : memref<2x10240x128xf32, #tpu.memory_space<hbm>> -> memref<1x40x128xf32, #tpu.memory_space<hbm>>
      %dma_start3A_154 = tpu.memref_squeeze %dma_start3A_153 : memref<1x40x128xf32, #tpu.memory_space<hbm>> -> memref<40x128xf32, #tpu.memory_space<hbm>>
      tpu.enqueue_dma source(%arg5 : memref<40x128xf32, #tpu.memory_space<vmem>>) target(%dma_start3A_154 : memref<40x128xf32, #tpu.memory_space<hbm>>) target_semaphore(%run_scoped3A : memref<!tpu.dma_semaphore, #tpu.memory_space<semaphore_mem>>)
      %dma_wait3A = arith.constant 0 : i32
      %dma_wait3A_155 = tpu.memref_slice %arg4[%arg0, %add3A_129, %dma_wait3A] : memref<2x10240x128xf32, #tpu.memory_space<hbm>> -> memref<1x40x128xf32, #tpu.memory_space<hbm>>
      %dma_wait3A_156 = tpu.memref_squeeze %dma_wait3A_155 : memref<1x40x128xf32, #tpu.memory_space<hbm>> -> memref<40x128xf32, #tpu.memory_space<hbm>>
      %dma_wait3A_157 = arith.constant 0 : i32
      %dma_wait3A_158 = tpu.memref_slice %arg4[%arg0, %add3A_129, %dma_wait3A_157] : memref<2x10240x128xf32, #tpu.memory_space<hbm>> -> memref<1x40x128xf32, #tpu.memory_space<hbm>>
      %dma_wait3A_159 = tpu.memref_squeeze %dma_wait3A_158 : memref<1x40x128xf32, #tpu.memory_space<hbm>> -> memref<40x128xf32, #tpu.memory_space<hbm>>
      tpu.wait_dma2 semaphore(%run_scoped3A : memref<!tpu.dma_semaphore, #tpu.memory_space<semaphore_mem>>) src(%arg5 : memref<40x128xf32, #tpu.memory_space<vmem>>) dst(%dma_wait3A_159 : memref<40x128xf32, #tpu.memory_space<hbm>>)
      tpu.yield
    }) : () -> ()
    %mul3A_130 = arith.constant 640 : i32
    %mul3A_131 = arith.muli %arg1, %mul3A_130 : i32
    %add3A_132 = arith.constant 440 : i32
    %add3A_133 = arith.addi %mul3A_131, %add3A_132 : i32
    "tpu.region"() ({
      %run_scoped3A = tpu.sem_alloc : memref<!tpu.dma_semaphore, #tpu.memory_space<semaphore_mem>>
      %dma_start3A = arith.constant 0 : i32
      %dma_start3A_150 = tpu.memref_slice %arg20[%add3A_133, %dma_start3A] : memref<10240x128xf32, #tpu.memory_space<vmem_shared>> -> memref<40x128xf32, #tpu.memory_space<vmem_shared>>
      %dma_start3A_151 = arith.constant 0 : i32
      %dma_start3A_152 = tpu.memref_slice %arg20[%add3A_133, %dma_start3A_151] : memref<10240x128xf32, #tpu.memory_space<vmem_shared>> -> memref<40x128xf32, #tpu.memory_space<vmem_shared>>
      tpu.enqueue_dma source(%dma_start3A_152 : memref<40x128xf32, #tpu.memory_space<vmem_shared>>) target(%arg6 : memref<40x128xf32, #tpu.memory_space<vmem>>) target_semaphore(%run_scoped3A : memref<!tpu.dma_semaphore, #tpu.memory_space<semaphore_mem>>)
      %dma_wait3A = arith.constant 0 : i32
      %dma_wait3A_153 = tpu.memref_slice %arg20[%add3A_133, %dma_wait3A] : memref<10240x128xf32, #tpu.memory_space<vmem_shared>> -> memref<40x128xf32, #tpu.memory_space<vmem_shared>>
      %dma_wait3A_154 = arith.constant 0 : i32
      %dma_wait3A_155 = tpu.memref_slice %arg20[%add3A_133, %dma_wait3A_154] : memref<10240x128xf32, #tpu.memory_space<vmem_shared>> -> memref<40x128xf32, #tpu.memory_space<vmem_shared>>
      tpu.wait_dma2 semaphore(%run_scoped3A : memref<!tpu.dma_semaphore, #tpu.memory_space<semaphore_mem>>) src(%dma_wait3A_155 : memref<40x128xf32, #tpu.memory_space<vmem_shared>>) dst(%arg6 : memref<40x128xf32, #tpu.memory_space<vmem>>)
      tpu.yield
    }) : () -> ()
    "tpu.region"() ({
      %run_scoped3A = tpu.sem_alloc : memref<!tpu.dma_semaphore, #tpu.memory_space<semaphore_mem>>
      %dma_start3A = arith.constant 0 : i32
      %dma_start3A_150 = tpu.memref_slice %arg4[%arg0, %add3A_133, %dma_start3A] : memref<2x10240x128xf32, #tpu.memory_space<hbm>> -> memref<1x40x128xf32, #tpu.memory_space<hbm>>
      %dma_start3A_151 = tpu.memref_squeeze %dma_start3A_150 : memref<1x40x128xf32, #tpu.memory_space<hbm>> -> memref<40x128xf32, #tpu.memory_space<hbm>>
      %dma_start3A_152 = arith.constant 0 : i32
      %dma_start3A_153 = tpu.memref_slice %arg4[%arg0, %add3A_133, %dma_start3A_152] : memref<2x10240x128xf32, #tpu.memory_space<hbm>> -> memref<1x40x128xf32, #tpu.memory_space<hbm>>
      %dma_start3A_154 = tpu.memref_squeeze %dma_start3A_153 : memref<1x40x128xf32, #tpu.memory_space<hbm>> -> memref<40x128xf32, #tpu.memory_space<hbm>>
      tpu.enqueue_dma source(%arg6 : memref<40x128xf32, #tpu.memory_space<vmem>>) target(%dma_start3A_154 : memref<40x128xf32, #tpu.memory_space<hbm>>) target_semaphore(%run_scoped3A : memref<!tpu.dma_semaphore, #tpu.memory_space<semaphore_mem>>)
      %dma_wait3A = arith.constant 0 : i32
      %dma_wait3A_155 = tpu.memref_slice %arg4[%arg0, %add3A_133, %dma_wait3A] : memref<2x10240x128xf32, #tpu.memory_space<hbm>> -> memref<1x40x128xf32, #tpu.memory_space<hbm>>
      %dma_wait3A_156 = tpu.memref_squeeze %dma_wait3A_155 : memref<1x40x128xf32, #tpu.memory_space<hbm>> -> memref<40x128xf32, #tpu.memory_space<hbm>>
      %dma_wait3A_157 = arith.constant 0 : i32
      %dma_wait3A_158 = tpu.memref_slice %arg4[%arg0, %add3A_133, %dma_wait3A_157] : memref<2x10240x128xf32, #tpu.memory_space<hbm>> -> memref<1x40x128xf32, #tpu.memory_space<hbm>>
      %dma_wait3A_159 = tpu.memref_squeeze %dma_wait3A_158 : memref<1x40x128xf32, #tpu.memory_space<hbm>> -> memref<40x128xf32, #tpu.memory_space<hbm>>
      tpu.wait_dma2 semaphore(%run_scoped3A : memref<!tpu.dma_semaphore, #tpu.memory_space<semaphore_mem>>) src(%arg6 : memref<40x128xf32, #tpu.memory_space<vmem>>) dst(%dma_wait3A_159 : memref<40x128xf32, #tpu.memory_space<hbm>>)
      tpu.yield
    }) : () -> ()
    %mul3A_134 = arith.constant 640 : i32
    %mul3A_135 = arith.muli %arg1, %mul3A_134 : i32
    %add3A_136 = arith.constant 480 : i32
    %add3A_137 = arith.addi %mul3A_135, %add3A_136 : i32
    "tpu.region"() ({
      %run_scoped3A = tpu.sem_alloc : memref<!tpu.dma_semaphore, #tpu.memory_space<semaphore_mem>>
      %dma_start3A = arith.constant 0 : i32
      %dma_start3A_150 = tpu.memref_slice %arg20[%add3A_137, %dma_start3A] : memref<10240x128xf32, #tpu.memory_space<vmem_shared>> -> memref<40x128xf32, #tpu.memory_space<vmem_shared>>
      %dma_start3A_151 = arith.constant 0 : i32
      %dma_start3A_152 = tpu.memref_slice %arg20[%add3A_137, %dma_start3A_151] : memref<10240x128xf32, #tpu.memory_space<vmem_shared>> -> memref<40x128xf32, #tpu.memory_space<vmem_shared>>
      tpu.enqueue_dma source(%dma_start3A_152 : memref<40x128xf32, #tpu.memory_space<vmem_shared>>) target(%arg7 : memref<40x128xf32, #tpu.memory_space<vmem>>) target_semaphore(%run_scoped3A : memref<!tpu.dma_semaphore, #tpu.memory_space<semaphore_mem>>)
      %dma_wait3A = arith.constant 0 : i32
      %dma_wait3A_153 = tpu.memref_slice %arg20[%add3A_137, %dma_wait3A] : memref<10240x128xf32, #tpu.memory_space<vmem_shared>> -> memref<40x128xf32, #tpu.memory_space<vmem_shared>>
      %dma_wait3A_154 = arith.constant 0 : i32
      %dma_wait3A_155 = tpu.memref_slice %arg20[%add3A_137, %dma_wait3A_154] : memref<10240x128xf32, #tpu.memory_space<vmem_shared>> -> memref<40x128xf32, #tpu.memory_space<vmem_shared>>
      tpu.wait_dma2 semaphore(%run_scoped3A : memref<!tpu.dma_semaphore, #tpu.memory_space<semaphore_mem>>) src(%dma_wait3A_155 : memref<40x128xf32, #tpu.memory_space<vmem_shared>>) dst(%arg7 : memref<40x128xf32, #tpu.memory_space<vmem>>)
      tpu.yield
    }) : () -> ()
    "tpu.region"() ({
      %run_scoped3A = tpu.sem_alloc : memref<!tpu.dma_semaphore, #tpu.memory_space<semaphore_mem>>
      %dma_start3A = arith.constant 0 : i32
      %dma_start3A_150 = tpu.memref_slice %arg4[%arg0, %add3A_137, %dma_start3A] : memref<2x10240x128xf32, #tpu.memory_space<hbm>> -> memref<1x40x128xf32, #tpu.memory_space<hbm>>
      %dma_start3A_151 = tpu.memref_squeeze %dma_start3A_150 : memref<1x40x128xf32, #tpu.memory_space<hbm>> -> memref<40x128xf32, #tpu.memory_space<hbm>>
      %dma_start3A_152 = arith.constant 0 : i32
      %dma_start3A_153 = tpu.memref_slice %arg4[%arg0, %add3A_137, %dma_start3A_152] : memref<2x10240x128xf32, #tpu.memory_space<hbm>> -> memref<1x40x128xf32, #tpu.memory_space<hbm>>
      %dma_start3A_154 = tpu.memref_squeeze %dma_start3A_153 : memref<1x40x128xf32, #tpu.memory_space<hbm>> -> memref<40x128xf32, #tpu.memory_space<hbm>>
      tpu.enqueue_dma source(%arg7 : memref<40x128xf32, #tpu.memory_space<vmem>>) target(%dma_start3A_154 : memref<40x128xf32, #tpu.memory_space<hbm>>) target_semaphore(%run_scoped3A : memref<!tpu.dma_semaphore, #tpu.memory_space<semaphore_mem>>)
      %dma_wait3A = arith.constant 0 : i32
      %dma_wait3A_155 = tpu.memref_slice %arg4[%arg0, %add3A_137, %dma_wait3A] : memref<2x10240x128xf32, #tpu.memory_space<hbm>> -> memref<1x40x128xf32, #tpu.memory_space<hbm>>
      %dma_wait3A_156 = tpu.memref_squeeze %dma_wait3A_155 : memref<1x40x128xf32, #tpu.memory_space<hbm>> -> memref<40x128xf32, #tpu.memory_space<hbm>>
      %dma_wait3A_157 = arith.constant 0 : i32
      %dma_wait3A_158 = tpu.memref_slice %arg4[%arg0, %add3A_137, %dma_wait3A_157] : memref<2x10240x128xf32, #tpu.memory_space<hbm>> -> memref<1x40x128xf32, #tpu.memory_space<hbm>>
      %dma_wait3A_159 = tpu.memref_squeeze %dma_wait3A_158 : memref<1x40x128xf32, #tpu.memory_space<hbm>> -> memref<40x128xf32, #tpu.memory_space<hbm>>
      tpu.wait_dma2 semaphore(%run_scoped3A : memref<!tpu.dma_semaphore, #tpu.memory_space<semaphore_mem>>) src(%arg7 : memref<40x128xf32, #tpu.memory_space<vmem>>) dst(%dma_wait3A_159 : memref<40x128xf32, #tpu.memory_space<hbm>>)
      tpu.yield
    }) : () -> ()
    %mul3A_138 = arith.constant 640 : i32
    %mul3A_139 = arith.muli %arg1, %mul3A_138 : i32
    %add3A_140 = arith.constant 520 : i32
    %add3A_141 = arith.addi %mul3A_139, %add3A_140 : i32
    "tpu.region"() ({
      %run_scoped3A = tpu.sem_alloc : memref<!tpu.dma_semaphore, #tpu.memory_space<semaphore_mem>>
      %dma_start3A = arith.constant 0 : i32
      %dma_start3A_150 = tpu.memref_slice %arg20[%add3A_141, %dma_start3A] : memref<10240x128xf32, #tpu.memory_space<vmem_shared>> -> memref<40x128xf32, #tpu.memory_space<vmem_shared>>
      %dma_start3A_151 = arith.constant 0 : i32
      %dma_start3A_152 = tpu.memref_slice %arg20[%add3A_141, %dma_start3A_151] : memref<10240x128xf32, #tpu.memory_space<vmem_shared>> -> memref<40x128xf32, #tpu.memory_space<vmem_shared>>
      tpu.enqueue_dma source(%dma_start3A_152 : memref<40x128xf32, #tpu.memory_space<vmem_shared>>) target(%arg8 : memref<40x128xf32, #tpu.memory_space<vmem>>) target_semaphore(%run_scoped3A : memref<!tpu.dma_semaphore, #tpu.memory_space<semaphore_mem>>)
      %dma_wait3A = arith.constant 0 : i32
      %dma_wait3A_153 = tpu.memref_slice %arg20[%add3A_141, %dma_wait3A] : memref<10240x128xf32, #tpu.memory_space<vmem_shared>> -> memref<40x128xf32, #tpu.memory_space<vmem_shared>>
      %dma_wait3A_154 = arith.constant 0 : i32
      %dma_wait3A_155 = tpu.memref_slice %arg20[%add3A_141, %dma_wait3A_154] : memref<10240x128xf32, #tpu.memory_space<vmem_shared>> -> memref<40x128xf32, #tpu.memory_space<vmem_shared>>
      tpu.wait_dma2 semaphore(%run_scoped3A : memref<!tpu.dma_semaphore, #tpu.memory_space<semaphore_mem>>) src(%dma_wait3A_155 : memref<40x128xf32, #tpu.memory_space<vmem_shared>>) dst(%arg8 : memref<40x128xf32, #tpu.memory_space<vmem>>)
      tpu.yield
    }) : () -> ()
    "tpu.region"() ({
      %run_scoped3A = tpu.sem_alloc : memref<!tpu.dma_semaphore, #tpu.memory_space<semaphore_mem>>
      %dma_start3A = arith.constant 0 : i32
      %dma_start3A_150 = tpu.memref_slice %arg4[%arg0, %add3A_141, %dma_start3A] : memref<2x10240x128xf32, #tpu.memory_space<hbm>> -> memref<1x40x128xf32, #tpu.memory_space<hbm>>
      %dma_start3A_151 = tpu.memref_squeeze %dma_start3A_150 : memref<1x40x128xf32, #tpu.memory_space<hbm>> -> memref<40x128xf32, #tpu.memory_space<hbm>>
      %dma_start3A_152 = arith.constant 0 : i32
      %dma_start3A_153 = tpu.memref_slice %arg4[%arg0, %add3A_141, %dma_start3A_152] : memref<2x10240x128xf32, #tpu.memory_space<hbm>> -> memref<1x40x128xf32, #tpu.memory_space<hbm>>
      %dma_start3A_154 = tpu.memref_squeeze %dma_start3A_153 : memref<1x40x128xf32, #tpu.memory_space<hbm>> -> memref<40x128xf32, #tpu.memory_space<hbm>>
      tpu.enqueue_dma source(%arg8 : memref<40x128xf32, #tpu.memory_space<vmem>>) target(%dma_start3A_154 : memref<40x128xf32, #tpu.memory_space<hbm>>) target_semaphore(%run_scoped3A : memref<!tpu.dma_semaphore, #tpu.memory_space<semaphore_mem>>)
      %dma_wait3A = arith.constant 0 : i32
      %dma_wait3A_155 = tpu.memref_slice %arg4[%arg0, %add3A_141, %dma_wait3A] : memref<2x10240x128xf32, #tpu.memory_space<hbm>> -> memref<1x40x128xf32, #tpu.memory_space<hbm>>
      %dma_wait3A_156 = tpu.memref_squeeze %dma_wait3A_155 : memref<1x40x128xf32, #tpu.memory_space<hbm>> -> memref<40x128xf32, #tpu.memory_space<hbm>>
      %dma_wait3A_157 = arith.constant 0 : i32
      %dma_wait3A_158 = tpu.memref_slice %arg4[%arg0, %add3A_141, %dma_wait3A_157] : memref<2x10240x128xf32, #tpu.memory_space<hbm>> -> memref<1x40x128xf32, #tpu.memory_space<hbm>>
      %dma_wait3A_159 = tpu.memref_squeeze %dma_wait3A_158 : memref<1x40x128xf32, #tpu.memory_space<hbm>> -> memref<40x128xf32, #tpu.memory_space<hbm>>
      tpu.wait_dma2 semaphore(%run_scoped3A : memref<!tpu.dma_semaphore, #tpu.memory_space<semaphore_mem>>) src(%arg8 : memref<40x128xf32, #tpu.memory_space<vmem>>) dst(%dma_wait3A_159 : memref<40x128xf32, #tpu.memory_space<hbm>>)
      tpu.yield
    }) : () -> ()
    %mul3A_142 = arith.constant 640 : i32
    %mul3A_143 = arith.muli %arg1, %mul3A_142 : i32
    %add3A_144 = arith.constant 560 : i32
    %add3A_145 = arith.addi %mul3A_143, %add3A_144 : i32
    "tpu.region"() ({
      %run_scoped3A = tpu.sem_alloc : memref<!tpu.dma_semaphore, #tpu.memory_space<semaphore_mem>>
      %dma_start3A = arith.constant 0 : i32
      %dma_start3A_150 = tpu.memref_slice %arg20[%add3A_145, %dma_start3A] : memref<10240x128xf32, #tpu.memory_space<vmem_shared>> -> memref<40x128xf32, #tpu.memory_space<vmem_shared>>
      %dma_start3A_151 = arith.constant 0 : i32
      %dma_start3A_152 = tpu.memref_slice %arg20[%add3A_145, %dma_start3A_151] : memref<10240x128xf32, #tpu.memory_space<vmem_shared>> -> memref<40x128xf32, #tpu.memory_space<vmem_shared>>
      tpu.enqueue_dma source(%dma_start3A_152 : memref<40x128xf32, #tpu.memory_space<vmem_shared>>) target(%arg9 : memref<40x128xf32, #tpu.memory_space<vmem>>) target_semaphore(%run_scoped3A : memref<!tpu.dma_semaphore, #tpu.memory_space<semaphore_mem>>)
      %dma_wait3A = arith.constant 0 : i32
      %dma_wait3A_153 = tpu.memref_slice %arg20[%add3A_145, %dma_wait3A] : memref<10240x128xf32, #tpu.memory_space<vmem_shared>> -> memref<40x128xf32, #tpu.memory_space<vmem_shared>>
      %dma_wait3A_154 = arith.constant 0 : i32
      %dma_wait3A_155 = tpu.memref_slice %arg20[%add3A_145, %dma_wait3A_154] : memref<10240x128xf32, #tpu.memory_space<vmem_shared>> -> memref<40x128xf32, #tpu.memory_space<vmem_shared>>
      tpu.wait_dma2 semaphore(%run_scoped3A : memref<!tpu.dma_semaphore, #tpu.memory_space<semaphore_mem>>) src(%dma_wait3A_155 : memref<40x128xf32, #tpu.memory_space<vmem_shared>>) dst(%arg9 : memref<40x128xf32, #tpu.memory_space<vmem>>)
      tpu.yield
    }) : () -> ()
    "tpu.region"() ({
      %run_scoped3A = tpu.sem_alloc : memref<!tpu.dma_semaphore, #tpu.memory_space<semaphore_mem>>
      %dma_start3A = arith.constant 0 : i32
      %dma_start3A_150 = tpu.memref_slice %arg4[%arg0, %add3A_145, %dma_start3A] : memref<2x10240x128xf32, #tpu.memory_space<hbm>> -> memref<1x40x128xf32, #tpu.memory_space<hbm>>
      %dma_start3A_151 = tpu.memref_squeeze %dma_start3A_150 : memref<1x40x128xf32, #tpu.memory_space<hbm>> -> memref<40x128xf32, #tpu.memory_space<hbm>>
      %dma_start3A_152 = arith.constant 0 : i32
      %dma_start3A_153 = tpu.memref_slice %arg4[%arg0, %add3A_145, %dma_start3A_152] : memref<2x10240x128xf32, #tpu.memory_space<hbm>> -> memref<1x40x128xf32, #tpu.memory_space<hbm>>
      %dma_start3A_154 = tpu.memref_squeeze %dma_start3A_153 : memref<1x40x128xf32, #tpu.memory_space<hbm>> -> memref<40x128xf32, #tpu.memory_space<hbm>>
      tpu.enqueue_dma source(%arg9 : memref<40x128xf32, #tpu.memory_space<vmem>>) target(%dma_start3A_154 : memref<40x128xf32, #tpu.memory_space<hbm>>) target_semaphore(%run_scoped3A : memref<!tpu.dma_semaphore, #tpu.memory_space<semaphore_mem>>)
      %dma_wait3A = arith.constant 0 : i32
      %dma_wait3A_155 = tpu.memref_slice %arg4[%arg0, %add3A_145, %dma_wait3A] : memref<2x10240x128xf32, #tpu.memory_space<hbm>> -> memref<1x40x128xf32, #tpu.memory_space<hbm>>
      %dma_wait3A_156 = tpu.memref_squeeze %dma_wait3A_155 : memref<1x40x128xf32, #tpu.memory_space<hbm>> -> memref<40x128xf32, #tpu.memory_space<hbm>>
      %dma_wait3A_157 = arith.constant 0 : i32
      %dma_wait3A_158 = tpu.memref_slice %arg4[%arg0, %add3A_145, %dma_wait3A_157] : memref<2x10240x128xf32, #tpu.memory_space<hbm>> -> memref<1x40x128xf32, #tpu.memory_space<hbm>>
      %dma_wait3A_159 = tpu.memref_squeeze %dma_wait3A_158 : memref<1x40x128xf32, #tpu.memory_space<hbm>> -> memref<40x128xf32, #tpu.memory_space<hbm>>
      tpu.wait_dma2 semaphore(%run_scoped3A : memref<!tpu.dma_semaphore, #tpu.memory_space<semaphore_mem>>) src(%arg9 : memref<40x128xf32, #tpu.memory_space<vmem>>) dst(%dma_wait3A_159 : memref<40x128xf32, #tpu.memory_space<hbm>>)
      tpu.yield
    }) : () -> ()
    %mul3A_146 = arith.constant 640 : i32
    %mul3A_147 = arith.muli %arg1, %mul3A_146 : i32
    %add3A_148 = arith.constant 600 : i32
    %add3A_149 = arith.addi %mul3A_147, %add3A_148 : i32
    "tpu.region"() ({
      %run_scoped3A = tpu.sem_alloc : memref<!tpu.dma_semaphore, #tpu.memory_space<semaphore_mem>>
      %dma_start3A = arith.constant 0 : i32
      %dma_start3A_150 = tpu.memref_slice %arg20[%add3A_149, %dma_start3A] : memref<10240x128xf32, #tpu.memory_space<vmem_shared>> -> memref<40x128xf32, #tpu.memory_space<vmem_shared>>
      %dma_start3A_151 = arith.constant 0 : i32
      %dma_start3A_152 = tpu.memref_slice %arg20[%add3A_149, %dma_start3A_151] : memref<10240x128xf32, #tpu.memory_space<vmem_shared>> -> memref<40x128xf32, #tpu.memory_space<vmem_shared>>
      tpu.enqueue_dma source(%dma_start3A_152 : memref<40x128xf32, #tpu.memory_space<vmem_shared>>) target(%arg5 : memref<40x128xf32, #tpu.memory_space<vmem>>) target_semaphore(%run_scoped3A : memref<!tpu.dma_semaphore, #tpu.memory_space<semaphore_mem>>)
      %dma_wait3A = arith.constant 0 : i32
      %dma_wait3A_153 = tpu.memref_slice %arg20[%add3A_149, %dma_wait3A] : memref<10240x128xf32, #tpu.memory_space<vmem_shared>> -> memref<40x128xf32, #tpu.memory_space<vmem_shared>>
      %dma_wait3A_154 = arith.constant 0 : i32
      %dma_wait3A_155 = tpu.memref_slice %arg20[%add3A_149, %dma_wait3A_154] : memref<10240x128xf32, #tpu.memory_space<vmem_shared>> -> memref<40x128xf32, #tpu.memory_space<vmem_shared>>
      tpu.wait_dma2 semaphore(%run_scoped3A : memref<!tpu.dma_semaphore, #tpu.memory_space<semaphore_mem>>) src(%dma_wait3A_155 : memref<40x128xf32, #tpu.memory_space<vmem_shared>>) dst(%arg5 : memref<40x128xf32, #tpu.memory_space<vmem>>)
      tpu.yield
    }) : () -> ()
    "tpu.region"() ({
      %run_scoped3A = tpu.sem_alloc : memref<!tpu.dma_semaphore, #tpu.memory_space<semaphore_mem>>
      %dma_start3A = arith.constant 0 : i32
      %dma_start3A_150 = tpu.memref_slice %arg4[%arg0, %add3A_149, %dma_start3A] : memref<2x10240x128xf32, #tpu.memory_space<hbm>> -> memref<1x40x128xf32, #tpu.memory_space<hbm>>
      %dma_start3A_151 = tpu.memref_squeeze %dma_start3A_150 : memref<1x40x128xf32, #tpu.memory_space<hbm>> -> memref<40x128xf32, #tpu.memory_space<hbm>>
      %dma_start3A_152 = arith.constant 0 : i32
      %dma_start3A_153 = tpu.memref_slice %arg4[%arg0, %add3A_149, %dma_start3A_152] : memref<2x10240x128xf32, #tpu.memory_space<hbm>> -> memref<1x40x128xf32, #tpu.memory_space<hbm>>
      %dma_start3A_154 = tpu.memref_squeeze %dma_start3A_153 : memref<1x40x128xf32, #tpu.memory_space<hbm>> -> memref<40x128xf32, #tpu.memory_space<hbm>>
      tpu.enqueue_dma source(%arg5 : memref<40x128xf32, #tpu.memory_space<vmem>>) target(%dma_start3A_154 : memref<40x128xf32, #tpu.memory_space<hbm>>) target_semaphore(%run_scoped3A : memref<!tpu.dma_semaphore, #tpu.memory_space<semaphore_mem>>)
      %dma_wait3A = arith.constant 0 : i32
      %dma_wait3A_155 = tpu.memref_slice %arg4[%arg0, %add3A_149, %dma_wait3A] : memref<2x10240x128xf32, #tpu.memory_space<hbm>> -> memref<1x40x128xf32, #tpu.memory_space<hbm>>
      %dma_wait3A_156 = tpu.memref_squeeze %dma_wait3A_155 : memref<1x40x128xf32, #tpu.memory_space<hbm>> -> memref<40x128xf32, #tpu.memory_space<hbm>>
      %dma_wait3A_157 = arith.constant 0 : i32
      %dma_wait3A_158 = tpu.memref_slice %arg4[%arg0, %add3A_149, %dma_wait3A_157] : memref<2x10240x128xf32, #tpu.memory_space<hbm>> -> memref<1x40x128xf32, #tpu.memory_space<hbm>>
      %dma_wait3A_159 = tpu.memref_squeeze %dma_wait3A_158 : memref<1x40x128xf32, #tpu.memory_space<hbm>> -> memref<40x128xf32, #tpu.memory_space<hbm>>
      tpu.wait_dma2 semaphore(%run_scoped3A : memref<!tpu.dma_semaphore, #tpu.memory_space<semaphore_mem>>) src(%arg5 : memref<40x128xf32, #tpu.memory_space<vmem>>) dst(%dma_wait3A_159 : memref<40x128xf32, #tpu.memory_space<hbm>>)
      tpu.yield
    }) : () -> ()
    return
  }
}

#map = affine_map<(d0, d1) -> (0)>
#map1 = affine_map<(d0, d1) -> (0, 0)>
#map2 = affine_map<(d0, d1) -> (0, 0, 0)>
module attributes {stable_mosaic.version = 14 : i64} {
  func.func @body(%arg0: i32, %arg1: i32, %arg2: memref<480000xi32, #tpu.memory_space<hbm>>, %arg3: memref<10240x128xf32, #tpu.memory_space<hbm>>, %arg4: memref<2x10240x128xf32, #tpu.memory_space<hbm>>, %arg5: memref<40x128xf32, #tpu.memory_space<vmem>>, %arg6: memref<40x128xf32, #tpu.memory_space<vmem>>, %arg7: memref<40x128xf32, #tpu.memory_space<vmem>>, %arg8: memref<40x128xf32, #tpu.memory_space<vmem>>, %arg9: memref<40x128xf32, #tpu.memory_space<vmem>>, %arg10: memref<40xi32, #tpu.memory_space<vmem>>, %arg11: memref<40xi32, #tpu.memory_space<vmem>>, %arg12: memref<40xi32, #tpu.memory_space<vmem>>, %arg13: memref<40xi32, #tpu.memory_space<vmem>>, %arg14: memref<40xi32, #tpu.memory_space<vmem>>, %arg15: memref<40xi32, #tpu.memory_space<vmem>>, %arg16: memref<40xi32, #tpu.memory_space<vmem>>, %arg17: memref<40xi32, #tpu.memory_space<vmem>>, %arg18: memref<40xi32, #tpu.memory_space<vmem>>, %arg19: memref<40xi32, #tpu.memory_space<vmem>>, %arg20: memref<10240x128xf32, #tpu.memory_space<vmem_shared>>, %arg21: memref<!tpu.dma_semaphore, #tpu.memory_space<semaphore_mem>>, %arg22: memref<!tpu.dma_semaphore, #tpu.memory_space<semaphore_mem>>, %arg23: memref<!tpu.dma_semaphore, #tpu.memory_space<semaphore_mem>>, %arg24: memref<!tpu.dma_semaphore, #tpu.memory_space<semaphore_mem>>, %arg25: memref<!tpu.dma_semaphore, #tpu.memory_space<semaphore_mem>>, %arg26: memref<!tpu.dma_semaphore, #tpu.memory_space<semaphore_mem>>, %arg27: memref<!tpu.dma_semaphore, #tpu.memory_space<semaphore_mem>>, %arg28: memref<!tpu.dma_semaphore, #tpu.memory_space<semaphore_mem>>, %arg29: memref<!tpu.dma_semaphore, #tpu.memory_space<semaphore_mem>>, %arg30: memref<!tpu.dma_semaphore, #tpu.memory_space<semaphore_mem>>, %arg31: memref<!tpu.dma_semaphore, #tpu.memory_space<semaphore_mem>>, %arg32: memref<!tpu.dma_semaphore, #tpu.memory_space<semaphore_mem>>, %arg33: memref<!tpu.dma_semaphore, #tpu.memory_space<semaphore_mem>>, %arg34: memref<!tpu.dma_semaphore, #tpu.memory_space<semaphore_mem>>, %arg35: memref<!tpu.dma_semaphore, #tpu.memory_space<semaphore_mem>>) attributes {dimension_semantics = [#tpu.dimension_semantics<core_parallel>, #tpu.dimension_semantics<subcore_parallel>], iteration_bounds = array<i64: 2, 16>, scalar_prefetch = 0 : i64, scratch_operands = 31 : i64, tpu.core_type = #tpu.core_type<sc_vector_subcore>, window_params = [{transform_indices = #map}, {transform_indices = #map1}, {transform_indices = #map2}]} {
    %broadcast_in_dim3A = arith.constant 0.000000e+00 : f32
    %broadcast_in_dim3A_0 = vector.broadcast %broadcast_in_dim3A : f32 to vector<16xf32>
    %mul3A = arith.constant 80000 : i32
    %mul3A_1 = arith.muli %arg0, %mul3A : i32
    %mul3A_2 = arith.constant 5000 : i32
    %mul3A_3 = arith.muli %arg1, %mul3A_2 : i32
    %add3A = arith.addi %mul3A_1, %mul3A_3 : i32
    %add3A_4 = arith.constant 320000 : i32
    %add3A_5 = arith.addi %add3A_4, %mul3A_1 : i32
    %mul3A_6 = arith.constant 5000 : i32
    %mul3A_7 = arith.muli %arg1, %mul3A_6 : i32
    %add3A_8 = arith.addi %add3A_5, %mul3A_7 : i32
    %scan3A = arith.constant 0 : i32
    %scan3A_9 = arith.constant 0 : i32
    %scan3A_10 = arith.constant 40 : i32
    %scan3A_11 = arith.addi %scan3A_9, %scan3A_10 : i32
    %scan3A_12 = arith.constant 1 : i32
    %scan3A_13 = scf.for %scan3A_151 = %scan3A_9 to %scan3A_11 step %scan3A_12 iter_args(%scan3A_152 = %scan3A) -> (i32)  : i32 {
      %swap3A = arith.index_cast %scan3A_151 : i32 to index
      %swap3A_153 = arith.constant 0 : index
      %swap3A_154 = tpu.vector_load %arg5[%swap3A, %swap3A_153] {strides = array<i32>} : memref<40x128xf32, #tpu.memory_space<vmem>>, vector<1x16xf32>,
      %swap3A_155 = vector.shape_cast %swap3A_154 : vector<1x16xf32> to vector<16xf32>
      %swap3A_156 = vector.shape_cast %broadcast_in_dim3A_0 : vector<16xf32> to vector<1x16xf32>
      tpu.vector_store %arg5[%swap3A, %swap3A_153], %swap3A_156 {strides = array<i32>} : memref<40x128xf32, #tpu.memory_space<vmem>>, vector<1x16xf32>,
      %swap3A_157 = arith.index_cast %scan3A_151 : i32 to index
      %swap3A_158 = arith.constant 16 : index
      %swap3A_159 = tpu.vector_load %arg5[%swap3A_157, %swap3A_158] {strides = array<i32>} : memref<40x128xf32, #tpu.memory_space<vmem>>, vector<1x16xf32>,
      %swap3A_160 = vector.shape_cast %swap3A_159 : vector<1x16xf32> to vector<16xf32>
      %swap3A_161 = vector.shape_cast %broadcast_in_dim3A_0 : vector<16xf32> to vector<1x16xf32>
      tpu.vector_store %arg5[%swap3A_157, %swap3A_158], %swap3A_161 {strides = array<i32>} : memref<40x128xf32, #tpu.memory_space<vmem>>, vector<1x16xf32>,
      %swap3A_162 = arith.index_cast %scan3A_151 : i32 to index
      %swap3A_163 = arith.constant 32 : index
      %swap3A_164 = tpu.vector_load %arg5[%swap3A_162, %swap3A_163] {strides = array<i32>} : memref<40x128xf32, #tpu.memory_space<vmem>>, vector<1x16xf32>,
      %swap3A_165 = vector.shape_cast %swap3A_164 : vector<1x16xf32> to vector<16xf32>
      %swap3A_166 = vector.shape_cast %broadcast_in_dim3A_0 : vector<16xf32> to vector<1x16xf32>
      tpu.vector_store %arg5[%swap3A_162, %swap3A_163], %swap3A_166 {strides = array<i32>} : memref<40x128xf32, #tpu.memory_space<vmem>>, vector<1x16xf32>,
      %swap3A_167 = arith.index_cast %scan3A_151 : i32 to index
      %swap3A_168 = arith.constant 48 : index
      %swap3A_169 = tpu.vector_load %arg5[%swap3A_167, %swap3A_168] {strides = array<i32>} : memref<40x128xf32, #tpu.memory_space<vmem>>, vector<1x16xf32>,
      %swap3A_170 = vector.shape_cast %swap3A_169 : vector<1x16xf32> to vector<16xf32>
      %swap3A_171 = vector.shape_cast %broadcast_in_dim3A_0 : vector<16xf32> to vector<1x16xf32>
      tpu.vector_store %arg5[%swap3A_167, %swap3A_168], %swap3A_171 {strides = array<i32>} : memref<40x128xf32, #tpu.memory_space<vmem>>, vector<1x16xf32>,
      %swap3A_172 = arith.index_cast %scan3A_151 : i32 to index
      %swap3A_173 = arith.constant 64 : index
      %swap3A_174 = tpu.vector_load %arg5[%swap3A_172, %swap3A_173] {strides = array<i32>} : memref<40x128xf32, #tpu.memory_space<vmem>>, vector<1x16xf32>,
      %swap3A_175 = vector.shape_cast %swap3A_174 : vector<1x16xf32> to vector<16xf32>
      %swap3A_176 = vector.shape_cast %broadcast_in_dim3A_0 : vector<16xf32> to vector<1x16xf32>
      tpu.vector_store %arg5[%swap3A_172, %swap3A_173], %swap3A_176 {strides = array<i32>} : memref<40x128xf32, #tpu.memory_space<vmem>>, vector<1x16xf32>,
      %swap3A_177 = arith.index_cast %scan3A_151 : i32 to index
      %swap3A_178 = arith.constant 80 : index
      %swap3A_179 = tpu.vector_load %arg5[%swap3A_177, %swap3A_178] {strides = array<i32>} : memref<40x128xf32, #tpu.memory_space<vmem>>, vector<1x16xf32>,
      %swap3A_180 = vector.shape_cast %swap3A_179 : vector<1x16xf32> to vector<16xf32>
      %swap3A_181 = vector.shape_cast %broadcast_in_dim3A_0 : vector<16xf32> to vector<1x16xf32>
      tpu.vector_store %arg5[%swap3A_177, %swap3A_178], %swap3A_181 {strides = array<i32>} : memref<40x128xf32, #tpu.memory_space<vmem>>, vector<1x16xf32>,
      %swap3A_182 = arith.index_cast %scan3A_151 : i32 to index
      %swap3A_183 = arith.constant 96 : index
      %swap3A_184 = tpu.vector_load %arg5[%swap3A_182, %swap3A_183] {strides = array<i32>} : memref<40x128xf32, #tpu.memory_space<vmem>>, vector<1x16xf32>,
      %swap3A_185 = vector.shape_cast %swap3A_184 : vector<1x16xf32> to vector<16xf32>
      %swap3A_186 = vector.shape_cast %broadcast_in_dim3A_0 : vector<16xf32> to vector<1x16xf32>
      tpu.vector_store %arg5[%swap3A_182, %swap3A_183], %swap3A_186 {strides = array<i32>} : memref<40x128xf32, #tpu.memory_space<vmem>>, vector<1x16xf32>,
      %swap3A_187 = arith.index_cast %scan3A_151 : i32 to index
      %swap3A_188 = arith.constant 112 : index
      %swap3A_189 = tpu.vector_load %arg5[%swap3A_187, %swap3A_188] {strides = array<i32>} : memref<40x128xf32, #tpu.memory_space<vmem>>, vector<1x16xf32>,
      %swap3A_190 = vector.shape_cast %swap3A_189 : vector<1x16xf32> to vector<16xf32>
      %swap3A_191 = vector.shape_cast %broadcast_in_dim3A_0 : vector<16xf32> to vector<1x16xf32>
      tpu.vector_store %arg5[%swap3A_187, %swap3A_188], %swap3A_191 {strides = array<i32>} : memref<40x128xf32, #tpu.memory_space<vmem>>, vector<1x16xf32>,
      %swap3A_192 = arith.index_cast %scan3A_151 : i32 to index
      %swap3A_193 = arith.constant 0 : index
      %swap3A_194 = tpu.vector_load %arg6[%swap3A_192, %swap3A_193] {strides = array<i32>} : memref<40x128xf32, #tpu.memory_space<vmem>>, vector<1x16xf32>,
      %swap3A_195 = vector.shape_cast %swap3A_194 : vector<1x16xf32> to vector<16xf32>
      %swap3A_196 = vector.shape_cast %broadcast_in_dim3A_0 : vector<16xf32> to vector<1x16xf32>
      tpu.vector_store %arg6[%swap3A_192, %swap3A_193], %swap3A_196 {strides = array<i32>} : memref<40x128xf32, #tpu.memory_space<vmem>>, vector<1x16xf32>,
      %swap3A_197 = arith.index_cast %scan3A_151 : i32 to index
      %swap3A_198 = arith.constant 16 : index
      %swap3A_199 = tpu.vector_load %arg6[%swap3A_197, %swap3A_198] {strides = array<i32>} : memref<40x128xf32, #tpu.memory_space<vmem>>, vector<1x16xf32>,
      %swap3A_200 = vector.shape_cast %swap3A_199 : vector<1x16xf32> to vector<16xf32>
      %swap3A_201 = vector.shape_cast %broadcast_in_dim3A_0 : vector<16xf32> to vector<1x16xf32>
      tpu.vector_store %arg6[%swap3A_197, %swap3A_198], %swap3A_201 {strides = array<i32>} : memref<40x128xf32, #tpu.memory_space<vmem>>, vector<1x16xf32>,
      %swap3A_202 = arith.index_cast %scan3A_151 : i32 to index
      %swap3A_203 = arith.constant 32 : index
      %swap3A_204 = tpu.vector_load %arg6[%swap3A_202, %swap3A_203] {strides = array<i32>} : memref<40x128xf32, #tpu.memory_space<vmem>>, vector<1x16xf32>,
      %swap3A_205 = vector.shape_cast %swap3A_204 : vector<1x16xf32> to vector<16xf32>
      %swap3A_206 = vector.shape_cast %broadcast_in_dim3A_0 : vector<16xf32> to vector<1x16xf32>
      tpu.vector_store %arg6[%swap3A_202, %swap3A_203], %swap3A_206 {strides = array<i32>} : memref<40x128xf32, #tpu.memory_space<vmem>>, vector<1x16xf32>,
      %swap3A_207 = arith.index_cast %scan3A_151 : i32 to index
      %swap3A_208 = arith.constant 48 : index
      %swap3A_209 = tpu.vector_load %arg6[%swap3A_207, %swap3A_208] {strides = array<i32>} : memref<40x128xf32, #tpu.memory_space<vmem>>, vector<1x16xf32>,
      %swap3A_210 = vector.shape_cast %swap3A_209 : vector<1x16xf32> to vector<16xf32>
      %swap3A_211 = vector.shape_cast %broadcast_in_dim3A_0 : vector<16xf32> to vector<1x16xf32>
      tpu.vector_store %arg6[%swap3A_207, %swap3A_208], %swap3A_211 {strides = array<i32>} : memref<40x128xf32, #tpu.memory_space<vmem>>, vector<1x16xf32>,
      %swap3A_212 = arith.index_cast %scan3A_151 : i32 to index
      %swap3A_213 = arith.constant 64 : index
      %swap3A_214 = tpu.vector_load %arg6[%swap3A_212, %swap3A_213] {strides = array<i32>} : memref<40x128xf32, #tpu.memory_space<vmem>>, vector<1x16xf32>,
      %swap3A_215 = vector.shape_cast %swap3A_214 : vector<1x16xf32> to vector<16xf32>
      %swap3A_216 = vector.shape_cast %broadcast_in_dim3A_0 : vector<16xf32> to vector<1x16xf32>
      tpu.vector_store %arg6[%swap3A_212, %swap3A_213], %swap3A_216 {strides = array<i32>} : memref<40x128xf32, #tpu.memory_space<vmem>>, vector<1x16xf32>,
      %swap3A_217 = arith.index_cast %scan3A_151 : i32 to index
      %swap3A_218 = arith.constant 80 : index
      %swap3A_219 = tpu.vector_load %arg6[%swap3A_217, %swap3A_218] {strides = array<i32>} : memref<40x128xf32, #tpu.memory_space<vmem>>, vector<1x16xf32>,
      %swap3A_220 = vector.shape_cast %swap3A_219 : vector<1x16xf32> to vector<16xf32>
      %swap3A_221 = vector.shape_cast %broadcast_in_dim3A_0 : vector<16xf32> to vector<1x16xf32>
      tpu.vector_store %arg6[%swap3A_217, %swap3A_218], %swap3A_221 {strides = array<i32>} : memref<40x128xf32, #tpu.memory_space<vmem>>, vector<1x16xf32>,
      %swap3A_222 = arith.index_cast %scan3A_151 : i32 to index
      %swap3A_223 = arith.constant 96 : index
      %swap3A_224 = tpu.vector_load %arg6[%swap3A_222, %swap3A_223] {strides = array<i32>} : memref<40x128xf32, #tpu.memory_space<vmem>>, vector<1x16xf32>,
      %swap3A_225 = vector.shape_cast %swap3A_224 : vector<1x16xf32> to vector<16xf32>
      %swap3A_226 = vector.shape_cast %broadcast_in_dim3A_0 : vector<16xf32> to vector<1x16xf32>
      tpu.vector_store %arg6[%swap3A_222, %swap3A_223], %swap3A_226 {strides = array<i32>} : memref<40x128xf32, #tpu.memory_space<vmem>>, vector<1x16xf32>,
      %swap3A_227 = arith.index_cast %scan3A_151 : i32 to index
      %swap3A_228 = arith.constant 112 : index
      %swap3A_229 = tpu.vector_load %arg6[%swap3A_227, %swap3A_228] {strides = array<i32>} : memref<40x128xf32, #tpu.memory_space<vmem>>, vector<1x16xf32>,
      %swap3A_230 = vector.shape_cast %swap3A_229 : vector<1x16xf32> to vector<16xf32>
      %swap3A_231 = vector.shape_cast %broadcast_in_dim3A_0 : vector<16xf32> to vector<1x16xf32>
      tpu.vector_store %arg6[%swap3A_227, %swap3A_228], %swap3A_231 {strides = array<i32>} : memref<40x128xf32, #tpu.memory_space<vmem>>, vector<1x16xf32>,
      %swap3A_232 = arith.index_cast %scan3A_151 : i32 to index
      %swap3A_233 = arith.constant 0 : index
      %swap3A_234 = tpu.vector_load %arg7[%swap3A_232, %swap3A_233] {strides = array<i32>} : memref<40x128xf32, #tpu.memory_space<vmem>>, vector<1x16xf32>,
      %swap3A_235 = vector.shape_cast %swap3A_234 : vector<1x16xf32> to vector<16xf32>
      %swap3A_236 = vector.shape_cast %broadcast_in_dim3A_0 : vector<16xf32> to vector<1x16xf32>
      tpu.vector_store %arg7[%swap3A_232, %swap3A_233], %swap3A_236 {strides = array<i32>} : memref<40x128xf32, #tpu.memory_space<vmem>>, vector<1x16xf32>,
      %swap3A_237 = arith.index_cast %scan3A_151 : i32 to index
      %swap3A_238 = arith.constant 16 : index
      %swap3A_239 = tpu.vector_load %arg7[%swap3A_237, %swap3A_238] {strides = array<i32>} : memref<40x128xf32, #tpu.memory_space<vmem>>, vector<1x16xf32>,
      %swap3A_240 = vector.shape_cast %swap3A_239 : vector<1x16xf32> to vector<16xf32>
      %swap3A_241 = vector.shape_cast %broadcast_in_dim3A_0 : vector<16xf32> to vector<1x16xf32>
      tpu.vector_store %arg7[%swap3A_237, %swap3A_238], %swap3A_241 {strides = array<i32>} : memref<40x128xf32, #tpu.memory_space<vmem>>, vector<1x16xf32>,
      %swap3A_242 = arith.index_cast %scan3A_151 : i32 to index
      %swap3A_243 = arith.constant 32 : index
      %swap3A_244 = tpu.vector_load %arg7[%swap3A_242, %swap3A_243] {strides = array<i32>} : memref<40x128xf32, #tpu.memory_space<vmem>>, vector<1x16xf32>,
      %swap3A_245 = vector.shape_cast %swap3A_244 : vector<1x16xf32> to vector<16xf32>
      %swap3A_246 = vector.shape_cast %broadcast_in_dim3A_0 : vector<16xf32> to vector<1x16xf32>
      tpu.vector_store %arg7[%swap3A_242, %swap3A_243], %swap3A_246 {strides = array<i32>} : memref<40x128xf32, #tpu.memory_space<vmem>>, vector<1x16xf32>,
      %swap3A_247 = arith.index_cast %scan3A_151 : i32 to index
      %swap3A_248 = arith.constant 48 : index
      %swap3A_249 = tpu.vector_load %arg7[%swap3A_247, %swap3A_248] {strides = array<i32>} : memref<40x128xf32, #tpu.memory_space<vmem>>, vector<1x16xf32>,
      %swap3A_250 = vector.shape_cast %swap3A_249 : vector<1x16xf32> to vector<16xf32>
      %swap3A_251 = vector.shape_cast %broadcast_in_dim3A_0 : vector<16xf32> to vector<1x16xf32>
      tpu.vector_store %arg7[%swap3A_247, %swap3A_248], %swap3A_251 {strides = array<i32>} : memref<40x128xf32, #tpu.memory_space<vmem>>, vector<1x16xf32>,
      %swap3A_252 = arith.index_cast %scan3A_151 : i32 to index
      %swap3A_253 = arith.constant 64 : index
      %swap3A_254 = tpu.vector_load %arg7[%swap3A_252, %swap3A_253] {strides = array<i32>} : memref<40x128xf32, #tpu.memory_space<vmem>>, vector<1x16xf32>,
      %swap3A_255 = vector.shape_cast %swap3A_254 : vector<1x16xf32> to vector<16xf32>
      %swap3A_256 = vector.shape_cast %broadcast_in_dim3A_0 : vector<16xf32> to vector<1x16xf32>
      tpu.vector_store %arg7[%swap3A_252, %swap3A_253], %swap3A_256 {strides = array<i32>} : memref<40x128xf32, #tpu.memory_space<vmem>>, vector<1x16xf32>,
      %swap3A_257 = arith.index_cast %scan3A_151 : i32 to index
      %swap3A_258 = arith.constant 80 : index
      %swap3A_259 = tpu.vector_load %arg7[%swap3A_257, %swap3A_258] {strides = array<i32>} : memref<40x128xf32, #tpu.memory_space<vmem>>, vector<1x16xf32>,
      %swap3A_260 = vector.shape_cast %swap3A_259 : vector<1x16xf32> to vector<16xf32>
      %swap3A_261 = vector.shape_cast %broadcast_in_dim3A_0 : vector<16xf32> to vector<1x16xf32>
      tpu.vector_store %arg7[%swap3A_257, %swap3A_258], %swap3A_261 {strides = array<i32>} : memref<40x128xf32, #tpu.memory_space<vmem>>, vector<1x16xf32>,
      %swap3A_262 = arith.index_cast %scan3A_151 : i32 to index
      %swap3A_263 = arith.constant 96 : index
      %swap3A_264 = tpu.vector_load %arg7[%swap3A_262, %swap3A_263] {strides = array<i32>} : memref<40x128xf32, #tpu.memory_space<vmem>>, vector<1x16xf32>,
      %swap3A_265 = vector.shape_cast %swap3A_264 : vector<1x16xf32> to vector<16xf32>
      %swap3A_266 = vector.shape_cast %broadcast_in_dim3A_0 : vector<16xf32> to vector<1x16xf32>
      tpu.vector_store %arg7[%swap3A_262, %swap3A_263], %swap3A_266 {strides = array<i32>} : memref<40x128xf32, #tpu.memory_space<vmem>>, vector<1x16xf32>,
      %swap3A_267 = arith.index_cast %scan3A_151 : i32 to index
      %swap3A_268 = arith.constant 112 : index
      %swap3A_269 = tpu.vector_load %arg7[%swap3A_267, %swap3A_268] {strides = array<i32>} : memref<40x128xf32, #tpu.memory_space<vmem>>, vector<1x16xf32>,
      %swap3A_270 = vector.shape_cast %swap3A_269 : vector<1x16xf32> to vector<16xf32>
      %swap3A_271 = vector.shape_cast %broadcast_in_dim3A_0 : vector<16xf32> to vector<1x16xf32>
      tpu.vector_store %arg7[%swap3A_267, %swap3A_268], %swap3A_271 {strides = array<i32>} : memref<40x128xf32, #tpu.memory_space<vmem>>, vector<1x16xf32>,
      %swap3A_272 = arith.index_cast %scan3A_151 : i32 to index
      %swap3A_273 = arith.constant 0 : index
      %swap3A_274 = tpu.vector_load %arg8[%swap3A_272, %swap3A_273] {strides = array<i32>} : memref<40x128xf32, #tpu.memory_space<vmem>>, vector<1x16xf32>,
      %swap3A_275 = vector.shape_cast %swap3A_274 : vector<1x16xf32> to vector<16xf32>
      %swap3A_276 = vector.shape_cast %broadcast_in_dim3A_0 : vector<16xf32> to vector<1x16xf32>
      tpu.vector_store %arg8[%swap3A_272, %swap3A_273], %swap3A_276 {strides = array<i32>} : memref<40x128xf32, #tpu.memory_space<vmem>>, vector<1x16xf32>,
      %swap3A_277 = arith.index_cast %scan3A_151 : i32 to index
      %swap3A_278 = arith.constant 16 : index
      %swap3A_279 = tpu.vector_load %arg8[%swap3A_277, %swap3A_278] {strides = array<i32>} : memref<40x128xf32, #tpu.memory_space<vmem>>, vector<1x16xf32>,
      %swap3A_280 = vector.shape_cast %swap3A_279 : vector<1x16xf32> to vector<16xf32>
      %swap3A_281 = vector.shape_cast %broadcast_in_dim3A_0 : vector<16xf32> to vector<1x16xf32>
      tpu.vector_store %arg8[%swap3A_277, %swap3A_278], %swap3A_281 {strides = array<i32>} : memref<40x128xf32, #tpu.memory_space<vmem>>, vector<1x16xf32>,
      %swap3A_282 = arith.index_cast %scan3A_151 : i32 to index
      %swap3A_283 = arith.constant 32 : index
      %swap3A_284 = tpu.vector_load %arg8[%swap3A_282, %swap3A_283] {strides = array<i32>} : memref<40x128xf32, #tpu.memory_space<vmem>>, vector<1x16xf32>,
      %swap3A_285 = vector.shape_cast %swap3A_284 : vector<1x16xf32> to vector<16xf32>
      %swap3A_286 = vector.shape_cast %broadcast_in_dim3A_0 : vector<16xf32> to vector<1x16xf32>
      tpu.vector_store %arg8[%swap3A_282, %swap3A_283], %swap3A_286 {strides = array<i32>} : memref<40x128xf32, #tpu.memory_space<vmem>>, vector<1x16xf32>,
      %swap3A_287 = arith.index_cast %scan3A_151 : i32 to index
      %swap3A_288 = arith.constant 48 : index
      %swap3A_289 = tpu.vector_load %arg8[%swap3A_287, %swap3A_288] {strides = array<i32>} : memref<40x128xf32, #tpu.memory_space<vmem>>, vector<1x16xf32>,
      %swap3A_290 = vector.shape_cast %swap3A_289 : vector<1x16xf32> to vector<16xf32>
      %swap3A_291 = vector.shape_cast %broadcast_in_dim3A_0 : vector<16xf32> to vector<1x16xf32>
      tpu.vector_store %arg8[%swap3A_287, %swap3A_288], %swap3A_291 {strides = array<i32>} : memref<40x128xf32, #tpu.memory_space<vmem>>, vector<1x16xf32>,
      %swap3A_292 = arith.index_cast %scan3A_151 : i32 to index
      %swap3A_293 = arith.constant 64 : index
      %swap3A_294 = tpu.vector_load %arg8[%swap3A_292, %swap3A_293] {strides = array<i32>} : memref<40x128xf32, #tpu.memory_space<vmem>>, vector<1x16xf32>,
      %swap3A_295 = vector.shape_cast %swap3A_294 : vector<1x16xf32> to vector<16xf32>
      %swap3A_296 = vector.shape_cast %broadcast_in_dim3A_0 : vector<16xf32> to vector<1x16xf32>
      tpu.vector_store %arg8[%swap3A_292, %swap3A_293], %swap3A_296 {strides = array<i32>} : memref<40x128xf32, #tpu.memory_space<vmem>>, vector<1x16xf32>,
      %swap3A_297 = arith.index_cast %scan3A_151 : i32 to index
      %swap3A_298 = arith.constant 80 : index
      %swap3A_299 = tpu.vector_load %arg8[%swap3A_297, %swap3A_298] {strides = array<i32>} : memref<40x128xf32, #tpu.memory_space<vmem>>, vector<1x16xf32>,
      %swap3A_300 = vector.shape_cast %swap3A_299 : vector<1x16xf32> to vector<16xf32>
      %swap3A_301 = vector.shape_cast %broadcast_in_dim3A_0 : vector<16xf32> to vector<1x16xf32>
      tpu.vector_store %arg8[%swap3A_297, %swap3A_298], %swap3A_301 {strides = array<i32>} : memref<40x128xf32, #tpu.memory_space<vmem>>, vector<1x16xf32>,
      %swap3A_302 = arith.index_cast %scan3A_151 : i32 to index
      %swap3A_303 = arith.constant 96 : index
      %swap3A_304 = tpu.vector_load %arg8[%swap3A_302, %swap3A_303] {strides = array<i32>} : memref<40x128xf32, #tpu.memory_space<vmem>>, vector<1x16xf32>,
      %swap3A_305 = vector.shape_cast %swap3A_304 : vector<1x16xf32> to vector<16xf32>
      %swap3A_306 = vector.shape_cast %broadcast_in_dim3A_0 : vector<16xf32> to vector<1x16xf32>
      tpu.vector_store %arg8[%swap3A_302, %swap3A_303], %swap3A_306 {strides = array<i32>} : memref<40x128xf32, #tpu.memory_space<vmem>>, vector<1x16xf32>,
      %swap3A_307 = arith.index_cast %scan3A_151 : i32 to index
      %swap3A_308 = arith.constant 112 : index
      %swap3A_309 = tpu.vector_load %arg8[%swap3A_307, %swap3A_308] {strides = array<i32>} : memref<40x128xf32, #tpu.memory_space<vmem>>, vector<1x16xf32>,
      %swap3A_310 = vector.shape_cast %swap3A_309 : vector<1x16xf32> to vector<16xf32>
      %swap3A_311 = vector.shape_cast %broadcast_in_dim3A_0 : vector<16xf32> to vector<1x16xf32>
      tpu.vector_store %arg8[%swap3A_307, %swap3A_308], %swap3A_311 {strides = array<i32>} : memref<40x128xf32, #tpu.memory_space<vmem>>, vector<1x16xf32>,
      %swap3A_312 = arith.index_cast %scan3A_151 : i32 to index
      %swap3A_313 = arith.constant 0 : index
      %swap3A_314 = tpu.vector_load %arg9[%swap3A_312, %swap3A_313] {strides = array<i32>} : memref<40x128xf32, #tpu.memory_space<vmem>>, vector<1x16xf32>,
      %swap3A_315 = vector.shape_cast %swap3A_314 : vector<1x16xf32> to vector<16xf32>
      %swap3A_316 = vector.shape_cast %broadcast_in_dim3A_0 : vector<16xf32> to vector<1x16xf32>
      tpu.vector_store %arg9[%swap3A_312, %swap3A_313], %swap3A_316 {strides = array<i32>} : memref<40x128xf32, #tpu.memory_space<vmem>>, vector<1x16xf32>,
      %swap3A_317 = arith.index_cast %scan3A_151 : i32 to index
      %swap3A_318 = arith.constant 16 : index
      %swap3A_319 = tpu.vector_load %arg9[%swap3A_317, %swap3A_318] {strides = array<i32>} : memref<40x128xf32, #tpu.memory_space<vmem>>, vector<1x16xf32>,
      %swap3A_320 = vector.shape_cast %swap3A_319 : vector<1x16xf32> to vector<16xf32>
      %swap3A_321 = vector.shape_cast %broadcast_in_dim3A_0 : vector<16xf32> to vector<1x16xf32>
      tpu.vector_store %arg9[%swap3A_317, %swap3A_318], %swap3A_321 {strides = array<i32>} : memref<40x128xf32, #tpu.memory_space<vmem>>, vector<1x16xf32>,
      %swap3A_322 = arith.index_cast %scan3A_151 : i32 to index
      %swap3A_323 = arith.constant 32 : index
      %swap3A_324 = tpu.vector_load %arg9[%swap3A_322, %swap3A_323] {strides = array<i32>} : memref<40x128xf32, #tpu.memory_space<vmem>>, vector<1x16xf32>,
      %swap3A_325 = vector.shape_cast %swap3A_324 : vector<1x16xf32> to vector<16xf32>
      %swap3A_326 = vector.shape_cast %broadcast_in_dim3A_0 : vector<16xf32> to vector<1x16xf32>
      tpu.vector_store %arg9[%swap3A_322, %swap3A_323], %swap3A_326 {strides = array<i32>} : memref<40x128xf32, #tpu.memory_space<vmem>>, vector<1x16xf32>,
      %swap3A_327 = arith.index_cast %scan3A_151 : i32 to index
      %swap3A_328 = arith.constant 48 : index
      %swap3A_329 = tpu.vector_load %arg9[%swap3A_327, %swap3A_328] {strides = array<i32>} : memref<40x128xf32, #tpu.memory_space<vmem>>, vector<1x16xf32>,
      %swap3A_330 = vector.shape_cast %swap3A_329 : vector<1x16xf32> to vector<16xf32>
      %swap3A_331 = vector.shape_cast %broadcast_in_dim3A_0 : vector<16xf32> to vector<1x16xf32>
      tpu.vector_store %arg9[%swap3A_327, %swap3A_328], %swap3A_331 {strides = array<i32>} : memref<40x128xf32, #tpu.memory_space<vmem>>, vector<1x16xf32>,
      %swap3A_332 = arith.index_cast %scan3A_151 : i32 to index
      %swap3A_333 = arith.constant 64 : index
      %swap3A_334 = tpu.vector_load %arg9[%swap3A_332, %swap3A_333] {strides = array<i32>} : memref<40x128xf32, #tpu.memory_space<vmem>>, vector<1x16xf32>,
      %swap3A_335 = vector.shape_cast %swap3A_334 : vector<1x16xf32> to vector<16xf32>
      %swap3A_336 = vector.shape_cast %broadcast_in_dim3A_0 : vector<16xf32> to vector<1x16xf32>
      tpu.vector_store %arg9[%swap3A_332, %swap3A_333], %swap3A_336 {strides = array<i32>} : memref<40x128xf32, #tpu.memory_space<vmem>>, vector<1x16xf32>,
      %swap3A_337 = arith.index_cast %scan3A_151 : i32 to index
      %swap3A_338 = arith.constant 80 : index
      %swap3A_339 = tpu.vector_load %arg9[%swap3A_337, %swap3A_338] {strides = array<i32>} : memref<40x128xf32, #tpu.memory_space<vmem>>, vector<1x16xf32>,
      %swap3A_340 = vector.shape_cast %swap3A_339 : vector<1x16xf32> to vector<16xf32>
      %swap3A_341 = vector.shape_cast %broadcast_in_dim3A_0 : vector<16xf32> to vector<1x16xf32>
      tpu.vector_store %arg9[%swap3A_337, %swap3A_338], %swap3A_341 {strides = array<i32>} : memref<40x128xf32, #tpu.memory_space<vmem>>, vector<1x16xf32>,
      %swap3A_342 = arith.index_cast %scan3A_151 : i32 to index
      %swap3A_343 = arith.constant 96 : index
      %swap3A_344 = tpu.vector_load %arg9[%swap3A_342, %swap3A_343] {strides = array<i32>} : memref<40x128xf32, #tpu.memory_space<vmem>>, vector<1x16xf32>,
      %swap3A_345 = vector.shape_cast %swap3A_344 : vector<1x16xf32> to vector<16xf32>
      %swap3A_346 = vector.shape_cast %broadcast_in_dim3A_0 : vector<16xf32> to vector<1x16xf32>
      tpu.vector_store %arg9[%swap3A_342, %swap3A_343], %swap3A_346 {strides = array<i32>} : memref<40x128xf32, #tpu.memory_space<vmem>>, vector<1x16xf32>,
      %swap3A_347 = arith.index_cast %scan3A_151 : i32 to index
      %swap3A_348 = arith.constant 112 : index
      %swap3A_349 = tpu.vector_load %arg9[%swap3A_347, %swap3A_348] {strides = array<i32>} : memref<40x128xf32, #tpu.memory_space<vmem>>, vector<1x16xf32>,
      %swap3A_350 = vector.shape_cast %swap3A_349 : vector<1x16xf32> to vector<16xf32>
      %swap3A_351 = vector.shape_cast %broadcast_in_dim3A_0 : vector<16xf32> to vector<1x16xf32>
      tpu.vector_store %arg9[%swap3A_347, %swap3A_348], %swap3A_351 {strides = array<i32>} : memref<40x128xf32, #tpu.memory_space<vmem>>, vector<1x16xf32>,
      %scan3A_352 = arith.constant 0 : i32
      scf.yield %scan3A_352 : i32
    }
    %scan3A_14 = arith.constant 40 : i32
    %mul3A_15 = arith.constant 640 : i32
    %mul3A_16 = arith.muli %arg1, %mul3A_15 : i32
    %add3A_17 = arith.constant 0 : i32
    %add3A_18 = arith.addi %mul3A_16, %add3A_17 : i32
    "tpu.region"() ({
      %run_scoped3A = tpu.sem_alloc : memref<!tpu.dma_semaphore, #tpu.memory_space<semaphore_mem>>
      %dma_start3A = arith.constant 0 : i32
      %dma_start3A_151 = tpu.memref_slice %arg20[%add3A_18, %dma_start3A] : memref<10240x128xf32, #tpu.memory_space<vmem_shared>> -> memref<40x128xf32, #tpu.memory_space<vmem_shared>>
      %dma_start3A_152 = arith.constant 0 : i32
      %dma_start3A_153 = tpu.memref_slice %arg20[%add3A_18, %dma_start3A_152] : memref<10240x128xf32, #tpu.memory_space<vmem_shared>> -> memref<40x128xf32, #tpu.memory_space<vmem_shared>>
      tpu.enqueue_dma source(%arg5 : memref<40x128xf32, #tpu.memory_space<vmem>>) target(%dma_start3A_153 : memref<40x128xf32, #tpu.memory_space<vmem_shared>>) target_semaphore(%run_scoped3A : memref<!tpu.dma_semaphore, #tpu.memory_space<semaphore_mem>>)
      %dma_wait3A = arith.constant 0 : i32
      %dma_wait3A_154 = tpu.memref_slice %arg20[%add3A_18, %dma_wait3A] : memref<10240x128xf32, #tpu.memory_space<vmem_shared>> -> memref<40x128xf32, #tpu.memory_space<vmem_shared>>
      %dma_wait3A_155 = arith.constant 0 : i32
      %dma_wait3A_156 = tpu.memref_slice %arg20[%add3A_18, %dma_wait3A_155] : memref<10240x128xf32, #tpu.memory_space<vmem_shared>> -> memref<40x128xf32, #tpu.memory_space<vmem_shared>>
      tpu.wait_dma2 semaphore(%run_scoped3A : memref<!tpu.dma_semaphore, #tpu.memory_space<semaphore_mem>>) src(%arg5 : memref<40x128xf32, #tpu.memory_space<vmem>>) dst(%dma_wait3A_156 : memref<40x128xf32, #tpu.memory_space<vmem_shared>>)
      tpu.yield
    }) : () -> ()
    %mul3A_19 = arith.constant 640 : i32
    %mul3A_20 = arith.muli %arg1, %mul3A_19 : i32
    %add3A_21 = arith.constant 40 : i32
    %add3A_22 = arith.addi %mul3A_20, %add3A_21 : i32
    "tpu.region"() ({
      %run_scoped3A = tpu.sem_alloc : memref<!tpu.dma_semaphore, #tpu.memory_space<semaphore_mem>>
      %dma_start3A = arith.constant 0 : i32
      %dma_start3A_151 = tpu.memref_slice %arg20[%add3A_22, %dma_start3A] : memref<10240x128xf32, #tpu.memory_space<vmem_shared>> -> memref<40x128xf32, #tpu.memory_space<vmem_shared>>
      %dma_start3A_152 = arith.constant 0 : i32
      %dma_start3A_153 = tpu.memref_slice %arg20[%add3A_22, %dma_start3A_152] : memref<10240x128xf32, #tpu.memory_space<vmem_shared>> -> memref<40x128xf32, #tpu.memory_space<vmem_shared>>
      tpu.enqueue_dma source(%arg6 : memref<40x128xf32, #tpu.memory_space<vmem>>) target(%dma_start3A_153 : memref<40x128xf32, #tpu.memory_space<vmem_shared>>) target_semaphore(%run_scoped3A : memref<!tpu.dma_semaphore, #tpu.memory_space<semaphore_mem>>)
      %dma_wait3A = arith.constant 0 : i32
      %dma_wait3A_154 = tpu.memref_slice %arg20[%add3A_22, %dma_wait3A] : memref<10240x128xf32, #tpu.memory_space<vmem_shared>> -> memref<40x128xf32, #tpu.memory_space<vmem_shared>>
      %dma_wait3A_155 = arith.constant 0 : i32
      %dma_wait3A_156 = tpu.memref_slice %arg20[%add3A_22, %dma_wait3A_155] : memref<10240x128xf32, #tpu.memory_space<vmem_shared>> -> memref<40x128xf32, #tpu.memory_space<vmem_shared>>
      tpu.wait_dma2 semaphore(%run_scoped3A : memref<!tpu.dma_semaphore, #tpu.memory_space<semaphore_mem>>) src(%arg6 : memref<40x128xf32, #tpu.memory_space<vmem>>) dst(%dma_wait3A_156 : memref<40x128xf32, #tpu.memory_space<vmem_shared>>)
      tpu.yield
    }) : () -> ()
    %mul3A_23 = arith.constant 640 : i32
    %mul3A_24 = arith.muli %arg1, %mul3A_23 : i32
    %add3A_25 = arith.constant 80 : i32
    %add3A_26 = arith.addi %mul3A_24, %add3A_25 : i32
    "tpu.region"() ({
      %run_scoped3A = tpu.sem_alloc : memref<!tpu.dma_semaphore, #tpu.memory_space<semaphore_mem>>
      %dma_start3A = arith.constant 0 : i32
      %dma_start3A_151 = tpu.memref_slice %arg20[%add3A_26, %dma_start3A] : memref<10240x128xf32, #tpu.memory_space<vmem_shared>> -> memref<40x128xf32, #tpu.memory_space<vmem_shared>>
      %dma_start3A_152 = arith.constant 0 : i32
      %dma_start3A_153 = tpu.memref_slice %arg20[%add3A_26, %dma_start3A_152] : memref<10240x128xf32, #tpu.memory_space<vmem_shared>> -> memref<40x128xf32, #tpu.memory_space<vmem_shared>>
      tpu.enqueue_dma source(%arg7 : memref<40x128xf32, #tpu.memory_space<vmem>>) target(%dma_start3A_153 : memref<40x128xf32, #tpu.memory_space<vmem_shared>>) target_semaphore(%run_scoped3A : memref<!tpu.dma_semaphore, #tpu.memory_space<semaphore_mem>>)
      %dma_wait3A = arith.constant 0 : i32
      %dma_wait3A_154 = tpu.memref_slice %arg20[%add3A_26, %dma_wait3A] : memref<10240x128xf32, #tpu.memory_space<vmem_shared>> -> memref<40x128xf32, #tpu.memory_space<vmem_shared>>
      %dma_wait3A_155 = arith.constant 0 : i32
      %dma_wait3A_156 = tpu.memref_slice %arg20[%add3A_26, %dma_wait3A_155] : memref<10240x128xf32, #tpu.memory_space<vmem_shared>> -> memref<40x128xf32, #tpu.memory_space<vmem_shared>>
      tpu.wait_dma2 semaphore(%run_scoped3A : memref<!tpu.dma_semaphore, #tpu.memory_space<semaphore_mem>>) src(%arg7 : memref<40x128xf32, #tpu.memory_space<vmem>>) dst(%dma_wait3A_156 : memref<40x128xf32, #tpu.memory_space<vmem_shared>>)
      tpu.yield
    }) : () -> ()
    %mul3A_27 = arith.constant 640 : i32
    %mul3A_28 = arith.muli %arg1, %mul3A_27 : i32
    %add3A_29 = arith.constant 120 : i32
    %add3A_30 = arith.addi %mul3A_28, %add3A_29 : i32
    "tpu.region"() ({
      %run_scoped3A = tpu.sem_alloc : memref<!tpu.dma_semaphore, #tpu.memory_space<semaphore_mem>>
      %dma_start3A = arith.constant 0 : i32
      %dma_start3A_151 = tpu.memref_slice %arg20[%add3A_30, %dma_start3A] : memref<10240x128xf32, #tpu.memory_space<vmem_shared>> -> memref<40x128xf32, #tpu.memory_space<vmem_shared>>
      %dma_start3A_152 = arith.constant 0 : i32
      %dma_start3A_153 = tpu.memref_slice %arg20[%add3A_30, %dma_start3A_152] : memref<10240x128xf32, #tpu.memory_space<vmem_shared>> -> memref<40x128xf32, #tpu.memory_space<vmem_shared>>
      tpu.enqueue_dma source(%arg8 : memref<40x128xf32, #tpu.memory_space<vmem>>) target(%dma_start3A_153 : memref<40x128xf32, #tpu.memory_space<vmem_shared>>) target_semaphore(%run_scoped3A : memref<!tpu.dma_semaphore, #tpu.memory_space<semaphore_mem>>)
      %dma_wait3A = arith.constant 0 : i32
      %dma_wait3A_154 = tpu.memref_slice %arg20[%add3A_30, %dma_wait3A] : memref<10240x128xf32, #tpu.memory_space<vmem_shared>> -> memref<40x128xf32, #tpu.memory_space<vmem_shared>>
      %dma_wait3A_155 = arith.constant 0 : i32
      %dma_wait3A_156 = tpu.memref_slice %arg20[%add3A_30, %dma_wait3A_155] : memref<10240x128xf32, #tpu.memory_space<vmem_shared>> -> memref<40x128xf32, #tpu.memory_space<vmem_shared>>
      tpu.wait_dma2 semaphore(%run_scoped3A : memref<!tpu.dma_semaphore, #tpu.memory_space<semaphore_mem>>) src(%arg8 : memref<40x128xf32, #tpu.memory_space<vmem>>) dst(%dma_wait3A_156 : memref<40x128xf32, #tpu.memory_space<vmem_shared>>)
      tpu.yield
    }) : () -> ()
    %mul3A_31 = arith.constant 640 : i32
    %mul3A_32 = arith.muli %arg1, %mul3A_31 : i32
    %add3A_33 = arith.constant 160 : i32
    %add3A_34 = arith.addi %mul3A_32, %add3A_33 : i32
    "tpu.region"() ({
      %run_scoped3A = tpu.sem_alloc : memref<!tpu.dma_semaphore, #tpu.memory_space<semaphore_mem>>
      %dma_start3A = arith.constant 0 : i32
      %dma_start3A_151 = tpu.memref_slice %arg20[%add3A_34, %dma_start3A] : memref<10240x128xf32, #tpu.memory_space<vmem_shared>> -> memref<40x128xf32, #tpu.memory_space<vmem_shared>>
      %dma_start3A_152 = arith.constant 0 : i32
      %dma_start3A_153 = tpu.memref_slice %arg20[%add3A_34, %dma_start3A_152] : memref<10240x128xf32, #tpu.memory_space<vmem_shared>> -> memref<40x128xf32, #tpu.memory_space<vmem_shared>>
      tpu.enqueue_dma source(%arg9 : memref<40x128xf32, #tpu.memory_space<vmem>>) target(%dma_start3A_153 : memref<40x128xf32, #tpu.memory_space<vmem_shared>>) target_semaphore(%run_scoped3A : memref<!tpu.dma_semaphore, #tpu.memory_space<semaphore_mem>>)
      %dma_wait3A = arith.constant 0 : i32
      %dma_wait3A_154 = tpu.memref_slice %arg20[%add3A_34, %dma_wait3A] : memref<10240x128xf32, #tpu.memory_space<vmem_shared>> -> memref<40x128xf32, #tpu.memory_space<vmem_shared>>
      %dma_wait3A_155 = arith.constant 0 : i32
      %dma_wait3A_156 = tpu.memref_slice %arg20[%add3A_34, %dma_wait3A_155] : memref<10240x128xf32, #tpu.memory_space<vmem_shared>> -> memref<40x128xf32, #tpu.memory_space<vmem_shared>>
      tpu.wait_dma2 semaphore(%run_scoped3A : memref<!tpu.dma_semaphore, #tpu.memory_space<semaphore_mem>>) src(%arg9 : memref<40x128xf32, #tpu.memory_space<vmem>>) dst(%dma_wait3A_156 : memref<40x128xf32, #tpu.memory_space<vmem_shared>>)
      tpu.yield
    }) : () -> ()
    %mul3A_35 = arith.constant 640 : i32
    %mul3A_36 = arith.muli %arg1, %mul3A_35 : i32
    %add3A_37 = arith.constant 200 : i32
    %add3A_38 = arith.addi %mul3A_36, %add3A_37 : i32
    "tpu.region"() ({
      %run_scoped3A = tpu.sem_alloc : memref<!tpu.dma_semaphore, #tpu.memory_space<semaphore_mem>>
      %dma_start3A = arith.constant 0 : i32
      %dma_start3A_151 = tpu.memref_slice %arg20[%add3A_38, %dma_start3A] : memref<10240x128xf32, #tpu.memory_space<vmem_shared>> -> memref<40x128xf32, #tpu.memory_space<vmem_shared>>
      %dma_start3A_152 = arith.constant 0 : i32
      %dma_start3A_153 = tpu.memref_slice %arg20[%add3A_38, %dma_start3A_152] : memref<10240x128xf32, #tpu.memory_space<vmem_shared>> -> memref<40x128xf32, #tpu.memory_space<vmem_shared>>
      tpu.enqueue_dma source(%arg5 : memref<40x128xf32, #tpu.memory_space<vmem>>) target(%dma_start3A_153 : memref<40x128xf32, #tpu.memory_space<vmem_shared>>) target_semaphore(%run_scoped3A : memref<!tpu.dma_semaphore, #tpu.memory_space<semaphore_mem>>)
      %dma_wait3A = arith.constant 0 : i32
      %dma_wait3A_154 = tpu.memref_slice %arg20[%add3A_38, %dma_wait3A] : memref<10240x128xf32, #tpu.memory_space<vmem_shared>> -> memref<40x128xf32, #tpu.memory_space<vmem_shared>>
      %dma_wait3A_155 = arith.constant 0 : i32
      %dma_wait3A_156 = tpu.memref_slice %arg20[%add3A_38, %dma_wait3A_155] : memref<10240x128xf32, #tpu.memory_space<vmem_shared>> -> memref<40x128xf32, #tpu.memory_space<vmem_shared>>
      tpu.wait_dma2 semaphore(%run_scoped3A : memref<!tpu.dma_semaphore, #tpu.memory_space<semaphore_mem>>) src(%arg5 : memref<40x128xf32, #tpu.memory_space<vmem>>) dst(%dma_wait3A_156 : memref<40x128xf32, #tpu.memory_space<vmem_shared>>)
      tpu.yield
    }) : () -> ()
    %mul3A_39 = arith.constant 640 : i32
    %mul3A_40 = arith.muli %arg1, %mul3A_39 : i32
    %add3A_41 = arith.constant 240 : i32
    %add3A_42 = arith.addi %mul3A_40, %add3A_41 : i32
    "tpu.region"() ({
      %run_scoped3A = tpu.sem_alloc : memref<!tpu.dma_semaphore, #tpu.memory_space<semaphore_mem>>
      %dma_start3A = arith.constant 0 : i32
      %dma_start3A_151 = tpu.memref_slice %arg20[%add3A_42, %dma_start3A] : memref<10240x128xf32, #tpu.memory_space<vmem_shared>> -> memref<40x128xf32, #tpu.memory_space<vmem_shared>>
      %dma_start3A_152 = arith.constant 0 : i32
      %dma_start3A_153 = tpu.memref_slice %arg20[%add3A_42, %dma_start3A_152] : memref<10240x128xf32, #tpu.memory_space<vmem_shared>> -> memref<40x128xf32, #tpu.memory_space<vmem_shared>>
      tpu.enqueue_dma source(%arg6 : memref<40x128xf32, #tpu.memory_space<vmem>>) target(%dma_start3A_153 : memref<40x128xf32, #tpu.memory_space<vmem_shared>>) target_semaphore(%run_scoped3A : memref<!tpu.dma_semaphore, #tpu.memory_space<semaphore_mem>>)
      %dma_wait3A = arith.constant 0 : i32
      %dma_wait3A_154 = tpu.memref_slice %arg20[%add3A_42, %dma_wait3A] : memref<10240x128xf32, #tpu.memory_space<vmem_shared>> -> memref<40x128xf32, #tpu.memory_space<vmem_shared>>
      %dma_wait3A_155 = arith.constant 0 : i32
      %dma_wait3A_156 = tpu.memref_slice %arg20[%add3A_42, %dma_wait3A_155] : memref<10240x128xf32, #tpu.memory_space<vmem_shared>> -> memref<40x128xf32, #tpu.memory_space<vmem_shared>>
      tpu.wait_dma2 semaphore(%run_scoped3A : memref<!tpu.dma_semaphore, #tpu.memory_space<semaphore_mem>>) src(%arg6 : memref<40x128xf32, #tpu.memory_space<vmem>>) dst(%dma_wait3A_156 : memref<40x128xf32, #tpu.memory_space<vmem_shared>>)
      tpu.yield
    }) : () -> ()
    %mul3A_43 = arith.constant 640 : i32
    %mul3A_44 = arith.muli %arg1, %mul3A_43 : i32
    %add3A_45 = arith.constant 280 : i32
    %add3A_46 = arith.addi %mul3A_44, %add3A_45 : i32
    "tpu.region"() ({
      %run_scoped3A = tpu.sem_alloc : memref<!tpu.dma_semaphore, #tpu.memory_space<semaphore_mem>>
      %dma_start3A = arith.constant 0 : i32
      %dma_start3A_151 = tpu.memref_slice %arg20[%add3A_46, %dma_start3A] : memref<10240x128xf32, #tpu.memory_space<vmem_shared>> -> memref<40x128xf32, #tpu.memory_space<vmem_shared>>
      %dma_start3A_152 = arith.constant 0 : i32
      %dma_start3A_153 = tpu.memref_slice %arg20[%add3A_46, %dma_start3A_152] : memref<10240x128xf32, #tpu.memory_space<vmem_shared>> -> memref<40x128xf32, #tpu.memory_space<vmem_shared>>
      tpu.enqueue_dma source(%arg7 : memref<40x128xf32, #tpu.memory_space<vmem>>) target(%dma_start3A_153 : memref<40x128xf32, #tpu.memory_space<vmem_shared>>) target_semaphore(%run_scoped3A : memref<!tpu.dma_semaphore, #tpu.memory_space<semaphore_mem>>)
      %dma_wait3A = arith.constant 0 : i32
      %dma_wait3A_154 = tpu.memref_slice %arg20[%add3A_46, %dma_wait3A] : memref<10240x128xf32, #tpu.memory_space<vmem_shared>> -> memref<40x128xf32, #tpu.memory_space<vmem_shared>>
      %dma_wait3A_155 = arith.constant 0 : i32
      %dma_wait3A_156 = tpu.memref_slice %arg20[%add3A_46, %dma_wait3A_155] : memref<10240x128xf32, #tpu.memory_space<vmem_shared>> -> memref<40x128xf32, #tpu.memory_space<vmem_shared>>
      tpu.wait_dma2 semaphore(%run_scoped3A : memref<!tpu.dma_semaphore, #tpu.memory_space<semaphore_mem>>) src(%arg7 : memref<40x128xf32, #tpu.memory_space<vmem>>) dst(%dma_wait3A_156 : memref<40x128xf32, #tpu.memory_space<vmem_shared>>)
      tpu.yield
    }) : () -> ()
    %mul3A_47 = arith.constant 640 : i32
    %mul3A_48 = arith.muli %arg1, %mul3A_47 : i32
    %add3A_49 = arith.constant 320 : i32
    %add3A_50 = arith.addi %mul3A_48, %add3A_49 : i32
    "tpu.region"() ({
      %run_scoped3A = tpu.sem_alloc : memref<!tpu.dma_semaphore, #tpu.memory_space<semaphore_mem>>
      %dma_start3A = arith.constant 0 : i32
      %dma_start3A_151 = tpu.memref_slice %arg20[%add3A_50, %dma_start3A] : memref<10240x128xf32, #tpu.memory_space<vmem_shared>> -> memref<40x128xf32, #tpu.memory_space<vmem_shared>>
      %dma_start3A_152 = arith.constant 0 : i32
      %dma_start3A_153 = tpu.memref_slice %arg20[%add3A_50, %dma_start3A_152] : memref<10240x128xf32, #tpu.memory_space<vmem_shared>> -> memref<40x128xf32, #tpu.memory_space<vmem_shared>>
      tpu.enqueue_dma source(%arg8 : memref<40x128xf32, #tpu.memory_space<vmem>>) target(%dma_start3A_153 : memref<40x128xf32, #tpu.memory_space<vmem_shared>>) target_semaphore(%run_scoped3A : memref<!tpu.dma_semaphore, #tpu.memory_space<semaphore_mem>>)
      %dma_wait3A = arith.constant 0 : i32
      %dma_wait3A_154 = tpu.memref_slice %arg20[%add3A_50, %dma_wait3A] : memref<10240x128xf32, #tpu.memory_space<vmem_shared>> -> memref<40x128xf32, #tpu.memory_space<vmem_shared>>
      %dma_wait3A_155 = arith.constant 0 : i32
      %dma_wait3A_156 = tpu.memref_slice %arg20[%add3A_50, %dma_wait3A_155] : memref<10240x128xf32, #tpu.memory_space<vmem_shared>> -> memref<40x128xf32, #tpu.memory_space<vmem_shared>>
      tpu.wait_dma2 semaphore(%run_scoped3A : memref<!tpu.dma_semaphore, #tpu.memory_space<semaphore_mem>>) src(%arg8 : memref<40x128xf32, #tpu.memory_space<vmem>>) dst(%dma_wait3A_156 : memref<40x128xf32, #tpu.memory_space<vmem_shared>>)
      tpu.yield
    }) : () -> ()
    %mul3A_51 = arith.constant 640 : i32
    %mul3A_52 = arith.muli %arg1, %mul3A_51 : i32
    %add3A_53 = arith.constant 360 : i32
    %add3A_54 = arith.addi %mul3A_52, %add3A_53 : i32
    "tpu.region"() ({
      %run_scoped3A = tpu.sem_alloc : memref<!tpu.dma_semaphore, #tpu.memory_space<semaphore_mem>>
      %dma_start3A = arith.constant 0 : i32
      %dma_start3A_151 = tpu.memref_slice %arg20[%add3A_54, %dma_start3A] : memref<10240x128xf32, #tpu.memory_space<vmem_shared>> -> memref<40x128xf32, #tpu.memory_space<vmem_shared>>
      %dma_start3A_152 = arith.constant 0 : i32
      %dma_start3A_153 = tpu.memref_slice %arg20[%add3A_54, %dma_start3A_152] : memref<10240x128xf32, #tpu.memory_space<vmem_shared>> -> memref<40x128xf32, #tpu.memory_space<vmem_shared>>
      tpu.enqueue_dma source(%arg9 : memref<40x128xf32, #tpu.memory_space<vmem>>) target(%dma_start3A_153 : memref<40x128xf32, #tpu.memory_space<vmem_shared>>) target_semaphore(%run_scoped3A : memref<!tpu.dma_semaphore, #tpu.memory_space<semaphore_mem>>)
      %dma_wait3A = arith.constant 0 : i32
      %dma_wait3A_154 = tpu.memref_slice %arg20[%add3A_54, %dma_wait3A] : memref<10240x128xf32, #tpu.memory_space<vmem_shared>> -> memref<40x128xf32, #tpu.memory_space<vmem_shared>>
      %dma_wait3A_155 = arith.constant 0 : i32
      %dma_wait3A_156 = tpu.memref_slice %arg20[%add3A_54, %dma_wait3A_155] : memref<10240x128xf32, #tpu.memory_space<vmem_shared>> -> memref<40x128xf32, #tpu.memory_space<vmem_shared>>
      tpu.wait_dma2 semaphore(%run_scoped3A : memref<!tpu.dma_semaphore, #tpu.memory_space<semaphore_mem>>) src(%arg9 : memref<40x128xf32, #tpu.memory_space<vmem>>) dst(%dma_wait3A_156 : memref<40x128xf32, #tpu.memory_space<vmem_shared>>)
      tpu.yield
    }) : () -> ()
    %mul3A_55 = arith.constant 640 : i32
    %mul3A_56 = arith.muli %arg1, %mul3A_55 : i32
    %add3A_57 = arith.constant 400 : i32
    %add3A_58 = arith.addi %mul3A_56, %add3A_57 : i32
    "tpu.region"() ({
      %run_scoped3A = tpu.sem_alloc : memref<!tpu.dma_semaphore, #tpu.memory_space<semaphore_mem>>
      %dma_start3A = arith.constant 0 : i32
      %dma_start3A_151 = tpu.memref_slice %arg20[%add3A_58, %dma_start3A] : memref<10240x128xf32, #tpu.memory_space<vmem_shared>> -> memref<40x128xf32, #tpu.memory_space<vmem_shared>>
      %dma_start3A_152 = arith.constant 0 : i32
      %dma_start3A_153 = tpu.memref_slice %arg20[%add3A_58, %dma_start3A_152] : memref<10240x128xf32, #tpu.memory_space<vmem_shared>> -> memref<40x128xf32, #tpu.memory_space<vmem_shared>>
      tpu.enqueue_dma source(%arg5 : memref<40x128xf32, #tpu.memory_space<vmem>>) target(%dma_start3A_153 : memref<40x128xf32, #tpu.memory_space<vmem_shared>>) target_semaphore(%run_scoped3A : memref<!tpu.dma_semaphore, #tpu.memory_space<semaphore_mem>>)
      %dma_wait3A = arith.constant 0 : i32
      %dma_wait3A_154 = tpu.memref_slice %arg20[%add3A_58, %dma_wait3A] : memref<10240x128xf32, #tpu.memory_space<vmem_shared>> -> memref<40x128xf32, #tpu.memory_space<vmem_shared>>
      %dma_wait3A_155 = arith.constant 0 : i32
      %dma_wait3A_156 = tpu.memref_slice %arg20[%add3A_58, %dma_wait3A_155] : memref<10240x128xf32, #tpu.memory_space<vmem_shared>> -> memref<40x128xf32, #tpu.memory_space<vmem_shared>>
      tpu.wait_dma2 semaphore(%run_scoped3A : memref<!tpu.dma_semaphore, #tpu.memory_space<semaphore_mem>>) src(%arg5 : memref<40x128xf32, #tpu.memory_space<vmem>>) dst(%dma_wait3A_156 : memref<40x128xf32, #tpu.memory_space<vmem_shared>>)
      tpu.yield
    }) : () -> ()
    %mul3A_59 = arith.constant 640 : i32
    %mul3A_60 = arith.muli %arg1, %mul3A_59 : i32
    %add3A_61 = arith.constant 440 : i32
    %add3A_62 = arith.addi %mul3A_60, %add3A_61 : i32
    "tpu.region"() ({
      %run_scoped3A = tpu.sem_alloc : memref<!tpu.dma_semaphore, #tpu.memory_space<semaphore_mem>>
      %dma_start3A = arith.constant 0 : i32
      %dma_start3A_151 = tpu.memref_slice %arg20[%add3A_62, %dma_start3A] : memref<10240x128xf32, #tpu.memory_space<vmem_shared>> -> memref<40x128xf32, #tpu.memory_space<vmem_shared>>
      %dma_start3A_152 = arith.constant 0 : i32
      %dma_start3A_153 = tpu.memref_slice %arg20[%add3A_62, %dma_start3A_152] : memref<10240x128xf32, #tpu.memory_space<vmem_shared>> -> memref<40x128xf32, #tpu.memory_space<vmem_shared>>
      tpu.enqueue_dma source(%arg6 : memref<40x128xf32, #tpu.memory_space<vmem>>) target(%dma_start3A_153 : memref<40x128xf32, #tpu.memory_space<vmem_shared>>) target_semaphore(%run_scoped3A : memref<!tpu.dma_semaphore, #tpu.memory_space<semaphore_mem>>)
      %dma_wait3A = arith.constant 0 : i32
      %dma_wait3A_154 = tpu.memref_slice %arg20[%add3A_62, %dma_wait3A] : memref<10240x128xf32, #tpu.memory_space<vmem_shared>> -> memref<40x128xf32, #tpu.memory_space<vmem_shared>>
      %dma_wait3A_155 = arith.constant 0 : i32
      %dma_wait3A_156 = tpu.memref_slice %arg20[%add3A_62, %dma_wait3A_155] : memref<10240x128xf32, #tpu.memory_space<vmem_shared>> -> memref<40x128xf32, #tpu.memory_space<vmem_shared>>
      tpu.wait_dma2 semaphore(%run_scoped3A : memref<!tpu.dma_semaphore, #tpu.memory_space<semaphore_mem>>) src(%arg6 : memref<40x128xf32, #tpu.memory_space<vmem>>) dst(%dma_wait3A_156 : memref<40x128xf32, #tpu.memory_space<vmem_shared>>)
      tpu.yield
    }) : () -> ()
    %mul3A_63 = arith.constant 640 : i32
    %mul3A_64 = arith.muli %arg1, %mul3A_63 : i32
    %add3A_65 = arith.constant 480 : i32
    %add3A_66 = arith.addi %mul3A_64, %add3A_65 : i32
    "tpu.region"() ({
      %run_scoped3A = tpu.sem_alloc : memref<!tpu.dma_semaphore, #tpu.memory_space<semaphore_mem>>
      %dma_start3A = arith.constant 0 : i32
      %dma_start3A_151 = tpu.memref_slice %arg20[%add3A_66, %dma_start3A] : memref<10240x128xf32, #tpu.memory_space<vmem_shared>> -> memref<40x128xf32, #tpu.memory_space<vmem_shared>>
      %dma_start3A_152 = arith.constant 0 : i32
      %dma_start3A_153 = tpu.memref_slice %arg20[%add3A_66, %dma_start3A_152] : memref<10240x128xf32, #tpu.memory_space<vmem_shared>> -> memref<40x128xf32, #tpu.memory_space<vmem_shared>>
      tpu.enqueue_dma source(%arg7 : memref<40x128xf32, #tpu.memory_space<vmem>>) target(%dma_start3A_153 : memref<40x128xf32, #tpu.memory_space<vmem_shared>>) target_semaphore(%run_scoped3A : memref<!tpu.dma_semaphore, #tpu.memory_space<semaphore_mem>>)
      %dma_wait3A = arith.constant 0 : i32
      %dma_wait3A_154 = tpu.memref_slice %arg20[%add3A_66, %dma_wait3A] : memref<10240x128xf32, #tpu.memory_space<vmem_shared>> -> memref<40x128xf32, #tpu.memory_space<vmem_shared>>
      %dma_wait3A_155 = arith.constant 0 : i32
      %dma_wait3A_156 = tpu.memref_slice %arg20[%add3A_66, %dma_wait3A_155] : memref<10240x128xf32, #tpu.memory_space<vmem_shared>> -> memref<40x128xf32, #tpu.memory_space<vmem_shared>>
      tpu.wait_dma2 semaphore(%run_scoped3A : memref<!tpu.dma_semaphore, #tpu.memory_space<semaphore_mem>>) src(%arg7 : memref<40x128xf32, #tpu.memory_space<vmem>>) dst(%dma_wait3A_156 : memref<40x128xf32, #tpu.memory_space<vmem_shared>>)
      tpu.yield
    }) : () -> ()
    %mul3A_67 = arith.constant 640 : i32
    %mul3A_68 = arith.muli %arg1, %mul3A_67 : i32
    %add3A_69 = arith.constant 520 : i32
    %add3A_70 = arith.addi %mul3A_68, %add3A_69 : i32
    "tpu.region"() ({
      %run_scoped3A = tpu.sem_alloc : memref<!tpu.dma_semaphore, #tpu.memory_space<semaphore_mem>>
      %dma_start3A = arith.constant 0 : i32
      %dma_start3A_151 = tpu.memref_slice %arg20[%add3A_70, %dma_start3A] : memref<10240x128xf32, #tpu.memory_space<vmem_shared>> -> memref<40x128xf32, #tpu.memory_space<vmem_shared>>
      %dma_start3A_152 = arith.constant 0 : i32
      %dma_start3A_153 = tpu.memref_slice %arg20[%add3A_70, %dma_start3A_152] : memref<10240x128xf32, #tpu.memory_space<vmem_shared>> -> memref<40x128xf32, #tpu.memory_space<vmem_shared>>
      tpu.enqueue_dma source(%arg8 : memref<40x128xf32, #tpu.memory_space<vmem>>) target(%dma_start3A_153 : memref<40x128xf32, #tpu.memory_space<vmem_shared>>) target_semaphore(%run_scoped3A : memref<!tpu.dma_semaphore, #tpu.memory_space<semaphore_mem>>)
      %dma_wait3A = arith.constant 0 : i32
      %dma_wait3A_154 = tpu.memref_slice %arg20[%add3A_70, %dma_wait3A] : memref<10240x128xf32, #tpu.memory_space<vmem_shared>> -> memref<40x128xf32, #tpu.memory_space<vmem_shared>>
      %dma_wait3A_155 = arith.constant 0 : i32
      %dma_wait3A_156 = tpu.memref_slice %arg20[%add3A_70, %dma_wait3A_155] : memref<10240x128xf32, #tpu.memory_space<vmem_shared>> -> memref<40x128xf32, #tpu.memory_space<vmem_shared>>
      tpu.wait_dma2 semaphore(%run_scoped3A : memref<!tpu.dma_semaphore, #tpu.memory_space<semaphore_mem>>) src(%arg8 : memref<40x128xf32, #tpu.memory_space<vmem>>) dst(%dma_wait3A_156 : memref<40x128xf32, #tpu.memory_space<vmem_shared>>)
      tpu.yield
    }) : () -> ()
    %mul3A_71 = arith.constant 640 : i32
    %mul3A_72 = arith.muli %arg1, %mul3A_71 : i32
    %add3A_73 = arith.constant 560 : i32
    %add3A_74 = arith.addi %mul3A_72, %add3A_73 : i32
    "tpu.region"() ({
      %run_scoped3A = tpu.sem_alloc : memref<!tpu.dma_semaphore, #tpu.memory_space<semaphore_mem>>
      %dma_start3A = arith.constant 0 : i32
      %dma_start3A_151 = tpu.memref_slice %arg20[%add3A_74, %dma_start3A] : memref<10240x128xf32, #tpu.memory_space<vmem_shared>> -> memref<40x128xf32, #tpu.memory_space<vmem_shared>>
      %dma_start3A_152 = arith.constant 0 : i32
      %dma_start3A_153 = tpu.memref_slice %arg20[%add3A_74, %dma_start3A_152] : memref<10240x128xf32, #tpu.memory_space<vmem_shared>> -> memref<40x128xf32, #tpu.memory_space<vmem_shared>>
      tpu.enqueue_dma source(%arg9 : memref<40x128xf32, #tpu.memory_space<vmem>>) target(%dma_start3A_153 : memref<40x128xf32, #tpu.memory_space<vmem_shared>>) target_semaphore(%run_scoped3A : memref<!tpu.dma_semaphore, #tpu.memory_space<semaphore_mem>>)
      %dma_wait3A = arith.constant 0 : i32
      %dma_wait3A_154 = tpu.memref_slice %arg20[%add3A_74, %dma_wait3A] : memref<10240x128xf32, #tpu.memory_space<vmem_shared>> -> memref<40x128xf32, #tpu.memory_space<vmem_shared>>
      %dma_wait3A_155 = arith.constant 0 : i32
      %dma_wait3A_156 = tpu.memref_slice %arg20[%add3A_74, %dma_wait3A_155] : memref<10240x128xf32, #tpu.memory_space<vmem_shared>> -> memref<40x128xf32, #tpu.memory_space<vmem_shared>>
      tpu.wait_dma2 semaphore(%run_scoped3A : memref<!tpu.dma_semaphore, #tpu.memory_space<semaphore_mem>>) src(%arg9 : memref<40x128xf32, #tpu.memory_space<vmem>>) dst(%dma_wait3A_156 : memref<40x128xf32, #tpu.memory_space<vmem_shared>>)
      tpu.yield
    }) : () -> ()
    %mul3A_75 = arith.constant 640 : i32
    %mul3A_76 = arith.muli %arg1, %mul3A_75 : i32
    %add3A_77 = arith.constant 600 : i32
    %add3A_78 = arith.addi %mul3A_76, %add3A_77 : i32
    "tpu.region"() ({
      %run_scoped3A = tpu.sem_alloc : memref<!tpu.dma_semaphore, #tpu.memory_space<semaphore_mem>>
      %dma_start3A = arith.constant 0 : i32
      %dma_start3A_151 = tpu.memref_slice %arg20[%add3A_78, %dma_start3A] : memref<10240x128xf32, #tpu.memory_space<vmem_shared>> -> memref<40x128xf32, #tpu.memory_space<vmem_shared>>
      %dma_start3A_152 = arith.constant 0 : i32
      %dma_start3A_153 = tpu.memref_slice %arg20[%add3A_78, %dma_start3A_152] : memref<10240x128xf32, #tpu.memory_space<vmem_shared>> -> memref<40x128xf32, #tpu.memory_space<vmem_shared>>
      tpu.enqueue_dma source(%arg5 : memref<40x128xf32, #tpu.memory_space<vmem>>) target(%dma_start3A_153 : memref<40x128xf32, #tpu.memory_space<vmem_shared>>) target_semaphore(%run_scoped3A : memref<!tpu.dma_semaphore, #tpu.memory_space<semaphore_mem>>)
      %dma_wait3A = arith.constant 0 : i32
      %dma_wait3A_154 = tpu.memref_slice %arg20[%add3A_78, %dma_wait3A] : memref<10240x128xf32, #tpu.memory_space<vmem_shared>> -> memref<40x128xf32, #tpu.memory_space<vmem_shared>>
      %dma_wait3A_155 = arith.constant 0 : i32
      %dma_wait3A_156 = tpu.memref_slice %arg20[%add3A_78, %dma_wait3A_155] : memref<10240x128xf32, #tpu.memory_space<vmem_shared>> -> memref<40x128xf32, #tpu.memory_space<vmem_shared>>
      tpu.wait_dma2 semaphore(%run_scoped3A : memref<!tpu.dma_semaphore, #tpu.memory_space<semaphore_mem>>) src(%arg5 : memref<40x128xf32, #tpu.memory_space<vmem>>) dst(%dma_wait3A_156 : memref<40x128xf32, #tpu.memory_space<vmem_shared>>)
      tpu.yield
    }) : () -> ()
    %barrier3A = arith.constant 0 : index
    tpu.barrier barrier_id(%barrier3A)
    %scan3A_79 = arith.constant 0 : i32
    %scan3A_80 = arith.constant 0 : i32
    %scan3A_81 = arith.constant 25 : i32
    %scan3A_82 = arith.addi %scan3A_80, %scan3A_81 : i32
    %scan3A_83 = arith.constant 1 : i32
    %scan3A_84 = scf.for %scan3A_151 = %scan3A_80 to %scan3A_82 step %scan3A_83 iter_args(%scan3A_152 = %scan3A_79) -> (i32)  : i32 {
      %mul3A_153 = arith.constant 200 : i32
      %mul3A_154 = arith.muli %scan3A_151, %mul3A_153 : i32
      %add3A_155 = arith.addi %add3A, %mul3A_154 : i32
      %add3A_156 = arith.constant 0 : i32
      %add3A_157 = arith.addi %add3A_155, %add3A_156 : i32
      %dma_start3A = tpu.memref_slice %arg2[%add3A_157] : memref<480000xi32, #tpu.memory_space<hbm>> -> memref<40xi32, #tpu.memory_space<hbm>>
      %dma_start3A_158 = tpu.memref_slice %arg2[%add3A_157] : memref<480000xi32, #tpu.memory_space<hbm>> -> memref<40xi32, #tpu.memory_space<hbm>>
      tpu.enqueue_dma source(%dma_start3A_158 : memref<40xi32, #tpu.memory_space<hbm>>) target(%arg10 : memref<40xi32, #tpu.memory_space<vmem>>) target_semaphore(%arg26 : memref<!tpu.dma_semaphore, #tpu.memory_space<semaphore_mem>>)
      %add3A_159 = arith.addi %add3A_8, %mul3A_154 : i32
      %add3A_160 = arith.constant 0 : i32
      %add3A_161 = arith.addi %add3A_159, %add3A_160 : i32
      %dma_start3A_162 = tpu.memref_slice %arg2[%add3A_161] : memref<480000xi32, #tpu.memory_space<hbm>> -> memref<40xi32, #tpu.memory_space<hbm>>
      %dma_start3A_163 = tpu.memref_slice %arg2[%add3A_161] : memref<480000xi32, #tpu.memory_space<hbm>> -> memref<40xi32, #tpu.memory_space<hbm>>
      tpu.enqueue_dma source(%dma_start3A_163 : memref<40xi32, #tpu.memory_space<hbm>>) target(%arg15 : memref<40xi32, #tpu.memory_space<vmem>>) target_semaphore(%arg31 : memref<!tpu.dma_semaphore, #tpu.memory_space<semaphore_mem>>)
      %add3A_164 = arith.addi %add3A, %mul3A_154 : i32
      %add3A_165 = arith.constant 40 : i32
      %add3A_166 = arith.addi %add3A_164, %add3A_165 : i32
      %dma_start3A_167 = tpu.memref_slice %arg2[%add3A_166] : memref<480000xi32, #tpu.memory_space<hbm>> -> memref<40xi32, #tpu.memory_space<hbm>>
      %dma_start3A_168 = tpu.memref_slice %arg2[%add3A_166] : memref<480000xi32, #tpu.memory_space<hbm>> -> memref<40xi32, #tpu.memory_space<hbm>>
      tpu.enqueue_dma source(%dma_start3A_168 : memref<40xi32, #tpu.memory_space<hbm>>) target(%arg11 : memref<40xi32, #tpu.memory_space<vmem>>) target_semaphore(%arg27 : memref<!tpu.dma_semaphore, #tpu.memory_space<semaphore_mem>>)
      %add3A_169 = arith.addi %add3A_8, %mul3A_154 : i32
      %add3A_170 = arith.constant 40 : i32
      %add3A_171 = arith.addi %add3A_169, %add3A_170 : i32
      %dma_start3A_172 = tpu.memref_slice %arg2[%add3A_171] : memref<480000xi32, #tpu.memory_space<hbm>> -> memref<40xi32, #tpu.memory_space<hbm>>
      %dma_start3A_173 = tpu.memref_slice %arg2[%add3A_171] : memref<480000xi32, #tpu.memory_space<hbm>> -> memref<40xi32, #tpu.memory_space<hbm>>
      tpu.enqueue_dma source(%dma_start3A_173 : memref<40xi32, #tpu.memory_space<hbm>>) target(%arg16 : memref<40xi32, #tpu.memory_space<vmem>>) target_semaphore(%arg32 : memref<!tpu.dma_semaphore, #tpu.memory_space<semaphore_mem>>)
      %add3A_174 = arith.addi %add3A, %mul3A_154 : i32
      %add3A_175 = arith.constant 80 : i32
      %add3A_176 = arith.addi %add3A_174, %add3A_175 : i32
      %dma_start3A_177 = tpu.memref_slice %arg2[%add3A_176] : memref<480000xi32, #tpu.memory_space<hbm>> -> memref<40xi32, #tpu.memory_space<hbm>>
      %dma_start3A_178 = tpu.memref_slice %arg2[%add3A_176] : memref<480000xi32, #tpu.memory_space<hbm>> -> memref<40xi32, #tpu.memory_space<hbm>>
      tpu.enqueue_dma source(%dma_start3A_178 : memref<40xi32, #tpu.memory_space<hbm>>) target(%arg12 : memref<40xi32, #tpu.memory_space<vmem>>) target_semaphore(%arg28 : memref<!tpu.dma_semaphore, #tpu.memory_space<semaphore_mem>>)
      %add3A_179 = arith.addi %add3A_8, %mul3A_154 : i32
      %add3A_180 = arith.constant 80 : i32
      %add3A_181 = arith.addi %add3A_179, %add3A_180 : i32
      %dma_start3A_182 = tpu.memref_slice %arg2[%add3A_181] : memref<480000xi32, #tpu.memory_space<hbm>> -> memref<40xi32, #tpu.memory_space<hbm>>
      %dma_start3A_183 = tpu.memref_slice %arg2[%add3A_181] : memref<480000xi32, #tpu.memory_space<hbm>> -> memref<40xi32, #tpu.memory_space<hbm>>
      tpu.enqueue_dma source(%dma_start3A_183 : memref<40xi32, #tpu.memory_space<hbm>>) target(%arg17 : memref<40xi32, #tpu.memory_space<vmem>>) target_semaphore(%arg33 : memref<!tpu.dma_semaphore, #tpu.memory_space<semaphore_mem>>)
      %add3A_184 = arith.addi %add3A, %mul3A_154 : i32
      %add3A_185 = arith.constant 120 : i32
      %add3A_186 = arith.addi %add3A_184, %add3A_185 : i32
      %dma_start3A_187 = tpu.memref_slice %arg2[%add3A_186] : memref<480000xi32, #tpu.memory_space<hbm>> -> memref<40xi32, #tpu.memory_space<hbm>>
      %dma_start3A_188 = tpu.memref_slice %arg2[%add3A_186] : memref<480000xi32, #tpu.memory_space<hbm>> -> memref<40xi32, #tpu.memory_space<hbm>>
      tpu.enqueue_dma source(%dma_start3A_188 : memref<40xi32, #tpu.memory_space<hbm>>) target(%arg13 : memref<40xi32, #tpu.memory_space<vmem>>) target_semaphore(%arg29 : memref<!tpu.dma_semaphore, #tpu.memory_space<semaphore_mem>>)
      %add3A_189 = arith.addi %add3A_8, %mul3A_154 : i32
      %add3A_190 = arith.constant 120 : i32
      %add3A_191 = arith.addi %add3A_189, %add3A_190 : i32
      %dma_start3A_192 = tpu.memref_slice %arg2[%add3A_191] : memref<480000xi32, #tpu.memory_space<hbm>> -> memref<40xi32, #tpu.memory_space<hbm>>
      %dma_start3A_193 = tpu.memref_slice %arg2[%add3A_191] : memref<480000xi32, #tpu.memory_space<hbm>> -> memref<40xi32, #tpu.memory_space<hbm>>
      tpu.enqueue_dma source(%dma_start3A_193 : memref<40xi32, #tpu.memory_space<hbm>>) target(%arg18 : memref<40xi32, #tpu.memory_space<vmem>>) target_semaphore(%arg34 : memref<!tpu.dma_semaphore, #tpu.memory_space<semaphore_mem>>)
      %add3A_194 = arith.addi %add3A, %mul3A_154 : i32
      %add3A_195 = arith.constant 160 : i32
      %add3A_196 = arith.addi %add3A_194, %add3A_195 : i32
      %dma_start3A_197 = tpu.memref_slice %arg2[%add3A_196] : memref<480000xi32, #tpu.memory_space<hbm>> -> memref<40xi32, #tpu.memory_space<hbm>>
      %dma_start3A_198 = tpu.memref_slice %arg2[%add3A_196] : memref<480000xi32, #tpu.memory_space<hbm>> -> memref<40xi32, #tpu.memory_space<hbm>>
      tpu.enqueue_dma source(%dma_start3A_198 : memref<40xi32, #tpu.memory_space<hbm>>) target(%arg14 : memref<40xi32, #tpu.memory_space<vmem>>) target_semaphore(%arg30 : memref<!tpu.dma_semaphore, #tpu.memory_space<semaphore_mem>>)
      %add3A_199 = arith.addi %add3A_8, %mul3A_154 : i32
      %add3A_200 = arith.constant 160 : i32
      %add3A_201 = arith.addi %add3A_199, %add3A_200 : i32
      %dma_start3A_202 = tpu.memref_slice %arg2[%add3A_201] : memref<480000xi32, #tpu.memory_space<hbm>> -> memref<40xi32, #tpu.memory_space<hbm>>
      %dma_start3A_203 = tpu.memref_slice %arg2[%add3A_201] : memref<480000xi32, #tpu.memory_space<hbm>> -> memref<40xi32, #tpu.memory_space<hbm>>
      tpu.enqueue_dma source(%dma_start3A_203 : memref<40xi32, #tpu.memory_space<hbm>>) target(%arg19 : memref<40xi32, #tpu.memory_space<vmem>>) target_semaphore(%arg35 : memref<!tpu.dma_semaphore, #tpu.memory_space<semaphore_mem>>)
      %dma_wait3A = tpu.memref_slice %arg2[%add3A_157] : memref<480000xi32, #tpu.memory_space<hbm>> -> memref<40xi32, #tpu.memory_space<hbm>>
      %dma_wait3A_204 = tpu.memref_slice %arg2[%add3A_157] : memref<480000xi32, #tpu.memory_space<hbm>> -> memref<40xi32, #tpu.memory_space<hbm>>
      tpu.wait_dma2 semaphore(%arg26 : memref<!tpu.dma_semaphore, #tpu.memory_space<semaphore_mem>>) src(%dma_wait3A_204 : memref<40xi32, #tpu.memory_space<hbm>>) dst(%arg10 : memref<40xi32, #tpu.memory_space<vmem>>)
      %dma_start3A_205 = arith.constant 0 : i32
      %dma_start3A_206 = arith.constant 0 : i32
      %dma_start3A_207 = tpu.memref_slice %arg3[%dma_start3A_205, %dma_start3A_206] : memref<10240x128xf32, #tpu.memory_space<hbm>> -> memref<10240x128xf32, #tpu.memory_space<hbm>>
      tpu.enqueue_indirect_dma source(%dma_start3A_207 : memref<10240x128xf32, #tpu.memory_space<hbm>>) target(%arg5 : memref<40x128xf32, #tpu.memory_space<vmem>>) offsets(%arg10 : memref<40xi32, #tpu.memory_space<vmem>>) semaphore(%arg21 : memref<!tpu.dma_semaphore, #tpu.memory_space<semaphore_mem>>)
      %dma_wait3A_208 = tpu.memref_slice %arg2[%add3A_166] : memref<480000xi32, #tpu.memory_space<hbm>> -> memref<40xi32, #tpu.memory_space<hbm>>
      %dma_wait3A_209 = tpu.memref_slice %arg2[%add3A_166] : memref<480000xi32, #tpu.memory_space<hbm>> -> memref<40xi32, #tpu.memory_space<hbm>>
      tpu.wait_dma2 semaphore(%arg27 : memref<!tpu.dma_semaphore, #tpu.memory_space<semaphore_mem>>) src(%dma_wait3A_209 : memref<40xi32, #tpu.memory_space<hbm>>) dst(%arg11 : memref<40xi32, #tpu.memory_space<vmem>>)
      %dma_start3A_210 = arith.constant 0 : i32
      %dma_start3A_211 = arith.constant 0 : i32
      %dma_start3A_212 = tpu.memref_slice %arg3[%dma_start3A_210, %dma_start3A_211] : memref<10240x128xf32, #tpu.memory_space<hbm>> -> memref<10240x128xf32, #tpu.memory_space<hbm>>
      tpu.enqueue_indirect_dma source(%dma_start3A_212 : memref<10240x128xf32, #tpu.memory_space<hbm>>) target(%arg6 : memref<40x128xf32, #tpu.memory_space<vmem>>) offsets(%arg11 : memref<40xi32, #tpu.memory_space<vmem>>) semaphore(%arg22 : memref<!tpu.dma_semaphore, #tpu.memory_space<semaphore_mem>>)
      %dma_wait3A_213 = tpu.memref_slice %arg2[%add3A_176] : memref<480000xi32, #tpu.memory_space<hbm>> -> memref<40xi32, #tpu.memory_space<hbm>>
      %dma_wait3A_214 = tpu.memref_slice %arg2[%add3A_176] : memref<480000xi32, #tpu.memory_space<hbm>> -> memref<40xi32, #tpu.memory_space<hbm>>
      tpu.wait_dma2 semaphore(%arg28 : memref<!tpu.dma_semaphore, #tpu.memory_space<semaphore_mem>>) src(%dma_wait3A_214 : memref<40xi32, #tpu.memory_space<hbm>>) dst(%arg12 : memref<40xi32, #tpu.memory_space<vmem>>)
      %dma_start3A_215 = arith.constant 0 : i32
      %dma_start3A_216 = arith.constant 0 : i32
      %dma_start3A_217 = tpu.memref_slice %arg3[%dma_start3A_215, %dma_start3A_216] : memref<10240x128xf32, #tpu.memory_space<hbm>> -> memref<10240x128xf32, #tpu.memory_space<hbm>>
      tpu.enqueue_indirect_dma source(%dma_start3A_217 : memref<10240x128xf32, #tpu.memory_space<hbm>>) target(%arg7 : memref<40x128xf32, #tpu.memory_space<vmem>>) offsets(%arg12 : memref<40xi32, #tpu.memory_space<vmem>>) semaphore(%arg23 : memref<!tpu.dma_semaphore, #tpu.memory_space<semaphore_mem>>)
      %dma_wait3A_218 = tpu.memref_slice %arg2[%add3A_186] : memref<480000xi32, #tpu.memory_space<hbm>> -> memref<40xi32, #tpu.memory_space<hbm>>
      %dma_wait3A_219 = tpu.memref_slice %arg2[%add3A_186] : memref<480000xi32, #tpu.memory_space<hbm>> -> memref<40xi32, #tpu.memory_space<hbm>>
      tpu.wait_dma2 semaphore(%arg29 : memref<!tpu.dma_semaphore, #tpu.memory_space<semaphore_mem>>) src(%dma_wait3A_219 : memref<40xi32, #tpu.memory_space<hbm>>) dst(%arg13 : memref<40xi32, #tpu.memory_space<vmem>>)
      %dma_start3A_220 = arith.constant 0 : i32
      %dma_start3A_221 = arith.constant 0 : i32
      %dma_start3A_222 = tpu.memref_slice %arg3[%dma_start3A_220, %dma_start3A_221] : memref<10240x128xf32, #tpu.memory_space<hbm>> -> memref<10240x128xf32, #tpu.memory_space<hbm>>
      tpu.enqueue_indirect_dma source(%dma_start3A_222 : memref<10240x128xf32, #tpu.memory_space<hbm>>) target(%arg8 : memref<40x128xf32, #tpu.memory_space<vmem>>) offsets(%arg13 : memref<40xi32, #tpu.memory_space<vmem>>) semaphore(%arg24 : memref<!tpu.dma_semaphore, #tpu.memory_space<semaphore_mem>>)
      %dma_wait3A_223 = tpu.memref_slice %arg2[%add3A_196] : memref<480000xi32, #tpu.memory_space<hbm>> -> memref<40xi32, #tpu.memory_space<hbm>>
      %dma_wait3A_224 = tpu.memref_slice %arg2[%add3A_196] : memref<480000xi32, #tpu.memory_space<hbm>> -> memref<40xi32, #tpu.memory_space<hbm>>
      tpu.wait_dma2 semaphore(%arg30 : memref<!tpu.dma_semaphore, #tpu.memory_space<semaphore_mem>>) src(%dma_wait3A_224 : memref<40xi32, #tpu.memory_space<hbm>>) dst(%arg14 : memref<40xi32, #tpu.memory_space<vmem>>)
      %dma_start3A_225 = arith.constant 0 : i32
      %dma_start3A_226 = arith.constant 0 : i32
      %dma_start3A_227 = tpu.memref_slice %arg3[%dma_start3A_225, %dma_start3A_226] : memref<10240x128xf32, #tpu.memory_space<hbm>> -> memref<10240x128xf32, #tpu.memory_space<hbm>>
      tpu.enqueue_indirect_dma source(%dma_start3A_227 : memref<10240x128xf32, #tpu.memory_space<hbm>>) target(%arg9 : memref<40x128xf32, #tpu.memory_space<vmem>>) offsets(%arg14 : memref<40xi32, #tpu.memory_space<vmem>>) semaphore(%arg25 : memref<!tpu.dma_semaphore, #tpu.memory_space<semaphore_mem>>)
      %dma_wait3A_228 = arith.constant 0 : i32
      %dma_wait3A_229 = arith.constant 0 : i32
      %dma_wait3A_230 = tpu.memref_slice %arg3[%dma_wait3A_228, %dma_wait3A_229] : memref<10240x128xf32, #tpu.memory_space<hbm>> -> memref<10240x128xf32, #tpu.memory_space<hbm>>
      tpu.wait_indirect_dma semaphore(%arg21 : memref<!tpu.dma_semaphore, #tpu.memory_space<semaphore_mem>>) src(%dma_wait3A_230 : memref<10240x128xf32, #tpu.memory_space<hbm>>) dst(%arg5 : memref<40x128xf32, #tpu.memory_space<vmem>>)
      %dma_wait3A_231 = tpu.memref_slice %arg2[%add3A_161] : memref<480000xi32, #tpu.memory_space<hbm>> -> memref<40xi32, #tpu.memory_space<hbm>>
      %dma_wait3A_232 = tpu.memref_slice %arg2[%add3A_161] : memref<480000xi32, #tpu.memory_space<hbm>> -> memref<40xi32, #tpu.memory_space<hbm>>
      tpu.wait_dma2 semaphore(%arg31 : memref<!tpu.dma_semaphore, #tpu.memory_space<semaphore_mem>>) src(%dma_wait3A_232 : memref<40xi32, #tpu.memory_space<hbm>>) dst(%arg15 : memref<40xi32, #tpu.memory_space<vmem>>)
      "tpu.region"() ({
        %run_scoped3A = tpu.sem_alloc : memref<!tpu.dma_semaphore, #tpu.memory_space<semaphore_mem>>
        %dma_start3A_254 = arith.constant 0 : i32
        %dma_start3A_255 = arith.constant 0 : i32
        %dma_start3A_256 = tpu.memref_slice %arg20[%dma_start3A_254, %dma_start3A_255] : memref<10240x128xf32, #tpu.memory_space<vmem_shared>> -> memref<10240x128xf32, #tpu.memory_space<vmem_shared>>
        tpu.enqueue_indirect_dma source(%arg5 : memref<40x128xf32, #tpu.memory_space<vmem>>) target(%dma_start3A_256 : memref<10240x128xf32, #tpu.memory_space<vmem_shared>>) offsets(%arg15 : memref<40xi32, #tpu.memory_space<vmem>>) semaphore(%run_scoped3A : memref<!tpu.dma_semaphore, #tpu.memory_space<semaphore_mem>>) {add = true}
        %dma_wait3A_257 = arith.constant 0 : i32
        %dma_wait3A_258 = arith.constant 0 : i32
        %dma_wait3A_259 = tpu.memref_slice %arg20[%dma_wait3A_257, %dma_wait3A_258] : memref<10240x128xf32, #tpu.memory_space<vmem_shared>> -> memref<10240x128xf32, #tpu.memory_space<vmem_shared>>
        tpu.wait_indirect_dma semaphore(%run_scoped3A : memref<!tpu.dma_semaphore, #tpu.memory_space<semaphore_mem>>) src(%arg5 : memref<40x128xf32, #tpu.memory_space<vmem>>) dst(%dma_wait3A_259 : memref<10240x128xf32, #tpu.memory_space<vmem_shared>>)
        tpu.yield
      }) : () -> ()
      %dma_wait3A_233 = arith.constant 0 : i32
      %dma_wait3A_234 = arith.constant 0 : i32
      %dma_wait3A_235 = tpu.memref_slice %arg3[%dma_wait3A_233, %dma_wait3A_234] : memref<10240x128xf32, #tpu.memory_space<hbm>> -> memref<10240x128xf32, #tpu.memory_space<hbm>>
      tpu.wait_indirect_dma semaphore(%arg22 : memref<!tpu.dma_semaphore, #tpu.memory_space<semaphore_mem>>) src(%dma_wait3A_235 : memref<10240x128xf32, #tpu.memory_space<hbm>>) dst(%arg6 : memref<40x128xf32, #tpu.memory_space<vmem>>)
      %dma_wait3A_236 = tpu.memref_slice %arg2[%add3A_171] : memref<480000xi32, #tpu.memory_space<hbm>> -> memref<40xi32, #tpu.memory_space<hbm>>
      %dma_wait3A_237 = tpu.memref_slice %arg2[%add3A_171] : memref<480000xi32, #tpu.memory_space<hbm>> -> memref<40xi32, #tpu.memory_space<hbm>>
      tpu.wait_dma2 semaphore(%arg32 : memref<!tpu.dma_semaphore, #tpu.memory_space<semaphore_mem>>) src(%dma_wait3A_237 : memref<40xi32, #tpu.memory_space<hbm>>) dst(%arg16 : memref<40xi32, #tpu.memory_space<vmem>>)
      "tpu.region"() ({
        %run_scoped3A = tpu.sem_alloc : memref<!tpu.dma_semaphore, #tpu.memory_space<semaphore_mem>>
        %dma_start3A_254 = arith.constant 0 : i32
        %dma_start3A_255 = arith.constant 0 : i32
        %dma_start3A_256 = tpu.memref_slice %arg20[%dma_start3A_254, %dma_start3A_255] : memref<10240x128xf32, #tpu.memory_space<vmem_shared>> -> memref<10240x128xf32, #tpu.memory_space<vmem_shared>>
        tpu.enqueue_indirect_dma source(%arg6 : memref<40x128xf32, #tpu.memory_space<vmem>>) target(%dma_start3A_256 : memref<10240x128xf32, #tpu.memory_space<vmem_shared>>) offsets(%arg16 : memref<40xi32, #tpu.memory_space<vmem>>) semaphore(%run_scoped3A : memref<!tpu.dma_semaphore, #tpu.memory_space<semaphore_mem>>) {add = true}
        %dma_wait3A_257 = arith.constant 0 : i32
        %dma_wait3A_258 = arith.constant 0 : i32
        %dma_wait3A_259 = tpu.memref_slice %arg20[%dma_wait3A_257, %dma_wait3A_258] : memref<10240x128xf32, #tpu.memory_space<vmem_shared>> -> memref<10240x128xf32, #tpu.memory_space<vmem_shared>>
        tpu.wait_indirect_dma semaphore(%run_scoped3A : memref<!tpu.dma_semaphore, #tpu.memory_space<semaphore_mem>>) src(%arg6 : memref<40x128xf32, #tpu.memory_space<vmem>>) dst(%dma_wait3A_259 : memref<10240x128xf32, #tpu.memory_space<vmem_shared>>)
        tpu.yield
      }) : () -> ()
      %dma_wait3A_238 = arith.constant 0 : i32
      %dma_wait3A_239 = arith.constant 0 : i32
      %dma_wait3A_240 = tpu.memref_slice %arg3[%dma_wait3A_238, %dma_wait3A_239] : memref<10240x128xf32, #tpu.memory_space<hbm>> -> memref<10240x128xf32, #tpu.memory_space<hbm>>
      tpu.wait_indirect_dma semaphore(%arg23 : memref<!tpu.dma_semaphore, #tpu.memory_space<semaphore_mem>>) src(%dma_wait3A_240 : memref<10240x128xf32, #tpu.memory_space<hbm>>) dst(%arg7 : memref<40x128xf32, #tpu.memory_space<vmem>>)
      %dma_wait3A_241 = tpu.memref_slice %arg2[%add3A_181] : memref<480000xi32, #tpu.memory_space<hbm>> -> memref<40xi32, #tpu.memory_space<hbm>>
      %dma_wait3A_242 = tpu.memref_slice %arg2[%add3A_181] : memref<480000xi32, #tpu.memory_space<hbm>> -> memref<40xi32, #tpu.memory_space<hbm>>
      tpu.wait_dma2 semaphore(%arg33 : memref<!tpu.dma_semaphore, #tpu.memory_space<semaphore_mem>>) src(%dma_wait3A_242 : memref<40xi32, #tpu.memory_space<hbm>>) dst(%arg17 : memref<40xi32, #tpu.memory_space<vmem>>)
      "tpu.region"() ({
        %run_scoped3A = tpu.sem_alloc : memref<!tpu.dma_semaphore, #tpu.memory_space<semaphore_mem>>
        %dma_start3A_254 = arith.constant 0 : i32
        %dma_start3A_255 = arith.constant 0 : i32
        %dma_start3A_256 = tpu.memref_slice %arg20[%dma_start3A_254, %dma_start3A_255] : memref<10240x128xf32, #tpu.memory_space<vmem_shared>> -> memref<10240x128xf32, #tpu.memory_space<vmem_shared>>
        tpu.enqueue_indirect_dma source(%arg7 : memref<40x128xf32, #tpu.memory_space<vmem>>) target(%dma_start3A_256 : memref<10240x128xf32, #tpu.memory_space<vmem_shared>>) offsets(%arg17 : memref<40xi32, #tpu.memory_space<vmem>>) semaphore(%run_scoped3A : memref<!tpu.dma_semaphore, #tpu.memory_space<semaphore_mem>>) {add = true}
        %dma_wait3A_257 = arith.constant 0 : i32
        %dma_wait3A_258 = arith.constant 0 : i32
        %dma_wait3A_259 = tpu.memref_slice %arg20[%dma_wait3A_257, %dma_wait3A_258] : memref<10240x128xf32, #tpu.memory_space<vmem_shared>> -> memref<10240x128xf32, #tpu.memory_space<vmem_shared>>
        tpu.wait_indirect_dma semaphore(%run_scoped3A : memref<!tpu.dma_semaphore, #tpu.memory_space<semaphore_mem>>) src(%arg7 : memref<40x128xf32, #tpu.memory_space<vmem>>) dst(%dma_wait3A_259 : memref<10240x128xf32, #tpu.memory_space<vmem_shared>>)
        tpu.yield
      }) : () -> ()
      %dma_wait3A_243 = arith.constant 0 : i32
      %dma_wait3A_244 = arith.constant 0 : i32
      %dma_wait3A_245 = tpu.memref_slice %arg3[%dma_wait3A_243, %dma_wait3A_244] : memref<10240x128xf32, #tpu.memory_space<hbm>> -> memref<10240x128xf32, #tpu.memory_space<hbm>>
      tpu.wait_indirect_dma semaphore(%arg24 : memref<!tpu.dma_semaphore, #tpu.memory_space<semaphore_mem>>) src(%dma_wait3A_245 : memref<10240x128xf32, #tpu.memory_space<hbm>>) dst(%arg8 : memref<40x128xf32, #tpu.memory_space<vmem>>)
      %dma_wait3A_246 = tpu.memref_slice %arg2[%add3A_191] : memref<480000xi32, #tpu.memory_space<hbm>> -> memref<40xi32, #tpu.memory_space<hbm>>
      %dma_wait3A_247 = tpu.memref_slice %arg2[%add3A_191] : memref<480000xi32, #tpu.memory_space<hbm>> -> memref<40xi32, #tpu.memory_space<hbm>>
      tpu.wait_dma2 semaphore(%arg34 : memref<!tpu.dma_semaphore, #tpu.memory_space<semaphore_mem>>) src(%dma_wait3A_247 : memref<40xi32, #tpu.memory_space<hbm>>) dst(%arg18 : memref<40xi32, #tpu.memory_space<vmem>>)
      "tpu.region"() ({
        %run_scoped3A = tpu.sem_alloc : memref<!tpu.dma_semaphore, #tpu.memory_space<semaphore_mem>>
        %dma_start3A_254 = arith.constant 0 : i32
        %dma_start3A_255 = arith.constant 0 : i32
        %dma_start3A_256 = tpu.memref_slice %arg20[%dma_start3A_254, %dma_start3A_255] : memref<10240x128xf32, #tpu.memory_space<vmem_shared>> -> memref<10240x128xf32, #tpu.memory_space<vmem_shared>>
        tpu.enqueue_indirect_dma source(%arg8 : memref<40x128xf32, #tpu.memory_space<vmem>>) target(%dma_start3A_256 : memref<10240x128xf32, #tpu.memory_space<vmem_shared>>) offsets(%arg18 : memref<40xi32, #tpu.memory_space<vmem>>) semaphore(%run_scoped3A : memref<!tpu.dma_semaphore, #tpu.memory_space<semaphore_mem>>) {add = true}
        %dma_wait3A_257 = arith.constant 0 : i32
        %dma_wait3A_258 = arith.constant 0 : i32
        %dma_wait3A_259 = tpu.memref_slice %arg20[%dma_wait3A_257, %dma_wait3A_258] : memref<10240x128xf32, #tpu.memory_space<vmem_shared>> -> memref<10240x128xf32, #tpu.memory_space<vmem_shared>>
        tpu.wait_indirect_dma semaphore(%run_scoped3A : memref<!tpu.dma_semaphore, #tpu.memory_space<semaphore_mem>>) src(%arg8 : memref<40x128xf32, #tpu.memory_space<vmem>>) dst(%dma_wait3A_259 : memref<10240x128xf32, #tpu.memory_space<vmem_shared>>)
        tpu.yield
      }) : () -> ()
      %dma_wait3A_248 = arith.constant 0 : i32
      %dma_wait3A_249 = arith.constant 0 : i32
      %dma_wait3A_250 = tpu.memref_slice %arg3[%dma_wait3A_248, %dma_wait3A_249] : memref<10240x128xf32, #tpu.memory_space<hbm>> -> memref<10240x128xf32, #tpu.memory_space<hbm>>
      tpu.wait_indirect_dma semaphore(%arg25 : memref<!tpu.dma_semaphore, #tpu.memory_space<semaphore_mem>>) src(%dma_wait3A_250 : memref<10240x128xf32, #tpu.memory_space<hbm>>) dst(%arg9 : memref<40x128xf32, #tpu.memory_space<vmem>>)
      %dma_wait3A_251 = tpu.memref_slice %arg2[%add3A_201] : memref<480000xi32, #tpu.memory_space<hbm>> -> memref<40xi32, #tpu.memory_space<hbm>>
      %dma_wait3A_252 = tpu.memref_slice %arg2[%add3A_201] : memref<480000xi32, #tpu.memory_space<hbm>> -> memref<40xi32, #tpu.memory_space<hbm>>
      tpu.wait_dma2 semaphore(%arg35 : memref<!tpu.dma_semaphore, #tpu.memory_space<semaphore_mem>>) src(%dma_wait3A_252 : memref<40xi32, #tpu.memory_space<hbm>>) dst(%arg19 : memref<40xi32, #tpu.memory_space<vmem>>)
      "tpu.region"() ({
        %run_scoped3A = tpu.sem_alloc : memref<!tpu.dma_semaphore, #tpu.memory_space<semaphore_mem>>
        %dma_start3A_254 = arith.constant 0 : i32
        %dma_start3A_255 = arith.constant 0 : i32
        %dma_start3A_256 = tpu.memref_slice %arg20[%dma_start3A_254, %dma_start3A_255] : memref<10240x128xf32, #tpu.memory_space<vmem_shared>> -> memref<10240x128xf32, #tpu.memory_space<vmem_shared>>
        tpu.enqueue_indirect_dma source(%arg9 : memref<40x128xf32, #tpu.memory_space<vmem>>) target(%dma_start3A_256 : memref<10240x128xf32, #tpu.memory_space<vmem_shared>>) offsets(%arg19 : memref<40xi32, #tpu.memory_space<vmem>>) semaphore(%run_scoped3A : memref<!tpu.dma_semaphore, #tpu.memory_space<semaphore_mem>>) {add = true}
        %dma_wait3A_257 = arith.constant 0 : i32
        %dma_wait3A_258 = arith.constant 0 : i32
        %dma_wait3A_259 = tpu.memref_slice %arg20[%dma_wait3A_257, %dma_wait3A_258] : memref<10240x128xf32, #tpu.memory_space<vmem_shared>> -> memref<10240x128xf32, #tpu.memory_space<vmem_shared>>
        tpu.wait_indirect_dma semaphore(%run_scoped3A : memref<!tpu.dma_semaphore, #tpu.memory_space<semaphore_mem>>) src(%arg9 : memref<40x128xf32, #tpu.memory_space<vmem>>) dst(%dma_wait3A_259 : memref<10240x128xf32, #tpu.memory_space<vmem_shared>>)
        tpu.yield
      }) : () -> ()
      %scan3A_253 = arith.constant 0 : i32
      scf.yield %scan3A_253 : i32
    }
    %scan3A_85 = arith.constant 25 : i32
    %barrier3A_86 = arith.constant 0 : index
    tpu.barrier barrier_id(%barrier3A_86)
    %mul3A_87 = arith.constant 640 : i32
    %mul3A_88 = arith.muli %arg1, %mul3A_87 : i32
    %add3A_89 = arith.constant 0 : i32
    %add3A_90 = arith.addi %mul3A_88, %add3A_89 : i32
    "tpu.region"() ({
      %run_scoped3A = tpu.sem_alloc : memref<!tpu.dma_semaphore, #tpu.memory_space<semaphore_mem>>
      %dma_start3A = arith.constant 0 : i32
      %dma_start3A_151 = tpu.memref_slice %arg20[%add3A_90, %dma_start3A] : memref<10240x128xf32, #tpu.memory_space<vmem_shared>> -> memref<40x128xf32, #tpu.memory_space<vmem_shared>>
      %dma_start3A_152 = arith.constant 0 : i32
      %dma_start3A_153 = tpu.memref_slice %arg20[%add3A_90, %dma_start3A_152] : memref<10240x128xf32, #tpu.memory_space<vmem_shared>> -> memref<40x128xf32, #tpu.memory_space<vmem_shared>>
      tpu.enqueue_dma source(%dma_start3A_153 : memref<40x128xf32, #tpu.memory_space<vmem_shared>>) target(%arg5 : memref<40x128xf32, #tpu.memory_space<vmem>>) target_semaphore(%run_scoped3A : memref<!tpu.dma_semaphore, #tpu.memory_space<semaphore_mem>>)
      %dma_wait3A = arith.constant 0 : i32
      %dma_wait3A_154 = tpu.memref_slice %arg20[%add3A_90, %dma_wait3A] : memref<10240x128xf32, #tpu.memory_space<vmem_shared>> -> memref<40x128xf32, #tpu.memory_space<vmem_shared>>
      %dma_wait3A_155 = arith.constant 0 : i32
      %dma_wait3A_156 = tpu.memref_slice %arg20[%add3A_90, %dma_wait3A_155] : memref<10240x128xf32, #tpu.memory_space<vmem_shared>> -> memref<40x128xf32, #tpu.memory_space<vmem_shared>>
      tpu.wait_dma2 semaphore(%run_scoped3A : memref<!tpu.dma_semaphore, #tpu.memory_space<semaphore_mem>>) src(%dma_wait3A_156 : memref<40x128xf32, #tpu.memory_space<vmem_shared>>) dst(%arg5 : memref<40x128xf32, #tpu.memory_space<vmem>>)
      tpu.yield
    }) : () -> ()
    "tpu.region"() ({
      %run_scoped3A = tpu.sem_alloc : memref<!tpu.dma_semaphore, #tpu.memory_space<semaphore_mem>>
      %dma_start3A = arith.constant 0 : i32
      %dma_start3A_151 = tpu.memref_slice %arg4[%arg0, %add3A_90, %dma_start3A] : memref<2x10240x128xf32, #tpu.memory_space<hbm>> -> memref<1x40x128xf32, #tpu.memory_space<hbm>>
      %dma_start3A_152 = tpu.memref_squeeze %dma_start3A_151 : memref<1x40x128xf32, #tpu.memory_space<hbm>> -> memref<40x128xf32, #tpu.memory_space<hbm>>
      %dma_start3A_153 = arith.constant 0 : i32
      %dma_start3A_154 = tpu.memref_slice %arg4[%arg0, %add3A_90, %dma_start3A_153] : memref<2x10240x128xf32, #tpu.memory_space<hbm>> -> memref<1x40x128xf32, #tpu.memory_space<hbm>>
      %dma_start3A_155 = tpu.memref_squeeze %dma_start3A_154 : memref<1x40x128xf32, #tpu.memory_space<hbm>> -> memref<40x128xf32, #tpu.memory_space<hbm>>
      tpu.enqueue_dma source(%arg5 : memref<40x128xf32, #tpu.memory_space<vmem>>) target(%dma_start3A_155 : memref<40x128xf32, #tpu.memory_space<hbm>>) target_semaphore(%run_scoped3A : memref<!tpu.dma_semaphore, #tpu.memory_space<semaphore_mem>>)
      %dma_wait3A = arith.constant 0 : i32
      %dma_wait3A_156 = tpu.memref_slice %arg4[%arg0, %add3A_90, %dma_wait3A] : memref<2x10240x128xf32, #tpu.memory_space<hbm>> -> memref<1x40x128xf32, #tpu.memory_space<hbm>>
      %dma_wait3A_157 = tpu.memref_squeeze %dma_wait3A_156 : memref<1x40x128xf32, #tpu.memory_space<hbm>> -> memref<40x128xf32, #tpu.memory_space<hbm>>
      %dma_wait3A_158 = arith.constant 0 : i32
      %dma_wait3A_159 = tpu.memref_slice %arg4[%arg0, %add3A_90, %dma_wait3A_158] : memref<2x10240x128xf32, #tpu.memory_space<hbm>> -> memref<1x40x128xf32, #tpu.memory_space<hbm>>
      %dma_wait3A_160 = tpu.memref_squeeze %dma_wait3A_159 : memref<1x40x128xf32, #tpu.memory_space<hbm>> -> memref<40x128xf32, #tpu.memory_space<hbm>>
      tpu.wait_dma2 semaphore(%run_scoped3A : memref<!tpu.dma_semaphore, #tpu.memory_space<semaphore_mem>>) src(%arg5 : memref<40x128xf32, #tpu.memory_space<vmem>>) dst(%dma_wait3A_160 : memref<40x128xf32, #tpu.memory_space<hbm>>)
      tpu.yield
    }) : () -> ()
    %mul3A_91 = arith.constant 640 : i32
    %mul3A_92 = arith.muli %arg1, %mul3A_91 : i32
    %add3A_93 = arith.constant 40 : i32
    %add3A_94 = arith.addi %mul3A_92, %add3A_93 : i32
    "tpu.region"() ({
      %run_scoped3A = tpu.sem_alloc : memref<!tpu.dma_semaphore, #tpu.memory_space<semaphore_mem>>
      %dma_start3A = arith.constant 0 : i32
      %dma_start3A_151 = tpu.memref_slice %arg20[%add3A_94, %dma_start3A] : memref<10240x128xf32, #tpu.memory_space<vmem_shared>> -> memref<40x128xf32, #tpu.memory_space<vmem_shared>>
      %dma_start3A_152 = arith.constant 0 : i32
      %dma_start3A_153 = tpu.memref_slice %arg20[%add3A_94, %dma_start3A_152] : memref<10240x128xf32, #tpu.memory_space<vmem_shared>> -> memref<40x128xf32, #tpu.memory_space<vmem_shared>>
      tpu.enqueue_dma source(%dma_start3A_153 : memref<40x128xf32, #tpu.memory_space<vmem_shared>>) target(%arg6 : memref<40x128xf32, #tpu.memory_space<vmem>>) target_semaphore(%run_scoped3A : memref<!tpu.dma_semaphore, #tpu.memory_space<semaphore_mem>>)
      %dma_wait3A = arith.constant 0 : i32
      %dma_wait3A_154 = tpu.memref_slice %arg20[%add3A_94, %dma_wait3A] : memref<10240x128xf32, #tpu.memory_space<vmem_shared>> -> memref<40x128xf32, #tpu.memory_space<vmem_shared>>
      %dma_wait3A_155 = arith.constant 0 : i32
      %dma_wait3A_156 = tpu.memref_slice %arg20[%add3A_94, %dma_wait3A_155] : memref<10240x128xf32, #tpu.memory_space<vmem_shared>> -> memref<40x128xf32, #tpu.memory_space<vmem_shared>>
      tpu.wait_dma2 semaphore(%run_scoped3A : memref<!tpu.dma_semaphore, #tpu.memory_space<semaphore_mem>>) src(%dma_wait3A_156 : memref<40x128xf32, #tpu.memory_space<vmem_shared>>) dst(%arg6 : memref<40x128xf32, #tpu.memory_space<vmem>>)
      tpu.yield
    }) : () -> ()
    "tpu.region"() ({
      %run_scoped3A = tpu.sem_alloc : memref<!tpu.dma_semaphore, #tpu.memory_space<semaphore_mem>>
      %dma_start3A = arith.constant 0 : i32
      %dma_start3A_151 = tpu.memref_slice %arg4[%arg0, %add3A_94, %dma_start3A] : memref<2x10240x128xf32, #tpu.memory_space<hbm>> -> memref<1x40x128xf32, #tpu.memory_space<hbm>>
      %dma_start3A_152 = tpu.memref_squeeze %dma_start3A_151 : memref<1x40x128xf32, #tpu.memory_space<hbm>> -> memref<40x128xf32, #tpu.memory_space<hbm>>
      %dma_start3A_153 = arith.constant 0 : i32
      %dma_start3A_154 = tpu.memref_slice %arg4[%arg0, %add3A_94, %dma_start3A_153] : memref<2x10240x128xf32, #tpu.memory_space<hbm>> -> memref<1x40x128xf32, #tpu.memory_space<hbm>>
      %dma_start3A_155 = tpu.memref_squeeze %dma_start3A_154 : memref<1x40x128xf32, #tpu.memory_space<hbm>> -> memref<40x128xf32, #tpu.memory_space<hbm>>
      tpu.enqueue_dma source(%arg6 : memref<40x128xf32, #tpu.memory_space<vmem>>) target(%dma_start3A_155 : memref<40x128xf32, #tpu.memory_space<hbm>>) target_semaphore(%run_scoped3A : memref<!tpu.dma_semaphore, #tpu.memory_space<semaphore_mem>>)
      %dma_wait3A = arith.constant 0 : i32
      %dma_wait3A_156 = tpu.memref_slice %arg4[%arg0, %add3A_94, %dma_wait3A] : memref<2x10240x128xf32, #tpu.memory_space<hbm>> -> memref<1x40x128xf32, #tpu.memory_space<hbm>>
      %dma_wait3A_157 = tpu.memref_squeeze %dma_wait3A_156 : memref<1x40x128xf32, #tpu.memory_space<hbm>> -> memref<40x128xf32, #tpu.memory_space<hbm>>
      %dma_wait3A_158 = arith.constant 0 : i32
      %dma_wait3A_159 = tpu.memref_slice %arg4[%arg0, %add3A_94, %dma_wait3A_158] : memref<2x10240x128xf32, #tpu.memory_space<hbm>> -> memref<1x40x128xf32, #tpu.memory_space<hbm>>
      %dma_wait3A_160 = tpu.memref_squeeze %dma_wait3A_159 : memref<1x40x128xf32, #tpu.memory_space<hbm>> -> memref<40x128xf32, #tpu.memory_space<hbm>>
      tpu.wait_dma2 semaphore(%run_scoped3A : memref<!tpu.dma_semaphore, #tpu.memory_space<semaphore_mem>>) src(%arg6 : memref<40x128xf32, #tpu.memory_space<vmem>>) dst(%dma_wait3A_160 : memref<40x128xf32, #tpu.memory_space<hbm>>)
      tpu.yield
    }) : () -> ()
    %mul3A_95 = arith.constant 640 : i32
    %mul3A_96 = arith.muli %arg1, %mul3A_95 : i32
    %add3A_97 = arith.constant 80 : i32
    %add3A_98 = arith.addi %mul3A_96, %add3A_97 : i32
    "tpu.region"() ({
      %run_scoped3A = tpu.sem_alloc : memref<!tpu.dma_semaphore, #tpu.memory_space<semaphore_mem>>
      %dma_start3A = arith.constant 0 : i32
      %dma_start3A_151 = tpu.memref_slice %arg20[%add3A_98, %dma_start3A] : memref<10240x128xf32, #tpu.memory_space<vmem_shared>> -> memref<40x128xf32, #tpu.memory_space<vmem_shared>>
      %dma_start3A_152 = arith.constant 0 : i32
      %dma_start3A_153 = tpu.memref_slice %arg20[%add3A_98, %dma_start3A_152] : memref<10240x128xf32, #tpu.memory_space<vmem_shared>> -> memref<40x128xf32, #tpu.memory_space<vmem_shared>>
      tpu.enqueue_dma source(%dma_start3A_153 : memref<40x128xf32, #tpu.memory_space<vmem_shared>>) target(%arg7 : memref<40x128xf32, #tpu.memory_space<vmem>>) target_semaphore(%run_scoped3A : memref<!tpu.dma_semaphore, #tpu.memory_space<semaphore_mem>>)
      %dma_wait3A = arith.constant 0 : i32
      %dma_wait3A_154 = tpu.memref_slice %arg20[%add3A_98, %dma_wait3A] : memref<10240x128xf32, #tpu.memory_space<vmem_shared>> -> memref<40x128xf32, #tpu.memory_space<vmem_shared>>
      %dma_wait3A_155 = arith.constant 0 : i32
      %dma_wait3A_156 = tpu.memref_slice %arg20[%add3A_98, %dma_wait3A_155] : memref<10240x128xf32, #tpu.memory_space<vmem_shared>> -> memref<40x128xf32, #tpu.memory_space<vmem_shared>>
      tpu.wait_dma2 semaphore(%run_scoped3A : memref<!tpu.dma_semaphore, #tpu.memory_space<semaphore_mem>>) src(%dma_wait3A_156 : memref<40x128xf32, #tpu.memory_space<vmem_shared>>) dst(%arg7 : memref<40x128xf32, #tpu.memory_space<vmem>>)
      tpu.yield
    }) : () -> ()
    "tpu.region"() ({
      %run_scoped3A = tpu.sem_alloc : memref<!tpu.dma_semaphore, #tpu.memory_space<semaphore_mem>>
      %dma_start3A = arith.constant 0 : i32
      %dma_start3A_151 = tpu.memref_slice %arg4[%arg0, %add3A_98, %dma_start3A] : memref<2x10240x128xf32, #tpu.memory_space<hbm>> -> memref<1x40x128xf32, #tpu.memory_space<hbm>>
      %dma_start3A_152 = tpu.memref_squeeze %dma_start3A_151 : memref<1x40x128xf32, #tpu.memory_space<hbm>> -> memref<40x128xf32, #tpu.memory_space<hbm>>
      %dma_start3A_153 = arith.constant 0 : i32
      %dma_start3A_154 = tpu.memref_slice %arg4[%arg0, %add3A_98, %dma_start3A_153] : memref<2x10240x128xf32, #tpu.memory_space<hbm>> -> memref<1x40x128xf32, #tpu.memory_space<hbm>>
      %dma_start3A_155 = tpu.memref_squeeze %dma_start3A_154 : memref<1x40x128xf32, #tpu.memory_space<hbm>> -> memref<40x128xf32, #tpu.memory_space<hbm>>
      tpu.enqueue_dma source(%arg7 : memref<40x128xf32, #tpu.memory_space<vmem>>) target(%dma_start3A_155 : memref<40x128xf32, #tpu.memory_space<hbm>>) target_semaphore(%run_scoped3A : memref<!tpu.dma_semaphore, #tpu.memory_space<semaphore_mem>>)
      %dma_wait3A = arith.constant 0 : i32
      %dma_wait3A_156 = tpu.memref_slice %arg4[%arg0, %add3A_98, %dma_wait3A] : memref<2x10240x128xf32, #tpu.memory_space<hbm>> -> memref<1x40x128xf32, #tpu.memory_space<hbm>>
      %dma_wait3A_157 = tpu.memref_squeeze %dma_wait3A_156 : memref<1x40x128xf32, #tpu.memory_space<hbm>> -> memref<40x128xf32, #tpu.memory_space<hbm>>
      %dma_wait3A_158 = arith.constant 0 : i32
      %dma_wait3A_159 = tpu.memref_slice %arg4[%arg0, %add3A_98, %dma_wait3A_158] : memref<2x10240x128xf32, #tpu.memory_space<hbm>> -> memref<1x40x128xf32, #tpu.memory_space<hbm>>
      %dma_wait3A_160 = tpu.memref_squeeze %dma_wait3A_159 : memref<1x40x128xf32, #tpu.memory_space<hbm>> -> memref<40x128xf32, #tpu.memory_space<hbm>>
      tpu.wait_dma2 semaphore(%run_scoped3A : memref<!tpu.dma_semaphore, #tpu.memory_space<semaphore_mem>>) src(%arg7 : memref<40x128xf32, #tpu.memory_space<vmem>>) dst(%dma_wait3A_160 : memref<40x128xf32, #tpu.memory_space<hbm>>)
      tpu.yield
    }) : () -> ()
    %mul3A_99 = arith.constant 640 : i32
    %mul3A_100 = arith.muli %arg1, %mul3A_99 : i32
    %add3A_101 = arith.constant 120 : i32
    %add3A_102 = arith.addi %mul3A_100, %add3A_101 : i32
    "tpu.region"() ({
      %run_scoped3A = tpu.sem_alloc : memref<!tpu.dma_semaphore, #tpu.memory_space<semaphore_mem>>
      %dma_start3A = arith.constant 0 : i32
      %dma_start3A_151 = tpu.memref_slice %arg20[%add3A_102, %dma_start3A] : memref<10240x128xf32, #tpu.memory_space<vmem_shared>> -> memref<40x128xf32, #tpu.memory_space<vmem_shared>>
      %dma_start3A_152 = arith.constant 0 : i32
      %dma_start3A_153 = tpu.memref_slice %arg20[%add3A_102, %dma_start3A_152] : memref<10240x128xf32, #tpu.memory_space<vmem_shared>> -> memref<40x128xf32, #tpu.memory_space<vmem_shared>>
      tpu.enqueue_dma source(%dma_start3A_153 : memref<40x128xf32, #tpu.memory_space<vmem_shared>>) target(%arg8 : memref<40x128xf32, #tpu.memory_space<vmem>>) target_semaphore(%run_scoped3A : memref<!tpu.dma_semaphore, #tpu.memory_space<semaphore_mem>>)
      %dma_wait3A = arith.constant 0 : i32
      %dma_wait3A_154 = tpu.memref_slice %arg20[%add3A_102, %dma_wait3A] : memref<10240x128xf32, #tpu.memory_space<vmem_shared>> -> memref<40x128xf32, #tpu.memory_space<vmem_shared>>
      %dma_wait3A_155 = arith.constant 0 : i32
      %dma_wait3A_156 = tpu.memref_slice %arg20[%add3A_102, %dma_wait3A_155] : memref<10240x128xf32, #tpu.memory_space<vmem_shared>> -> memref<40x128xf32, #tpu.memory_space<vmem_shared>>
      tpu.wait_dma2 semaphore(%run_scoped3A : memref<!tpu.dma_semaphore, #tpu.memory_space<semaphore_mem>>) src(%dma_wait3A_156 : memref<40x128xf32, #tpu.memory_space<vmem_shared>>) dst(%arg8 : memref<40x128xf32, #tpu.memory_space<vmem>>)
      tpu.yield
    }) : () -> ()
    "tpu.region"() ({
      %run_scoped3A = tpu.sem_alloc : memref<!tpu.dma_semaphore, #tpu.memory_space<semaphore_mem>>
      %dma_start3A = arith.constant 0 : i32
      %dma_start3A_151 = tpu.memref_slice %arg4[%arg0, %add3A_102, %dma_start3A] : memref<2x10240x128xf32, #tpu.memory_space<hbm>> -> memref<1x40x128xf32, #tpu.memory_space<hbm>>
      %dma_start3A_152 = tpu.memref_squeeze %dma_start3A_151 : memref<1x40x128xf32, #tpu.memory_space<hbm>> -> memref<40x128xf32, #tpu.memory_space<hbm>>
      %dma_start3A_153 = arith.constant 0 : i32
      %dma_start3A_154 = tpu.memref_slice %arg4[%arg0, %add3A_102, %dma_start3A_153] : memref<2x10240x128xf32, #tpu.memory_space<hbm>> -> memref<1x40x128xf32, #tpu.memory_space<hbm>>
      %dma_start3A_155 = tpu.memref_squeeze %dma_start3A_154 : memref<1x40x128xf32, #tpu.memory_space<hbm>> -> memref<40x128xf32, #tpu.memory_space<hbm>>
      tpu.enqueue_dma source(%arg8 : memref<40x128xf32, #tpu.memory_space<vmem>>) target(%dma_start3A_155 : memref<40x128xf32, #tpu.memory_space<hbm>>) target_semaphore(%run_scoped3A : memref<!tpu.dma_semaphore, #tpu.memory_space<semaphore_mem>>)
      %dma_wait3A = arith.constant 0 : i32
      %dma_wait3A_156 = tpu.memref_slice %arg4[%arg0, %add3A_102, %dma_wait3A] : memref<2x10240x128xf32, #tpu.memory_space<hbm>> -> memref<1x40x128xf32, #tpu.memory_space<hbm>>
      %dma_wait3A_157 = tpu.memref_squeeze %dma_wait3A_156 : memref<1x40x128xf32, #tpu.memory_space<hbm>> -> memref<40x128xf32, #tpu.memory_space<hbm>>
      %dma_wait3A_158 = arith.constant 0 : i32
      %dma_wait3A_159 = tpu.memref_slice %arg4[%arg0, %add3A_102, %dma_wait3A_158] : memref<2x10240x128xf32, #tpu.memory_space<hbm>> -> memref<1x40x128xf32, #tpu.memory_space<hbm>>
      %dma_wait3A_160 = tpu.memref_squeeze %dma_wait3A_159 : memref<1x40x128xf32, #tpu.memory_space<hbm>> -> memref<40x128xf32, #tpu.memory_space<hbm>>
      tpu.wait_dma2 semaphore(%run_scoped3A : memref<!tpu.dma_semaphore, #tpu.memory_space<semaphore_mem>>) src(%arg8 : memref<40x128xf32, #tpu.memory_space<vmem>>) dst(%dma_wait3A_160 : memref<40x128xf32, #tpu.memory_space<hbm>>)
      tpu.yield
    }) : () -> ()
    %mul3A_103 = arith.constant 640 : i32
    %mul3A_104 = arith.muli %arg1, %mul3A_103 : i32
    %add3A_105 = arith.constant 160 : i32
    %add3A_106 = arith.addi %mul3A_104, %add3A_105 : i32
    "tpu.region"() ({
      %run_scoped3A = tpu.sem_alloc : memref<!tpu.dma_semaphore, #tpu.memory_space<semaphore_mem>>
      %dma_start3A = arith.constant 0 : i32
      %dma_start3A_151 = tpu.memref_slice %arg20[%add3A_106, %dma_start3A] : memref<10240x128xf32, #tpu.memory_space<vmem_shared>> -> memref<40x128xf32, #tpu.memory_space<vmem_shared>>
      %dma_start3A_152 = arith.constant 0 : i32
      %dma_start3A_153 = tpu.memref_slice %arg20[%add3A_106, %dma_start3A_152] : memref<10240x128xf32, #tpu.memory_space<vmem_shared>> -> memref<40x128xf32, #tpu.memory_space<vmem_shared>>
      tpu.enqueue_dma source(%dma_start3A_153 : memref<40x128xf32, #tpu.memory_space<vmem_shared>>) target(%arg9 : memref<40x128xf32, #tpu.memory_space<vmem>>) target_semaphore(%run_scoped3A : memref<!tpu.dma_semaphore, #tpu.memory_space<semaphore_mem>>)
      %dma_wait3A = arith.constant 0 : i32
      %dma_wait3A_154 = tpu.memref_slice %arg20[%add3A_106, %dma_wait3A] : memref<10240x128xf32, #tpu.memory_space<vmem_shared>> -> memref<40x128xf32, #tpu.memory_space<vmem_shared>>
      %dma_wait3A_155 = arith.constant 0 : i32
      %dma_wait3A_156 = tpu.memref_slice %arg20[%add3A_106, %dma_wait3A_155] : memref<10240x128xf32, #tpu.memory_space<vmem_shared>> -> memref<40x128xf32, #tpu.memory_space<vmem_shared>>
      tpu.wait_dma2 semaphore(%run_scoped3A : memref<!tpu.dma_semaphore, #tpu.memory_space<semaphore_mem>>) src(%dma_wait3A_156 : memref<40x128xf32, #tpu.memory_space<vmem_shared>>) dst(%arg9 : memref<40x128xf32, #tpu.memory_space<vmem>>)
      tpu.yield
    }) : () -> ()
    "tpu.region"() ({
      %run_scoped3A = tpu.sem_alloc : memref<!tpu.dma_semaphore, #tpu.memory_space<semaphore_mem>>
      %dma_start3A = arith.constant 0 : i32
      %dma_start3A_151 = tpu.memref_slice %arg4[%arg0, %add3A_106, %dma_start3A] : memref<2x10240x128xf32, #tpu.memory_space<hbm>> -> memref<1x40x128xf32, #tpu.memory_space<hbm>>
      %dma_start3A_152 = tpu.memref_squeeze %dma_start3A_151 : memref<1x40x128xf32, #tpu.memory_space<hbm>> -> memref<40x128xf32, #tpu.memory_space<hbm>>
      %dma_start3A_153 = arith.constant 0 : i32
      %dma_start3A_154 = tpu.memref_slice %arg4[%arg0, %add3A_106, %dma_start3A_153] : memref<2x10240x128xf32, #tpu.memory_space<hbm>> -> memref<1x40x128xf32, #tpu.memory_space<hbm>>
      %dma_start3A_155 = tpu.memref_squeeze %dma_start3A_154 : memref<1x40x128xf32, #tpu.memory_space<hbm>> -> memref<40x128xf32, #tpu.memory_space<hbm>>
      tpu.enqueue_dma source(%arg9 : memref<40x128xf32, #tpu.memory_space<vmem>>) target(%dma_start3A_155 : memref<40x128xf32, #tpu.memory_space<hbm>>) target_semaphore(%run_scoped3A : memref<!tpu.dma_semaphore, #tpu.memory_space<semaphore_mem>>)
      %dma_wait3A = arith.constant 0 : i32
      %dma_wait3A_156 = tpu.memref_slice %arg4[%arg0, %add3A_106, %dma_wait3A] : memref<2x10240x128xf32, #tpu.memory_space<hbm>> -> memref<1x40x128xf32, #tpu.memory_space<hbm>>
      %dma_wait3A_157 = tpu.memref_squeeze %dma_wait3A_156 : memref<1x40x128xf32, #tpu.memory_space<hbm>> -> memref<40x128xf32, #tpu.memory_space<hbm>>
      %dma_wait3A_158 = arith.constant 0 : i32
      %dma_wait3A_159 = tpu.memref_slice %arg4[%arg0, %add3A_106, %dma_wait3A_158] : memref<2x10240x128xf32, #tpu.memory_space<hbm>> -> memref<1x40x128xf32, #tpu.memory_space<hbm>>
      %dma_wait3A_160 = tpu.memref_squeeze %dma_wait3A_159 : memref<1x40x128xf32, #tpu.memory_space<hbm>> -> memref<40x128xf32, #tpu.memory_space<hbm>>
      tpu.wait_dma2 semaphore(%run_scoped3A : memref<!tpu.dma_semaphore, #tpu.memory_space<semaphore_mem>>) src(%arg9 : memref<40x128xf32, #tpu.memory_space<vmem>>) dst(%dma_wait3A_160 : memref<40x128xf32, #tpu.memory_space<hbm>>)
      tpu.yield
    }) : () -> ()
    %mul3A_107 = arith.constant 640 : i32
    %mul3A_108 = arith.muli %arg1, %mul3A_107 : i32
    %add3A_109 = arith.constant 200 : i32
    %add3A_110 = arith.addi %mul3A_108, %add3A_109 : i32
    "tpu.region"() ({
      %run_scoped3A = tpu.sem_alloc : memref<!tpu.dma_semaphore, #tpu.memory_space<semaphore_mem>>
      %dma_start3A = arith.constant 0 : i32
      %dma_start3A_151 = tpu.memref_slice %arg20[%add3A_110, %dma_start3A] : memref<10240x128xf32, #tpu.memory_space<vmem_shared>> -> memref<40x128xf32, #tpu.memory_space<vmem_shared>>
      %dma_start3A_152 = arith.constant 0 : i32
      %dma_start3A_153 = tpu.memref_slice %arg20[%add3A_110, %dma_start3A_152] : memref<10240x128xf32, #tpu.memory_space<vmem_shared>> -> memref<40x128xf32, #tpu.memory_space<vmem_shared>>
      tpu.enqueue_dma source(%dma_start3A_153 : memref<40x128xf32, #tpu.memory_space<vmem_shared>>) target(%arg5 : memref<40x128xf32, #tpu.memory_space<vmem>>) target_semaphore(%run_scoped3A : memref<!tpu.dma_semaphore, #tpu.memory_space<semaphore_mem>>)
      %dma_wait3A = arith.constant 0 : i32
      %dma_wait3A_154 = tpu.memref_slice %arg20[%add3A_110, %dma_wait3A] : memref<10240x128xf32, #tpu.memory_space<vmem_shared>> -> memref<40x128xf32, #tpu.memory_space<vmem_shared>>
      %dma_wait3A_155 = arith.constant 0 : i32
      %dma_wait3A_156 = tpu.memref_slice %arg20[%add3A_110, %dma_wait3A_155] : memref<10240x128xf32, #tpu.memory_space<vmem_shared>> -> memref<40x128xf32, #tpu.memory_space<vmem_shared>>
      tpu.wait_dma2 semaphore(%run_scoped3A : memref<!tpu.dma_semaphore, #tpu.memory_space<semaphore_mem>>) src(%dma_wait3A_156 : memref<40x128xf32, #tpu.memory_space<vmem_shared>>) dst(%arg5 : memref<40x128xf32, #tpu.memory_space<vmem>>)
      tpu.yield
    }) : () -> ()
    "tpu.region"() ({
      %run_scoped3A = tpu.sem_alloc : memref<!tpu.dma_semaphore, #tpu.memory_space<semaphore_mem>>
      %dma_start3A = arith.constant 0 : i32
      %dma_start3A_151 = tpu.memref_slice %arg4[%arg0, %add3A_110, %dma_start3A] : memref<2x10240x128xf32, #tpu.memory_space<hbm>> -> memref<1x40x128xf32, #tpu.memory_space<hbm>>
      %dma_start3A_152 = tpu.memref_squeeze %dma_start3A_151 : memref<1x40x128xf32, #tpu.memory_space<hbm>> -> memref<40x128xf32, #tpu.memory_space<hbm>>
      %dma_start3A_153 = arith.constant 0 : i32
      %dma_start3A_154 = tpu.memref_slice %arg4[%arg0, %add3A_110, %dma_start3A_153] : memref<2x10240x128xf32, #tpu.memory_space<hbm>> -> memref<1x40x128xf32, #tpu.memory_space<hbm>>
      %dma_start3A_155 = tpu.memref_squeeze %dma_start3A_154 : memref<1x40x128xf32, #tpu.memory_space<hbm>> -> memref<40x128xf32, #tpu.memory_space<hbm>>
      tpu.enqueue_dma source(%arg5 : memref<40x128xf32, #tpu.memory_space<vmem>>) target(%dma_start3A_155 : memref<40x128xf32, #tpu.memory_space<hbm>>) target_semaphore(%run_scoped3A : memref<!tpu.dma_semaphore, #tpu.memory_space<semaphore_mem>>)
      %dma_wait3A = arith.constant 0 : i32
      %dma_wait3A_156 = tpu.memref_slice %arg4[%arg0, %add3A_110, %dma_wait3A] : memref<2x10240x128xf32, #tpu.memory_space<hbm>> -> memref<1x40x128xf32, #tpu.memory_space<hbm>>
      %dma_wait3A_157 = tpu.memref_squeeze %dma_wait3A_156 : memref<1x40x128xf32, #tpu.memory_space<hbm>> -> memref<40x128xf32, #tpu.memory_space<hbm>>
      %dma_wait3A_158 = arith.constant 0 : i32
      %dma_wait3A_159 = tpu.memref_slice %arg4[%arg0, %add3A_110, %dma_wait3A_158] : memref<2x10240x128xf32, #tpu.memory_space<hbm>> -> memref<1x40x128xf32, #tpu.memory_space<hbm>>
      %dma_wait3A_160 = tpu.memref_squeeze %dma_wait3A_159 : memref<1x40x128xf32, #tpu.memory_space<hbm>> -> memref<40x128xf32, #tpu.memory_space<hbm>>
      tpu.wait_dma2 semaphore(%run_scoped3A : memref<!tpu.dma_semaphore, #tpu.memory_space<semaphore_mem>>) src(%arg5 : memref<40x128xf32, #tpu.memory_space<vmem>>) dst(%dma_wait3A_160 : memref<40x128xf32, #tpu.memory_space<hbm>>)
      tpu.yield
    }) : () -> ()
    %mul3A_111 = arith.constant 640 : i32
    %mul3A_112 = arith.muli %arg1, %mul3A_111 : i32
    %add3A_113 = arith.constant 240 : i32
    %add3A_114 = arith.addi %mul3A_112, %add3A_113 : i32
    "tpu.region"() ({
      %run_scoped3A = tpu.sem_alloc : memref<!tpu.dma_semaphore, #tpu.memory_space<semaphore_mem>>
      %dma_start3A = arith.constant 0 : i32
      %dma_start3A_151 = tpu.memref_slice %arg20[%add3A_114, %dma_start3A] : memref<10240x128xf32, #tpu.memory_space<vmem_shared>> -> memref<40x128xf32, #tpu.memory_space<vmem_shared>>
      %dma_start3A_152 = arith.constant 0 : i32
      %dma_start3A_153 = tpu.memref_slice %arg20[%add3A_114, %dma_start3A_152] : memref<10240x128xf32, #tpu.memory_space<vmem_shared>> -> memref<40x128xf32, #tpu.memory_space<vmem_shared>>
      tpu.enqueue_dma source(%dma_start3A_153 : memref<40x128xf32, #tpu.memory_space<vmem_shared>>) target(%arg6 : memref<40x128xf32, #tpu.memory_space<vmem>>) target_semaphore(%run_scoped3A : memref<!tpu.dma_semaphore, #tpu.memory_space<semaphore_mem>>)
      %dma_wait3A = arith.constant 0 : i32
      %dma_wait3A_154 = tpu.memref_slice %arg20[%add3A_114, %dma_wait3A] : memref<10240x128xf32, #tpu.memory_space<vmem_shared>> -> memref<40x128xf32, #tpu.memory_space<vmem_shared>>
      %dma_wait3A_155 = arith.constant 0 : i32
      %dma_wait3A_156 = tpu.memref_slice %arg20[%add3A_114, %dma_wait3A_155] : memref<10240x128xf32, #tpu.memory_space<vmem_shared>> -> memref<40x128xf32, #tpu.memory_space<vmem_shared>>
      tpu.wait_dma2 semaphore(%run_scoped3A : memref<!tpu.dma_semaphore, #tpu.memory_space<semaphore_mem>>) src(%dma_wait3A_156 : memref<40x128xf32, #tpu.memory_space<vmem_shared>>) dst(%arg6 : memref<40x128xf32, #tpu.memory_space<vmem>>)
      tpu.yield
    }) : () -> ()
    "tpu.region"() ({
      %run_scoped3A = tpu.sem_alloc : memref<!tpu.dma_semaphore, #tpu.memory_space<semaphore_mem>>
      %dma_start3A = arith.constant 0 : i32
      %dma_start3A_151 = tpu.memref_slice %arg4[%arg0, %add3A_114, %dma_start3A] : memref<2x10240x128xf32, #tpu.memory_space<hbm>> -> memref<1x40x128xf32, #tpu.memory_space<hbm>>
      %dma_start3A_152 = tpu.memref_squeeze %dma_start3A_151 : memref<1x40x128xf32, #tpu.memory_space<hbm>> -> memref<40x128xf32, #tpu.memory_space<hbm>>
      %dma_start3A_153 = arith.constant 0 : i32
      %dma_start3A_154 = tpu.memref_slice %arg4[%arg0, %add3A_114, %dma_start3A_153] : memref<2x10240x128xf32, #tpu.memory_space<hbm>> -> memref<1x40x128xf32, #tpu.memory_space<hbm>>
      %dma_start3A_155 = tpu.memref_squeeze %dma_start3A_154 : memref<1x40x128xf32, #tpu.memory_space<hbm>> -> memref<40x128xf32, #tpu.memory_space<hbm>>
      tpu.enqueue_dma source(%arg6 : memref<40x128xf32, #tpu.memory_space<vmem>>) target(%dma_start3A_155 : memref<40x128xf32, #tpu.memory_space<hbm>>) target_semaphore(%run_scoped3A : memref<!tpu.dma_semaphore, #tpu.memory_space<semaphore_mem>>)
      %dma_wait3A = arith.constant 0 : i32
      %dma_wait3A_156 = tpu.memref_slice %arg4[%arg0, %add3A_114, %dma_wait3A] : memref<2x10240x128xf32, #tpu.memory_space<hbm>> -> memref<1x40x128xf32, #tpu.memory_space<hbm>>
      %dma_wait3A_157 = tpu.memref_squeeze %dma_wait3A_156 : memref<1x40x128xf32, #tpu.memory_space<hbm>> -> memref<40x128xf32, #tpu.memory_space<hbm>>
      %dma_wait3A_158 = arith.constant 0 : i32
      %dma_wait3A_159 = tpu.memref_slice %arg4[%arg0, %add3A_114, %dma_wait3A_158] : memref<2x10240x128xf32, #tpu.memory_space<hbm>> -> memref<1x40x128xf32, #tpu.memory_space<hbm>>
      %dma_wait3A_160 = tpu.memref_squeeze %dma_wait3A_159 : memref<1x40x128xf32, #tpu.memory_space<hbm>> -> memref<40x128xf32, #tpu.memory_space<hbm>>
      tpu.wait_dma2 semaphore(%run_scoped3A : memref<!tpu.dma_semaphore, #tpu.memory_space<semaphore_mem>>) src(%arg6 : memref<40x128xf32, #tpu.memory_space<vmem>>) dst(%dma_wait3A_160 : memref<40x128xf32, #tpu.memory_space<hbm>>)
      tpu.yield
    }) : () -> ()
    %mul3A_115 = arith.constant 640 : i32
    %mul3A_116 = arith.muli %arg1, %mul3A_115 : i32
    %add3A_117 = arith.constant 280 : i32
    %add3A_118 = arith.addi %mul3A_116, %add3A_117 : i32
    "tpu.region"() ({
      %run_scoped3A = tpu.sem_alloc : memref<!tpu.dma_semaphore, #tpu.memory_space<semaphore_mem>>
      %dma_start3A = arith.constant 0 : i32
      %dma_start3A_151 = tpu.memref_slice %arg20[%add3A_118, %dma_start3A] : memref<10240x128xf32, #tpu.memory_space<vmem_shared>> -> memref<40x128xf32, #tpu.memory_space<vmem_shared>>
      %dma_start3A_152 = arith.constant 0 : i32
      %dma_start3A_153 = tpu.memref_slice %arg20[%add3A_118, %dma_start3A_152] : memref<10240x128xf32, #tpu.memory_space<vmem_shared>> -> memref<40x128xf32, #tpu.memory_space<vmem_shared>>
      tpu.enqueue_dma source(%dma_start3A_153 : memref<40x128xf32, #tpu.memory_space<vmem_shared>>) target(%arg7 : memref<40x128xf32, #tpu.memory_space<vmem>>) target_semaphore(%run_scoped3A : memref<!tpu.dma_semaphore, #tpu.memory_space<semaphore_mem>>)
      %dma_wait3A = arith.constant 0 : i32
      %dma_wait3A_154 = tpu.memref_slice %arg20[%add3A_118, %dma_wait3A] : memref<10240x128xf32, #tpu.memory_space<vmem_shared>> -> memref<40x128xf32, #tpu.memory_space<vmem_shared>>
      %dma_wait3A_155 = arith.constant 0 : i32
      %dma_wait3A_156 = tpu.memref_slice %arg20[%add3A_118, %dma_wait3A_155] : memref<10240x128xf32, #tpu.memory_space<vmem_shared>> -> memref<40x128xf32, #tpu.memory_space<vmem_shared>>
      tpu.wait_dma2 semaphore(%run_scoped3A : memref<!tpu.dma_semaphore, #tpu.memory_space<semaphore_mem>>) src(%dma_wait3A_156 : memref<40x128xf32, #tpu.memory_space<vmem_shared>>) dst(%arg7 : memref<40x128xf32, #tpu.memory_space<vmem>>)
      tpu.yield
    }) : () -> ()
    "tpu.region"() ({
      %run_scoped3A = tpu.sem_alloc : memref<!tpu.dma_semaphore, #tpu.memory_space<semaphore_mem>>
      %dma_start3A = arith.constant 0 : i32
      %dma_start3A_151 = tpu.memref_slice %arg4[%arg0, %add3A_118, %dma_start3A] : memref<2x10240x128xf32, #tpu.memory_space<hbm>> -> memref<1x40x128xf32, #tpu.memory_space<hbm>>
      %dma_start3A_152 = tpu.memref_squeeze %dma_start3A_151 : memref<1x40x128xf32, #tpu.memory_space<hbm>> -> memref<40x128xf32, #tpu.memory_space<hbm>>
      %dma_start3A_153 = arith.constant 0 : i32
      %dma_start3A_154 = tpu.memref_slice %arg4[%arg0, %add3A_118, %dma_start3A_153] : memref<2x10240x128xf32, #tpu.memory_space<hbm>> -> memref<1x40x128xf32, #tpu.memory_space<hbm>>
      %dma_start3A_155 = tpu.memref_squeeze %dma_start3A_154 : memref<1x40x128xf32, #tpu.memory_space<hbm>> -> memref<40x128xf32, #tpu.memory_space<hbm>>
      tpu.enqueue_dma source(%arg7 : memref<40x128xf32, #tpu.memory_space<vmem>>) target(%dma_start3A_155 : memref<40x128xf32, #tpu.memory_space<hbm>>) target_semaphore(%run_scoped3A : memref<!tpu.dma_semaphore, #tpu.memory_space<semaphore_mem>>)
      %dma_wait3A = arith.constant 0 : i32
      %dma_wait3A_156 = tpu.memref_slice %arg4[%arg0, %add3A_118, %dma_wait3A] : memref<2x10240x128xf32, #tpu.memory_space<hbm>> -> memref<1x40x128xf32, #tpu.memory_space<hbm>>
      %dma_wait3A_157 = tpu.memref_squeeze %dma_wait3A_156 : memref<1x40x128xf32, #tpu.memory_space<hbm>> -> memref<40x128xf32, #tpu.memory_space<hbm>>
      %dma_wait3A_158 = arith.constant 0 : i32
      %dma_wait3A_159 = tpu.memref_slice %arg4[%arg0, %add3A_118, %dma_wait3A_158] : memref<2x10240x128xf32, #tpu.memory_space<hbm>> -> memref<1x40x128xf32, #tpu.memory_space<hbm>>
      %dma_wait3A_160 = tpu.memref_squeeze %dma_wait3A_159 : memref<1x40x128xf32, #tpu.memory_space<hbm>> -> memref<40x128xf32, #tpu.memory_space<hbm>>
      tpu.wait_dma2 semaphore(%run_scoped3A : memref<!tpu.dma_semaphore, #tpu.memory_space<semaphore_mem>>) src(%arg7 : memref<40x128xf32, #tpu.memory_space<vmem>>) dst(%dma_wait3A_160 : memref<40x128xf32, #tpu.memory_space<hbm>>)
      tpu.yield
    }) : () -> ()
    %mul3A_119 = arith.constant 640 : i32
    %mul3A_120 = arith.muli %arg1, %mul3A_119 : i32
    %add3A_121 = arith.constant 320 : i32
    %add3A_122 = arith.addi %mul3A_120, %add3A_121 : i32
    "tpu.region"() ({
      %run_scoped3A = tpu.sem_alloc : memref<!tpu.dma_semaphore, #tpu.memory_space<semaphore_mem>>
      %dma_start3A = arith.constant 0 : i32
      %dma_start3A_151 = tpu.memref_slice %arg20[%add3A_122, %dma_start3A] : memref<10240x128xf32, #tpu.memory_space<vmem_shared>> -> memref<40x128xf32, #tpu.memory_space<vmem_shared>>
      %dma_start3A_152 = arith.constant 0 : i32
      %dma_start3A_153 = tpu.memref_slice %arg20[%add3A_122, %dma_start3A_152] : memref<10240x128xf32, #tpu.memory_space<vmem_shared>> -> memref<40x128xf32, #tpu.memory_space<vmem_shared>>
      tpu.enqueue_dma source(%dma_start3A_153 : memref<40x128xf32, #tpu.memory_space<vmem_shared>>) target(%arg8 : memref<40x128xf32, #tpu.memory_space<vmem>>) target_semaphore(%run_scoped3A : memref<!tpu.dma_semaphore, #tpu.memory_space<semaphore_mem>>)
      %dma_wait3A = arith.constant 0 : i32
      %dma_wait3A_154 = tpu.memref_slice %arg20[%add3A_122, %dma_wait3A] : memref<10240x128xf32, #tpu.memory_space<vmem_shared>> -> memref<40x128xf32, #tpu.memory_space<vmem_shared>>
      %dma_wait3A_155 = arith.constant 0 : i32
      %dma_wait3A_156 = tpu.memref_slice %arg20[%add3A_122, %dma_wait3A_155] : memref<10240x128xf32, #tpu.memory_space<vmem_shared>> -> memref<40x128xf32, #tpu.memory_space<vmem_shared>>
      tpu.wait_dma2 semaphore(%run_scoped3A : memref<!tpu.dma_semaphore, #tpu.memory_space<semaphore_mem>>) src(%dma_wait3A_156 : memref<40x128xf32, #tpu.memory_space<vmem_shared>>) dst(%arg8 : memref<40x128xf32, #tpu.memory_space<vmem>>)
      tpu.yield
    }) : () -> ()
    "tpu.region"() ({
      %run_scoped3A = tpu.sem_alloc : memref<!tpu.dma_semaphore, #tpu.memory_space<semaphore_mem>>
      %dma_start3A = arith.constant 0 : i32
      %dma_start3A_151 = tpu.memref_slice %arg4[%arg0, %add3A_122, %dma_start3A] : memref<2x10240x128xf32, #tpu.memory_space<hbm>> -> memref<1x40x128xf32, #tpu.memory_space<hbm>>
      %dma_start3A_152 = tpu.memref_squeeze %dma_start3A_151 : memref<1x40x128xf32, #tpu.memory_space<hbm>> -> memref<40x128xf32, #tpu.memory_space<hbm>>
      %dma_start3A_153 = arith.constant 0 : i32
      %dma_start3A_154 = tpu.memref_slice %arg4[%arg0, %add3A_122, %dma_start3A_153] : memref<2x10240x128xf32, #tpu.memory_space<hbm>> -> memref<1x40x128xf32, #tpu.memory_space<hbm>>
      %dma_start3A_155 = tpu.memref_squeeze %dma_start3A_154 : memref<1x40x128xf32, #tpu.memory_space<hbm>> -> memref<40x128xf32, #tpu.memory_space<hbm>>
      tpu.enqueue_dma source(%arg8 : memref<40x128xf32, #tpu.memory_space<vmem>>) target(%dma_start3A_155 : memref<40x128xf32, #tpu.memory_space<hbm>>) target_semaphore(%run_scoped3A : memref<!tpu.dma_semaphore, #tpu.memory_space<semaphore_mem>>)
      %dma_wait3A = arith.constant 0 : i32
      %dma_wait3A_156 = tpu.memref_slice %arg4[%arg0, %add3A_122, %dma_wait3A] : memref<2x10240x128xf32, #tpu.memory_space<hbm>> -> memref<1x40x128xf32, #tpu.memory_space<hbm>>
      %dma_wait3A_157 = tpu.memref_squeeze %dma_wait3A_156 : memref<1x40x128xf32, #tpu.memory_space<hbm>> -> memref<40x128xf32, #tpu.memory_space<hbm>>
      %dma_wait3A_158 = arith.constant 0 : i32
      %dma_wait3A_159 = tpu.memref_slice %arg4[%arg0, %add3A_122, %dma_wait3A_158] : memref<2x10240x128xf32, #tpu.memory_space<hbm>> -> memref<1x40x128xf32, #tpu.memory_space<hbm>>
      %dma_wait3A_160 = tpu.memref_squeeze %dma_wait3A_159 : memref<1x40x128xf32, #tpu.memory_space<hbm>> -> memref<40x128xf32, #tpu.memory_space<hbm>>
      tpu.wait_dma2 semaphore(%run_scoped3A : memref<!tpu.dma_semaphore, #tpu.memory_space<semaphore_mem>>) src(%arg8 : memref<40x128xf32, #tpu.memory_space<vmem>>) dst(%dma_wait3A_160 : memref<40x128xf32, #tpu.memory_space<hbm>>)
      tpu.yield
    }) : () -> ()
    %mul3A_123 = arith.constant 640 : i32
    %mul3A_124 = arith.muli %arg1, %mul3A_123 : i32
    %add3A_125 = arith.constant 360 : i32
    %add3A_126 = arith.addi %mul3A_124, %add3A_125 : i32
    "tpu.region"() ({
      %run_scoped3A = tpu.sem_alloc : memref<!tpu.dma_semaphore, #tpu.memory_space<semaphore_mem>>
      %dma_start3A = arith.constant 0 : i32
      %dma_start3A_151 = tpu.memref_slice %arg20[%add3A_126, %dma_start3A] : memref<10240x128xf32, #tpu.memory_space<vmem_shared>> -> memref<40x128xf32, #tpu.memory_space<vmem_shared>>
      %dma_start3A_152 = arith.constant 0 : i32
      %dma_start3A_153 = tpu.memref_slice %arg20[%add3A_126, %dma_start3A_152] : memref<10240x128xf32, #tpu.memory_space<vmem_shared>> -> memref<40x128xf32, #tpu.memory_space<vmem_shared>>
      tpu.enqueue_dma source(%dma_start3A_153 : memref<40x128xf32, #tpu.memory_space<vmem_shared>>) target(%arg9 : memref<40x128xf32, #tpu.memory_space<vmem>>) target_semaphore(%run_scoped3A : memref<!tpu.dma_semaphore, #tpu.memory_space<semaphore_mem>>)
      %dma_wait3A = arith.constant 0 : i32
      %dma_wait3A_154 = tpu.memref_slice %arg20[%add3A_126, %dma_wait3A] : memref<10240x128xf32, #tpu.memory_space<vmem_shared>> -> memref<40x128xf32, #tpu.memory_space<vmem_shared>>
      %dma_wait3A_155 = arith.constant 0 : i32
      %dma_wait3A_156 = tpu.memref_slice %arg20[%add3A_126, %dma_wait3A_155] : memref<10240x128xf32, #tpu.memory_space<vmem_shared>> -> memref<40x128xf32, #tpu.memory_space<vmem_shared>>
      tpu.wait_dma2 semaphore(%run_scoped3A : memref<!tpu.dma_semaphore, #tpu.memory_space<semaphore_mem>>) src(%dma_wait3A_156 : memref<40x128xf32, #tpu.memory_space<vmem_shared>>) dst(%arg9 : memref<40x128xf32, #tpu.memory_space<vmem>>)
      tpu.yield
    }) : () -> ()
    "tpu.region"() ({
      %run_scoped3A = tpu.sem_alloc : memref<!tpu.dma_semaphore, #tpu.memory_space<semaphore_mem>>
      %dma_start3A = arith.constant 0 : i32
      %dma_start3A_151 = tpu.memref_slice %arg4[%arg0, %add3A_126, %dma_start3A] : memref<2x10240x128xf32, #tpu.memory_space<hbm>> -> memref<1x40x128xf32, #tpu.memory_space<hbm>>
      %dma_start3A_152 = tpu.memref_squeeze %dma_start3A_151 : memref<1x40x128xf32, #tpu.memory_space<hbm>> -> memref<40x128xf32, #tpu.memory_space<hbm>>
      %dma_start3A_153 = arith.constant 0 : i32
      %dma_start3A_154 = tpu.memref_slice %arg4[%arg0, %add3A_126, %dma_start3A_153] : memref<2x10240x128xf32, #tpu.memory_space<hbm>> -> memref<1x40x128xf32, #tpu.memory_space<hbm>>
      %dma_start3A_155 = tpu.memref_squeeze %dma_start3A_154 : memref<1x40x128xf32, #tpu.memory_space<hbm>> -> memref<40x128xf32, #tpu.memory_space<hbm>>
      tpu.enqueue_dma source(%arg9 : memref<40x128xf32, #tpu.memory_space<vmem>>) target(%dma_start3A_155 : memref<40x128xf32, #tpu.memory_space<hbm>>) target_semaphore(%run_scoped3A : memref<!tpu.dma_semaphore, #tpu.memory_space<semaphore_mem>>)
      %dma_wait3A = arith.constant 0 : i32
      %dma_wait3A_156 = tpu.memref_slice %arg4[%arg0, %add3A_126, %dma_wait3A] : memref<2x10240x128xf32, #tpu.memory_space<hbm>> -> memref<1x40x128xf32, #tpu.memory_space<hbm>>
      %dma_wait3A_157 = tpu.memref_squeeze %dma_wait3A_156 : memref<1x40x128xf32, #tpu.memory_space<hbm>> -> memref<40x128xf32, #tpu.memory_space<hbm>>
      %dma_wait3A_158 = arith.constant 0 : i32
      %dma_wait3A_159 = tpu.memref_slice %arg4[%arg0, %add3A_126, %dma_wait3A_158] : memref<2x10240x128xf32, #tpu.memory_space<hbm>> -> memref<1x40x128xf32, #tpu.memory_space<hbm>>
      %dma_wait3A_160 = tpu.memref_squeeze %dma_wait3A_159 : memref<1x40x128xf32, #tpu.memory_space<hbm>> -> memref<40x128xf32, #tpu.memory_space<hbm>>
      tpu.wait_dma2 semaphore(%run_scoped3A : memref<!tpu.dma_semaphore, #tpu.memory_space<semaphore_mem>>) src(%arg9 : memref<40x128xf32, #tpu.memory_space<vmem>>) dst(%dma_wait3A_160 : memref<40x128xf32, #tpu.memory_space<hbm>>)
      tpu.yield
    }) : () -> ()
    %mul3A_127 = arith.constant 640 : i32
    %mul3A_128 = arith.muli %arg1, %mul3A_127 : i32
    %add3A_129 = arith.constant 400 : i32
    %add3A_130 = arith.addi %mul3A_128, %add3A_129 : i32
    "tpu.region"() ({
      %run_scoped3A = tpu.sem_alloc : memref<!tpu.dma_semaphore, #tpu.memory_space<semaphore_mem>>
      %dma_start3A = arith.constant 0 : i32
      %dma_start3A_151 = tpu.memref_slice %arg20[%add3A_130, %dma_start3A] : memref<10240x128xf32, #tpu.memory_space<vmem_shared>> -> memref<40x128xf32, #tpu.memory_space<vmem_shared>>
      %dma_start3A_152 = arith.constant 0 : i32
      %dma_start3A_153 = tpu.memref_slice %arg20[%add3A_130, %dma_start3A_152] : memref<10240x128xf32, #tpu.memory_space<vmem_shared>> -> memref<40x128xf32, #tpu.memory_space<vmem_shared>>
      tpu.enqueue_dma source(%dma_start3A_153 : memref<40x128xf32, #tpu.memory_space<vmem_shared>>) target(%arg5 : memref<40x128xf32, #tpu.memory_space<vmem>>) target_semaphore(%run_scoped3A : memref<!tpu.dma_semaphore, #tpu.memory_space<semaphore_mem>>)
      %dma_wait3A = arith.constant 0 : i32
      %dma_wait3A_154 = tpu.memref_slice %arg20[%add3A_130, %dma_wait3A] : memref<10240x128xf32, #tpu.memory_space<vmem_shared>> -> memref<40x128xf32, #tpu.memory_space<vmem_shared>>
      %dma_wait3A_155 = arith.constant 0 : i32
      %dma_wait3A_156 = tpu.memref_slice %arg20[%add3A_130, %dma_wait3A_155] : memref<10240x128xf32, #tpu.memory_space<vmem_shared>> -> memref<40x128xf32, #tpu.memory_space<vmem_shared>>
      tpu.wait_dma2 semaphore(%run_scoped3A : memref<!tpu.dma_semaphore, #tpu.memory_space<semaphore_mem>>) src(%dma_wait3A_156 : memref<40x128xf32, #tpu.memory_space<vmem_shared>>) dst(%arg5 : memref<40x128xf32, #tpu.memory_space<vmem>>)
      tpu.yield
    }) : () -> ()
    "tpu.region"() ({
      %run_scoped3A = tpu.sem_alloc : memref<!tpu.dma_semaphore, #tpu.memory_space<semaphore_mem>>
      %dma_start3A = arith.constant 0 : i32
      %dma_start3A_151 = tpu.memref_slice %arg4[%arg0, %add3A_130, %dma_start3A] : memref<2x10240x128xf32, #tpu.memory_space<hbm>> -> memref<1x40x128xf32, #tpu.memory_space<hbm>>
      %dma_start3A_152 = tpu.memref_squeeze %dma_start3A_151 : memref<1x40x128xf32, #tpu.memory_space<hbm>> -> memref<40x128xf32, #tpu.memory_space<hbm>>
      %dma_start3A_153 = arith.constant 0 : i32
      %dma_start3A_154 = tpu.memref_slice %arg4[%arg0, %add3A_130, %dma_start3A_153] : memref<2x10240x128xf32, #tpu.memory_space<hbm>> -> memref<1x40x128xf32, #tpu.memory_space<hbm>>
      %dma_start3A_155 = tpu.memref_squeeze %dma_start3A_154 : memref<1x40x128xf32, #tpu.memory_space<hbm>> -> memref<40x128xf32, #tpu.memory_space<hbm>>
      tpu.enqueue_dma source(%arg5 : memref<40x128xf32, #tpu.memory_space<vmem>>) target(%dma_start3A_155 : memref<40x128xf32, #tpu.memory_space<hbm>>) target_semaphore(%run_scoped3A : memref<!tpu.dma_semaphore, #tpu.memory_space<semaphore_mem>>)
      %dma_wait3A = arith.constant 0 : i32
      %dma_wait3A_156 = tpu.memref_slice %arg4[%arg0, %add3A_130, %dma_wait3A] : memref<2x10240x128xf32, #tpu.memory_space<hbm>> -> memref<1x40x128xf32, #tpu.memory_space<hbm>>
      %dma_wait3A_157 = tpu.memref_squeeze %dma_wait3A_156 : memref<1x40x128xf32, #tpu.memory_space<hbm>> -> memref<40x128xf32, #tpu.memory_space<hbm>>
      %dma_wait3A_158 = arith.constant 0 : i32
      %dma_wait3A_159 = tpu.memref_slice %arg4[%arg0, %add3A_130, %dma_wait3A_158] : memref<2x10240x128xf32, #tpu.memory_space<hbm>> -> memref<1x40x128xf32, #tpu.memory_space<hbm>>
      %dma_wait3A_160 = tpu.memref_squeeze %dma_wait3A_159 : memref<1x40x128xf32, #tpu.memory_space<hbm>> -> memref<40x128xf32, #tpu.memory_space<hbm>>
      tpu.wait_dma2 semaphore(%run_scoped3A : memref<!tpu.dma_semaphore, #tpu.memory_space<semaphore_mem>>) src(%arg5 : memref<40x128xf32, #tpu.memory_space<vmem>>) dst(%dma_wait3A_160 : memref<40x128xf32, #tpu.memory_space<hbm>>)
      tpu.yield
    }) : () -> ()
    %mul3A_131 = arith.constant 640 : i32
    %mul3A_132 = arith.muli %arg1, %mul3A_131 : i32
    %add3A_133 = arith.constant 440 : i32
    %add3A_134 = arith.addi %mul3A_132, %add3A_133 : i32
    "tpu.region"() ({
      %run_scoped3A = tpu.sem_alloc : memref<!tpu.dma_semaphore, #tpu.memory_space<semaphore_mem>>
      %dma_start3A = arith.constant 0 : i32
      %dma_start3A_151 = tpu.memref_slice %arg20[%add3A_134, %dma_start3A] : memref<10240x128xf32, #tpu.memory_space<vmem_shared>> -> memref<40x128xf32, #tpu.memory_space<vmem_shared>>
      %dma_start3A_152 = arith.constant 0 : i32
      %dma_start3A_153 = tpu.memref_slice %arg20[%add3A_134, %dma_start3A_152] : memref<10240x128xf32, #tpu.memory_space<vmem_shared>> -> memref<40x128xf32, #tpu.memory_space<vmem_shared>>
      tpu.enqueue_dma source(%dma_start3A_153 : memref<40x128xf32, #tpu.memory_space<vmem_shared>>) target(%arg6 : memref<40x128xf32, #tpu.memory_space<vmem>>) target_semaphore(%run_scoped3A : memref<!tpu.dma_semaphore, #tpu.memory_space<semaphore_mem>>)
      %dma_wait3A = arith.constant 0 : i32
      %dma_wait3A_154 = tpu.memref_slice %arg20[%add3A_134, %dma_wait3A] : memref<10240x128xf32, #tpu.memory_space<vmem_shared>> -> memref<40x128xf32, #tpu.memory_space<vmem_shared>>
      %dma_wait3A_155 = arith.constant 0 : i32
      %dma_wait3A_156 = tpu.memref_slice %arg20[%add3A_134, %dma_wait3A_155] : memref<10240x128xf32, #tpu.memory_space<vmem_shared>> -> memref<40x128xf32, #tpu.memory_space<vmem_shared>>
      tpu.wait_dma2 semaphore(%run_scoped3A : memref<!tpu.dma_semaphore, #tpu.memory_space<semaphore_mem>>) src(%dma_wait3A_156 : memref<40x128xf32, #tpu.memory_space<vmem_shared>>) dst(%arg6 : memref<40x128xf32, #tpu.memory_space<vmem>>)
      tpu.yield
    }) : () -> ()
    "tpu.region"() ({
      %run_scoped3A = tpu.sem_alloc : memref<!tpu.dma_semaphore, #tpu.memory_space<semaphore_mem>>
      %dma_start3A = arith.constant 0 : i32
      %dma_start3A_151 = tpu.memref_slice %arg4[%arg0, %add3A_134, %dma_start3A] : memref<2x10240x128xf32, #tpu.memory_space<hbm>> -> memref<1x40x128xf32, #tpu.memory_space<hbm>>
      %dma_start3A_152 = tpu.memref_squeeze %dma_start3A_151 : memref<1x40x128xf32, #tpu.memory_space<hbm>> -> memref<40x128xf32, #tpu.memory_space<hbm>>
      %dma_start3A_153 = arith.constant 0 : i32
      %dma_start3A_154 = tpu.memref_slice %arg4[%arg0, %add3A_134, %dma_start3A_153] : memref<2x10240x128xf32, #tpu.memory_space<hbm>> -> memref<1x40x128xf32, #tpu.memory_space<hbm>>
      %dma_start3A_155 = tpu.memref_squeeze %dma_start3A_154 : memref<1x40x128xf32, #tpu.memory_space<hbm>> -> memref<40x128xf32, #tpu.memory_space<hbm>>
      tpu.enqueue_dma source(%arg6 : memref<40x128xf32, #tpu.memory_space<vmem>>) target(%dma_start3A_155 : memref<40x128xf32, #tpu.memory_space<hbm>>) target_semaphore(%run_scoped3A : memref<!tpu.dma_semaphore, #tpu.memory_space<semaphore_mem>>)
      %dma_wait3A = arith.constant 0 : i32
      %dma_wait3A_156 = tpu.memref_slice %arg4[%arg0, %add3A_134, %dma_wait3A] : memref<2x10240x128xf32, #tpu.memory_space<hbm>> -> memref<1x40x128xf32, #tpu.memory_space<hbm>>
      %dma_wait3A_157 = tpu.memref_squeeze %dma_wait3A_156 : memref<1x40x128xf32, #tpu.memory_space<hbm>> -> memref<40x128xf32, #tpu.memory_space<hbm>>
      %dma_wait3A_158 = arith.constant 0 : i32
      %dma_wait3A_159 = tpu.memref_slice %arg4[%arg0, %add3A_134, %dma_wait3A_158] : memref<2x10240x128xf32, #tpu.memory_space<hbm>> -> memref<1x40x128xf32, #tpu.memory_space<hbm>>
      %dma_wait3A_160 = tpu.memref_squeeze %dma_wait3A_159 : memref<1x40x128xf32, #tpu.memory_space<hbm>> -> memref<40x128xf32, #tpu.memory_space<hbm>>
      tpu.wait_dma2 semaphore(%run_scoped3A : memref<!tpu.dma_semaphore, #tpu.memory_space<semaphore_mem>>) src(%arg6 : memref<40x128xf32, #tpu.memory_space<vmem>>) dst(%dma_wait3A_160 : memref<40x128xf32, #tpu.memory_space<hbm>>)
      tpu.yield
    }) : () -> ()
    %mul3A_135 = arith.constant 640 : i32
    %mul3A_136 = arith.muli %arg1, %mul3A_135 : i32
    %add3A_137 = arith.constant 480 : i32
    %add3A_138 = arith.addi %mul3A_136, %add3A_137 : i32
    "tpu.region"() ({
      %run_scoped3A = tpu.sem_alloc : memref<!tpu.dma_semaphore, #tpu.memory_space<semaphore_mem>>
      %dma_start3A = arith.constant 0 : i32
      %dma_start3A_151 = tpu.memref_slice %arg20[%add3A_138, %dma_start3A] : memref<10240x128xf32, #tpu.memory_space<vmem_shared>> -> memref<40x128xf32, #tpu.memory_space<vmem_shared>>
      %dma_start3A_152 = arith.constant 0 : i32
      %dma_start3A_153 = tpu.memref_slice %arg20[%add3A_138, %dma_start3A_152] : memref<10240x128xf32, #tpu.memory_space<vmem_shared>> -> memref<40x128xf32, #tpu.memory_space<vmem_shared>>
      tpu.enqueue_dma source(%dma_start3A_153 : memref<40x128xf32, #tpu.memory_space<vmem_shared>>) target(%arg7 : memref<40x128xf32, #tpu.memory_space<vmem>>) target_semaphore(%run_scoped3A : memref<!tpu.dma_semaphore, #tpu.memory_space<semaphore_mem>>)
      %dma_wait3A = arith.constant 0 : i32
      %dma_wait3A_154 = tpu.memref_slice %arg20[%add3A_138, %dma_wait3A] : memref<10240x128xf32, #tpu.memory_space<vmem_shared>> -> memref<40x128xf32, #tpu.memory_space<vmem_shared>>
      %dma_wait3A_155 = arith.constant 0 : i32
      %dma_wait3A_156 = tpu.memref_slice %arg20[%add3A_138, %dma_wait3A_155] : memref<10240x128xf32, #tpu.memory_space<vmem_shared>> -> memref<40x128xf32, #tpu.memory_space<vmem_shared>>
      tpu.wait_dma2 semaphore(%run_scoped3A : memref<!tpu.dma_semaphore, #tpu.memory_space<semaphore_mem>>) src(%dma_wait3A_156 : memref<40x128xf32, #tpu.memory_space<vmem_shared>>) dst(%arg7 : memref<40x128xf32, #tpu.memory_space<vmem>>)
      tpu.yield
    }) : () -> ()
    "tpu.region"() ({
      %run_scoped3A = tpu.sem_alloc : memref<!tpu.dma_semaphore, #tpu.memory_space<semaphore_mem>>
      %dma_start3A = arith.constant 0 : i32
      %dma_start3A_151 = tpu.memref_slice %arg4[%arg0, %add3A_138, %dma_start3A] : memref<2x10240x128xf32, #tpu.memory_space<hbm>> -> memref<1x40x128xf32, #tpu.memory_space<hbm>>
      %dma_start3A_152 = tpu.memref_squeeze %dma_start3A_151 : memref<1x40x128xf32, #tpu.memory_space<hbm>> -> memref<40x128xf32, #tpu.memory_space<hbm>>
      %dma_start3A_153 = arith.constant 0 : i32
      %dma_start3A_154 = tpu.memref_slice %arg4[%arg0, %add3A_138, %dma_start3A_153] : memref<2x10240x128xf32, #tpu.memory_space<hbm>> -> memref<1x40x128xf32, #tpu.memory_space<hbm>>
      %dma_start3A_155 = tpu.memref_squeeze %dma_start3A_154 : memref<1x40x128xf32, #tpu.memory_space<hbm>> -> memref<40x128xf32, #tpu.memory_space<hbm>>
      tpu.enqueue_dma source(%arg7 : memref<40x128xf32, #tpu.memory_space<vmem>>) target(%dma_start3A_155 : memref<40x128xf32, #tpu.memory_space<hbm>>) target_semaphore(%run_scoped3A : memref<!tpu.dma_semaphore, #tpu.memory_space<semaphore_mem>>)
      %dma_wait3A = arith.constant 0 : i32
      %dma_wait3A_156 = tpu.memref_slice %arg4[%arg0, %add3A_138, %dma_wait3A] : memref<2x10240x128xf32, #tpu.memory_space<hbm>> -> memref<1x40x128xf32, #tpu.memory_space<hbm>>
      %dma_wait3A_157 = tpu.memref_squeeze %dma_wait3A_156 : memref<1x40x128xf32, #tpu.memory_space<hbm>> -> memref<40x128xf32, #tpu.memory_space<hbm>>
      %dma_wait3A_158 = arith.constant 0 : i32
      %dma_wait3A_159 = tpu.memref_slice %arg4[%arg0, %add3A_138, %dma_wait3A_158] : memref<2x10240x128xf32, #tpu.memory_space<hbm>> -> memref<1x40x128xf32, #tpu.memory_space<hbm>>
      %dma_wait3A_160 = tpu.memref_squeeze %dma_wait3A_159 : memref<1x40x128xf32, #tpu.memory_space<hbm>> -> memref<40x128xf32, #tpu.memory_space<hbm>>
      tpu.wait_dma2 semaphore(%run_scoped3A : memref<!tpu.dma_semaphore, #tpu.memory_space<semaphore_mem>>) src(%arg7 : memref<40x128xf32, #tpu.memory_space<vmem>>) dst(%dma_wait3A_160 : memref<40x128xf32, #tpu.memory_space<hbm>>)
      tpu.yield
    }) : () -> ()
    %mul3A_139 = arith.constant 640 : i32
    %mul3A_140 = arith.muli %arg1, %mul3A_139 : i32
    %add3A_141 = arith.constant 520 : i32
    %add3A_142 = arith.addi %mul3A_140, %add3A_141 : i32
    "tpu.region"() ({
      %run_scoped3A = tpu.sem_alloc : memref<!tpu.dma_semaphore, #tpu.memory_space<semaphore_mem>>
      %dma_start3A = arith.constant 0 : i32
      %dma_start3A_151 = tpu.memref_slice %arg20[%add3A_142, %dma_start3A] : memref<10240x128xf32, #tpu.memory_space<vmem_shared>> -> memref<40x128xf32, #tpu.memory_space<vmem_shared>>
      %dma_start3A_152 = arith.constant 0 : i32
      %dma_start3A_153 = tpu.memref_slice %arg20[%add3A_142, %dma_start3A_152] : memref<10240x128xf32, #tpu.memory_space<vmem_shared>> -> memref<40x128xf32, #tpu.memory_space<vmem_shared>>
      tpu.enqueue_dma source(%dma_start3A_153 : memref<40x128xf32, #tpu.memory_space<vmem_shared>>) target(%arg8 : memref<40x128xf32, #tpu.memory_space<vmem>>) target_semaphore(%run_scoped3A : memref<!tpu.dma_semaphore, #tpu.memory_space<semaphore_mem>>)
      %dma_wait3A = arith.constant 0 : i32
      %dma_wait3A_154 = tpu.memref_slice %arg20[%add3A_142, %dma_wait3A] : memref<10240x128xf32, #tpu.memory_space<vmem_shared>> -> memref<40x128xf32, #tpu.memory_space<vmem_shared>>
      %dma_wait3A_155 = arith.constant 0 : i32
      %dma_wait3A_156 = tpu.memref_slice %arg20[%add3A_142, %dma_wait3A_155] : memref<10240x128xf32, #tpu.memory_space<vmem_shared>> -> memref<40x128xf32, #tpu.memory_space<vmem_shared>>
      tpu.wait_dma2 semaphore(%run_scoped3A : memref<!tpu.dma_semaphore, #tpu.memory_space<semaphore_mem>>) src(%dma_wait3A_156 : memref<40x128xf32, #tpu.memory_space<vmem_shared>>) dst(%arg8 : memref<40x128xf32, #tpu.memory_space<vmem>>)
      tpu.yield
    }) : () -> ()
    "tpu.region"() ({
      %run_scoped3A = tpu.sem_alloc : memref<!tpu.dma_semaphore, #tpu.memory_space<semaphore_mem>>
      %dma_start3A = arith.constant 0 : i32
      %dma_start3A_151 = tpu.memref_slice %arg4[%arg0, %add3A_142, %dma_start3A] : memref<2x10240x128xf32, #tpu.memory_space<hbm>> -> memref<1x40x128xf32, #tpu.memory_space<hbm>>
      %dma_start3A_152 = tpu.memref_squeeze %dma_start3A_151 : memref<1x40x128xf32, #tpu.memory_space<hbm>> -> memref<40x128xf32, #tpu.memory_space<hbm>>
      %dma_start3A_153 = arith.constant 0 : i32
      %dma_start3A_154 = tpu.memref_slice %arg4[%arg0, %add3A_142, %dma_start3A_153] : memref<2x10240x128xf32, #tpu.memory_space<hbm>> -> memref<1x40x128xf32, #tpu.memory_space<hbm>>
      %dma_start3A_155 = tpu.memref_squeeze %dma_start3A_154 : memref<1x40x128xf32, #tpu.memory_space<hbm>> -> memref<40x128xf32, #tpu.memory_space<hbm>>
      tpu.enqueue_dma source(%arg8 : memref<40x128xf32, #tpu.memory_space<vmem>>) target(%dma_start3A_155 : memref<40x128xf32, #tpu.memory_space<hbm>>) target_semaphore(%run_scoped3A : memref<!tpu.dma_semaphore, #tpu.memory_space<semaphore_mem>>)
      %dma_wait3A = arith.constant 0 : i32
      %dma_wait3A_156 = tpu.memref_slice %arg4[%arg0, %add3A_142, %dma_wait3A] : memref<2x10240x128xf32, #tpu.memory_space<hbm>> -> memref<1x40x128xf32, #tpu.memory_space<hbm>>
      %dma_wait3A_157 = tpu.memref_squeeze %dma_wait3A_156 : memref<1x40x128xf32, #tpu.memory_space<hbm>> -> memref<40x128xf32, #tpu.memory_space<hbm>>
      %dma_wait3A_158 = arith.constant 0 : i32
      %dma_wait3A_159 = tpu.memref_slice %arg4[%arg0, %add3A_142, %dma_wait3A_158] : memref<2x10240x128xf32, #tpu.memory_space<hbm>> -> memref<1x40x128xf32, #tpu.memory_space<hbm>>
      %dma_wait3A_160 = tpu.memref_squeeze %dma_wait3A_159 : memref<1x40x128xf32, #tpu.memory_space<hbm>> -> memref<40x128xf32, #tpu.memory_space<hbm>>
      tpu.wait_dma2 semaphore(%run_scoped3A : memref<!tpu.dma_semaphore, #tpu.memory_space<semaphore_mem>>) src(%arg8 : memref<40x128xf32, #tpu.memory_space<vmem>>) dst(%dma_wait3A_160 : memref<40x128xf32, #tpu.memory_space<hbm>>)
      tpu.yield
    }) : () -> ()
    %mul3A_143 = arith.constant 640 : i32
    %mul3A_144 = arith.muli %arg1, %mul3A_143 : i32
    %add3A_145 = arith.constant 560 : i32
    %add3A_146 = arith.addi %mul3A_144, %add3A_145 : i32
    "tpu.region"() ({
      %run_scoped3A = tpu.sem_alloc : memref<!tpu.dma_semaphore, #tpu.memory_space<semaphore_mem>>
      %dma_start3A = arith.constant 0 : i32
      %dma_start3A_151 = tpu.memref_slice %arg20[%add3A_146, %dma_start3A] : memref<10240x128xf32, #tpu.memory_space<vmem_shared>> -> memref<40x128xf32, #tpu.memory_space<vmem_shared>>
      %dma_start3A_152 = arith.constant 0 : i32
      %dma_start3A_153 = tpu.memref_slice %arg20[%add3A_146, %dma_start3A_152] : memref<10240x128xf32, #tpu.memory_space<vmem_shared>> -> memref<40x128xf32, #tpu.memory_space<vmem_shared>>
      tpu.enqueue_dma source(%dma_start3A_153 : memref<40x128xf32, #tpu.memory_space<vmem_shared>>) target(%arg9 : memref<40x128xf32, #tpu.memory_space<vmem>>) target_semaphore(%run_scoped3A : memref<!tpu.dma_semaphore, #tpu.memory_space<semaphore_mem>>)
      %dma_wait3A = arith.constant 0 : i32
      %dma_wait3A_154 = tpu.memref_slice %arg20[%add3A_146, %dma_wait3A] : memref<10240x128xf32, #tpu.memory_space<vmem_shared>> -> memref<40x128xf32, #tpu.memory_space<vmem_shared>>
      %dma_wait3A_155 = arith.constant 0 : i32
      %dma_wait3A_156 = tpu.memref_slice %arg20[%add3A_146, %dma_wait3A_155] : memref<10240x128xf32, #tpu.memory_space<vmem_shared>> -> memref<40x128xf32, #tpu.memory_space<vmem_shared>>
      tpu.wait_dma2 semaphore(%run_scoped3A : memref<!tpu.dma_semaphore, #tpu.memory_space<semaphore_mem>>) src(%dma_wait3A_156 : memref<40x128xf32, #tpu.memory_space<vmem_shared>>) dst(%arg9 : memref<40x128xf32, #tpu.memory_space<vmem>>)
      tpu.yield
    }) : () -> ()
    "tpu.region"() ({
      %run_scoped3A = tpu.sem_alloc : memref<!tpu.dma_semaphore, #tpu.memory_space<semaphore_mem>>
      %dma_start3A = arith.constant 0 : i32
      %dma_start3A_151 = tpu.memref_slice %arg4[%arg0, %add3A_146, %dma_start3A] : memref<2x10240x128xf32, #tpu.memory_space<hbm>> -> memref<1x40x128xf32, #tpu.memory_space<hbm>>
      %dma_start3A_152 = tpu.memref_squeeze %dma_start3A_151 : memref<1x40x128xf32, #tpu.memory_space<hbm>> -> memref<40x128xf32, #tpu.memory_space<hbm>>
      %dma_start3A_153 = arith.constant 0 : i32
      %dma_start3A_154 = tpu.memref_slice %arg4[%arg0, %add3A_146, %dma_start3A_153] : memref<2x10240x128xf32, #tpu.memory_space<hbm>> -> memref<1x40x128xf32, #tpu.memory_space<hbm>>
      %dma_start3A_155 = tpu.memref_squeeze %dma_start3A_154 : memref<1x40x128xf32, #tpu.memory_space<hbm>> -> memref<40x128xf32, #tpu.memory_space<hbm>>
      tpu.enqueue_dma source(%arg9 : memref<40x128xf32, #tpu.memory_space<vmem>>) target(%dma_start3A_155 : memref<40x128xf32, #tpu.memory_space<hbm>>) target_semaphore(%run_scoped3A : memref<!tpu.dma_semaphore, #tpu.memory_space<semaphore_mem>>)
      %dma_wait3A = arith.constant 0 : i32
      %dma_wait3A_156 = tpu.memref_slice %arg4[%arg0, %add3A_146, %dma_wait3A] : memref<2x10240x128xf32, #tpu.memory_space<hbm>> -> memref<1x40x128xf32, #tpu.memory_space<hbm>>
      %dma_wait3A_157 = tpu.memref_squeeze %dma_wait3A_156 : memref<1x40x128xf32, #tpu.memory_space<hbm>> -> memref<40x128xf32, #tpu.memory_space<hbm>>
      %dma_wait3A_158 = arith.constant 0 : i32
      %dma_wait3A_159 = tpu.memref_slice %arg4[%arg0, %add3A_146, %dma_wait3A_158] : memref<2x10240x128xf32, #tpu.memory_space<hbm>> -> memref<1x40x128xf32, #tpu.memory_space<hbm>>
      %dma_wait3A_160 = tpu.memref_squeeze %dma_wait3A_159 : memref<1x40x128xf32, #tpu.memory_space<hbm>> -> memref<40x128xf32, #tpu.memory_space<hbm>>
      tpu.wait_dma2 semaphore(%run_scoped3A : memref<!tpu.dma_semaphore, #tpu.memory_space<semaphore_mem>>) src(%arg9 : memref<40x128xf32, #tpu.memory_space<vmem>>) dst(%dma_wait3A_160 : memref<40x128xf32, #tpu.memory_space<hbm>>)
      tpu.yield
    }) : () -> ()
    %mul3A_147 = arith.constant 640 : i32
    %mul3A_148 = arith.muli %arg1, %mul3A_147 : i32
    %add3A_149 = arith.constant 600 : i32
    %add3A_150 = arith.addi %mul3A_148, %add3A_149 : i32
    "tpu.region"() ({
      %run_scoped3A = tpu.sem_alloc : memref<!tpu.dma_semaphore, #tpu.memory_space<semaphore_mem>>
      %dma_start3A = arith.constant 0 : i32
      %dma_start3A_151 = tpu.memref_slice %arg20[%add3A_150, %dma_start3A] : memref<10240x128xf32, #tpu.memory_space<vmem_shared>> -> memref<40x128xf32, #tpu.memory_space<vmem_shared>>
      %dma_start3A_152 = arith.constant 0 : i32
      %dma_start3A_153 = tpu.memref_slice %arg20[%add3A_150, %dma_start3A_152] : memref<10240x128xf32, #tpu.memory_space<vmem_shared>> -> memref<40x128xf32, #tpu.memory_space<vmem_shared>>
      tpu.enqueue_dma source(%dma_start3A_153 : memref<40x128xf32, #tpu.memory_space<vmem_shared>>) target(%arg5 : memref<40x128xf32, #tpu.memory_space<vmem>>) target_semaphore(%run_scoped3A : memref<!tpu.dma_semaphore, #tpu.memory_space<semaphore_mem>>)
      %dma_wait3A = arith.constant 0 : i32
      %dma_wait3A_154 = tpu.memref_slice %arg20[%add3A_150, %dma_wait3A] : memref<10240x128xf32, #tpu.memory_space<vmem_shared>> -> memref<40x128xf32, #tpu.memory_space<vmem_shared>>
      %dma_wait3A_155 = arith.constant 0 : i32
      %dma_wait3A_156 = tpu.memref_slice %arg20[%add3A_150, %dma_wait3A_155] : memref<10240x128xf32, #tpu.memory_space<vmem_shared>> -> memref<40x128xf32, #tpu.memory_space<vmem_shared>>
      tpu.wait_dma2 semaphore(%run_scoped3A : memref<!tpu.dma_semaphore, #tpu.memory_space<semaphore_mem>>) src(%dma_wait3A_156 : memref<40x128xf32, #tpu.memory_space<vmem_shared>>) dst(%arg5 : memref<40x128xf32, #tpu.memory_space<vmem>>)
      tpu.yield
    }) : () -> ()
    "tpu.region"() ({
      %run_scoped3A = tpu.sem_alloc : memref<!tpu.dma_semaphore, #tpu.memory_space<semaphore_mem>>
      %dma_start3A = arith.constant 0 : i32
      %dma_start3A_151 = tpu.memref_slice %arg4[%arg0, %add3A_150, %dma_start3A] : memref<2x10240x128xf32, #tpu.memory_space<hbm>> -> memref<1x40x128xf32, #tpu.memory_space<hbm>>
      %dma_start3A_152 = tpu.memref_squeeze %dma_start3A_151 : memref<1x40x128xf32, #tpu.memory_space<hbm>> -> memref<40x128xf32, #tpu.memory_space<hbm>>
      %dma_start3A_153 = arith.constant 0 : i32
      %dma_start3A_154 = tpu.memref_slice %arg4[%arg0, %add3A_150, %dma_start3A_153] : memref<2x10240x128xf32, #tpu.memory_space<hbm>> -> memref<1x40x128xf32, #tpu.memory_space<hbm>>
      %dma_start3A_155 = tpu.memref_squeeze %dma_start3A_154 : memref<1x40x128xf32, #tpu.memory_space<hbm>> -> memref<40x128xf32, #tpu.memory_space<hbm>>
      tpu.enqueue_dma source(%arg5 : memref<40x128xf32, #tpu.memory_space<vmem>>) target(%dma_start3A_155 : memref<40x128xf32, #tpu.memory_space<hbm>>) target_semaphore(%run_scoped3A : memref<!tpu.dma_semaphore, #tpu.memory_space<semaphore_mem>>)
      %dma_wait3A = arith.constant 0 : i32
      %dma_wait3A_156 = tpu.memref_slice %arg4[%arg0, %add3A_150, %dma_wait3A] : memref<2x10240x128xf32, #tpu.memory_space<hbm>> -> memref<1x40x128xf32, #tpu.memory_space<hbm>>
      %dma_wait3A_157 = tpu.memref_squeeze %dma_wait3A_156 : memref<1x40x128xf32, #tpu.memory_space<hbm>> -> memref<40x128xf32, #tpu.memory_space<hbm>>
      %dma_wait3A_158 = arith.constant 0 : i32
      %dma_wait3A_159 = tpu.memref_slice %arg4[%arg0, %add3A_150, %dma_wait3A_158] : memref<2x10240x128xf32, #tpu.memory_space<hbm>> -> memref<1x40x128xf32, #tpu.memory_space<hbm>>
      %dma_wait3A_160 = tpu.memref_squeeze %dma_wait3A_159 : memref<1x40x128xf32, #tpu.memory_space<hbm>> -> memref<40x128xf32, #tpu.memory_space<hbm>>
      tpu.wait_dma2 semaphore(%run_scoped3A : memref<!tpu.dma_semaphore, #tpu.memory_space<semaphore_mem>>) src(%arg5 : memref<40x128xf32, #tpu.memory_space<vmem>>) dst(%dma_wait3A_160 : memref<40x128xf32, #tpu.memory_space<hbm>>)
      tpu.yield
    }) : () -> ()
    return
  }
}

module attributes {stable_mosaic.version = 14 : i64} {
  func.func @_tc1_body(%arg0: i32, %arg1: i32, %arg2: memref<640x256xf32, #tpu.memory_space<vmem>>, %arg3: memref<256x128xf32, #tpu.memory_space<vmem>>, %arg4: memref<1x16x640x16xf32, #tpu.memory_space<vmem>>, %arg5: memref<640x128xf32, #tpu.memory_space<vmem>>) attributes {dimension_semantics = [#tpu.dimension_semantics<arbitrary>, #tpu.dimension_semantics<arbitrary>], iteration_bounds = array<i64: 16, 2>, scalar_prefetch = 0 : i64, scratch_operands = 0 : i64, tpu.core_type = #tpu.core_type<tc>, window_params = [{transform_indices = @transform_0, window_bounds = array<i64: 640, 256>}, {transform_indices = @transform_1, window_bounds = array<i64: 256, 128>}, {transform_indices = @transform_2, window_bounds = array<i64: 1, 16, 640, 16>}, {transform_indices = @transform_3, window_bounds = array<i64: 640, 128>}]} {
    %get3A = arith.constant 0 : index
    %get3A_0 = arith.constant 0 : index
    %get3A_1 = arith.constant 0 : index
    %get3A_2 = arith.constant 0 : index
    %get3A_3 = vector.load %arg4[%get3A, %get3A_0, %get3A_1, %get3A_2] : memref<1x16x640x16xf32, #tpu.memory_space<vmem>>, vector<1x16x640x16xf32>
    %get3A_4 = vector.shape_cast %get3A_3 : vector<1x16x640x16xf32> to vector<16x640x16xf32>
    %reduce_sum3A = arith.constant dense<0.000000e+00> : vector<16x640xf32>
    %reduce_sum3A_5 = vector.multi_reduction <add>, %get3A_4, %reduce_sum3A [2] : vector<16x640x16xf32> to vector<16x640xf32>
    %reduce_sum3A_6 = arith.constant dense<0.000000e+00> : vector<640xf32>
    %reduce_sum3A_7 = vector.multi_reduction <add>, %reduce_sum3A_5, %reduce_sum3A_6 [0] : vector<16x640xf32> to vector<640xf32>
    %max3A = arith.constant 1.000000e+00 : f32
    %max3A_8 = vector.broadcast %max3A : f32 to vector<640xf32>
    %max3A_9 = arith.maximumf %reduce_sum3A_7, %max3A_8 : vector<640xf32>
    %rsqrt3A = math.rsqrt %max3A_9 : vector<640xf32>
    %get3A_10 = arith.constant 0 : index
    %get3A_11 = arith.constant 0 : index
    %get3A_12 = vector.load %arg2[%get3A_10, %get3A_11] : memref<640x256xf32, #tpu.memory_space<vmem>>, vector<640x256xf32>
    %get3A_13 = arith.constant 0 : index
    %get3A_14 = arith.constant 0 : index
    %get3A_15 = vector.load %arg3[%get3A_13, %get3A_14] : memref<256x128xf32, #tpu.memory_space<vmem>>, vector<256x128xf32>
    %dot_general3A = arith.constant dense<0.000000e+00> : vector<640x128xf32>
    %dot_general3A_16 = tpu.matmul %get3A_12, %get3A_15, %dot_general3A {dimension_numbers = #tpu.dot_dimension_numbers<[1], [0], [0], [1], [0, 0, 1, 1], [], []>, precision = #tpu.contract_precision<fp32>, transpose_lhs_hint = false} : vector<640x256xf32>, vector<256x128xf32>, vector<640x128xf32> -> vector<640x128xf32>
    %mul3A = arith.constant 640 : i32
    %mul3A_17 = arith.muli %arg0, %mul3A : i32
    %iota3A = tpu.iota {dimensions = array<i32: 0>} : vector<640x1xi32>
    %add3A = vector.broadcast %mul3A_17 : i32 to vector<640x1xi32>
    %add3A_18 = arith.addi %add3A, %iota3A : vector<640x1xi32>
    %lt3A = arith.constant 10000 : i32
    %lt3A_19 = vector.broadcast %lt3A : i32 to vector<640x1xi32>
    %lt3A_20 = arith.cmpi slt, %add3A_18, %lt3A_19 : vector<640x1xi32>
    %broadcast_in_dim3A = vector.shape_cast %rsqrt3A : vector<640xf32> to vector<640x1xf32>
    %mul3A_21 = vector.broadcast %broadcast_in_dim3A : vector<640x1xf32> to vector<640x128xf32>
    %mul3A_22 = arith.mulf %dot_general3A_16, %mul3A_21 : vector<640x128xf32>
    %jit3A = arith.constant 0.000000e+00 : f32
    %broadcast_in_dim3A_23 = vector.shape_cast %lt3A_20 : vector<640x1xi1> to vector<640x1xi1>
    %broadcast_in_dim3A_24 = vector.broadcast %broadcast_in_dim3A_23 : vector<640x1xi1> to vector<640x128xi1>
    %broadcast_in_dim3A_25 = vector.broadcast %jit3A : f32 to vector<640x128xf32>
    %select_n3A = arith.select %broadcast_in_dim3A_24, %mul3A_22, %broadcast_in_dim3A_25 : vector<640x128xi1>, vector<640x128xf32>
    %swap3A = arith.constant 0 : index
    %swap3A_26 = arith.constant 0 : index
    %swap3A_27 = vector.load %arg5[%swap3A, %swap3A_26] : memref<640x128xf32, #tpu.memory_space<vmem>>, vector<640x128xf32>
    tpu.vector_store %arg5[%swap3A, %swap3A_26], %select_n3A {strides = array<i32>} : memref<640x128xf32, #tpu.memory_space<vmem>>, vector<640x128xf32>,
    return
  }
  func.func @transform_0(%arg0: i32, %arg1: i32) -> (i32, i32) {
    %c0_i32 = arith.constant 0 : i32
    %c0_i32_0 = arith.constant 0 : i32
    return %arg0, %c0_i32 : i32, i32
  }
  func.func @transform_1(%arg0: i32, %arg1: i32) -> (i32, i32) {
    %c0_i32 = arith.constant 0 : i32
    %c0_i32_0 = arith.constant 0 : i32
    return %c0_i32, %arg1 : i32, i32
  }
  func.func @transform_2(%arg0: i32, %arg1: i32) -> (i32, i32, i32, i32) {
    %c0_i32 = arith.constant 0 : i32
    %c0_i32_0 = arith.constant 0 : i32
    %c0_i32_1 = arith.constant 0 : i32
    %c0_i32_2 = arith.constant 0 : i32
    return %c0_i32, %c0_i32_0, %arg0, %c0_i32_1 : i32, i32, i32, i32
  }
  func.func @transform_3(%arg0: i32, %arg1: i32) -> (i32, i32) {
    %mul3A = arith.constant 16 : i32
    %mul3A_0 = arith.muli %arg1, %mul3A : i32
    %add3A = arith.addi %mul3A_0, %arg0 : i32
    %c0_i32 = arith.constant 0 : i32
    %c0_i32_1 = arith.constant 0 : i32
    return %add3A, %c0_i32 : i32, i32
  }
}

module attributes {stable_mosaic.version = 14 : i64} {
  func.func @_tc2_body(%arg0: i32, %arg1: memref<2x640x128xf32, #tpu.memory_space<vmem>>, %arg2: memref<2x16x640x16xf32, #tpu.memory_space<vmem>>, %arg3: memref<1x256xf32, #tpu.memory_space<vmem>>, %arg4: memref<256x128xf32, #tpu.memory_space<vmem>>, %arg5: memref<128x40xf32, #tpu.memory_space<vmem>>, %arg6: memref<640x128xf32, #tpu.memory_space<vmem>>) attributes {dimension_semantics = [#tpu.dimension_semantics<arbitrary>], iteration_bounds = array<i64: 16>, scalar_prefetch = 0 : i64, scratch_operands = 0 : i64, tpu.core_type = #tpu.core_type<tc>, window_params = [{transform_indices = @transform_0, window_bounds = array<i64: 2, 640, 128>}, {transform_indices = @transform_1, window_bounds = array<i64: 2, 16, 640, 16>}, {pipeline_mode = #tpu.pipeline_mode<synchronous>, transform_indices = @transform_2, window_bounds = array<i64: 1, 256>}, {pipeline_mode = #tpu.pipeline_mode<synchronous>, transform_indices = @transform_3, window_bounds = array<i64: 256, 128>}, {pipeline_mode = #tpu.pipeline_mode<synchronous>, transform_indices = @transform_4, window_bounds = array<i64: 128, 40>}, {transform_indices = @transform_5, window_bounds = array<i64: 640, 128>}]} {
    %get3A = arith.constant 0 : index
    %get3A_0 = arith.constant 0 : index
    %get3A_1 = arith.constant 0 : index
    %get3A_2 = vector.load %arg1[%get3A, %get3A_0, %get3A_1] : memref<2x640x128xf32, #tpu.memory_space<vmem>>, vector<1x640x128xf32>
    %get3A_3 = vector.shape_cast %get3A_2 : vector<1x640x128xf32> to vector<640x128xf32>
    %get3A_4 = arith.constant 1 : index
    %get3A_5 = arith.constant 0 : index
    %get3A_6 = arith.constant 0 : index
    %get3A_7 = vector.load %arg1[%get3A_4, %get3A_5, %get3A_6] : memref<2x640x128xf32, #tpu.memory_space<vmem>>, vector<1x640x128xf32>
    %get3A_8 = vector.shape_cast %get3A_7 : vector<1x640x128xf32> to vector<640x128xf32>
    %concatenate3A = tpu.concatenate %get3A_3, %get3A_8 in 1 : vector<640x128xf32>, vector<640x128xf32> -> vector<640x256xf32>
    %get3A_9 = arith.constant 1 : index
    %get3A_10 = arith.constant 0 : index
    %get3A_11 = arith.constant 0 : index
    %get3A_12 = arith.constant 0 : index
    %get3A_13 = vector.load %arg2[%get3A_9, %get3A_10, %get3A_11, %get3A_12] : memref<2x16x640x16xf32, #tpu.memory_space<vmem>>, vector<1x16x640x16xf32>
    %get3A_14 = vector.shape_cast %get3A_13 : vector<1x16x640x16xf32> to vector<16x640x16xf32>
    %reduce_sum3A = arith.constant dense<0.000000e+00> : vector<16x640xf32>
    %reduce_sum3A_15 = vector.multi_reduction <add>, %get3A_14, %reduce_sum3A [2] : vector<16x640x16xf32> to vector<16x640xf32>
    %reduce_sum3A_16 = arith.constant dense<0.000000e+00> : vector<640xf32>
    %reduce_sum3A_17 = vector.multi_reduction <add>, %reduce_sum3A_15, %reduce_sum3A_16 [0] : vector<16x640xf32> to vector<640xf32>
    %max3A = arith.constant 1.000000e+00 : f32
    %max3A_18 = vector.broadcast %max3A : f32 to vector<640xf32>
    %max3A_19 = arith.maximumf %reduce_sum3A_17, %max3A_18 : vector<640xf32>
    %rsqrt3A = math.rsqrt %max3A_19 : vector<640xf32>
    %broadcast_in_dim3A = vector.shape_cast %rsqrt3A : vector<640xf32> to vector<640x1xf32>
    %get3A_20 = arith.constant 0 : index
    %get3A_21 = arith.constant 0 : index
    %get3A_22 = arith.constant 0 : index
    %get3A_23 = arith.constant 0 : index
    %get3A_24 = vector.load %arg2[%get3A_20, %get3A_21, %get3A_22, %get3A_23] : memref<2x16x640x16xf32, #tpu.memory_space<vmem>>, vector<1x16x640x16xf32>
    %get3A_25 = vector.shape_cast %get3A_24 : vector<1x16x640x16xf32> to vector<16x640x16xf32>
    %reduce_sum3A_26 = arith.constant dense<0.000000e+00> : vector<16x640xf32>
    %reduce_sum3A_27 = vector.multi_reduction <add>, %get3A_25, %reduce_sum3A_26 [2] : vector<16x640x16xf32> to vector<16x640xf32>
    %reduce_sum3A_28 = arith.constant dense<0.000000e+00> : vector<640xf32>
    %reduce_sum3A_29 = vector.multi_reduction <add>, %reduce_sum3A_27, %reduce_sum3A_28 [0] : vector<16x640xf32> to vector<640xf32>
    %max3A_30 = arith.constant 1.000000e+00 : f32
    %max3A_31 = vector.broadcast %max3A_30 : f32 to vector<640xf32>
    %max3A_32 = arith.maximumf %reduce_sum3A_29, %max3A_31 : vector<640xf32>
    %rsqrt3A_33 = math.rsqrt %max3A_32 : vector<640xf32>
    %broadcast_in_dim3A_34 = vector.shape_cast %rsqrt3A_33 : vector<640xf32> to vector<640x1xf32>
    %mul3A = vector.broadcast %broadcast_in_dim3A : vector<640x1xf32> to vector<640x256xf32>
    %mul3A_35 = arith.mulf %concatenate3A, %mul3A : vector<640x256xf32>
    %get3A_36 = arith.constant 0 : index
    %get3A_37 = arith.constant 0 : index
    %get3A_38 = vector.load %arg3[%get3A_36, %get3A_37] : memref<1x256xf32, #tpu.memory_space<vmem>>, vector<1x256xf32>
    %get3A_39 = vector.shape_cast %get3A_38 : vector<1x256xf32> to vector<256xf32>
    %broadcast_in_dim3A_40 = vector.shape_cast %get3A_39 : vector<256xf32> to vector<1x256xf32>
    %add3A = vector.broadcast %broadcast_in_dim3A_40 : vector<1x256xf32> to vector<640x256xf32>
    %add3A_41 = arith.addf %mul3A_35, %add3A : vector<640x256xf32>
    %max3A_42 = arith.constant 0.000000e+00 : f32
    %max3A_43 = vector.broadcast %max3A_42 : f32 to vector<640x256xf32>
    %max3A_44 = arith.maximumf %add3A_41, %max3A_43 : vector<640x256xf32>
    %get3A_45 = arith.constant 0 : index
    %get3A_46 = arith.constant 0 : index
    %get3A_47 = vector.load %arg4[%get3A_45, %get3A_46] : memref<256x128xf32, #tpu.memory_space<vmem>>, vector<256x128xf32>
    %get3A_48 = arith.constant 0 : index
    %get3A_49 = arith.constant 0 : index
    %get3A_50 = vector.load %arg5[%get3A_48, %get3A_49] : memref<128x40xf32, #tpu.memory_space<vmem>>, vector<128x40xf32>
    %dot_general3A = arith.constant dense<0.000000e+00> : vector<256x40xf32>
    %dot_general3A_51 = tpu.matmul %get3A_47, %get3A_50, %dot_general3A {dimension_numbers = #tpu.dot_dimension_numbers<[1], [0], [0], [1], [0, 0, 1, 1], [], []>, precision = #tpu.contract_precision<fp32>, transpose_lhs_hint = false} : vector<256x128xf32>, vector<128x40xf32>, vector<256x40xf32> -> vector<256x40xf32>
    %dot_general3A_52 = arith.constant dense<0.000000e+00> : vector<640x40xf32>
    %dot_general3A_53 = tpu.matmul %max3A_44, %dot_general3A_51, %dot_general3A_52 {dimension_numbers = #tpu.dot_dimension_numbers<[1], [0], [0], [1], [0, 0, 1, 1], [], []>, precision = #tpu.contract_precision<fp32>, transpose_lhs_hint = false} : vector<640x256xf32>, vector<256x40xf32>, vector<640x40xf32> -> vector<640x40xf32>
    %mul3A_54 = vector.broadcast %broadcast_in_dim3A_34 : vector<640x1xf32> to vector<640x40xf32>
    %mul3A_55 = arith.mulf %dot_general3A_53, %mul3A_54 : vector<640x40xf32>
    %mul3A_56 = arith.constant 640 : i32
    %mul3A_57 = arith.muli %arg0, %mul3A_56 : i32
    %iota3A = tpu.iota {dimensions = array<i32: 0>} : vector<640x1xi32>
    %add3A_58 = vector.broadcast %mul3A_57 : i32 to vector<640x1xi32>
    %add3A_59 = arith.addi %add3A_58, %iota3A : vector<640x1xi32>
    %lt3A = arith.constant 10000 : i32
    %lt3A_60 = vector.broadcast %lt3A : i32 to vector<640x1xi32>
    %lt3A_61 = arith.cmpi slt, %add3A_59, %lt3A_60 : vector<640x1xi32>
    %jit3A = arith.constant 0.000000e+00 : f32
    %broadcast_in_dim3A_62 = vector.shape_cast %lt3A_61 : vector<640x1xi1> to vector<640x1xi1>
    %broadcast_in_dim3A_63 = vector.broadcast %broadcast_in_dim3A_62 : vector<640x1xi1> to vector<640x40xi1>
    %broadcast_in_dim3A_64 = vector.broadcast %jit3A : f32 to vector<640x40xf32>
    %select_n3A = arith.select %broadcast_in_dim3A_63, %mul3A_55, %broadcast_in_dim3A_64 : vector<640x40xi1>, vector<640x40xf32>
    %broadcast_in_dim3A_65 = arith.constant 0.000000e+00 : f32
    %broadcast_in_dim3A_66 = vector.broadcast %broadcast_in_dim3A_65 : f32 to vector<640x88xf32>
    %concatenate3A_67 = tpu.concatenate %select_n3A, %broadcast_in_dim3A_66 in 1 : vector<640x40xf32>, vector<640x88xf32> -> vector<640x128xf32>
    %swap3A = arith.constant 0 : index
    %swap3A_68 = arith.constant 0 : index
    %swap3A_69 = vector.load %arg6[%swap3A, %swap3A_68] : memref<640x128xf32, #tpu.memory_space<vmem>>, vector<640x128xf32>
    tpu.vector_store %arg6[%swap3A, %swap3A_68], %concatenate3A_67 {strides = array<i32>} : memref<640x128xf32, #tpu.memory_space<vmem>>, vector<640x128xf32>,
    return
  }
  func.func @transform_0(%arg0: i32) -> (i32, i32, i32) {
    %c0_i32 = arith.constant 0 : i32
    %c0_i32_0 = arith.constant 0 : i32
    %c0_i32_1 = arith.constant 0 : i32
    return %c0_i32, %arg0, %c0_i32_0 : i32, i32, i32
  }
  func.func @transform_1(%arg0: i32) -> (i32, i32, i32, i32) {
    %c0_i32 = arith.constant 0 : i32
    %c0_i32_0 = arith.constant 0 : i32
    %c0_i32_1 = arith.constant 0 : i32
    %c0_i32_2 = arith.constant 0 : i32
    return %c0_i32, %c0_i32_0, %arg0, %c0_i32_1 : i32, i32, i32, i32
  }
  func.func @transform_2(%arg0: i32) -> (i32, i32) {
    %c0_i32 = arith.constant 0 : i32
    %c0_i32_0 = arith.constant 0 : i32
    %c0_i32_1 = arith.constant 0 : i32
    return %c0_i32, %c0_i32_0 : i32, i32
  }
  func.func @transform_3(%arg0: i32) -> (i32, i32) {
    %c0_i32 = arith.constant 0 : i32
    %c0_i32_0 = arith.constant 0 : i32
    %c0_i32_1 = arith.constant 0 : i32
    return %c0_i32, %c0_i32_0 : i32, i32
  }
  func.func @transform_4(%arg0: i32) -> (i32, i32) {
    %c0_i32 = arith.constant 0 : i32
    %c0_i32_0 = arith.constant 0 : i32
    %c0_i32_1 = arith.constant 0 : i32
    return %c0_i32, %c0_i32_0 : i32, i32
  }
  func.func @transform_5(%arg0: i32) -> (i32, i32) {
    %c0_i32 = arith.constant 0 : i32
    %c0_i32_0 = arith.constant 0 : i32
    return %arg0, %c0_i32 : i32, i32
  }
}

module attributes {stable_mosaic.version = 14 : i64} {
  func.func @_tc3_body(%arg0: i32, %arg1: memref<2x1000x128xf32, #tpu.memory_space<vmem>>, %arg2: memref<1x16x1000x16xf32, #tpu.memory_space<vmem>>, %arg3: memref<1x128xf32, #tpu.memory_space<vmem>>, %arg4: memref<128x40xf32, #tpu.memory_space<vmem>>, %arg5: memref<1x40xf32, #tpu.memory_space<vmem>>, %arg6: memref<1000x40xf32, #tpu.memory_space<vmem>>) attributes {dimension_semantics = [#tpu.dimension_semantics<arbitrary>], iteration_bounds = array<i64: 10>, scalar_prefetch = 0 : i64, scratch_operands = 0 : i64, tpu.core_type = #tpu.core_type<tc>, window_params = [{transform_indices = @transform_0, window_bounds = array<i64: 2, 1000, 128>}, {transform_indices = @transform_1, window_bounds = array<i64: 1, 16, 1000, 16>}, {pipeline_mode = #tpu.pipeline_mode<synchronous>, transform_indices = @transform_2, window_bounds = array<i64: 1, 128>}, {pipeline_mode = #tpu.pipeline_mode<synchronous>, transform_indices = @transform_3, window_bounds = array<i64: 128, 40>}, {pipeline_mode = #tpu.pipeline_mode<synchronous>, transform_indices = @transform_4, window_bounds = array<i64: 1, 40>}, {transform_indices = @transform_5, window_bounds = array<i64: 1000, 40>}]} {
    %get3A = arith.constant 0 : index
    %get3A_0 = arith.constant 0 : index
    %get3A_1 = arith.constant 0 : index
    %get3A_2 = vector.load %arg1[%get3A, %get3A_0, %get3A_1] : memref<2x1000x128xf32, #tpu.memory_space<vmem>>, vector<1x1000x40xf32>
    %get3A_3 = vector.shape_cast %get3A_2 : vector<1x1000x40xf32> to vector<1000x40xf32>
    %get3A_4 = arith.constant 1 : index
    %get3A_5 = arith.constant 0 : index
    %get3A_6 = arith.constant 0 : index
    %get3A_7 = vector.load %arg1[%get3A_4, %get3A_5, %get3A_6] : memref<2x1000x128xf32, #tpu.memory_space<vmem>>, vector<1x1000x40xf32>
    %get3A_8 = vector.shape_cast %get3A_7 : vector<1x1000x40xf32> to vector<1000x40xf32>
    %add3A = arith.addf %get3A_3, %get3A_8 : vector<1000x40xf32>
    %get3A_9 = arith.constant 0 : index
    %get3A_10 = arith.constant 0 : index
    %get3A_11 = arith.constant 0 : index
    %get3A_12 = arith.constant 0 : index
    %get3A_13 = vector.load %arg2[%get3A_9, %get3A_10, %get3A_11, %get3A_12] : memref<1x16x1000x16xf32, #tpu.memory_space<vmem>>, vector<1x16x1000x16xf32>
    %get3A_14 = vector.shape_cast %get3A_13 : vector<1x16x1000x16xf32> to vector<16x1000x16xf32>
    %reduce_sum3A = arith.constant dense<0.000000e+00> : vector<16x1000xf32>
    %reduce_sum3A_15 = vector.multi_reduction <add>, %get3A_14, %reduce_sum3A [2] : vector<16x1000x16xf32> to vector<16x1000xf32>
    %reduce_sum3A_16 = arith.constant dense<0.000000e+00> : vector<1000xf32>
    %reduce_sum3A_17 = vector.multi_reduction <add>, %reduce_sum3A_15, %reduce_sum3A_16 [0] : vector<16x1000xf32> to vector<1000xf32>
    %max3A = arith.constant 1.000000e+00 : f32
    %max3A_18 = vector.broadcast %max3A : f32 to vector<1000xf32>
    %max3A_19 = arith.maximumf %reduce_sum3A_17, %max3A_18 : vector<1000xf32>
    %rsqrt3A = math.rsqrt %max3A_19 : vector<1000xf32>
    %broadcast_in_dim3A = vector.shape_cast %rsqrt3A : vector<1000xf32> to vector<1000x1xf32>
    %get3A_20 = arith.constant 0 : index
    %get3A_21 = arith.constant 0 : index
    %get3A_22 = vector.load %arg3[%get3A_20, %get3A_21] : memref<1x128xf32, #tpu.memory_space<vmem>>, vector<1x128xf32>
    %get3A_23 = arith.constant 0 : index
    %get3A_24 = arith.constant 0 : index
    %get3A_25 = vector.load %arg4[%get3A_23, %get3A_24] : memref<128x40xf32, #tpu.memory_space<vmem>>, vector<128x40xf32>
    %dot_general3A = arith.constant dense<0.000000e+00> : vector<1x40xf32>
    %dot_general3A_26 = tpu.matmul %get3A_22, %get3A_25, %dot_general3A {dimension_numbers = #tpu.dot_dimension_numbers<[1], [0], [0], [1], [0, 0, 1, 1], [], []>, precision = #tpu.contract_precision<fp32>, transpose_lhs_hint = false} : vector<1x128xf32>, vector<128x40xf32>, vector<1x40xf32> -> vector<1x40xf32>
    %get3A_27 = arith.constant 0 : index
    %get3A_28 = arith.constant 0 : index
    %get3A_29 = vector.load %arg5[%get3A_27, %get3A_28] : memref<1x40xf32, #tpu.memory_space<vmem>>, vector<1x40xf32>
    %add3A_30 = arith.addf %dot_general3A_26, %get3A_29 : vector<1x40xf32>
    %mul3A = vector.broadcast %broadcast_in_dim3A : vector<1000x1xf32> to vector<1000x40xf32>
    %mul3A_31 = arith.mulf %add3A, %mul3A : vector<1000x40xf32>
    %add3A_32 = vector.broadcast %add3A_30 : vector<1x40xf32> to vector<1000x40xf32>
    %add3A_33 = arith.addf %mul3A_31, %add3A_32 : vector<1000x40xf32>
    %reduce_max3A = arith.constant dense<0xFF800000> : vector<1000xf32>
    %reduce_max3A_34 = vector.multi_reduction <maximumf>, %add3A_33, %reduce_max3A [1] : vector<1000x40xf32> to vector<1000xf32>
    %broadcast_in_dim3A_35 = vector.shape_cast %reduce_max3A_34 : vector<1000xf32> to vector<1000x1xf32>
    %sub3A = vector.broadcast %broadcast_in_dim3A_35 : vector<1000x1xf32> to vector<1000x40xf32>
    %sub3A_36 = arith.subf %add3A_33, %sub3A : vector<1000x40xf32>
    %exp3A = math.exp %sub3A_36 : vector<1000x40xf32>
    %reduce_sum3A_37 = arith.constant dense<0.000000e+00> : vector<1000xf32>
    %reduce_sum3A_38 = vector.multi_reduction <add>, %exp3A, %reduce_sum3A_37 [1] : vector<1000x40xf32> to vector<1000xf32>
    %broadcast_in_dim3A_39 = vector.shape_cast %reduce_sum3A_38 : vector<1000xf32> to vector<1000x1xf32>
    %log3A = math.log %broadcast_in_dim3A_39 : vector<1000x1xf32>
    %add3A_40 = arith.addf %log3A, %broadcast_in_dim3A_35 : vector<1000x1xf32>
    %sub3A_41 = vector.broadcast %add3A_40 : vector<1000x1xf32> to vector<1000x40xf32>
    %sub3A_42 = arith.subf %add3A_33, %sub3A_41 : vector<1000x40xf32>
    %swap3A = arith.constant 0 : index
    %swap3A_43 = arith.constant 0 : index
    %swap3A_44 = vector.load %arg6[%swap3A, %swap3A_43] : memref<1000x40xf32, #tpu.memory_space<vmem>>, vector<1000x40xf32>
    tpu.vector_store %arg6[%swap3A, %swap3A_43], %sub3A_42 {strides = array<i32>} : memref<1000x40xf32, #tpu.memory_space<vmem>>, vector<1000x40xf32>,
    return
  }
  func.func @transform_0(%arg0: i32) -> (i32, i32, i32) {
    %c0_i32 = arith.constant 0 : i32
    %c0_i32_0 = arith.constant 0 : i32
    %c0_i32_1 = arith.constant 0 : i32
    return %c0_i32, %arg0, %c0_i32_0 : i32, i32, i32
  }
  func.func @transform_1(%arg0: i32) -> (i32, i32, i32, i32) {
    %c1_i32 = arith.constant 1 : i32
    %c0_i32 = arith.constant 0 : i32
    %c0_i32_0 = arith.constant 0 : i32
    %c0_i32_1 = arith.constant 0 : i32
    return %c1_i32, %c0_i32, %arg0, %c0_i32_0 : i32, i32, i32, i32
  }
  func.func @transform_2(%arg0: i32) -> (i32, i32) {
    %c0_i32 = arith.constant 0 : i32
    %c0_i32_0 = arith.constant 0 : i32
    %c0_i32_1 = arith.constant 0 : i32
    return %c0_i32, %c0_i32_0 : i32, i32
  }
  func.func @transform_3(%arg0: i32) -> (i32, i32) {
    %c0_i32 = arith.constant 0 : i32
    %c0_i32_0 = arith.constant 0 : i32
    %c0_i32_1 = arith.constant 0 : i32
    return %c0_i32, %c0_i32_0 : i32, i32
  }
  func.func @transform_4(%arg0: i32) -> (i32, i32) {
    %c0_i32 = arith.constant 0 : i32
    %c0_i32_0 = arith.constant 0 : i32
    %c0_i32_1 = arith.constant 0 : i32
    return %c0_i32, %c0_i32_0 : i32, i32
  }
  func.func @transform_5(%arg0: i32) -> (i32, i32) {
    %c0_i32 = arith.constant 0 : i32
    %c0_i32_0 = arith.constant 0 : i32
    return %arg0, %c0_i32 : i32, i32
  }
}

</mosaic_0001>

<sc_bundles>
// kernel: kernel.11.cloned.1.call-start
scs
__scs_entry_jumppad:
0x0: {  	(pc) =	sbr.rel $0x88, $3  }
0x1: {  	(tag) =	ssettag $0x0;
	lr =	simm.s32 $0x1  }
0x2: {  	[smem:$0x3F99] =	sst lr;
	_ =	strace $0xD0000000  }
0x3: {  	_ = 	snop  }
0x4: {  	_ = 	snop  }
0x5: {  	_ = 	snop  }
0x6: {  	_ = 	snop  }
0x7: {  	_ = 	snop  }
__scs_overlays_trampoline_lowered:
0x8: {  	[smem:$0x3FA8] =	sst s0  }
0x9: {  	[smem:$0x3FA9] =	sst s1  }
0xa: {  	[smem:$0x3FAA] =	sst s2  }
0xb: {  	[smem:$0x3FAB] =	sst s3  }
0xc: {  	[smem:$0x3FAC] =	sst s4  }
0xd: {  	[smem:$0x3FAD] =	sst s5  }
0xe: {  	[smem:$0x3FAE] =	sst s6  }
0xf: {  	[smem:$0x3FAF] =	sst s7  }
0x10: {  	[smem:$0x3FB0] =	sst s8  }
0x11: {  	[smem:$0x3FB1] =	sst s9;
	s0 =	simm.s32 @!p0 $0x0  }
0x12: {  	s1 =	sld [smem:$0x3F97];
	s0 =	simm.s32 @p0 $0x1  }
0x13: {  	[smem:$0x3FB2] =	sst s0;
	s0 =	simm.s32 @!p1 $0x0  }
0x14: {  	s2 =	sld [smem:$0x3F96];
	s0 =	simm.s32 @p1 $0x1  }
0x15: {  	[smem:$0x3FB3] =	sst s0;
	s0 =	simm.s32 @!p2 $0x0  }
0x16: {  	s3 =	sld [smem:$0x3FDB];
	s0 =	simm.s32 @p2 $0x1  }
0x17: {  	s4 =	simm.s32 $0x1BF5;
	[smem:$0x3FB5] =	sst s0  }
0x18: {  	s0 =	sld [smem:$0x3F98];
	_ =	swait.ge [sflag:s4], $0x0  }
0x19: {  	s7 =	sld [smem:$0x3F99]  }
0x1a: {  	s8 =	sadd.s32 $0xFFFFE003, lr  }
0x1b: {  	s9 =	sadd.s32 $0xFFFFFEF7, lr;
	s5 =	simm.s32 $0xFFFFFFFF;
	p2 =	slt.u32 s8, $0xFFFFF086  }
0x1c: {  	p1 =	slt.u32 s9, $0xF7A;
	s5 =	simm.s32 @!p2 $0x0  }
0x1d: {  	s5 =	simm.s32 @p1 $0x1;
	p0 =	seq.s32 s7, s2  }
0x1e: {  	s7 =	smul.u32 @!p0 $0xF7A, s2;
	p2 =	seq.s32 @!p0 s5, $0x0  }
0x1f: {  	s9 =	smul.u32 $0xF7A, s1;
	s8 =	simm.s32 @!p0 $0x1BF5;
	p2 =	por !p2, p0  }
0x20: {  	[sflag:s8] =	ssyncset.s32 @!p0 $0xFFFFF086;
	s6 =	sadd.s32 @!p0 s3, s7;
	s7 =	simm.s32 @!p0 $0x108  }
0x21: {  	s3 =	sadd.s32 s3, s9;
	s6 =	sadd.s32 @!p0 $0x88, s6;
	s7 =	simm.s32 @p2 $0x1082  }
0x22: {  	[simem:s7], [sflag:s8] =	dma.local @!p0 [hbm:s6], $0xF7A  }
0x23: {  	s9 =	sor.u32 $0xD0000000, s2;
	s6 =	simm.s32 $0x108;
	_ =	swait.ge @!p0 [sflag:s8], $0x0  }
0x24: {  	s3 =	sadd.s32 $0x88, s3;
	s6 =	simm.s32 @!p1 $0x1082;
	[sflag:s4] =	ssyncset.s32 $0xFFFFF086  }
0x25: {  	[simem:s6], [sflag:s4] =	dma.local [hbm:s3], $0xF7A  }
0x26: {  	[smem:$0x3F99] =	sst s1;
	(tag) =	ssettag s2;
	_ =	strace s9  }
0x27: {  	s1 =	sld [smem:$0x3FA9]  }
0x28: {  	s2 =	sld [smem:$0x3FAA]  }
0x29: {  	s4 =	sld [smem:$0x3FAC]  }
0x2a: {  	p0 =	seq.s32 s5, $0x0;
	s5 =	sld [smem:$0x3FAD]  }
0x2b: {  	s6 =	sld [smem:$0x3FAE]  }
0x2c: {  	s7 =	sld [smem:$0x3FAF]  }
0x2d: {  	s3 =	simm.s32 $0x108;
	s8 =	sld [smem:$0x3FB0]  }
0x2e: {  	s3 =	simm.s32 @!p0 $0x1082;
	s9 =	sld [smem:$0x3FB1]  }
0x2f: {  	lr =	sadd.s32 s0, s3;
	s0 =	sld [smem:$0x3FA8]  }
0x30: {  	s3 =	sld [smem:$0x3FAB]  }
0x31: {  	[smem:$0x3FB4] =	sst s10  }
0x32: {  	s10 =	sld [smem:$0x3FB2];
	_ =	sdelay $0x3  }
0x33: {  	p0 =	seq.s32 s10, $0x1;
	s10 =	sld [smem:$0x3FB4];
	_ =	sdelay $0x3  }
0x34: {  	[smem:$0x3FB4] =	sst s10  }
0x35: {  	s10 =	sld [smem:$0x3FB3];
	_ =	sdelay $0x3  }
0x36: {  	p1 =	seq.s32 s10, $0x1;
	s10 =	sld [smem:$0x3FB4];
	_ =	sdelay $0x3  }
0x37: {  	[smem:$0x3FB4] =	sst s10  }
0x38: {  	s10 =	sld [smem:$0x3FB5]  }
0x39: {  	_ = 	snop;
	(pc) =	sbr.ind lr, $3  }
0x3a: {  	_ = 	snop  }
0x3b: {  	_ = 	snop  }
0x3c: {  	p2 =	seq.s32 s10, $0x1;
	s10 =	sld [smem:$0x3FB4]  }
0x3d: {  	_ =	shalt  }
0x3e: {  	_ =	shalt  }
0x3f: {  	_ =	shalt  }
0x40: {  	_ =	shalt  }
0x41: {  	_ =	shalt  }
0x42: {  	_ =	shalt  }
0x43: {  	_ =	shalt  }
0x44: {  	_ =	shalt  }
0x45: {  	_ =	shalt  }
0x46: {  	_ =	shalt  }
0x47: {  	_ =	shalt  }
0x48: {  	_ =	shalt  }
0x49: {  	_ =	shalt  }
0x4a: {  	_ =	shalt  }
0x4b: {  	_ =	shalt  }
0x4c: {  	_ =	shalt  }
0x4d: {  	_ =	shalt  }
0x4e: {  	_ =	shalt  }
0x4f: {  	_ =	shalt  }
0x50: {  	_ =	shalt  }
0x51: {  	_ =	shalt  }
0x52: {  	_ =	shalt  }
0x53: {  	_ =	shalt  }
0x54: {  	_ =	shalt  }
0x55: {  	_ =	shalt  }
0x56: {  	_ =	shalt  }
0x57: {  	_ =	shalt  }
0x58: {  	_ =	shalt  }
0x59: {  	_ =	shalt  }
0x5a: {  	_ =	shalt  }
0x5b: {  	_ =	shalt  }
0x5c: {  	_ =	shalt  }
0x5d: {  	_ =	shalt  }
0x5e: {  	_ =	shalt  }
0x5f: {  	_ =	shalt  }
0x60: {  	_ =	shalt  }
0x61: {  	_ =	shalt  }
0x62: {  	_ =	shalt  }
0x63: {  	_ =	shalt  }
0x64: {  	_ =	shalt  }
0x65: {  	_ =	shalt  }
0x66: {  	_ =	shalt  }
0x67: {  	_ =	shalt  }
0x68: {  	_ =	shalt  }
0x69: {  	_ =	shalt  }
0x6a: {  	_ =	shalt  }
0x6b: {  	_ =	shalt  }
0x6c: {  	_ =	shalt  }
0x6d: {  	_ =	shalt  }
0x6e: {  	_ =	shalt  }
0x6f: {  	_ =	shalt  }
0x70: {  	_ =	shalt  }
0x71: {  	_ =	shalt  }
0x72: {  	_ =	shalt  }
0x73: {  	_ =	shalt  }
0x74: {  	_ =	shalt  }
0x75: {  	_ =	shalt  }
0x76: {  	_ =	shalt  }
0x77: {  	_ =	shalt  }
0x78: {  	_ =	shalt  }
0x79: {  	_ =	shalt  }
0x7a: {  	_ =	shalt  }
0x7b: {  	_ =	shalt  }
0x7c: {  	_ =	shalt  }
0x7d: {  	_ =	shalt  }
0x7e: {  	_ =	shalt  }
0x7f: {  	_ =	shalt  }
0x80: {  	_ =	shalt  }
0x81: {  	_ =	shalt  }
0x82: {  	_ =	shalt  }
0x83: {  	_ =	shalt  }
0x84: {  	_ =	shalt  }
0x85: {  	_ =	shalt  }
0x86: {  	_ =	shalt  }
0x87: {  	_ =	shalt  }
.Lfunc_end0:
.L_simem_size_0:
called_computation.1_lowered:
.L_overlay_start_0:
0x88: {  	s2 =	sld [smem:$0x3FD9]  }
0x89: {  	s3 =	sld [smem:$0x3FFE];
	_ =	sdelay $0x1  }
0x8a: {  	s1 =	srdreg.scid  }
0x8b: {  	s0 =	sand.u32 $0x1, s1  }
0x8c: {  	s16 =	sshll.u32 s0, $0xA;
	s2 =	sadd.s32 s3, s2  }
0x8d: {  	s2 =	sadd.s32 s2, s16  }
0x8e: {  	[smem:$0x3FC0] =	sst s2  }
0x8f: {  	_ = 	snop  }
0x90: {  	(tm) =	ssettm $0x1  }
0x91: {  	s17 =	sld [smem:$0x3FFB];
	_ =	sdelay $0x3  }
0x92: {  	_ =	strace s17  }
0x93: {  	s2 =	sld [smem:$0x3FFC];
	_ =	sdelay $0x3  }
0x94: {  	_ =	strace s2  }
0x95: {  	s2 =	sld [smem:$0x3FFD];
	_ =	sdelay $0x3  }
0x96: {  	_ =	strace s2  }
0x97: {  	_ =	strace $0x8FFFFFFF  }
0x98: {  	s18 =	sld [smem:$0x3FDB];
	_ =	sdelay $0x1  }
0x99: {  	s19 =	simm.s32 $_scs_section_size  }
0x9a: {  	s4 =	simm.s32 $_size__tile_overlayer_lowered;
	s5 =	simm.s32 $_tile_overlayer_lowered  }
0x9b: {  	s22 =	simm.s32 $0x1BFF;
	s21 =	sshll.u32 s5, $0x1;
	s2 =	sadd.s32 s19, s18  }
0x9c: {  	s6 =	simm.s32 $0x0;
	s20 =	sshll.u32 s4, $0x1;
	s4 =	sadd.s32 s21, s2  }
0x9d: {  	[timem:s6], [sflag:s22] =	dma.local [hbm:s4], s20  }
0x9e: {  	_ =	swait.ge [sflag:s22], s20  }
0x9f: {  	s3 =	ssub.s32 $0x0, s20;
	[sflag:s22] =	ssyncset.done $0x0  }
0xa0: {  	[sflag:s22] =	ssyncadd.s32 s3;
	_ =	sdelay $0x1  }
0xa1: {  	s23 =	simm.s32 $0x1B8B  }
0xa2: {  	_ =	swait.ge [sflag:s23], $0x1  }
0xa3: {  	[sflag:s23] =	ssyncset.done $0x0  }
0xa4: {  	s25 =	simm.s32 $0x1B8E;
	s24 =	sld [smem:$0x3FFE];
	[sflag:s23] =	ssyncadd.s32 $0xFFFFFFFF  }
0xa5: {  	s26 =	simm.s32 $execute0_lowered;
	[smem:$0x3FD2] =	sst s25  }
0xa6: {  	s4 =	sshll.u32 s26, $0x1;
	_ =	strace $0x80000049;
	[dreg:$0x1] =	wrdreg $0xFFFFFFFF  }
0xa7: {  	s28 =	simm.s32 $_size_execute0_lowered;
	s2 =	sadd.s32 s2, s4;
	[dreg:$0x0] =	wrdreg $0x0  }
0xa8: {  	s4 =	sshll.u32 s28, $0x1;
	[dreg:$0x2] =	wrdreg s2  }
0xa9: {  	[dreg:$0x3] =	wrdreg s4  }
0xaa: {  	[dreg:$0x4] =	wrdreg $0xC0  }
0xab: {  	_ =	task [dreg:s6], $0x5FFFF  }
0xac: {  	[dreg:$0x1] =	wrdreg $0xFFFFFFFF  }
0xad: {  	[dreg:$0x0] =	wrdreg $0x60  }
0xae: {  	[dreg:$0x2] =	wrdreg s24  }
0xaf: {  	[dreg:$0x3] =	wrdreg $0x69000  }
0xb0: {  	[dreg:$0x4] =	wrdreg $0x9  }
0xb1: {  	_ =	task.clear_ibuf [dreg:s6], $0x5FFFF;
	_ =	strace $0x90000049  }
0xb2: {  	s29 =	simm.s32 $0x9;
	_ =	strace $0x8000004B  }
0xb3: {  	_ =	swait.ge [sflag:s29], $0x1  }
0xb4: {  	[sflag:s29] =	ssyncadd.s32 $0xFFFFFFFF  }
0xb5: {  	_ =	strace $0x9000004B  }
0xb6: {  	_ =	sfence  }
0xb7: {  	s30 =	sld [smem:$0x0];
	_ =	sdelay $0x2  }
0xb8: {  	s31 =	sshll.u32 s1, $0xD;
	s1 =	sshrl.u32 s1, $0x2  }
0xb9: {  	s3 =	sand.u32 $0x4000, s31;
	s1 =	sadd.s32 s1, s30  }
0xba: {  	s0 =	sor.u32 s3, s0;
	s1 =	sshll.u32 s1, $0x11  }
0xbb: {  	s0 =	sor.u32 s1, s0  }
0xbc: {  	s0 =	sadd.s32 $0x8F2B, s0  }
0xbd: {  	[sflag:s0] =	ssyncadd.remote.s32 $0x1  }
0xbe: {  	_ =	sfence.sel $0xFFFF  }
0xbf: {  	[dreg:$0x0] =	wrdreg $0xFFFFFFFF;
	(pc) =	sbr.abs _section_cstart, $3  }
0xc0: {  	[dreg:$0x1] =	wrdreg $0xFFFFFFFF  }
0xc1: {  	_ =	task.clear_ibuf [dreg:s6], $0x2FFFF;
	_ =	strace $0x9FFFFFFF  }
0xc2: {  	(tm) =	ssettm $0x7FFFFFFF  }
0xc3: {  	_ =	shalt  }
tec
execute0_lowered:
.L_overlay_start_1:
0x0: {  	(tag) =	ssettag $0x1  }
0x1: {  	s0 =	srdreg.scid  }
0x2: {  	s2 =	rddreg [dreg:$0x0];
	s24 =	stileid.u32  }
0x3: {  	s1 =	simm.s32 $0x0;
	s14 =	sand.u32 $0x1, s0;
	s18 =	smul.u32 $0x14000, s24  }
0x4: {  	[smem:$0x7FF] =	sst s1;
	s0 =	ssub.s32 $0x2, s14;
	s19 =	smul.u32 $0x27100, s14  }
0x5: {  	s20 =	sadd.s32 $0x560800, s2;
	s21 =	smul.u32 $0x140000, s14;
	s3 =	sshrl.u32 s0, $0x1  }
0x6: {  	s4 =	sor.u32 $0x2800, s18;
	s5 =	sor.u32 $0x3C00, s18;
	s6 =	sadd.s32 $0x5000, s18  }
0x7: {  	s7 =	sadd.s32 $0x6400, s18;
	s8 =	sadd.s32 $0x7800, s18;
	s9 =	sadd.s32 $0x8C00, s18  }
0x8: {  	s10 =	sadd.s32 $0xA000, s18;
	s11 =	sadd.s32 $0xB400, s18;
	s12 =	sadd.s32 $0xC800, s18  }
0x9: {  	s13 =	sadd.s32 $0xDC00, s18;
	s14 =	sadd.s32 $0xF000, s18;
	s15 =	sadd.s32 $0x10400, s18  }
0xa: {  	s16 =	sadd.s32 $0x11800, s18;
	s17 =	sadd.s32 $0x12C00, s18;
	s0 =	ssub.s32 s0, s3  }
0xb: {  	s3 =	sor.u32 $0x1400, s18;
	s18 =	sadd.s32 s18, s21;
	s23 =	sadd.s32 s21, s4  }
0xc: {  	s22 =	sadd.s32 s21, s3;
	s18 =	sshrl.u32 s18, $0x3;
	s26 =	sshrl.u32 s23, $0x3  }
0xd: {  	s23 =	sadd.s32 s21, s6;
	s22 =	sshrl.u32 s22, $0x3;
	s18 =	sadd.s32 s20, s18  }
0xe: {  	s0 =	smax.u32 s0, $0x1;
	[dreg:$0x9] =	wrdreg s18;
	s25 =	sadd.s32 s20, s22  }
0xf: {  	s18 =	sadd.s32 s20, s26;
	s22 =	sadd.s32 s21, s5;
	[dreg:$0xa] =	wrdreg s25  }
0x10: {  	[dreg:$0xb] =	wrdreg s18;
	s18 =	sshrl.u32 s22, $0x3;
	s22 =	sshrl.u32 s23, $0x3  }
0x11: {  	s25 =	sadd.s32 s21, s7;
	s23 =	sadd.s32 s21, s8;
	s18 =	sadd.s32 s20, s18  }
0x12: {  	s26 =	sadd.s32 s20, s22;
	s22 =	sshrl.u32 s25, $0x3;
	[dreg:$0xc] =	wrdreg s18  }
0x13: {  	s25 =	sadd.s32 s21, s9;
	[dreg:$0xd] =	wrdreg s26;
	s18 =	sadd.s32 s20, s22  }
0x14: {  	s22 =	sshrl.u32 s25, $0x3;
	s26 =	sadd.s32 s21, s10;
	[dreg:$0xe] =	wrdreg s18  }
0x15: {  	s18 =	sshrl.u32 s23, $0x3;
	s25 =	sadd.s32 s20, s22;
	s26 =	sshrl.u32 s26, $0x3  }
0x16: {  	s22 =	sadd.s32 s21, s11;
	s18 =	sadd.s32 s20, s18;
	[dreg:$0x10] =	wrdreg s25  }
0x17: {  	s23 =	sadd.s32 s21, s12;
	[dreg:$0xf] =	wrdreg s18;
	s18 =	sadd.s32 s20, s26  }
0x18: {  	s25 =	sadd.s32 s21, s13;
	[dreg:$0x11] =	wrdreg s18;
	s18 =	sshrl.u32 s22, $0x3  }
0x19: {  	s22 =	sshrl.u32 s23, $0x3;
	s23 =	sadd.s32 s21, s14;
	s18 =	sadd.s32 s20, s18  }
0x1a: {  	s26 =	sadd.s32 s20, s22;
	s22 =	sshrl.u32 s25, $0x3;
	[dreg:$0x12] =	wrdreg s18  }
0x1b: {  	s25 =	sadd.s32 s21, s15;
	[dreg:$0x13] =	wrdreg s26;
	s18 =	sadd.s32 s20, s22  }
0x1c: {  	s22 =	sshrl.u32 s25, $0x3;
	s26 =	sadd.s32 s21, s16;
	[dreg:$0x14] =	wrdreg s18  }
0x1d: {  	s18 =	sshrl.u32 s23, $0x3;
	s25 =	sadd.s32 s20, s22;
	s26 =	sshrl.u32 s26, $0x3  }
0x1e: {  	s22 =	sadd.s32 s21, s17;
	s18 =	sadd.s32 s20, s18;
	[dreg:$0x16] =	wrdreg s25  }
0x1f: {  	s23 =	smul.u32 $0x2710, s24;
	[dreg:$0x15] =	wrdreg s18;
	s18 =	sadd.s32 s20, s26  }
0x20: {  	s25 =	sshrl.u32 s22, $0x3;
	s26 =	smul.u32 $0x4E2, s24;
	[dreg:$0x17] =	wrdreg s18  }
0x21: {  	s20 =	sadd.s32 s20, s25;
	s19 =	sadd.s32 s23, s19;
	s18 =	rddreg [dreg:$0x1]  }
0x22: {  	[dreg:$0x18] =	wrdreg s20;
	s20 =	sadd.s32 $0x1C00, s2;
	s23 =	sshrl.u32 s19, $0x3  }
0x23: {  	_ =	strace $0x8000004A;
	s22 =	sadd.s32 s26, s20;
	[smem:$0x7FA] =	sst s0  }
0x24: {  	s21 =	sadd.s32 s23, s20;
	[dreg:$0x3] =	wrdreg s22  }
0x25: {  	s30 =	simm.s32 $0x6;
	s3 =	sadd.s32 s3, s18;
	[dreg:$0x4] =	wrdreg s21  }
0x26: {  	s31 =	simm.s32 $0xD;
	s4 =	sadd.s32 s4, s18;
	[dreg:$0x1a] =	wrdreg s3  }
0x27: {  	s28 =	simm.s32 $0x4;
	s5 =	sadd.s32 s5, s18;
	[dreg:$0x1b] =	wrdreg s4  }
0x28: {  	s29 =	simm.s32 $0x6700;
	s6 =	sadd.s32 s6, s18;
	[dreg:$0x1c] =	wrdreg s5  }
0x29: {  	s24 =	smul.u32 $0x50000, s24;
	s7 =	sadd.s32 s7, s18;
	[dreg:$0x1d] =	wrdreg s6  }
0x2a: {  	s25 =	sadd.s32 $0xA0, s19;
	s8 =	sadd.s32 s8, s18;
	[dreg:$0x1e] =	wrdreg s7  }
0x2b: {  	s26 =	sadd.s32 $0x78, s19;
	s14 =	sadd.s32 s14, s18;
	[dreg:$0x1f] =	wrdreg s8  }
0x2c: {  	s23 =	sadd.s32 $0x50, s19;
	s15 =	sadd.s32 s15, s18;
	[smem:$0x7FB] =	sst s14  }
0x2d: {  	s19 =	sadd.s32 $0x28, s19;
	s16 =	sadd.s32 s16, s18;
	[smem:$0x7FC] =	sst s15  }
0x2e: {  	s22 =	sshrl.u32 s25, $0x3;
	s21 =	sadd.s32 s9, s18;
	[smem:$0x7FD] =	sst s16  }
0x2f: {  	s25 =	sshrl.u32 s26, $0x3;
	s22 =	sadd.s32 s22, s20;
	[smem:$0x7F4] =	sst s21  }
0x30: {  	s19 =	sshrl.u32 s19, $0x3;
	s26 =	sadd.s32 s25, s20;
	[dreg:$0x5] =	wrdreg s22  }
0x31: {  	s7 =	simm.s32 $0x10;
	s19 =	sadd.s32 s19, s20;
	[dreg:$0x6] =	wrdreg s26  }
0x32: {  	s22 =	sshrl.u32 s23, $0x3;
	[dreg:$0x8] =	wrdreg s19;
	s23 =	sadd.s32 s11, s18  }
0x33: {  	s26 =	sshrl.u32 s24, $0x2;
	s24 =	sadd.s32 s12, s18;
	[smem:$0x7F6] =	sst s23  }
0x34: {  	s12 =	simm.s32 $0xC;
	s25 =	sadd.s32 s22, s20;
	[smem:$0x7F7] =	sst s24  }
0x35: {  	s20 =	sadd.s32 $0x510800, s2;
	s22 =	sadd.s32 s10, s18;
	[dreg:$0x7] =	wrdreg s25  }
0x36: {  	s19 =	sadd.s32 s26, s18;
	s26 =	sadd.s32 s17, s18;
	[smem:$0x7F5] =	sst s22  }
0x37: {  	s2 =	simm.s32 $0x0;
	s17 =	simm.s32 $0x7;
	[smem:$0x7F9] =	sst s26  }
0x38: {  	s24 =	simm.s32 $0xE;
	s25 =	sadd.s32 s13, s18;
	[dreg:$0x19] =	wrdreg s19  }
0x39: {  	v0 =	vimm.f32 $0.0e+00;
	s22 =	simm.s32 $0xF;
	[smem:$0x7F8] =	sst s25;
	s25 =	simm.s32 $0x28  }
.LBB2_1:
0x3a: {  	[smem:$0x7F3] =	sst s2;
	s10 =	simm.s32 $0x0;
	s13 =	simm.s32 $0x200  }
.LBB2_2:
0x3b: {  	p0 =	sne.s32 s13, $0x4E00;
	[tilespmem:s10+$0x5070] =	vst v0  }
0x3c: {  	[tilespmem:s10+$0x0] =	vst v0  }
0x3d: {  	[tilespmem:s10+$0x10] =	vst v0  }
0x3e: {  	[tilespmem:s10+$0x20] =	vst v0  }
0x3f: {  	[tilespmem:s10+$0x30] =	vst v0  }
0x40: {  	[tilespmem:s10+$0x40] =	vst v0  }
0x41: {  	[tilespmem:s10+$0x50] =	vst v0  }
0x42: {  	[tilespmem:s10+$0x60] =	vst v0  }
0x43: {  	[tilespmem:s10+$0x70] =	vst v0  }
0x44: {  	[tilespmem:s10+$0x1400] =	vst v0  }
0x45: {  	[tilespmem:s10+$0x1410] =	vst v0  }
0x46: {  	[tilespmem:s10+$0x1420] =	vst v0  }
0x47: {  	[tilespmem:s10+$0x1430] =	vst v0  }
0x48: {  	[tilespmem:s10+$0x1440] =	vst v0  }
0x49: {  	[tilespmem:s10+$0x1450] =	vst v0  }
0x4a: {  	[tilespmem:s10+$0x1460] =	vst v0  }
0x4b: {  	[tilespmem:s10+$0x1470] =	vst v0  }
0x4c: {  	[tilespmem:s10+$0x2800] =	vst v0  }
0x4d: {  	[tilespmem:s10+$0x2810] =	vst v0  }
0x4e: {  	[tilespmem:s10+$0x2820] =	vst v0  }
0x4f: {  	[tilespmem:s10+$0x2830] =	vst v0  }
0x50: {  	[tilespmem:s10+$0x2840] =	vst v0  }
0x51: {  	[tilespmem:s10+$0x2850] =	vst v0  }
0x52: {  	[tilespmem:s10+$0x2860] =	vst v0  }
0x53: {  	[tilespmem:s10+$0x2870] =	vst v0  }
0x54: {  	[tilespmem:s10+$0x3C00] =	vst v0  }
0x55: {  	[tilespmem:s10+$0x3C10] =	vst v0  }
0x56: {  	[tilespmem:s10+$0x3C20] =	vst v0  }
0x57: {  	[tilespmem:s10+$0x3C30] =	vst v0  }
0x58: {  	[tilespmem:s10+$0x3C40] =	vst v0  }
0x59: {  	[tilespmem:s10+$0x3C50] =	vst v0  }
0x5a: {  	[tilespmem:s10+$0x3C60] =	vst v0  }
0x5b: {  	[tilespmem:s10+$0x3C70] =	vst v0  }
0x5c: {  	[tilespmem:s10+$0x5000] =	vst v0  }
0x5d: {  	[tilespmem:s10+$0x5010] =	vst v0  }
.Ltmp0:
0x5e: {  	[tilespmem:s10+$0x5020] =	vst v0;
	(pc) =	sbr.rel @p0 .LBB2_2-.Ltmp0, $4  }
0x5f: {  	[tilespmem:s10+$0x5030] =	vst v0  }
0x60: {  	[tilespmem:s10+$0x5040] =	vst v0  }
0x61: {  	[tilespmem:s10+$0x5050] =	vst v0  }
0x62: {  	[tilespmem:s10+$0x5060] =	vst v0;
	s10 =	sshra.s32 s13, $0x2;
	s13 =	sadd.s32 $0x200, s13  }
0x63: {  	[tilespmem:s10+$0x5070] =	vst v0  }
0x64: {  	[tilespmem:s10+$0x0] =	vst v0  }
0x65: {  	[tilespmem:s10+$0x10] =	vst v0  }
0x66: {  	[tilespmem:s10+$0x20] =	vst v0  }
0x67: {  	[tilespmem:s10+$0x30] =	vst v0  }
0x68: {  	[tilespmem:s10+$0x40] =	vst v0  }
0x69: {  	[tilespmem:s10+$0x50] =	vst v0  }
0x6a: {  	[tilespmem:s10+$0x60] =	vst v0  }
0x6b: {  	[tilespmem:s10+$0x70] =	vst v0  }
0x6c: {  	[tilespmem:s10+$0x1400] =	vst v0  }
0x6d: {  	[tilespmem:s10+$0x1410] =	vst v0  }
0x6e: {  	[tilespmem:s10+$0x1420] =	vst v0  }
0x6f: {  	[tilespmem:s10+$0x1430] =	vst v0  }
0x70: {  	[tilespmem:s10+$0x1440] =	vst v0  }
0x71: {  	[tilespmem:s10+$0x1450] =	vst v0  }
0x72: {  	[tilespmem:s10+$0x1460] =	vst v0  }
0x73: {  	[tilespmem:s10+$0x1470] =	vst v0  }
0x74: {  	[tilespmem:s10+$0x2800] =	vst v0  }
0x75: {  	[tilespmem:s10+$0x2810] =	vst v0  }
0x76: {  	[tilespmem:s10+$0x2820] =	vst v0  }
0x77: {  	[tilespmem:s10+$0x2830] =	vst v0  }
0x78: {  	[tilespmem:s10+$0x2840] =	vst v0  }
0x79: {  	[tilespmem:s10+$0x2850] =	vst v0  }
0x7a: {  	[tilespmem:s10+$0x2860] =	vst v0  }
0x7b: {  	[tilespmem:s10+$0x2870] =	vst v0  }
0x7c: {  	[tilespmem:s10+$0x3C00] =	vst v0  }
0x7d: {  	[tilespmem:s10+$0x3C10] =	vst v0  }
0x7e: {  	[tilespmem:s10+$0x3C20] =	vst v0  }
0x7f: {  	[tilespmem:s10+$0x3C30] =	vst v0  }
0x80: {  	[tilespmem:s10+$0x3C40] =	vst v0  }
0x81: {  	[tilespmem:s10+$0x3C50] =	vst v0  }
0x82: {  	[tilespmem:s10+$0x3C60] =	vst v0  }
0x83: {  	[tilespmem:s10+$0x3C70] =	vst v0  }
0x84: {  	[tilespmem:s10+$0x5000] =	vst v0  }
0x85: {  	[tilespmem:s10+$0x5010] =	vst v0  }
0x86: {  	[tilespmem:s10+$0x5020] =	vst v0  }
0x87: {  	[tilespmem:s10+$0x5030] =	vst v0  }
0x88: {  	[tilespmem:s10+$0x5040] =	vst v0  }
0x89: {  	[tilespmem:s10+$0x5050] =	vst v0  }
0x8a: {  	[tilespmem:s10+$0x5060] =	vst v0;
	s10 =	simm.s32 $0x0  }
0x8b: {  	[spmem:s19] =	stream.linear.scatter [tilespmem:s10], [sflag:$0x10], $0x1400, $0x38;
	[tilespmem:$0x1A900] =	vst v63  }
0x8c: {  	_ =	swait.ge [sflag:s7], $0x1400  }
0x8d: {  	[sflag:s7] =	ssyncset.done $0x0  }
0x8e: {  	s13 =	simm.s32 $0x1400;
	s11 =	rddreg [dreg:$0x1a];
	[sflag:s7] =	ssyncadd.s32 $0xFFFFEC00  }
0x8f: {  	[spmem:s11] =	stream.linear.scatter [tilespmem:s13], [sflag:$0x10], $0x1400, $0x38;
	[tilespmem:$0x1A900] =	vst v63  }
0x90: {  	_ =	swait.ge [sflag:s7], $0x1400  }
0x91: {  	[sflag:s7] =	ssyncset.done $0x0  }
0x92: {  	s19 =	simm.s32 $0x2800;
	s21 =	rddreg [dreg:$0x1b];
	[sflag:s7] =	ssyncadd.s32 $0xFFFFEC00  }
0x93: {  	[spmem:s21] =	stream.linear.scatter [tilespmem:s19], [sflag:$0x10], $0x1400, $0x38;
	[tilespmem:$0x1A900] =	vst v63  }
0x94: {  	_ =	swait.ge [sflag:s7], $0x1400  }
0x95: {  	[sflag:s7] =	ssyncset.done $0x0  }
0x96: {  	s21 =	simm.s32 $0x3C00;
	s23 =	rddreg [dreg:$0x1c];
	[sflag:s7] =	ssyncadd.s32 $0xFFFFEC00  }
0x97: {  	[spmem:s23] =	stream.linear.scatter [tilespmem:s21], [sflag:$0x10], $0x1400, $0x38;
	[tilespmem:$0x1A900] =	vst v63  }
0x98: {  	_ =	swait.ge [sflag:s7], $0x1400  }
0x99: {  	[sflag:s7] =	ssyncset.done $0x0  }
0x9a: {  	s5 =	simm.s32 $0x5000;
	s26 =	rddreg [dreg:$0x1d];
	[sflag:s7] =	ssyncadd.s32 $0xFFFFEC00  }
0x9b: {  	[spmem:s26] =	stream.linear.scatter [tilespmem:s5], [sflag:$0x10], $0x1400, $0x38;
	[tilespmem:$0x1A900] =	vst v63  }
0x9c: {  	_ =	swait.ge [sflag:s7], $0x1400  }
0x9d: {  	[sflag:s7] =	ssyncset.done $0x0  }
0x9e: {  	s0 =	rddreg [dreg:$0x1e];
	[sflag:s7] =	ssyncadd.s32 $0xFFFFEC00  }
0x9f: {  	[spmem:s0] =	stream.linear.scatter [tilespmem:s10], [sflag:$0x10], $0x1400, $0x38;
	[tilespmem:$0x1A900] =	vst v63  }
0xa0: {  	_ =	swait.ge [sflag:s7], $0x1400  }
0xa1: {  	[sflag:s7] =	ssyncset.done $0x0  }
0xa2: {  	s2 =	rddreg [dreg:$0x1f];
	[sflag:s7] =	ssyncadd.s32 $0xFFFFEC00  }
0xa3: {  	[spmem:s2] =	stream.linear.scatter [tilespmem:s13], [sflag:$0x10], $0x1400, $0x38;
	[tilespmem:$0x1A900] =	vst v63  }
0xa4: {  	_ =	swait.ge [sflag:s7], $0x1400  }
0xa5: {  	s3 =	sld [smem:$0x7F4]  }
0xa6: {  	[sflag:s7] =	ssyncset.done $0x0  }
0xa7: {  	[sflag:s7] =	ssyncadd.s32 $0xFFFFEC00  }
0xa8: {  	[spmem:s3] =	stream.linear.scatter [tilespmem:s19], [sflag:$0x10], $0x1400, $0x38;
	[tilespmem:$0x1A900] =	vst v63  }
0xa9: {  	_ =	swait.ge [sflag:s7], $0x1400  }
0xaa: {  	s4 =	sld [smem:$0x7F5]  }
0xab: {  	[sflag:s7] =	ssyncset.done $0x0  }
0xac: {  	[sflag:s7] =	ssyncadd.s32 $0xFFFFEC00  }
0xad: {  	[spmem:s4] =	stream.linear.scatter [tilespmem:s21], [sflag:$0x10], $0x1400, $0x38;
	[tilespmem:$0x1A900] =	vst v63  }
0xae: {  	_ =	swait.ge [sflag:s7], $0x1400  }
0xaf: {  	s6 =	sld [smem:$0x7F6]  }
0xb0: {  	[sflag:s7] =	ssyncset.done $0x0  }
0xb1: {  	[sflag:s7] =	ssyncadd.s32 $0xFFFFEC00  }
0xb2: {  	[spmem:s6] =	stream.linear.scatter [tilespmem:s5], [sflag:$0x10], $0x1400, $0x38;
	[tilespmem:$0x1A900] =	vst v63  }
0xb3: {  	_ =	swait.ge [sflag:s7], $0x1400  }
0xb4: {  	s8 =	sld [smem:$0x7F7]  }
0xb5: {  	[sflag:s7] =	ssyncset.done $0x0  }
0xb6: {  	[sflag:s7] =	ssyncadd.s32 $0xFFFFEC00  }
0xb7: {  	[spmem:s8] =	stream.linear.scatter [tilespmem:s10], [sflag:$0x10], $0x1400, $0x38;
	[tilespmem:$0x1A900] =	vst v63  }
0xb8: {  	_ =	swait.ge [sflag:s7], $0x1400  }
0xb9: {  	s9 =	sld [smem:$0x7F8]  }
0xba: {  	[sflag:s7] =	ssyncset.done $0x0  }
0xbb: {  	[sflag:s7] =	ssyncadd.s32 $0xFFFFEC00  }
0xbc: {  	[spmem:s9] =	stream.linear.scatter [tilespmem:s13], [sflag:$0x10], $0x1400, $0x38;
	[tilespmem:$0x1A900] =	vst v63  }
0xbd: {  	_ =	swait.ge [sflag:s7], $0x1400  }
0xbe: {  	[sflag:s7] =	ssyncset.done $0x0  }
0xbf: {  	[sflag:s7] =	ssyncadd.s32 $0xFFFFEC00  }
0xc0: {  	[spmem:s14] =	stream.linear.scatter [tilespmem:s19], [sflag:$0x10], $0x1400, $0x38;
	[tilespmem:$0x1A900] =	vst v63  }
0xc1: {  	_ =	swait.ge [sflag:s7], $0x1400  }
0xc2: {  	[sflag:s7] =	ssyncset.done $0x0  }
0xc3: {  	[sflag:s7] =	ssyncadd.s32 $0xFFFFEC00  }
0xc4: {  	[spmem:s15] =	stream.linear.scatter [tilespmem:s21], [sflag:$0x10], $0x1400, $0x38;
	[tilespmem:$0x1A900] =	vst v63  }
0xc5: {  	_ =	swait.ge [sflag:s7], $0x1400  }
0xc6: {  	[sflag:s7] =	ssyncset.done $0x0  }
0xc7: {  	[sflag:s7] =	ssyncadd.s32 $0xFFFFEC00  }
0xc8: {  	[spmem:s16] =	stream.linear.scatter [tilespmem:s5], [sflag:$0x10], $0x1400, $0x38;
	[tilespmem:$0x1A900] =	vst v63  }
0xc9: {  	_ =	swait.ge [sflag:s7], $0x1400  }
0xca: {  	s19 =	sld [smem:$0x7F9]  }
0xcb: {  	[sflag:s7] =	ssyncset.done $0x0  }
0xcc: {  	[sflag:s7] =	ssyncadd.s32 $0xFFFFEC00  }
0xcd: {  	[spmem:s19] =	stream.linear.scatter [tilespmem:s10], [sflag:$0x10], $0x1400, $0x38;
	[tilespmem:$0x1A900] =	vst v63  }
0xce: {  	_ =	swait.ge [sflag:s7], $0x1400  }
0xcf: {  	[sflag:s7] =	ssyncset.done $0x0  }
0xd0: {  	[sflag:s7] =	ssyncadd.s32 $0xFFFFEC00  }
0xd1: {  	[bflag:$0x0] =	sbarrier.arrive $0xFFFF  }
0xd2: {  	s23 =	rddreg [dreg:$0x4]  }
0xd3: {  	s26 =	rddreg [dreg:$0x3]  }
0xd4: {  	s19 =	simm.s32 $0x6400;
	s10 =	sadd.s32 $0x0, s23;
	s13 =	sadd.s32 $0x0, s26  }
0xd5: {  	[tilespmem:s19], [sflag:$0x6] =	stream.linear.gather [hbm4b:s10+s1], $0x28, $0x38;
	[tilespmem:$0x1A900] =	vst v63  }
0xd6: {  	s8 =	simm.s32 $0x6680;
	s0 =	rddreg [dreg:$0x8];
	s2 =	sadd.s32 $0x9C40, s13  }
0xd7: {  	[tilespmem:s8], [sflag:$0xB] =	stream.linear.gather [hbm4b:s2+s1], $0x28, $0x38;
	[tilespmem:$0x1A900] =	vst v63  }
0xd8: {  	s3 =	sadd.s32 $0x0, s0;
	s0 =	simm.s32 $0x6480  }
0xd9: {  	[tilespmem:s0], [sflag:$0x7] =	stream.linear.gather [hbm4b:s3+s1], $0x28, $0x38;
	[tilespmem:$0x1A900] =	vst v63  }
0xda: {  	s9 =	simm.s32 $0x6700;
	s4 =	sadd.s32 $0x9C45, s13;
	s2 =	rddreg [dreg:$0x7]  }
0xdb: {  	[tilespmem:s9], [sflag:$0xC] =	stream.linear.gather [hbm4b:s4+s1], $0x28, $0x38;
	[tilespmem:$0x1A900] =	vst v63  }
0xdc: {  	s6 =	sadd.s32 $0x0, s2;
	s2 =	simm.s32 $0x6500  }
0xdd: {  	[tilespmem:s2], [sflag:$0x8] =	stream.linear.gather [hbm4b:s6+s1], $0x28, $0x38;
	[tilespmem:$0x1A900] =	vst v63  }
0xde: {  	s16 =	simm.s32 $0x6780;
	s11 =	sadd.s32 $0x9C4A, s13;
	s3 =	rddreg [dreg:$0x6]  }
0xdf: {  	[tilespmem:s16], [sflag:$0xD] =	stream.linear.gather [hbm4b:s11+s1], $0x28, $0x38;
	[tilespmem:$0x1A900] =	vst v63  }
0xe0: {  	s23 =	sadd.s32 $0x0, s3;
	s3 =	simm.s32 $0x6580  }
0xe1: {  	[tilespmem:s3], [sflag:$0x9] =	stream.linear.gather [hbm4b:s23+s1], $0x28, $0x38;
	[tilespmem:$0x1A900] =	vst v63  }
0xe2: {  	s26 =	sadd.s32 $0x9C4F, s13;
	s4 =	rddreg [dreg:$0x5];
	s6 =	simm.s32 $0x6800  }
0xe3: {  	[tilespmem:s6], [sflag:$0xE] =	stream.linear.gather [hbm4b:s26+s1], $0x28, $0x38;
	[tilespmem:$0x1A900] =	vst v63  }
0xe4: {  	s11 =	sadd.s32 $0x0, s4;
	s4 =	simm.s32 $0x6600  }
0xe5: {  	[tilespmem:s4], [sflag:$0xA] =	stream.linear.gather [hbm4b:s11+s1], $0x28, $0x38;
	[tilespmem:$0x1A900] =	vst v63  }
0xe6: {  	s23 =	sadd.s32 $0x9C54, s13;
	s11 =	simm.s32 $0x6880  }
0xe7: {  	[tilespmem:s11], [sflag:$0xF] =	stream.linear.gather [hbm4b:s23+s1], $0x28, $0x38;
	[tilespmem:$0x1A900] =	vst v63  }
0xe8: {  	_ =	swait.ge [sflag:s30], $0x28  }
0xe9: {  	[sflag:s30] =	ssyncset.done $0x0  }
0xea: {  	[sflag:s30] =	ssyncadd.s32 $0xFFFFFFD8  }
0xeb: {  	[tilespmem:s1], [sflag:$0x1] =	stream.indirect.gather [hbm4b:s20+s25], $0x80, s19, s25, $0xb8;
	[tilespmem:$0x1A900] =	vst v63  }
0xec: {  	_ =	swait.ge [sflag:s17], $0x28  }
0xed: {  	[sflag:s17] =	ssyncset.done $0x0  }
0xee: {  	s14 =	simm.s32 $0x1400;
	s26 =	simm.s32 $0x8;
	[sflag:s17] =	ssyncadd.s32 $0xFFFFFFD8  }
0xef: {  	[tilespmem:s14], [sflag:$0x2] =	stream.indirect.gather [hbm4b:s20+s25], $0x80, s0, s25, $0xb8;
	[tilespmem:$0x1A900] =	vst v63  }
0xf0: {  	_ =	swait.ge [sflag:s26], $0x28  }
0xf1: {  	[sflag:s26] =	ssyncset.done $0x0  }
0xf2: {  	s15 =	simm.s32 $0x2800;
	s10 =	simm.s32 $0x9;
	[sflag:s26] =	ssyncadd.s32 $0xFFFFFFD8  }
0xf3: {  	[tilespmem:s15], [sflag:$0x3] =	stream.indirect.gather [hbm4b:s20+s25], $0x80, s2, s25, $0xb8;
	[tilespmem:$0x1A900] =	vst v63  }
0xf4: {  	_ =	swait.ge [sflag:s10], $0x28  }
0xf5: {  	[sflag:s10] =	ssyncset.done $0x0  }
0xf6: {  	s13 =	simm.s32 $0xA;
	[sflag:s10] =	ssyncadd.s32 $0xFFFFFFD8  }
0xf7: {  	[tilespmem:s21], [sflag:$0x4] =	stream.indirect.gather [hbm4b:s20+s25], $0x80, s3, s25, $0xb8;
	[tilespmem:$0x1A900] =	vst v63  }
0xf8: {  	_ =	swait.ge [sflag:s13], $0x28  }
0xf9: {  	[sflag:s13] =	ssyncset.done $0x0  }
0xfa: {  	s23 =	simm.s32 $0x1;
	[sflag:s13] =	ssyncadd.s32 $0xFFFFFFD8  }
0xfb: {  	[tilespmem:s5], [sflag:$0x5] =	stream.indirect.gather [hbm4b:s20+s25], $0x80, s4, s25, $0xb8;
	[tilespmem:$0x1A900] =	vst v63  }
0xfc: {  	_ =	swait.ge [sflag:s23], $0x1400  }
0xfd: {  	[sflag:s23] =	ssyncset.done $0x0  }
0xfe: {  	s26 =	simm.s32 $0xB;
	[sflag:s23] =	ssyncadd.s32 $0xFFFFEC00  }
0xff: {  	_ =	swait.ge [sflag:s26], $0x28  }
0x100: {  	[sflag:s26] =	ssyncset.done $0x0  }
0x101: {  	[sflag:s26] =	ssyncadd.s32 $0xFFFFFFD8  }
0x102: {  	[spmem:s18] =	stream.indirect.scatter.add.f32 [tilespmem:s1], [sflag:$0x10], $0x80, s8, s25, $0xb8;
	[tilespmem:$0x1A900] =	vst v63  }
0x103: {  	_ =	swait.ge [sflag:s7], $0x1400  }
0x104: {  	[sflag:s7] =	ssyncset.done $0x0  }
0x105: {  	s8 =	simm.s32 $0x2;
	[sflag:s7] =	ssyncadd.s32 $0xFFFFEC00  }
0x106: {  	_ =	swait.ge [sflag:s8], $0x1400  }
0x107: {  	[sflag:s8] =	ssyncset.done $0x0  }
0x108: {  	[sflag:s8] =	ssyncadd.s32 $0xFFFFEC00  }
0x109: {  	_ =	swait.ge [sflag:s12], $0x28  }
0x10a: {  	[sflag:s12] =	ssyncset.done $0x0  }
0x10b: {  	[sflag:s12] =	ssyncadd.s32 $0xFFFFFFD8  }
0x10c: {  	[spmem:s18] =	stream.indirect.scatter.add.f32 [tilespmem:s14], [sflag:$0x10], $0x80, s9, s25, $0xb8;
	[tilespmem:$0x1A900] =	vst v63  }
0x10d: {  	_ =	swait.ge [sflag:s7], $0x1400  }
0x10e: {  	[sflag:s7] =	ssyncset.done $0x0  }
0x10f: {  	s9 =	simm.s32 $0x3;
	[sflag:s7] =	ssyncadd.s32 $0xFFFFEC00  }
0x110: {  	_ =	swait.ge [sflag:s9], $0x1400  }
0x111: {  	[sflag:s9] =	ssyncset.done $0x0  }
0x112: {  	[sflag:s9] =	ssyncadd.s32 $0xFFFFEC00  }
0x113: {  	_ =	swait.ge [sflag:s31], $0x28  }
0x114: {  	[sflag:s31] =	ssyncset.done $0x0  }
0x115: {  	[sflag:s31] =	ssyncadd.s32 $0xFFFFFFD8  }
0x116: {  	[spmem:s18] =	stream.indirect.scatter.add.f32 [tilespmem:s15], [sflag:$0x10], $0x80, s16, s25, $0xb8;
	[tilespmem:$0x1A900] =	vst v63  }
0x117: {  	_ =	swait.ge [sflag:s7], $0x1400  }
0x118: {  	[sflag:s7] =	ssyncset.done $0x0  }
0x119: {  	[sflag:s7] =	ssyncadd.s32 $0xFFFFEC00  }
0x11a: {  	_ =	swait.ge [sflag:s28], $0x1400  }
0x11b: {  	[sflag:s28] =	ssyncset.done $0x0  }
0x11c: {  	[sflag:s28] =	ssyncadd.s32 $0xFFFFEC00  }
0x11d: {  	_ =	swait.ge [sflag:s24], $0x28  }
0x11e: {  	[sflag:s24] =	ssyncset.done $0x0  }
0x11f: {  	[sflag:s24] =	ssyncadd.s32 $0xFFFFFFD8  }
0x120: {  	[spmem:s18] =	stream.indirect.scatter.add.f32 [tilespmem:s21], [sflag:$0x10], $0x80, s6, s25, $0xb8;
	[tilespmem:$0x1A900] =	vst v63  }
0x121: {  	_ =	swait.ge [sflag:s7], $0x1400  }
0x122: {  	[sflag:s7] =	ssyncset.done $0x0  }
0x123: {  	s21 =	simm.s32 $0x5;
	[sflag:s7] =	ssyncadd.s32 $0xFFFFEC00  }
0x124: {  	_ =	swait.ge [sflag:s21], $0x1400  }
0x125: {  	[sflag:s21] =	ssyncset.done $0x0  }
0x126: {  	[sflag:s21] =	ssyncadd.s32 $0xFFFFEC00  }
0x127: {  	_ =	swait.ge [sflag:s22], $0x28  }
0x128: {  	[sflag:s22] =	ssyncset.done $0x0  }
0x129: {  	s0 =	smov.u32 s18;
	[sflag:s22] =	ssyncadd.s32 $0xFFFFFFD8  }
0x12a: {  	[spmem:s18] =	stream.indirect.scatter.add.f32 [tilespmem:s5], [sflag:$0x10], $0x80, s11, s25, $0xb8;
	[tilespmem:$0x1A900] =	vst v63  }
0x12b: {  	s10 =	simm.s32 $0x32;
	s13 =	simm.s32 $0x19;
	_ =	swait.ge [sflag:s7], $0x1400  }
.LBB2_4:
0x12c: {  	s14 =	rddreg [dreg:$0x4];
	[sflag:s7] =	ssyncset.done $0x0  }
0x12d: {  	s15 =	rddreg [dreg:$0x3];
	[sflag:s7] =	ssyncadd.s32 $0xFFFFEC00;
	s14 =	sadd.s32 s13, s14  }
0x12e: {  	[tilespmem:s19], [sflag:$0x6] =	stream.linear.gather [hbm4b:s14+s1], $0x28, $0x38;
	[tilespmem:$0x1A900] =	vst v63  }
0x12f: {  	s14 =	sadd.s32 s13, s15  }
0x130: {  	s16 =	rddreg [dreg:$0x8];
	s18 =	simm.s32 $0x6680;
	s15 =	sadd.s32 $0x9C40, s14  }
0x131: {  	[tilespmem:s18], [sflag:$0xB] =	stream.linear.gather [hbm4b:s15+s1], $0x28, $0x38;
	[tilespmem:$0x1A900] =	vst v63  }
0x132: {  	s2 =	simm.s32 $0x6480;
	s16 =	sadd.s32 s13, s16  }
0x133: {  	[tilespmem:s2], [sflag:$0x7] =	stream.linear.gather [hbm4b:s16+s1], $0x28, $0x38;
	[tilespmem:$0x1A900] =	vst v63  }
0x134: {  	s3 =	rddreg [dreg:$0x7];
	s26 =	sadd.s32 $0x9C45, s14  }
0x135: {  	[tilespmem:s29], [sflag:$0xC] =	stream.linear.gather [hbm4b:s26+s1], $0x28, $0x38;
	[tilespmem:$0x1A900] =	vst v63  }
0x136: {  	s4 =	sadd.s32 s13, s3;
	s3 =	simm.s32 $0x6500  }
0x137: {  	[tilespmem:s3], [sflag:$0x8] =	stream.linear.gather [hbm4b:s4+s1], $0x28, $0x38;
	[tilespmem:$0x1A900] =	vst v63  }
0x138: {  	s6 =	rddreg [dreg:$0x6];
	s5 =	sadd.s32 $0x9C4A, s14;
	s26 =	simm.s32 $0x6780  }
0x139: {  	[tilespmem:s26], [sflag:$0xD] =	stream.linear.gather [hbm4b:s5+s1], $0x28, $0x38;
	[tilespmem:$0x1A900] =	vst v63  }
0x13a: {  	s19 =	sadd.s32 s13, s6;
	s4 =	simm.s32 $0x6580  }
0x13b: {  	[tilespmem:s4], [sflag:$0x9] =	stream.linear.gather [hbm4b:s19+s1], $0x28, $0x38;
	[tilespmem:$0x1A900] =	vst v63  }
0x13c: {  	s6 =	simm.s32 $0x6800;
	s23 =	sadd.s32 $0x9C4F, s14;
	s5 =	rddreg [dreg:$0x5]  }
0x13d: {  	[tilespmem:s6], [sflag:$0xE] =	stream.linear.gather [hbm4b:s23+s1], $0x28, $0x38;
	[tilespmem:$0x1A900] =	vst v63  }
0x13e: {  	s23 =	sadd.s32 s13, s5;
	s5 =	simm.s32 $0x6600  }
0x13f: {  	[tilespmem:s5], [sflag:$0xA] =	stream.linear.gather [hbm4b:s23+s1], $0x28, $0x38;
	[tilespmem:$0x1A900] =	vst v63  }
0x140: {  	s14 =	sadd.s32 $0x9C54, s14;
	s23 =	simm.s32 $0x6880  }
0x141: {  	[tilespmem:s23], [sflag:$0xF] =	stream.linear.gather [hbm4b:s14+s1], $0x28, $0x38;
	[tilespmem:$0x1A900] =	vst v63  }
0x142: {  	_ =	swait.ge [sflag:s30], $0x28  }
0x143: {  	[sflag:s30] =	ssyncset.done $0x0  }
0x144: {  	s19 =	simm.s32 $0x6400;
	[sflag:s30] =	ssyncadd.s32 $0xFFFFFFD8  }
0x145: {  	[tilespmem:s1], [sflag:$0x1] =	stream.indirect.gather [hbm4b:s20+s25], $0x80, s19, s25, $0xb8;
	[tilespmem:$0x1A900] =	vst v63  }
0x146: {  	_ =	swait.ge [sflag:s17], $0x28  }
0x147: {  	[sflag:s17] =	ssyncset.done $0x0  }
0x148: {  	s15 =	simm.s32 $0x1400;
	s14 =	simm.s32 $0x8;
	[sflag:s17] =	ssyncadd.s32 $0xFFFFFFD8  }
0x149: {  	[tilespmem:s15], [sflag:$0x2] =	stream.indirect.gather [hbm4b:s20+s25], $0x80, s2, s25, $0xb8;
	[tilespmem:$0x1A900] =	vst v63  }
0x14a: {  	_ =	swait.ge [sflag:s14], $0x28  }
0x14b: {  	[sflag:s14] =	ssyncset.done $0x0  }
0x14c: {  	s16 =	simm.s32 $0x2800;
	[sflag:s14] =	ssyncadd.s32 $0xFFFFFFD8  }
0x14d: {  	[tilespmem:s16], [sflag:$0x3] =	stream.indirect.gather [hbm4b:s20+s25], $0x80, s3, s25, $0xb8;
	[tilespmem:$0x1A900] =	vst v63  }
0x14e: {  	s3 =	simm.s32 $0x9  }
0x14f: {  	s11 =	smov.u32 s10;
	_ =	swait.ge [sflag:s3], $0x28  }
0x150: {  	s13 =	smov.u32 s11;
	[sflag:s3] =	ssyncset.done $0x0  }
0x151: {  	s11 =	simm.s32 $0xA;
	s14 =	simm.s32 $0x3C00;
	[sflag:s3] =	ssyncadd.s32 $0xFFFFFFD8  }
0x152: {  	[tilespmem:s14], [sflag:$0x4] =	stream.indirect.gather [hbm4b:s20+s25], $0x80, s4, s25, $0xb8;
	[tilespmem:$0x1A900] =	vst v63  }
0x153: {  	_ =	swait.ge [sflag:s11], $0x28  }
0x154: {  	[sflag:s11] =	ssyncset.done $0x0  }
0x155: {  	s3 =	simm.s32 $0x5000;
	s4 =	simm.s32 $0x1;
	[sflag:s11] =	ssyncadd.s32 $0xFFFFFFD8  }
0x156: {  	[tilespmem:s3], [sflag:$0x5] =	stream.indirect.gather [hbm4b:s20+s25], $0x80, s5, s25, $0xb8;
	[tilespmem:$0x1A900] =	vst v63  }
0x157: {  	_ =	swait.ge [sflag:s4], $0x1400  }
0x158: {  	[sflag:s4] =	ssyncset.done $0x0  }
0x159: {  	s5 =	simm.s32 $0xB;
	[sflag:s4] =	ssyncadd.s32 $0xFFFFEC00  }
0x15a: {  	_ =	swait.ge [sflag:s5], $0x28  }
0x15b: {  	[sflag:s5] =	ssyncset.done $0x0  }
0x15c: {  	[sflag:s5] =	ssyncadd.s32 $0xFFFFFFD8  }
0x15d: {  	[spmem:s0] =	stream.indirect.scatter.add.f32 [tilespmem:s1], [sflag:$0x10], $0x80, s18, s25, $0xb8;
	[tilespmem:$0x1A900] =	vst v63  }
0x15e: {  	_ =	swait.ge [sflag:s7], $0x1400  }
0x15f: {  	[sflag:s7] =	ssyncset.done $0x0  }
0x160: {  	[sflag:s7] =	ssyncadd.s32 $0xFFFFEC00  }
0x161: {  	_ =	swait.ge [sflag:s8], $0x1400  }
0x162: {  	[sflag:s8] =	ssyncset.done $0x0  }
0x163: {  	[sflag:s8] =	ssyncadd.s32 $0xFFFFEC00  }
0x164: {  	_ =	swait.ge [sflag:s12], $0x28  }
0x165: {  	[sflag:s12] =	ssyncset.done $0x0  }
0x166: {  	[sflag:s12] =	ssyncadd.s32 $0xFFFFFFD8  }
0x167: {  	[spmem:s0] =	stream.indirect.scatter.add.f32 [tilespmem:s15], [sflag:$0x10], $0x80, s29, s25, $0xb8;
	[tilespmem:$0x1A900] =	vst v63  }
0x168: {  	_ =	swait.ge [sflag:s7], $0x1400  }
0x169: {  	[sflag:s7] =	ssyncset.done $0x0  }
0x16a: {  	[sflag:s7] =	ssyncadd.s32 $0xFFFFEC00  }
0x16b: {  	_ =	swait.ge [sflag:s9], $0x1400  }
0x16c: {  	[sflag:s9] =	ssyncset.done $0x0  }
0x16d: {  	[sflag:s9] =	ssyncadd.s32 $0xFFFFEC00  }
0x16e: {  	_ =	swait.ge [sflag:s31], $0x28  }
0x16f: {  	[sflag:s31] =	ssyncset.done $0x0  }
0x170: {  	[sflag:s31] =	ssyncadd.s32 $0xFFFFFFD8  }
0x171: {  	[spmem:s0] =	stream.indirect.scatter.add.f32 [tilespmem:s16], [sflag:$0x10], $0x80, s26, s25, $0xb8;
	[tilespmem:$0x1A900] =	vst v63  }
0x172: {  	_ =	swait.ge [sflag:s7], $0x1400  }
0x173: {  	[sflag:s7] =	ssyncset.done $0x0  }
0x174: {  	[sflag:s7] =	ssyncadd.s32 $0xFFFFEC00  }
0x175: {  	_ =	swait.ge [sflag:s28], $0x1400  }
0x176: {  	[sflag:s28] =	ssyncset.done $0x0  }
0x177: {  	[sflag:s28] =	ssyncadd.s32 $0xFFFFEC00  }
0x178: {  	_ =	swait.ge [sflag:s24], $0x28  }
0x179: {  	[sflag:s24] =	ssyncset.done $0x0  }
0x17a: {  	[sflag:s24] =	ssyncadd.s32 $0xFFFFFFD8  }
0x17b: {  	[spmem:s0] =	stream.indirect.scatter.add.f32 [tilespmem:s14], [sflag:$0x10], $0x80, s6, s25, $0xb8;
	[tilespmem:$0x1A900] =	vst v63  }
0x17c: {  	_ =	swait.ge [sflag:s7], $0x1400  }
0x17d: {  	[sflag:s7] =	ssyncset.done $0x0  }
0x17e: {  	[sflag:s7] =	ssyncadd.s32 $0xFFFFEC00  }
0x17f: {  	_ =	swait.ge [sflag:s21], $0x1400  }
0x180: {  	[sflag:s21] =	ssyncset.done $0x0  }
0x181: {  	p0 =	sne.s32 s10, $0x4C9;
	[sflag:s21] =	ssyncadd.s32 $0xFFFFEC00  }
.Ltmp1:
0x182: {  	_ =	swait.ge [sflag:s22], $0x28;
	(pc) =	sbr.rel @p0 .LBB2_4-.Ltmp1, $4  }
0x183: {  	[sflag:s22] =	ssyncset.done $0x0  }
0x184: {  	[sflag:s22] =	ssyncadd.s32 $0xFFFFFFD8  }
0x185: {  	[spmem:s0] =	stream.indirect.scatter.add.f32 [tilespmem:s3], [sflag:$0x10], $0x80, s23, s25, $0xb8;
	[tilespmem:$0x1A900] =	vst v63  }
0x186: {  	s10 =	sadd.s32 $0x19, s10;
	_ =	swait.ge [sflag:s7], $0x1400  }
0x187: {  	s10 =	rddreg [dreg:$0x4]  }
0x188: {  	[sflag:s7] =	ssyncset.done $0x0;
	s11 =	rddreg [dreg:$0x3]  }
0x189: {  	[sflag:s7] =	ssyncadd.s32 $0xFFFFEC00;
	s10 =	sadd.s32 s13, s10;
	s11 =	sadd.s32 s13, s11  }
0x18a: {  	[tilespmem:s19], [sflag:$0x6] =	stream.linear.gather [hbm4b:s10+s1], $0x28, $0x38;
	[tilespmem:$0x1A900] =	vst v63  }
0x18b: {  	s4 =	rddreg [dreg:$0x8];
	s18 =	simm.s32 $0x6680;
	s14 =	sadd.s32 $0x9C40, s11  }
0x18c: {  	[tilespmem:s18], [sflag:$0xB] =	stream.linear.gather [hbm4b:s14+s1], $0x28, $0x38;
	[tilespmem:$0x1A900] =	vst v63  }
0x18d: {  	s2 =	simm.s32 $0x6480;
	s10 =	sadd.s32 s13, s4  }
0x18e: {  	[tilespmem:s2], [sflag:$0x7] =	stream.linear.gather [hbm4b:s10+s1], $0x28, $0x38;
	[tilespmem:$0x1A900] =	vst v63  }
0x18f: {  	s5 =	rddreg [dreg:$0x7];
	s26 =	simm.s32 $0x6700;
	s6 =	sadd.s32 $0x9C45, s11  }
0x190: {  	[tilespmem:s26], [sflag:$0xC] =	stream.linear.gather [hbm4b:s6+s1], $0x28, $0x38;
	[tilespmem:$0x1A900] =	vst v63  }
0x191: {  	s3 =	simm.s32 $0x6500;
	s23 =	sadd.s32 s13, s5  }
0x192: {  	[tilespmem:s3], [sflag:$0x8] =	stream.linear.gather [hbm4b:s23+s1], $0x28, $0x38;
	[tilespmem:$0x1A900] =	vst v63  }
0x193: {  	s4 =	rddreg [dreg:$0x6];
	s5 =	sadd.s32 $0x9C4A, s11;
	s23 =	simm.s32 $0x6780  }
0x194: {  	[tilespmem:s23], [sflag:$0xD] =	stream.linear.gather [hbm4b:s5+s1], $0x28, $0x38;
	[tilespmem:$0x1A900] =	vst v63  }
0x195: {  	s6 =	sadd.s32 s13, s4;
	s4 =	simm.s32 $0x6580  }
0x196: {  	[tilespmem:s4], [sflag:$0x9] =	stream.linear.gather [hbm4b:s6+s1], $0x28, $0x38;
	[tilespmem:$0x1A900] =	vst v63  }
0x197: {  	s14 =	rddreg [dreg:$0x5];
	s5 =	sadd.s32 $0x9C4F, s11;
	s6 =	simm.s32 $0x6800  }
0x198: {  	[tilespmem:s6], [sflag:$0xE] =	stream.linear.gather [hbm4b:s5+s1], $0x28, $0x38;
	[tilespmem:$0x1A900] =	vst v63  }
0x199: {  	s14 =	sadd.s32 s13, s14;
	s5 =	simm.s32 $0x6600  }
0x19a: {  	[tilespmem:s5], [sflag:$0xA] =	stream.linear.gather [hbm4b:s14+s1], $0x28, $0x38;
	[tilespmem:$0x1A900] =	vst v63  }
0x19b: {  	s13 =	sadd.s32 $0x9C54, s11;
	s14 =	simm.s32 $0x6880  }
0x19c: {  	[tilespmem:s14], [sflag:$0xF] =	stream.linear.gather [hbm4b:s13+s1], $0x28, $0x38;
	[tilespmem:$0x1A900] =	vst v63  }
0x19d: {  	_ =	swait.ge [sflag:s30], $0x28  }
0x19e: {  	[sflag:s30] =	ssyncset.done $0x0  }
0x19f: {  	[sflag:s30] =	ssyncadd.s32 $0xFFFFFFD8  }
0x1a0: {  	[tilespmem:s1], [sflag:$0x1] =	stream.indirect.gather [hbm4b:s20+s25], $0x80, s19, s25, $0xb8;
	[tilespmem:$0x1A900] =	vst v63  }
0x1a1: {  	_ =	swait.ge [sflag:s17], $0x28  }
0x1a2: {  	[sflag:s17] =	ssyncset.done $0x0  }
0x1a3: {  	s19 =	simm.s32 $0x8;
	[sflag:s17] =	ssyncadd.s32 $0xFFFFFFD8  }
0x1a4: {  	[tilespmem:s15], [sflag:$0x2] =	stream.indirect.gather [hbm4b:s20+s25], $0x80, s2, s25, $0xb8;
	[tilespmem:$0x1A900] =	vst v63  }
0x1a5: {  	_ =	swait.ge [sflag:s19], $0x28  }
0x1a6: {  	[sflag:s19] =	ssyncset.done $0x0  }
0x1a7: {  	[sflag:s19] =	ssyncadd.s32 $0xFFFFFFD8  }
0x1a8: {  	[tilespmem:s16], [sflag:$0x3] =	stream.indirect.gather [hbm4b:s20+s25], $0x80, s3, s25, $0xb8;
	[tilespmem:$0x1A900] =	vst v63  }
0x1a9: {  	s3 =	simm.s32 $0x9  }
0x1aa: {  	_ =	swait.ge [sflag:s3], $0x28  }
0x1ab: {  	[sflag:s3] =	ssyncset.done $0x0  }
0x1ac: {  	s2 =	simm.s32 $0x3C00;
	[sflag:s3] =	ssyncadd.s32 $0xFFFFFFD8  }
0x1ad: {  	[tilespmem:s2], [sflag:$0x4] =	stream.indirect.gather [hbm4b:s20+s25], $0x80, s4, s25, $0xb8;
	[tilespmem:$0x1A900] =	vst v63  }
0x1ae: {  	s4 =	simm.s32 $0xA  }
0x1af: {  	_ =	swait.ge [sflag:s4], $0x28  }
0x1b0: {  	[sflag:s4] =	ssyncset.done $0x0  }
0x1b1: {  	s3 =	simm.s32 $0x5000;
	[sflag:s4] =	ssyncadd.s32 $0xFFFFFFD8  }
0x1b2: {  	[tilespmem:s3], [sflag:$0x5] =	stream.indirect.gather [hbm4b:s20+s25], $0x80, s5, s25, $0xb8;
	[tilespmem:$0x1A900] =	vst v63  }
0x1b3: {  	s5 =	simm.s32 $0x1  }
0x1b4: {  	_ =	swait.ge [sflag:s5], $0x1400  }
0x1b5: {  	[sflag:s5] =	ssyncset.done $0x0  }
0x1b6: {  	s10 =	simm.s32 $0xB;
	[sflag:s5] =	ssyncadd.s32 $0xFFFFEC00  }
0x1b7: {  	_ =	swait.ge [sflag:s10], $0x28  }
0x1b8: {  	[sflag:s10] =	ssyncset.done $0x0  }
0x1b9: {  	[sflag:s10] =	ssyncadd.s32 $0xFFFFFFD8  }
0x1ba: {  	[spmem:s0] =	stream.indirect.scatter.add.f32 [tilespmem:s1], [sflag:$0x10], $0x80, s18, s25, $0xb8;
	[tilespmem:$0x1A900] =	vst v63  }
0x1bb: {  	_ =	swait.ge [sflag:s7], $0x1400  }
0x1bc: {  	[sflag:s7] =	ssyncset.done $0x0  }
0x1bd: {  	[sflag:s7] =	ssyncadd.s32 $0xFFFFEC00  }
0x1be: {  	_ =	swait.ge [sflag:s8], $0x1400  }
0x1bf: {  	[sflag:s8] =	ssyncset.done $0x0  }
0x1c0: {  	[sflag:s8] =	ssyncadd.s32 $0xFFFFEC00  }
0x1c1: {  	_ =	swait.ge [sflag:s12], $0x28  }
0x1c2: {  	[sflag:s12] =	ssyncset.done $0x0  }
0x1c3: {  	[sflag:s12] =	ssyncadd.s32 $0xFFFFFFD8  }
0x1c4: {  	[spmem:s0] =	stream.indirect.scatter.add.f32 [tilespmem:s15], [sflag:$0x10], $0x80, s26, s25, $0xb8;
	[tilespmem:$0x1A900] =	vst v63  }
0x1c5: {  	_ =	swait.ge [sflag:s7], $0x1400  }
0x1c6: {  	[sflag:s7] =	ssyncset.done $0x0  }
0x1c7: {  	[sflag:s7] =	ssyncadd.s32 $0xFFFFEC00  }
0x1c8: {  	_ =	swait.ge [sflag:s9], $0x1400  }
0x1c9: {  	[sflag:s9] =	ssyncset.done $0x0  }
0x1ca: {  	[sflag:s9] =	ssyncadd.s32 $0xFFFFEC00  }
0x1cb: {  	_ =	swait.ge [sflag:s31], $0x28  }
0x1cc: {  	[sflag:s31] =	ssyncset.done $0x0  }
0x1cd: {  	[sflag:s31] =	ssyncadd.s32 $0xFFFFFFD8  }
0x1ce: {  	[spmem:s0] =	stream.indirect.scatter.add.f32 [tilespmem:s16], [sflag:$0x10], $0x80, s23, s25, $0xb8;
	[tilespmem:$0x1A900] =	vst v63  }
0x1cf: {  	_ =	swait.ge [sflag:s7], $0x1400  }
0x1d0: {  	[sflag:s7] =	ssyncset.done $0x0  }
0x1d1: {  	[sflag:s7] =	ssyncadd.s32 $0xFFFFEC00  }
0x1d2: {  	_ =	swait.ge [sflag:s28], $0x1400  }
0x1d3: {  	[sflag:s28] =	ssyncset.done $0x0  }
0x1d4: {  	[sflag:s28] =	ssyncadd.s32 $0xFFFFEC00  }
0x1d5: {  	_ =	swait.ge [sflag:s24], $0x28  }
0x1d6: {  	[sflag:s24] =	ssyncset.done $0x0  }
0x1d7: {  	[sflag:s24] =	ssyncadd.s32 $0xFFFFFFD8  }
0x1d8: {  	[spmem:s0] =	stream.indirect.scatter.add.f32 [tilespmem:s2], [sflag:$0x10], $0x80, s6, s25, $0xb8;
	[tilespmem:$0x1A900] =	vst v63  }
0x1d9: {  	_ =	swait.ge [sflag:s7], $0x1400  }
0x1da: {  	[sflag:s7] =	ssyncset.done $0x0  }
0x1db: {  	[sflag:s7] =	ssyncadd.s32 $0xFFFFEC00  }
0x1dc: {  	_ =	swait.ge [sflag:s21], $0x1400  }
0x1dd: {  	[sflag:s21] =	ssyncset.done $0x0  }
0x1de: {  	[sflag:s21] =	ssyncadd.s32 $0xFFFFEC00  }
0x1df: {  	_ =	swait.ge [sflag:s22], $0x28  }
0x1e0: {  	[sflag:s22] =	ssyncset.done $0x0  }
0x1e1: {  	[sflag:s22] =	ssyncadd.s32 $0xFFFFFFD8  }
0x1e2: {  	[spmem:s0] =	stream.indirect.scatter.add.f32 [tilespmem:s3], [sflag:$0x10], $0x80, s14, s25, $0xb8;
	[tilespmem:$0x1A900] =	vst v63  }
0x1e3: {  	_ =	swait.ge [sflag:s7], $0x1400  }
0x1e4: {  	[sflag:s7] =	ssyncset.done $0x0  }
0x1e5: {  	[sflag:s7] =	ssyncadd.s32 $0xFFFFEC00  }
0x1e6: {  	[bflag:$0x0] =	sbarrier.arrive $0xFFFF  }
0x1e7: {  	s19 =	rddreg [dreg:$0x19]  }
0x1e8: {  	[tilespmem:s1], [sflag:$0x10] =	stream.linear.gather [spmem:s19], $0x1400, $0x38;
	[tilespmem:$0x1A900] =	vst v63  }
0x1e9: {  	_ =	swait.ge [sflag:s7], $0x1400  }
0x1ea: {  	[sflag:s7] =	ssyncset.done $0x0  }
0x1eb: {  	s11 =	rddreg [dreg:$0x9];
	[sflag:s7] =	ssyncadd.s32 $0xFFFFEC00  }
0x1ec: {  	[hbm4b:s11+s1] =	stream.linear.scatter [tilespmem:s1], [sflag:$0x10], $0x1400, $0x38;
	[tilespmem:$0x1A900] =	vst v63  }
0x1ed: {  	_ =	swait.ge [sflag:s7], $0x1400  }
0x1ee: {  	[sflag:s7] =	ssyncset.done $0x0  }
0x1ef: {  	s13 =	rddreg [dreg:$0x1a];
	[sflag:s7] =	ssyncadd.s32 $0xFFFFEC00  }
0x1f0: {  	[tilespmem:s15], [sflag:$0x10] =	stream.linear.gather [spmem:s13], $0x1400, $0x38;
	[tilespmem:$0x1A900] =	vst v63  }
0x1f1: {  	_ =	swait.ge [sflag:s7], $0x1400  }
0x1f2: {  	[sflag:s7] =	ssyncset.done $0x0  }
0x1f3: {  	s14 =	rddreg [dreg:$0xa];
	[sflag:s7] =	ssyncadd.s32 $0xFFFFEC00  }
0x1f4: {  	[hbm4b:s14+s1] =	stream.linear.scatter [tilespmem:s15], [sflag:$0x10], $0x1400, $0x38;
	[tilespmem:$0x1A900] =	vst v63  }
0x1f5: {  	_ =	swait.ge [sflag:s7], $0x1400  }
0x1f6: {  	[sflag:s7] =	ssyncset.done $0x0  }
0x1f7: {  	s18 =	rddreg [dreg:$0x1b];
	[sflag:s7] =	ssyncadd.s32 $0xFFFFEC00  }
0x1f8: {  	[tilespmem:s16], [sflag:$0x10] =	stream.linear.gather [spmem:s18], $0x1400, $0x38;
	[tilespmem:$0x1A900] =	vst v63  }
0x1f9: {  	_ =	swait.ge [sflag:s7], $0x1400  }
0x1fa: {  	[sflag:s7] =	ssyncset.done $0x0  }
0x1fb: {  	s21 =	rddreg [dreg:$0xb];
	[sflag:s7] =	ssyncadd.s32 $0xFFFFEC00  }
0x1fc: {  	[hbm4b:s21+s1] =	stream.linear.scatter [tilespmem:s16], [sflag:$0x10], $0x1400, $0x38;
	[tilespmem:$0x1A900] =	vst v63  }
0x1fd: {  	_ =	swait.ge [sflag:s7], $0x1400  }
0x1fe: {  	[sflag:s7] =	ssyncset.done $0x0  }
0x1ff: {  	s23 =	rddreg [dreg:$0x1c];
	[sflag:s7] =	ssyncadd.s32 $0xFFFFEC00  }
0x200: {  	[tilespmem:s2], [sflag:$0x10] =	stream.linear.gather [spmem:s23], $0x1400, $0x38;
	[tilespmem:$0x1A900] =	vst v63  }
0x201: {  	_ =	swait.ge [sflag:s7], $0x1400  }
0x202: {  	[sflag:s7] =	ssyncset.done $0x0  }
0x203: {  	s26 =	rddreg [dreg:$0xc];
	[sflag:s7] =	ssyncadd.s32 $0xFFFFEC00  }
0x204: {  	[hbm4b:s26+s1] =	stream.linear.scatter [tilespmem:s2], [sflag:$0x10], $0x1400, $0x38;
	[tilespmem:$0x1A900] =	vst v63  }
0x205: {  	_ =	swait.ge [sflag:s7], $0x1400  }
0x206: {  	[sflag:s7] =	ssyncset.done $0x0  }
0x207: {  	s4 =	rddreg [dreg:$0x1d];
	[sflag:s7] =	ssyncadd.s32 $0xFFFFEC00  }
0x208: {  	[tilespmem:s3], [sflag:$0x10] =	stream.linear.gather [spmem:s4], $0x1400, $0x38;
	[tilespmem:$0x1A900] =	vst v63  }
0x209: {  	_ =	swait.ge [sflag:s7], $0x1400  }
0x20a: {  	[sflag:s7] =	ssyncset.done $0x0  }
0x20b: {  	s5 =	rddreg [dreg:$0xd];
	[sflag:s7] =	ssyncadd.s32 $0xFFFFEC00  }
0x20c: {  	[hbm4b:s5+s1] =	stream.linear.scatter [tilespmem:s3], [sflag:$0x10], $0x1400, $0x38;
	[tilespmem:$0x1A900] =	vst v63  }
0x20d: {  	_ =	swait.ge [sflag:s7], $0x1400  }
0x20e: {  	[sflag:s7] =	ssyncset.done $0x0  }
0x20f: {  	s6 =	rddreg [dreg:$0x1e];
	[sflag:s7] =	ssyncadd.s32 $0xFFFFEC00  }
0x210: {  	[tilespmem:s1], [sflag:$0x10] =	stream.linear.gather [spmem:s6], $0x1400, $0x38;
	[tilespmem:$0x1A900] =	vst v63  }
0x211: {  	_ =	swait.ge [sflag:s7], $0x1400  }
0x212: {  	[sflag:s7] =	ssyncset.done $0x0  }
0x213: {  	s8 =	rddreg [dreg:$0xe];
	[sflag:s7] =	ssyncadd.s32 $0xFFFFEC00  }
0x214: {  	[hbm4b:s8+s1] =	stream.linear.scatter [tilespmem:s1], [sflag:$0x10], $0x1400, $0x38;
	[tilespmem:$0x1A900] =	vst v63  }
0x215: {  	_ =	swait.ge [sflag:s7], $0x1400  }
0x216: {  	[sflag:s7] =	ssyncset.done $0x0  }
0x217: {  	s9 =	rddreg [dreg:$0x1f];
	[sflag:s7] =	ssyncadd.s32 $0xFFFFEC00  }
0x218: {  	[tilespmem:s15], [sflag:$0x10] =	stream.linear.gather [spmem:s9], $0x1400, $0x38;
	[tilespmem:$0x1A900] =	vst v63  }
0x219: {  	_ =	swait.ge [sflag:s7], $0x1400  }
0x21a: {  	[sflag:s7] =	ssyncset.done $0x0  }
0x21b: {  	s11 =	rddreg [dreg:$0xf];
	[sflag:s7] =	ssyncadd.s32 $0xFFFFEC00  }
0x21c: {  	[hbm4b:s11+s1] =	stream.linear.scatter [tilespmem:s15], [sflag:$0x10], $0x1400, $0x38;
	[tilespmem:$0x1A900] =	vst v63  }
0x21d: {  	_ =	swait.ge [sflag:s7], $0x1400  }
0x21e: {  	s13 =	sld [smem:$0x7F4]  }
0x21f: {  	[sflag:s7] =	ssyncset.done $0x0  }
0x220: {  	[sflag:s7] =	ssyncadd.s32 $0xFFFFEC00  }
0x221: {  	[tilespmem:s16], [sflag:$0x10] =	stream.linear.gather [spmem:s13], $0x1400, $0x38;
	[tilespmem:$0x1A900] =	vst v63  }
0x222: {  	_ =	swait.ge [sflag:s7], $0x1400  }
0x223: {  	[sflag:s7] =	ssyncset.done $0x0  }
0x224: {  	s14 =	rddreg [dreg:$0x10];
	[sflag:s7] =	ssyncadd.s32 $0xFFFFEC00  }
0x225: {  	[hbm4b:s14+s1] =	stream.linear.scatter [tilespmem:s16], [sflag:$0x10], $0x1400, $0x38;
	[tilespmem:$0x1A900] =	vst v63  }
0x226: {  	_ =	swait.ge [sflag:s7], $0x1400  }
0x227: {  	s18 =	sld [smem:$0x7F5]  }
0x228: {  	[sflag:s7] =	ssyncset.done $0x0  }
0x229: {  	[sflag:s7] =	ssyncadd.s32 $0xFFFFEC00  }
0x22a: {  	[tilespmem:s2], [sflag:$0x10] =	stream.linear.gather [spmem:s18], $0x1400, $0x38;
	[tilespmem:$0x1A900] =	vst v63  }
0x22b: {  	_ =	swait.ge [sflag:s7], $0x1400  }
0x22c: {  	[sflag:s7] =	ssyncset.done $0x0  }
0x22d: {  	s21 =	rddreg [dreg:$0x11];
	[sflag:s7] =	ssyncadd.s32 $0xFFFFEC00  }
0x22e: {  	[hbm4b:s21+s1] =	stream.linear.scatter [tilespmem:s2], [sflag:$0x10], $0x1400, $0x38;
	[tilespmem:$0x1A900] =	vst v63  }
0x22f: {  	_ =	swait.ge [sflag:s7], $0x1400  }
0x230: {  	s23 =	sld [smem:$0x7F6]  }
0x231: {  	[sflag:s7] =	ssyncset.done $0x0  }
0x232: {  	[sflag:s7] =	ssyncadd.s32 $0xFFFFEC00  }
0x233: {  	[tilespmem:s3], [sflag:$0x10] =	stream.linear.gather [spmem:s23], $0x1400, $0x38;
	[tilespmem:$0x1A900] =	vst v63  }
0x234: {  	_ =	swait.ge [sflag:s7], $0x1400  }
0x235: {  	[sflag:s7] =	ssyncset.done $0x0  }
0x236: {  	s26 =	rddreg [dreg:$0x12];
	[sflag:s7] =	ssyncadd.s32 $0xFFFFEC00  }
0x237: {  	[hbm4b:s26+s1] =	stream.linear.scatter [tilespmem:s3], [sflag:$0x10], $0x1400, $0x38;
	[tilespmem:$0x1A900] =	vst v63  }
0x238: {  	_ =	swait.ge [sflag:s7], $0x1400  }
0x239: {  	s4 =	sld [smem:$0x7F7]  }
0x23a: {  	[sflag:s7] =	ssyncset.done $0x0  }
0x23b: {  	[sflag:s7] =	ssyncadd.s32 $0xFFFFEC00  }
0x23c: {  	[tilespmem:s1], [sflag:$0x10] =	stream.linear.gather [spmem:s4], $0x1400, $0x38;
	[tilespmem:$0x1A900] =	vst v63  }
0x23d: {  	_ =	swait.ge [sflag:s7], $0x1400  }
0x23e: {  	[sflag:s7] =	ssyncset.done $0x0  }
0x23f: {  	s5 =	rddreg [dreg:$0x13];
	[sflag:s7] =	ssyncadd.s32 $0xFFFFEC00  }
0x240: {  	[hbm4b:s5+s1] =	stream.linear.scatter [tilespmem:s1], [sflag:$0x10], $0x1400, $0x38;
	[tilespmem:$0x1A900] =	vst v63  }
0x241: {  	_ =	swait.ge [sflag:s7], $0x1400  }
0x242: {  	s6 =	sld [smem:$0x7F8]  }
0x243: {  	[sflag:s7] =	ssyncset.done $0x0  }
0x244: {  	[sflag:s7] =	ssyncadd.s32 $0xFFFFEC00  }
0x245: {  	[tilespmem:s15], [sflag:$0x10] =	stream.linear.gather [spmem:s6], $0x1400, $0x38;
	[tilespmem:$0x1A900] =	vst v63  }
0x246: {  	_ =	swait.ge [sflag:s7], $0x1400  }
0x247: {  	[sflag:s7] =	ssyncset.done $0x0  }
0x248: {  	s8 =	rddreg [dreg:$0x14];
	[sflag:s7] =	ssyncadd.s32 $0xFFFFEC00  }
0x249: {  	[hbm4b:s8+s1] =	stream.linear.scatter [tilespmem:s15], [sflag:$0x10], $0x1400, $0x38;
	[tilespmem:$0x1A900] =	vst v63  }
0x24a: {  	_ =	swait.ge [sflag:s7], $0x1400  }
0x24b: {  	s14 =	sld [smem:$0x7FB]  }
0x24c: {  	[sflag:s7] =	ssyncset.done $0x0  }
0x24d: {  	[sflag:s7] =	ssyncadd.s32 $0xFFFFEC00  }
0x24e: {  	[tilespmem:s16], [sflag:$0x10] =	stream.linear.gather [spmem:s14], $0x1400, $0x38;
	[tilespmem:$0x1A900] =	vst v63  }
0x24f: {  	_ =	swait.ge [sflag:s7], $0x1400  }
0x250: {  	[sflag:s7] =	ssyncset.done $0x0  }
0x251: {  	s9 =	rddreg [dreg:$0x15];
	[sflag:s7] =	ssyncadd.s32 $0xFFFFEC00  }
0x252: {  	[hbm4b:s9+s1] =	stream.linear.scatter [tilespmem:s16], [sflag:$0x10], $0x1400, $0x38;
	[tilespmem:$0x1A900] =	vst v63  }
0x253: {  	_ =	swait.ge [sflag:s7], $0x1400  }
0x254: {  	s15 =	sld [smem:$0x7FC]  }
0x255: {  	[sflag:s7] =	ssyncset.done $0x0  }
0x256: {  	[sflag:s7] =	ssyncadd.s32 $0xFFFFEC00  }
0x257: {  	[tilespmem:s2], [sflag:$0x10] =	stream.linear.gather [spmem:s15], $0x1400, $0x38;
	[tilespmem:$0x1A900] =	vst v63  }
0x258: {  	_ =	swait.ge [sflag:s7], $0x1400  }
0x259: {  	[sflag:s7] =	ssyncset.done $0x0  }
0x25a: {  	s11 =	rddreg [dreg:$0x16];
	[sflag:s7] =	ssyncadd.s32 $0xFFFFEC00  }
0x25b: {  	[hbm4b:s11+s1] =	stream.linear.scatter [tilespmem:s2], [sflag:$0x10], $0x1400, $0x38;
	[tilespmem:$0x1A900] =	vst v63  }
0x25c: {  	_ =	swait.ge [sflag:s7], $0x1400  }
0x25d: {  	s16 =	sld [smem:$0x7FD]  }
0x25e: {  	[sflag:s7] =	ssyncset.done $0x0  }
0x25f: {  	[sflag:s7] =	ssyncadd.s32 $0xFFFFEC00  }
0x260: {  	[tilespmem:s3], [sflag:$0x10] =	stream.linear.gather [spmem:s16], $0x1400, $0x38;
	[tilespmem:$0x1A900] =	vst v63  }
0x261: {  	_ =	swait.ge [sflag:s7], $0x1400  }
0x262: {  	[sflag:s7] =	ssyncset.done $0x0  }
0x263: {  	s13 =	rddreg [dreg:$0x17];
	[sflag:s7] =	ssyncadd.s32 $0xFFFFEC00  }
0x264: {  	[hbm4b:s13+s1] =	stream.linear.scatter [tilespmem:s3], [sflag:$0x10], $0x1400, $0x38;
	[tilespmem:$0x1A900] =	vst v63  }
0x265: {  	_ =	swait.ge [sflag:s7], $0x1400  }
0x266: {  	s18 =	sld [smem:$0x7F9]  }
0x267: {  	[sflag:s7] =	ssyncset.done $0x0  }
0x268: {  	[sflag:s7] =	ssyncadd.s32 $0xFFFFEC00  }
0x269: {  	[tilespmem:s1], [sflag:$0x10] =	stream.linear.gather [spmem:s18], $0x1400, $0x38;
	[tilespmem:$0x1A900] =	vst v63  }
0x26a: {  	_ =	swait.ge [sflag:s7], $0x1400  }
0x26b: {  	[sflag:s7] =	ssyncset.done $0x0  }
0x26c: {  	s21 =	rddreg [dreg:$0x18];
	[sflag:s7] =	ssyncadd.s32 $0xFFFFEC00  }
0x26d: {  	[hbm4b:s21+s1] =	stream.linear.scatter [tilespmem:s1], [sflag:$0x10], $0x1400, $0x38;
	[tilespmem:$0x1A900] =	vst v63  }
0x26e: {  	_ =	swait.ge [sflag:s7], $0x1400  }
0x26f: {  	s23 =	sld [smem:$0x7F3]  }
0x270: {  	s26 =	sld [smem:$0x7FA];
	_ =	sdelay $0x1  }
0x271: {  	s2 =	sadd.s32 $0x1, s23  }
0x272: {  	p0 =	sne.s32 s2, s26  }
.Ltmp2:
0x273: {  	_ = 	snop;
	(pc) =	sbr.rel @p0 .LBB2_1-.Ltmp2, $3  }
0x274: {  	_ =	sdelay $0x1  }
0x275: {  	[sflag:s7] =	ssyncset.done $0x0  }
0x276: {  	s18 =	smov.u32 s0;
	[sflag:s7] =	ssyncadd.s32 $0xFFFFEC00  }
0x277: {  	_ =	sfence.sel $0x180000  }
0x278: {  	[bflag:$0x0] =	sbarrier.arrive $0xFFFF  }
0x279: {  	_ =	strace $0x9000004A  }
0x27a: {  	s0 =	stileid.u32;
	[bflag:$0x2] =	sbarrier.arrive $0xFFFF  }
0x27b: {  	p0 =	sne.s32 s0, $0x0;
	s0 =	rddreg [dreg:$0x2]  }
0x27c: {  	s0 =	sadd.s32 @!p0 $0x100000, s0  }
0x27d: {  	[sflag:s0] =	ssyncadd.tile.s32 @!p0 $0x1;
	_ =	shalt  }
.Lfunc_end2:
_tile_overlayer_lowered:
.L_overlay_start_2:
0x27e: {  	(tag) =	ssettag $0x2  }
0x27f: {  	s0 =	rddreg [dreg:$0x0];
	s2 =	stileid.u32  }
0x280: {  	s1 =	rddreg [dreg:$0x1];
	p0 =	sne.s32 s2, $0x0  }
0x281: {  	s3 =	rddreg [dreg:$0x2];
	[bflag:$0x3] =	sbarrier.arrive $0xFFFF;
	s2 =	simm.s32 @!p0 $0x1C10  }
0x282: {  	[timem:s3], [sflag:s2] =	dma.local @!p0 [hbm:s0], s1  }
0x283: {  	s0 =	simm.s32 @!p0 $0x10  }
0x284: {  	_ =	swait.ge @!p0 [sflag:s0], s1  }
0x285: {  	s1 =	ssub.s32 @!p0 $0x0, s1;
	[sflag:s0] =	ssyncset.done @!p0 $0x0  }
0x286: {  	[sflag:s0] =	ssyncadd.s32 @!p0 s1  }
0x287: {  	[bflag:$0x3] =	sbarrier.arrive $0xFFFF  }
0x288: {  	_ =	shalt  }

// kernel: kernel.14.cloned.1.call-start
scs
__scs_entry_jumppad:
0x0: {  	(pc) =	sbr.rel $0x88, $3  }
0x1: {  	(tag) =	ssettag $0x0;
	lr =	simm.s32 $0x1  }
0x2: {  	[smem:$0x3F99] =	sst lr;
	_ =	strace $0xD0000000  }
0x3: {  	_ = 	snop  }
0x4: {  	_ = 	snop  }
0x5: {  	_ = 	snop  }
0x6: {  	_ = 	snop  }
0x7: {  	_ = 	snop  }
__scs_overlays_trampoline_lowered:
0x8: {  	[smem:$0x3FA8] =	sst s0  }
0x9: {  	[smem:$0x3FA9] =	sst s1  }
0xa: {  	[smem:$0x3FAA] =	sst s2  }
0xb: {  	[smem:$0x3FAB] =	sst s3  }
0xc: {  	[smem:$0x3FAC] =	sst s4  }
0xd: {  	[smem:$0x3FAD] =	sst s5  }
0xe: {  	[smem:$0x3FAE] =	sst s6  }
0xf: {  	[smem:$0x3FAF] =	sst s7  }
0x10: {  	[smem:$0x3FB0] =	sst s8  }
0x11: {  	[smem:$0x3FB1] =	sst s9;
	s0 =	simm.s32 @!p0 $0x0  }
0x12: {  	s1 =	sld [smem:$0x3F97];
	s0 =	simm.s32 @p0 $0x1  }
0x13: {  	[smem:$0x3FB2] =	sst s0;
	s0 =	simm.s32 @!p1 $0x0  }
0x14: {  	s2 =	sld [smem:$0x3F96];
	s0 =	simm.s32 @p1 $0x1  }
0x15: {  	[smem:$0x3FB3] =	sst s0;
	s0 =	simm.s32 @!p2 $0x0  }
0x16: {  	s3 =	sld [smem:$0x3FDB];
	s0 =	simm.s32 @p2 $0x1  }
0x17: {  	s4 =	simm.s32 $0x1BF5;
	[smem:$0x3FB5] =	sst s0  }
0x18: {  	s0 =	sld [smem:$0x3F98];
	_ =	swait.ge [sflag:s4], $0x0  }
0x19: {  	s7 =	sld [smem:$0x3F99]  }
0x1a: {  	s8 =	sadd.s32 $0xFFFFE003, lr  }
0x1b: {  	s9 =	sadd.s32 $0xFFFFFEF7, lr;
	s5 =	simm.s32 $0xFFFFFFFF;
	p2 =	slt.u32 s8, $0xFFFFF086  }
0x1c: {  	p1 =	slt.u32 s9, $0xF7A;
	s5 =	simm.s32 @!p2 $0x0  }
0x1d: {  	s5 =	simm.s32 @p1 $0x1;
	p0 =	seq.s32 s7, s2  }
0x1e: {  	s7 =	smul.u32 @!p0 $0xF7A, s2;
	p2 =	seq.s32 @!p0 s5, $0x0  }
0x1f: {  	s9 =	smul.u32 $0xF7A, s1;
	s8 =	simm.s32 @!p0 $0x1BF5;
	p2 =	por !p2, p0  }
0x20: {  	[sflag:s8] =	ssyncset.s32 @!p0 $0xFFFFF086;
	s6 =	sadd.s32 @!p0 s3, s7;
	s7 =	simm.s32 @!p0 $0x108  }
0x21: {  	s3 =	sadd.s32 s3, s9;
	s6 =	sadd.s32 @!p0 $0x88, s6;
	s7 =	simm.s32 @p2 $0x1082  }
0x22: {  	[simem:s7], [sflag:s8] =	dma.local @!p0 [hbm:s6], $0xF7A  }
0x23: {  	s9 =	sor.u32 $0xD0000000, s2;
	s6 =	simm.s32 $0x108;
	_ =	swait.ge @!p0 [sflag:s8], $0x0  }
0x24: {  	s3 =	sadd.s32 $0x88, s3;
	s6 =	simm.s32 @!p1 $0x1082;
	[sflag:s4] =	ssyncset.s32 $0xFFFFF086  }
0x25: {  	[simem:s6], [sflag:s4] =	dma.local [hbm:s3], $0xF7A  }
0x26: {  	[smem:$0x3F99] =	sst s1;
	(tag) =	ssettag s2;
	_ =	strace s9  }
0x27: {  	s1 =	sld [smem:$0x3FA9]  }
0x28: {  	s2 =	sld [smem:$0x3FAA]  }
0x29: {  	s4 =	sld [smem:$0x3FAC]  }
0x2a: {  	p0 =	seq.s32 s5, $0x0;
	s5 =	sld [smem:$0x3FAD]  }
0x2b: {  	s6 =	sld [smem:$0x3FAE]  }
0x2c: {  	s7 =	sld [smem:$0x3FAF]  }
0x2d: {  	s3 =	simm.s32 $0x108;
	s8 =	sld [smem:$0x3FB0]  }
0x2e: {  	s3 =	simm.s32 @!p0 $0x1082;
	s9 =	sld [smem:$0x3FB1]  }
0x2f: {  	lr =	sadd.s32 s0, s3;
	s0 =	sld [smem:$0x3FA8]  }
0x30: {  	s3 =	sld [smem:$0x3FAB]  }
0x31: {  	[smem:$0x3FB4] =	sst s10  }
0x32: {  	s10 =	sld [smem:$0x3FB2];
	_ =	sdelay $0x3  }
0x33: {  	p0 =	seq.s32 s10, $0x1;
	s10 =	sld [smem:$0x3FB4];
	_ =	sdelay $0x3  }
0x34: {  	[smem:$0x3FB4] =	sst s10  }
0x35: {  	s10 =	sld [smem:$0x3FB3];
	_ =	sdelay $0x3  }
0x36: {  	p1 =	seq.s32 s10, $0x1;
	s10 =	sld [smem:$0x3FB4];
	_ =	sdelay $0x3  }
0x37: {  	[smem:$0x3FB4] =	sst s10  }
0x38: {  	s10 =	sld [smem:$0x3FB5]  }
0x39: {  	_ = 	snop;
	(pc) =	sbr.ind lr, $3  }
0x3a: {  	_ = 	snop  }
0x3b: {  	_ = 	snop  }
0x3c: {  	p2 =	seq.s32 s10, $0x1;
	s10 =	sld [smem:$0x3FB4]  }
0x3d: {  	_ =	shalt  }
0x3e: {  	_ =	shalt  }
0x3f: {  	_ =	shalt  }
0x40: {  	_ =	shalt  }
0x41: {  	_ =	shalt  }
0x42: {  	_ =	shalt  }
0x43: {  	_ =	shalt  }
0x44: {  	_ =	shalt  }
0x45: {  	_ =	shalt  }
0x46: {  	_ =	shalt  }
0x47: {  	_ =	shalt  }
0x48: {  	_ =	shalt  }
0x49: {  	_ =	shalt  }
0x4a: {  	_ =	shalt  }
0x4b: {  	_ =	shalt  }
0x4c: {  	_ =	shalt  }
0x4d: {  	_ =	shalt  }
0x4e: {  	_ =	shalt  }
0x4f: {  	_ =	shalt  }
0x50: {  	_ =	shalt  }
0x51: {  	_ =	shalt  }
0x52: {  	_ =	shalt  }
0x53: {  	_ =	shalt  }
0x54: {  	_ =	shalt  }
0x55: {  	_ =	shalt  }
0x56: {  	_ =	shalt  }
0x57: {  	_ =	shalt  }
0x58: {  	_ =	shalt  }
0x59: {  	_ =	shalt  }
0x5a: {  	_ =	shalt  }
0x5b: {  	_ =	shalt  }
0x5c: {  	_ =	shalt  }
0x5d: {  	_ =	shalt  }
0x5e: {  	_ =	shalt  }
0x5f: {  	_ =	shalt  }
0x60: {  	_ =	shalt  }
0x61: {  	_ =	shalt  }
0x62: {  	_ =	shalt  }
0x63: {  	_ =	shalt  }
0x64: {  	_ =	shalt  }
0x65: {  	_ =	shalt  }
0x66: {  	_ =	shalt  }
0x67: {  	_ =	shalt  }
0x68: {  	_ =	shalt  }
0x69: {  	_ =	shalt  }
0x6a: {  	_ =	shalt  }
0x6b: {  	_ =	shalt  }
0x6c: {  	_ =	shalt  }
0x6d: {  	_ =	shalt  }
0x6e: {  	_ =	shalt  }
0x6f: {  	_ =	shalt  }
0x70: {  	_ =	shalt  }
0x71: {  	_ =	shalt  }
0x72: {  	_ =	shalt  }
0x73: {  	_ =	shalt  }
0x74: {  	_ =	shalt  }
0x75: {  	_ =	shalt  }
0x76: {  	_ =	shalt  }
0x77: {  	_ =	shalt  }
0x78: {  	_ =	shalt  }
0x79: {  	_ =	shalt  }
0x7a: {  	_ =	shalt  }
0x7b: {  	_ =	shalt  }
0x7c: {  	_ =	shalt  }
0x7d: {  	_ =	shalt  }
0x7e: {  	_ =	shalt  }
0x7f: {  	_ =	shalt  }
0x80: {  	_ =	shalt  }
0x81: {  	_ =	shalt  }
0x82: {  	_ =	shalt  }
0x83: {  	_ =	shalt  }
0x84: {  	_ =	shalt  }
0x85: {  	_ =	shalt  }
0x86: {  	_ =	shalt  }
0x87: {  	_ =	shalt  }
.Lfunc_end0:
.L_simem_size_0:
called_computation.2_lowered:
.L_overlay_start_0:
0x88: {  	s2 =	sld [smem:$0x3FD9]  }
0x89: {  	s3 =	sld [smem:$0x3FFE];
	_ =	sdelay $0x1  }
0x8a: {  	s1 =	srdreg.scid  }
0x8b: {  	s0 =	sand.u32 $0x1, s1  }
0x8c: {  	s16 =	sshll.u32 s0, $0xA;
	s2 =	sadd.s32 s3, s2  }
0x8d: {  	s2 =	sadd.s32 s2, s16  }
0x8e: {  	[smem:$0x3FC0] =	sst s2  }
0x8f: {  	_ = 	snop  }
0x90: {  	(tm) =	ssettm $0x1  }
0x91: {  	s17 =	sld [smem:$0x3FFB];
	_ =	sdelay $0x3  }
0x92: {  	_ =	strace s17  }
0x93: {  	s2 =	sld [smem:$0x3FFC];
	_ =	sdelay $0x3  }
0x94: {  	_ =	strace s2  }
0x95: {  	s2 =	sld [smem:$0x3FFD];
	_ =	sdelay $0x3  }
0x96: {  	_ =	strace s2  }
0x97: {  	_ =	strace $0x8FFFFFFF  }
0x98: {  	s18 =	sld [smem:$0x3FDB];
	_ =	sdelay $0x1  }
0x99: {  	s19 =	simm.s32 $_scs_section_size  }
0x9a: {  	s4 =	simm.s32 $_size__tile_overlayer_lowered;
	s5 =	simm.s32 $_tile_overlayer_lowered  }
0x9b: {  	s22 =	simm.s32 $0x1BFF;
	s21 =	sshll.u32 s5, $0x1;
	s2 =	sadd.s32 s19, s18  }
0x9c: {  	s6 =	simm.s32 $0x0;
	s20 =	sshll.u32 s4, $0x1;
	s4 =	sadd.s32 s21, s2  }
0x9d: {  	[timem:s6], [sflag:s22] =	dma.local [hbm:s4], s20  }
0x9e: {  	_ =	swait.ge [sflag:s22], s20  }
0x9f: {  	s3 =	ssub.s32 $0x0, s20;
	[sflag:s22] =	ssyncset.done $0x0  }
0xa0: {  	[sflag:s22] =	ssyncadd.s32 s3;
	_ =	sdelay $0x1  }
0xa1: {  	s23 =	simm.s32 $0x1B8B  }
0xa2: {  	_ =	swait.ge [sflag:s23], $0x1  }
0xa3: {  	[sflag:s23] =	ssyncset.done $0x0  }
0xa4: {  	s25 =	simm.s32 $0x1B8E;
	s24 =	sld [smem:$0x3FFE];
	[sflag:s23] =	ssyncadd.s32 $0xFFFFFFFF  }
0xa5: {  	s26 =	simm.s32 $execute0_lowered;
	[smem:$0x3FD2] =	sst s25  }
0xa6: {  	s4 =	sshll.u32 s26, $0x1;
	_ =	strace $0x8000004C;
	[dreg:$0x1] =	wrdreg $0xFFFFFFFF  }
0xa7: {  	s28 =	simm.s32 $_size_execute0_lowered;
	s2 =	sadd.s32 s2, s4;
	[dreg:$0x0] =	wrdreg $0x0  }
0xa8: {  	s4 =	sshll.u32 s28, $0x1;
	[dreg:$0x2] =	wrdreg s2  }
0xa9: {  	[dreg:$0x3] =	wrdreg s4  }
0xaa: {  	[dreg:$0x4] =	wrdreg $0xC0  }
0xab: {  	_ =	task [dreg:s6], $0x5FFFF  }
0xac: {  	[dreg:$0x1] =	wrdreg $0xFFFFFFFF  }
0xad: {  	[dreg:$0x0] =	wrdreg $0x60  }
0xae: {  	[dreg:$0x2] =	wrdreg s24  }
0xaf: {  	[dreg:$0x3] =	wrdreg $0x69000  }
0xb0: {  	[dreg:$0x4] =	wrdreg $0x9  }
0xb1: {  	_ =	task.clear_ibuf [dreg:s6], $0x5FFFF;
	_ =	strace $0x9000004C  }
0xb2: {  	s29 =	simm.s32 $0x9;
	_ =	strace $0x8000004E  }
0xb3: {  	_ =	swait.ge [sflag:s29], $0x1  }
0xb4: {  	[sflag:s29] =	ssyncadd.s32 $0xFFFFFFFF  }
0xb5: {  	_ =	strace $0x9000004E  }
0xb6: {  	_ =	sfence  }
0xb7: {  	s30 =	sld [smem:$0x0];
	_ =	sdelay $0x2  }
0xb8: {  	s31 =	sshll.u32 s1, $0xD;
	s1 =	sshrl.u32 s1, $0x2  }
0xb9: {  	s3 =	sand.u32 $0x4000, s31;
	s1 =	sadd.s32 s1, s30  }
0xba: {  	s0 =	sor.u32 s3, s0;
	s1 =	sshll.u32 s1, $0x11  }
0xbb: {  	s0 =	sor.u32 s1, s0  }
0xbc: {  	s0 =	sadd.s32 $0x8F2B, s0  }
0xbd: {  	[sflag:s0] =	ssyncadd.remote.s32 $0x1  }
0xbe: {  	_ =	sfence.sel $0xFFFF  }
0xbf: {  	[dreg:$0x0] =	wrdreg $0xFFFFFFFF;
	(pc) =	sbr.abs _section_cstart, $3  }
0xc0: {  	[dreg:$0x1] =	wrdreg $0xFFFFFFFF  }
0xc1: {  	_ =	task.clear_ibuf [dreg:s6], $0x2FFFF;
	_ =	strace $0x9FFFFFFF  }
0xc2: {  	(tm) =	ssettm $0x7FFFFFFF  }
0xc3: {  	_ =	shalt  }
tec
execute0_lowered:
.L_overlay_start_1:
0x0: {  	(tag) =	ssettag $0x1  }
0x1: {  	s3 =	rddreg [dreg:$0x0]  }
0x2: {  	s28 =	rddreg [dreg:$0x1];
	s2 =	simm.s32 $0x0  }
0x3: {  	s0 =	srdreg.scid;
	s26 =	stileid.u32;
	s31 =	simm.s32 $0x6  }
0x4: {  	s30 =	simm.s32 $0xD;
	[smem:$0x7FF] =	sst s2;
	s22 =	smul.u32 $0x14000, s26  }
0x5: {  	s18 =	sand.u32 $0x1, s0;
	s4 =	sadd.s32 $0x1C00, s3;
	s14 =	smul.u32 $0x1388, s26  }
0x6: {  	s21 =	sadd.s32 $0x538800, s3;
	s0 =	ssub.s32 $0x2, s18;
	s13 =	smul.u32 $0x13880, s18  }
0x7: {  	_ =	strace $0x8000004D;
	s24 =	smul.u32 $0x140000, s18;
	s5 =	sshrl.u32 s0, $0x1  }
0x8: {  	s6 =	sor.u32 $0x2800, s22;
	s7 =	sor.u32 $0x3C00, s22;
	s8 =	sadd.s32 $0x5000, s22  }
0x9: {  	s9 =	sadd.s32 $0x6400, s22;
	s10 =	sadd.s32 $0x7800, s22;
	s11 =	sadd.s32 $0x8C00, s22  }
0xa: {  	s12 =	sadd.s32 $0xA000, s22;
	s15 =	sadd.s32 $0xDC00, s22;
	s16 =	sadd.s32 $0xF000, s22  }
0xb: {  	s18 =	sadd.s32 $0x11800, s22;
	s0 =	ssub.s32 s0, s5;
	s5 =	sor.u32 $0x1400, s22  }
0xc: {  	s20 =	sadd.s32 s14, s13;
	s13 =	sadd.s32 $0xB400, s22;
	s14 =	sadd.s32 $0xC800, s22  }
0xd: {  	s17 =	sadd.s32 $0x4E200, s20;
	s23 =	sadd.s32 $0x4E2A0, s20;
	s1 =	sadd.s32 $0x4E278, s20  }
0xe: {  	s0 =	smax.u32 s0, $0x1;
	s19 =	sshrl.u32 s17, $0x3;
	s17 =	sadd.s32 $0x10400, s22  }
0xf: {  	s25 =	sshrl.u32 s23, $0x3;
	[smem:$0x7FA] =	sst s0;
	s19 =	sadd.s32 s19, s4  }
0x10: {  	[dreg:$0x3] =	wrdreg s19;
	s19 =	sadd.s32 s25, s4;
	s25 =	sshrl.u32 s1, $0x3  }
0x11: {  	s1 =	sadd.s32 s24, s5;
	s5 =	sadd.s32 s5, s28;
	[dreg:$0x4] =	wrdreg s19  }
0x12: {  	s19 =	sadd.s32 s25, s4;
	s25 =	sadd.s32 s24, s6;
	[dreg:$0x1e] =	wrdreg s5  }
0x13: {  	s23 =	sshrl.u32 s1, $0x3;
	s6 =	sadd.s32 s6, s28;
	[dreg:$0x5] =	wrdreg s19  }
0x14: {  	s19 =	sadd.s32 $0x12C00, s22;
	s22 =	sadd.s32 s22, s24;
	s25 =	sshrl.u32 s25, $0x3  }
0x15: {  	[dreg:$0x1f] =	wrdreg s6;
	s22 =	sshrl.u32 s22, $0x3;
	s1 =	sadd.s32 s21, s25  }
0x16: {  	s25 =	sadd.s32 s24, s8;
	s8 =	sadd.s32 s8, s28;
	[dreg:$0xf] =	wrdreg s1  }
0x17: {  	s22 =	sadd.s32 s21, s22;
	s1 =	sadd.s32 s24, s9;
	[smem:$0x7F1] =	sst s8  }
0x18: {  	s9 =	sadd.s32 s9, s28;
	[dreg:$0xd] =	wrdreg s22;
	s22 =	sadd.s32 s21, s23  }
0x19: {  	s23 =	sadd.s32 s24, s7;
	s7 =	sadd.s32 s7, s28;
	[smem:$0x7F2] =	sst s9  }
0x1a: {  	[dreg:$0xe] =	wrdreg s22;
	s22 =	sshrl.u32 s23, $0x3;
	s23 =	sshrl.u32 s25, $0x3  }
0x1b: {  	s25 =	sshrl.u32 s1, $0x3;
	[smem:$0x7F0] =	sst s7;
	s22 =	sadd.s32 s21, s22  }
0x1c: {  	s29 =	simm.s32 $0x6680;
	s1 =	sadd.s32 s21, s25;
	[dreg:$0x10] =	wrdreg s22  }
0x1d: {  	s25 =	sadd.s32 s24, s11;
	s22 =	sadd.s32 s21, s23;
	[dreg:$0x12] =	wrdreg s1  }
0x1e: {  	s23 =	sadd.s32 s24, s10;
	s1 =	sadd.s32 s24, s12;
	s10 =	sadd.s32 s10, s28  }
0x1f: {  	[dreg:$0x11] =	wrdreg s22;
	s22 =	sshrl.u32 s23, $0x3;
	s23 =	sshrl.u32 s25, $0x3  }
0x20: {  	s25 =	sshrl.u32 s1, $0x3;
	[smem:$0x7F3] =	sst s10;
	s22 =	sadd.s32 s21, s22  }
0x21: {  	s0 =	simm.s32 $0x0;
	s1 =	sadd.s32 s21, s25;
	[dreg:$0x13] =	wrdreg s22  }
0x22: {  	s25 =	sadd.s32 s24, s14;
	s22 =	sadd.s32 s21, s23;
	[dreg:$0x15] =	wrdreg s1  }
0x23: {  	s23 =	sadd.s32 s24, s13;
	s1 =	sadd.s32 s24, s15;
	[dreg:$0x14] =	wrdreg s22  }
0x24: {  	s22 =	sshrl.u32 s23, $0x3;
	s23 =	sshrl.u32 s25, $0x3;
	s25 =	sshrl.u32 s1, $0x3  }
0x25: {  	s22 =	sadd.s32 s21, s22;
	s1 =	sadd.s32 s21, s25;
	s25 =	sadd.s32 s24, s17  }
0x26: {  	s17 =	sadd.s32 s17, s28;
	[dreg:$0x16] =	wrdreg s22;
	s22 =	sadd.s32 s21, s23  }
0x27: {  	[dreg:$0x18] =	wrdreg s1;
	s23 =	sadd.s32 s24, s16;
	s1 =	sadd.s32 s24, s18  }
0x28: {  	s24 =	sadd.s32 s24, s19;
	s18 =	sadd.s32 s18, s28;
	[smem:$0x7FC] =	sst s17  }
0x29: {  	[dreg:$0x17] =	wrdreg s22;
	s22 =	sshrl.u32 s23, $0x3;
	s23 =	sshrl.u32 s25, $0x3  }
0x2a: {  	s25 =	sshrl.u32 s1, $0x3;
	[smem:$0x7FD] =	sst s18;
	s22 =	sadd.s32 s21, s22  }
0x2b: {  	s1 =	sadd.s32 s21, s25;
	s25 =	sadd.s32 $0x4E228, s20;
	[dreg:$0x19] =	wrdreg s22  }
0x2c: {  	s22 =	sadd.s32 s21, s23;
	[dreg:$0x1b] =	wrdreg s1;
	s23 =	sadd.s32 $0x4E250, s20  }
0x2d: {  	[dreg:$0x1a] =	wrdreg s22;
	s22 =	sshrl.u32 s23, $0x3;
	s23 =	sshrl.u32 s24, $0x3  }
0x2e: {  	s24 =	sshrl.u32 s25, $0x3;
	s22 =	sadd.s32 s22, s4;
	s21 =	sadd.s32 s21, s23  }
0x2f: {  	s1 =	sadd.s32 s24, s4;
	s23 =	sadd.s32 $0xA0, s20;
	[dreg:$0x1c] =	wrdreg s21  }
0x30: {  	s24 =	sadd.s32 $0x78, s20;
	[dreg:$0x6] =	wrdreg s22;
	s22 =	sshrl.u32 s20, $0x3  }
0x31: {  	[dreg:$0x7] =	wrdreg s1;
	s1 =	sshrl.u32 s24, $0x3;
	s21 =	sadd.s32 s22, s4  }
0x32: {  	s22 =	sshrl.u32 s23, $0x3;
	s23 =	sadd.s32 s1, s4;
	[dreg:$0x8] =	wrdreg s21  }
0x33: {  	s24 =	sadd.s32 $0x50, s20;
	s25 =	sadd.s32 s22, s4;
	[dreg:$0xa] =	wrdreg s23  }
0x34: {  	s20 =	sadd.s32 $0x28, s20;
	s21 =	sadd.s32 s11, s28;
	[dreg:$0x9] =	wrdreg s25  }
0x35: {  	s20 =	sshrl.u32 s20, $0x3;
	s23 =	sadd.s32 s13, s28;
	[smem:$0x7F4] =	sst s21  }
0x36: {  	s22 =	sshrl.u32 s24, $0x3;
	s24 =	sadd.s32 s14, s28;
	[smem:$0x7F6] =	sst s23  }
0x37: {  	s25 =	smul.u32 $0x50000, s26;
	s26 =	sadd.s32 s22, s4;
	[smem:$0x7F7] =	sst s24  }
0x38: {  	s9 =	simm.s32 $0x10;
	s4 =	sadd.s32 s20, s4;
	[dreg:$0xb] =	wrdreg s26  }
0x39: {  	s7 =	simm.s32 $0xB;
	s22 =	sadd.s32 s12, s28;
	[dreg:$0xc] =	wrdreg s4  }
0x3a: {  	s14 =	simm.s32 $0xC;
	[smem:$0x7F5] =	sst s22;
	s26 =	sadd.s32 s19, s28  }
0x3b: {  	s1 =	sshrl.u32 s25, $0x2;
	s25 =	sadd.s32 s15, s28;
	[smem:$0x7F9] =	sst s26  }
0x3c: {  	s20 =	sadd.s32 $0x510800, s3;
	s4 =	sadd.s32 s1, s28;
	[smem:$0x7F8] =	sst s25  }
0x3d: {  	s24 =	simm.s32 $0xE;
	s1 =	sadd.s32 s16, s28;
	[dreg:$0x1d] =	wrdreg s4  }
0x3e: {  	v0 =	vimm.f32 $0.0e+00;
	s22 =	simm.s32 $0xF;
	s25 =	simm.s32 $0x28;
	[smem:$0x7FB] =	sst s1  }
.LBB2_1:
0x3f: {  	[smem:$0x7EF] =	sst s0;
	s12 =	simm.s32 $0x0;
	s15 =	simm.s32 $0x200  }
.LBB2_2:
0x40: {  	p0 =	sne.s32 s15, $0x4E00;
	[tilespmem:s12+$0x5070] =	vst v0  }
0x41: {  	[tilespmem:s12+$0x0] =	vst v0  }
0x42: {  	[tilespmem:s12+$0x10] =	vst v0  }
0x43: {  	[tilespmem:s12+$0x20] =	vst v0  }
0x44: {  	[tilespmem:s12+$0x30] =	vst v0  }
0x45: {  	[tilespmem:s12+$0x40] =	vst v0  }
0x46: {  	[tilespmem:s12+$0x50] =	vst v0  }
0x47: {  	[tilespmem:s12+$0x60] =	vst v0  }
0x48: {  	[tilespmem:s12+$0x70] =	vst v0  }
0x49: {  	[tilespmem:s12+$0x1400] =	vst v0  }
0x4a: {  	[tilespmem:s12+$0x1410] =	vst v0  }
0x4b: {  	[tilespmem:s12+$0x1420] =	vst v0  }
0x4c: {  	[tilespmem:s12+$0x1430] =	vst v0  }
0x4d: {  	[tilespmem:s12+$0x1440] =	vst v0  }
0x4e: {  	[tilespmem:s12+$0x1450] =	vst v0  }
0x4f: {  	[tilespmem:s12+$0x1460] =	vst v0  }
0x50: {  	[tilespmem:s12+$0x1470] =	vst v0  }
0x51: {  	[tilespmem:s12+$0x2800] =	vst v0  }
0x52: {  	[tilespmem:s12+$0x2810] =	vst v0  }
0x53: {  	[tilespmem:s12+$0x2820] =	vst v0  }
0x54: {  	[tilespmem:s12+$0x2830] =	vst v0  }
0x55: {  	[tilespmem:s12+$0x2840] =	vst v0  }
0x56: {  	[tilespmem:s12+$0x2850] =	vst v0  }
0x57: {  	[tilespmem:s12+$0x2860] =	vst v0  }
0x58: {  	[tilespmem:s12+$0x2870] =	vst v0  }
0x59: {  	[tilespmem:s12+$0x3C00] =	vst v0  }
0x5a: {  	[tilespmem:s12+$0x3C10] =	vst v0  }
0x5b: {  	[tilespmem:s12+$0x3C20] =	vst v0  }
0x5c: {  	[tilespmem:s12+$0x3C30] =	vst v0  }
0x5d: {  	[tilespmem:s12+$0x3C40] =	vst v0  }
0x5e: {  	[tilespmem:s12+$0x3C50] =	vst v0  }
0x5f: {  	[tilespmem:s12+$0x3C60] =	vst v0  }
0x60: {  	[tilespmem:s12+$0x3C70] =	vst v0  }
0x61: {  	[tilespmem:s12+$0x5000] =	vst v0  }
0x62: {  	[tilespmem:s12+$0x5010] =	vst v0  }
.Ltmp0:
0x63: {  	[tilespmem:s12+$0x5020] =	vst v0;
	(pc) =	sbr.rel @p0 .LBB2_2-.Ltmp0, $4  }
0x64: {  	[tilespmem:s12+$0x5030] =	vst v0  }
0x65: {  	[tilespmem:s12+$0x5040] =	vst v0  }
0x66: {  	[tilespmem:s12+$0x5050] =	vst v0  }
0x67: {  	[tilespmem:s12+$0x5060] =	vst v0;
	s12 =	sshra.s32 s15, $0x2;
	s15 =	sadd.s32 $0x200, s15  }
0x68: {  	[tilespmem:s12+$0x5070] =	vst v0  }
0x69: {  	[tilespmem:s12+$0x0] =	vst v0  }
0x6a: {  	[tilespmem:s12+$0x10] =	vst v0  }
0x6b: {  	[tilespmem:s12+$0x20] =	vst v0  }
0x6c: {  	[tilespmem:s12+$0x30] =	vst v0  }
0x6d: {  	[tilespmem:s12+$0x40] =	vst v0  }
0x6e: {  	[tilespmem:s12+$0x50] =	vst v0  }
0x6f: {  	[tilespmem:s12+$0x60] =	vst v0  }
0x70: {  	[tilespmem:s12+$0x70] =	vst v0  }
0x71: {  	[tilespmem:s12+$0x1400] =	vst v0  }
0x72: {  	[tilespmem:s12+$0x1410] =	vst v0  }
0x73: {  	[tilespmem:s12+$0x1420] =	vst v0  }
0x74: {  	[tilespmem:s12+$0x1430] =	vst v0  }
0x75: {  	[tilespmem:s12+$0x1440] =	vst v0  }
0x76: {  	[tilespmem:s12+$0x1450] =	vst v0  }
0x77: {  	[tilespmem:s12+$0x1460] =	vst v0  }
0x78: {  	[tilespmem:s12+$0x1470] =	vst v0  }
0x79: {  	[tilespmem:s12+$0x2800] =	vst v0  }
0x7a: {  	[tilespmem:s12+$0x2810] =	vst v0  }
0x7b: {  	[tilespmem:s12+$0x2820] =	vst v0  }
0x7c: {  	[tilespmem:s12+$0x2830] =	vst v0  }
0x7d: {  	[tilespmem:s12+$0x2840] =	vst v0  }
0x7e: {  	[tilespmem:s12+$0x2850] =	vst v0  }
0x7f: {  	[tilespmem:s12+$0x2860] =	vst v0  }
0x80: {  	[tilespmem:s12+$0x2870] =	vst v0  }
0x81: {  	[tilespmem:s12+$0x3C00] =	vst v0  }
0x82: {  	[tilespmem:s12+$0x3C10] =	vst v0  }
0x83: {  	[tilespmem:s12+$0x3C20] =	vst v0  }
0x84: {  	[tilespmem:s12+$0x3C30] =	vst v0  }
0x85: {  	[tilespmem:s12+$0x3C40] =	vst v0  }
0x86: {  	[tilespmem:s12+$0x3C50] =	vst v0  }
0x87: {  	[tilespmem:s12+$0x3C60] =	vst v0  }
0x88: {  	[tilespmem:s12+$0x3C70] =	vst v0  }
0x89: {  	[tilespmem:s12+$0x5000] =	vst v0  }
0x8a: {  	[tilespmem:s12+$0x5010] =	vst v0  }
0x8b: {  	[tilespmem:s12+$0x5020] =	vst v0  }
0x8c: {  	[tilespmem:s12+$0x5030] =	vst v0  }
0x8d: {  	[tilespmem:s12+$0x5040] =	vst v0  }
0x8e: {  	[tilespmem:s12+$0x5050] =	vst v0  }
0x8f: {  	[tilespmem:s12+$0x5060] =	vst v0;
	s12 =	simm.s32 $0x0;
	s13 =	rddreg [dreg:$0x1d]  }
0x90: {  	[spmem:s13] =	stream.linear.scatter [tilespmem:s12], [sflag:$0x10], $0x1400, $0x38;
	[tilespmem:$0x1A900] =	vst v63  }
0x91: {  	_ =	swait.ge [sflag:s9], $0x1400  }
0x92: {  	[sflag:s9] =	ssyncset.done $0x0  }
0x93: {  	s15 =	simm.s32 $0x1400;
	s0 =	rddreg [dreg:$0x1e];
	[sflag:s9] =	ssyncadd.s32 $0xFFFFEC00  }
0x94: {  	[spmem:s0] =	stream.linear.scatter [tilespmem:s15], [sflag:$0x10], $0x1400, $0x38;
	[tilespmem:$0x1A900] =	vst v63  }
0x95: {  	_ =	swait.ge [sflag:s9], $0x1400  }
0x96: {  	[sflag:s9] =	ssyncset.done $0x0  }
0x97: {  	s16 =	simm.s32 $0x2800;
	s3 =	rddreg [dreg:$0x1f];
	[sflag:s9] =	ssyncadd.s32 $0xFFFFEC00  }
0x98: {  	[spmem:s3] =	stream.linear.scatter [tilespmem:s16], [sflag:$0x10], $0x1400, $0x38;
	[tilespmem:$0x1A900] =	vst v63  }
0x99: {  	_ =	swait.ge [sflag:s9], $0x1400  }
0x9a: {  	s4 =	sld [smem:$0x7F0]  }
0x9b: {  	[sflag:s9] =	ssyncset.done $0x0  }
0x9c: {  	s8 =	simm.s32 $0x3C00;
	[sflag:s9] =	ssyncadd.s32 $0xFFFFEC00  }
0x9d: {  	[spmem:s4] =	stream.linear.scatter [tilespmem:s8], [sflag:$0x10], $0x1400, $0x38;
	[tilespmem:$0x1A900] =	vst v63  }
0x9e: {  	_ =	swait.ge [sflag:s9], $0x1400  }
0x9f: {  	s5 =	sld [smem:$0x7F1]  }
0xa0: {  	[sflag:s9] =	ssyncset.done $0x0  }
0xa1: {  	s23 =	simm.s32 $0x5000;
	[sflag:s9] =	ssyncadd.s32 $0xFFFFEC00  }
0xa2: {  	[spmem:s5] =	stream.linear.scatter [tilespmem:s23], [sflag:$0x10], $0x1400, $0x38;
	[tilespmem:$0x1A900] =	vst v63  }
0xa3: {  	_ =	swait.ge [sflag:s9], $0x1400  }
0xa4: {  	s6 =	sld [smem:$0x7F2]  }
0xa5: {  	[sflag:s9] =	ssyncset.done $0x0  }
0xa6: {  	[sflag:s9] =	ssyncadd.s32 $0xFFFFEC00  }
0xa7: {  	[spmem:s6] =	stream.linear.scatter [tilespmem:s12], [sflag:$0x10], $0x1400, $0x38;
	[tilespmem:$0x1A900] =	vst v63  }
0xa8: {  	_ =	swait.ge [sflag:s9], $0x1400  }
0xa9: {  	s10 =	sld [smem:$0x7F3]  }
0xaa: {  	[sflag:s9] =	ssyncset.done $0x0  }
0xab: {  	[sflag:s9] =	ssyncadd.s32 $0xFFFFEC00  }
0xac: {  	[spmem:s10] =	stream.linear.scatter [tilespmem:s15], [sflag:$0x10], $0x1400, $0x38;
	[tilespmem:$0x1A900] =	vst v63  }
0xad: {  	_ =	swait.ge [sflag:s9], $0x1400  }
0xae: {  	s11 =	sld [smem:$0x7F4]  }
0xaf: {  	[sflag:s9] =	ssyncset.done $0x0  }
0xb0: {  	[sflag:s9] =	ssyncadd.s32 $0xFFFFEC00  }
0xb1: {  	[spmem:s11] =	stream.linear.scatter [tilespmem:s16], [sflag:$0x10], $0x1400, $0x38;
	[tilespmem:$0x1A900] =	vst v63  }
0xb2: {  	_ =	swait.ge [sflag:s9], $0x1400  }
0xb3: {  	s19 =	sld [smem:$0x7F5]  }
0xb4: {  	[sflag:s9] =	ssyncset.done $0x0  }
0xb5: {  	[sflag:s9] =	ssyncadd.s32 $0xFFFFEC00  }
0xb6: {  	[spmem:s19] =	stream.linear.scatter [tilespmem:s8], [sflag:$0x10], $0x1400, $0x38;
	[tilespmem:$0x1A900] =	vst v63  }
0xb7: {  	_ =	swait.ge [sflag:s9], $0x1400  }
0xb8: {  	s21 =	sld [smem:$0x7F6]  }
0xb9: {  	[sflag:s9] =	ssyncset.done $0x0  }
0xba: {  	[sflag:s9] =	ssyncadd.s32 $0xFFFFEC00  }
0xbb: {  	[spmem:s21] =	stream.linear.scatter [tilespmem:s23], [sflag:$0x10], $0x1400, $0x38;
	[tilespmem:$0x1A900] =	vst v63  }
0xbc: {  	_ =	swait.ge [sflag:s9], $0x1400  }
0xbd: {  	s26 =	sld [smem:$0x7F7]  }
0xbe: {  	[sflag:s9] =	ssyncset.done $0x0  }
0xbf: {  	[sflag:s9] =	ssyncadd.s32 $0xFFFFEC00  }
0xc0: {  	[spmem:s26] =	stream.linear.scatter [tilespmem:s12], [sflag:$0x10], $0x1400, $0x38;
	[tilespmem:$0x1A900] =	vst v63  }
0xc1: {  	_ =	swait.ge [sflag:s9], $0x1400  }
0xc2: {  	s0 =	sld [smem:$0x7F8]  }
0xc3: {  	[sflag:s9] =	ssyncset.done $0x0  }
0xc4: {  	[sflag:s9] =	ssyncadd.s32 $0xFFFFEC00  }
0xc5: {  	[spmem:s0] =	stream.linear.scatter [tilespmem:s15], [sflag:$0x10], $0x1400, $0x38;
	[tilespmem:$0x1A900] =	vst v63  }
0xc6: {  	_ =	swait.ge [sflag:s9], $0x1400  }
0xc7: {  	[sflag:s9] =	ssyncset.done $0x0  }
0xc8: {  	[sflag:s9] =	ssyncadd.s32 $0xFFFFEC00  }
0xc9: {  	[spmem:s1] =	stream.linear.scatter [tilespmem:s16], [sflag:$0x10], $0x1400, $0x38;
	[tilespmem:$0x1A900] =	vst v63  }
0xca: {  	_ =	swait.ge [sflag:s9], $0x1400  }
0xcb: {  	[sflag:s9] =	ssyncset.done $0x0  }
0xcc: {  	[sflag:s9] =	ssyncadd.s32 $0xFFFFEC00  }
0xcd: {  	[spmem:s17] =	stream.linear.scatter [tilespmem:s8], [sflag:$0x10], $0x1400, $0x38;
	[tilespmem:$0x1A900] =	vst v63  }
0xce: {  	_ =	swait.ge [sflag:s9], $0x1400  }
0xcf: {  	[sflag:s9] =	ssyncset.done $0x0  }
0xd0: {  	[sflag:s9] =	ssyncadd.s32 $0xFFFFEC00  }
0xd1: {  	[spmem:s18] =	stream.linear.scatter [tilespmem:s23], [sflag:$0x10], $0x1400, $0x38;
	[tilespmem:$0x1A900] =	vst v63  }
0xd2: {  	_ =	swait.ge [sflag:s9], $0x1400  }
0xd3: {  	s3 =	sld [smem:$0x7F9]  }
0xd4: {  	[sflag:s9] =	ssyncset.done $0x0  }
0xd5: {  	[sflag:s9] =	ssyncadd.s32 $0xFFFFEC00  }
0xd6: {  	[spmem:s3] =	stream.linear.scatter [tilespmem:s12], [sflag:$0x10], $0x1400, $0x38;
	[tilespmem:$0x1A900] =	vst v63  }
0xd7: {  	_ =	swait.ge [sflag:s9], $0x1400  }
0xd8: {  	[sflag:s9] =	ssyncset.done $0x0  }
0xd9: {  	[sflag:s9] =	ssyncadd.s32 $0xFFFFEC00  }
0xda: {  	[bflag:$0x0] =	sbarrier.arrive $0xFFFF  }
0xdb: {  	s4 =	rddreg [dreg:$0x8]  }
0xdc: {  	s0 =	simm.s32 $0x6400;
	s5 =	rddreg [dreg:$0x3];
	s12 =	sadd.s32 $0x0, s4  }
0xdd: {  	[tilespmem:s0], [sflag:$0x6] =	stream.linear.gather [hbm4b:s12+s2], $0x28, $0x38;
	[tilespmem:$0x1A900] =	vst v63  }
0xde: {  	s10 =	simm.s32 $0x6680;
	s6 =	rddreg [dreg:$0xc];
	s11 =	sadd.s32 $0x0, s5  }
0xdf: {  	[tilespmem:s10], [sflag:$0xB] =	stream.linear.gather [hbm4b:s11+s2], $0x28, $0x38;
	[tilespmem:$0x1A900] =	vst v63  }
0xe0: {  	s3 =	simm.s32 $0x6480;
	s13 =	rddreg [dreg:$0x7];
	s16 =	sadd.s32 $0x0, s6  }
0xe1: {  	[tilespmem:s3], [sflag:$0x7] =	stream.linear.gather [hbm4b:s16+s2], $0x28, $0x38;
	[tilespmem:$0x1A900] =	vst v63  }
0xe2: {  	s19 =	rddreg [dreg:$0xb];
	s21 =	sadd.s32 $0x0, s13;
	s11 =	simm.s32 $0x6700  }
0xe3: {  	[tilespmem:s11], [sflag:$0xC] =	stream.linear.gather [hbm4b:s21+s2], $0x28, $0x38;
	[tilespmem:$0x1A900] =	vst v63  }
0xe4: {  	s26 =	rddreg [dreg:$0x6];
	s1 =	sadd.s32 $0x0, s19;
	s4 =	simm.s32 $0x6500  }
0xe5: {  	[tilespmem:s4], [sflag:$0x8] =	stream.linear.gather [hbm4b:s1+s2], $0x28, $0x38;
	[tilespmem:$0x1A900] =	vst v63  }
0xe6: {  	s5 =	rddreg [dreg:$0xa];
	s6 =	sadd.s32 $0x0, s26;
	s19 =	simm.s32 $0x6780  }
0xe7: {  	[tilespmem:s19], [sflag:$0xD] =	stream.linear.gather [hbm4b:s6+s2], $0x28, $0x38;
	[tilespmem:$0x1A900] =	vst v63  }
0xe8: {  	s13 =	rddreg [dreg:$0x5];
	s16 =	sadd.s32 $0x0, s5;
	s5 =	simm.s32 $0x6580  }
0xe9: {  	[tilespmem:s5], [sflag:$0x9] =	stream.linear.gather [hbm4b:s16+s2], $0x28, $0x38;
	[tilespmem:$0x1A900] =	vst v63  }
0xea: {  	s26 =	sadd.s32 $0x0, s13;
	s13 =	simm.s32 $0x6800;
	s21 =	rddreg [dreg:$0x9]  }
0xeb: {  	[tilespmem:s13], [sflag:$0xE] =	stream.linear.gather [hbm4b:s26+s2], $0x28, $0x38;
	[tilespmem:$0x1A900] =	vst v63  }
0xec: {  	s21 =	sadd.s32 $0x0, s21;
	s1 =	rddreg [dreg:$0x4];
	s6 =	simm.s32 $0x6600  }
0xed: {  	[tilespmem:s6], [sflag:$0xA] =	stream.linear.gather [hbm4b:s21+s2], $0x28, $0x38;
	[tilespmem:$0x1A900] =	vst v63  }
0xee: {  	s26 =	sadd.s32 $0x0, s1;
	s1 =	simm.s32 $0x6880  }
0xef: {  	[tilespmem:s1], [sflag:$0xF] =	stream.linear.gather [hbm4b:s26+s2], $0x28, $0x38;
	[tilespmem:$0x1A900] =	vst v63  }
0xf0: {  	_ =	swait.ge [sflag:s31], $0x28  }
0xf1: {  	[sflag:s31] =	ssyncset.done $0x0  }
0xf2: {  	s12 =	simm.s32 $0x7;
	[sflag:s31] =	ssyncadd.s32 $0xFFFFFFD8  }
0xf3: {  	[tilespmem:s2], [sflag:$0x1] =	stream.indirect.gather [hbm4b:s20+s25], $0x80, s0, s25, $0xb8;
	[tilespmem:$0x1A900] =	vst v63  }
0xf4: {  	_ =	swait.ge [sflag:s12], $0x28  }
0xf5: {  	[sflag:s12] =	ssyncset.done $0x0  }
0xf6: {  	s15 =	simm.s32 $0x8;
	s17 =	simm.s32 $0x1400;
	[sflag:s12] =	ssyncadd.s32 $0xFFFFFFD8  }
0xf7: {  	[tilespmem:s17], [sflag:$0x2] =	stream.indirect.gather [hbm4b:s20+s25], $0x80, s3, s25, $0xb8;
	[tilespmem:$0x1A900] =	vst v63  }
0xf8: {  	_ =	swait.ge [sflag:s15], $0x28  }
0xf9: {  	[sflag:s15] =	ssyncset.done $0x0  }
0xfa: {  	s18 =	simm.s32 $0x2800;
	s16 =	simm.s32 $0x9;
	[sflag:s15] =	ssyncadd.s32 $0xFFFFFFD8  }
0xfb: {  	[tilespmem:s18], [sflag:$0x3] =	stream.indirect.gather [hbm4b:s20+s25], $0x80, s4, s25, $0xb8;
	[tilespmem:$0x1A900] =	vst v63  }
0xfc: {  	_ =	swait.ge [sflag:s16], $0x28  }
0xfd: {  	[sflag:s16] =	ssyncset.done $0x0  }
0xfe: {  	s21 =	simm.s32 $0xA;
	[sflag:s16] =	ssyncadd.s32 $0xFFFFFFD8  }
0xff: {  	[tilespmem:s8], [sflag:$0x4] =	stream.indirect.gather [hbm4b:s20+s25], $0x80, s5, s25, $0xb8;
	[tilespmem:$0x1A900] =	vst v63  }
0x100: {  	_ =	swait.ge [sflag:s21], $0x28  }
0x101: {  	[sflag:s21] =	ssyncset.done $0x0  }
0x102: {  	s26 =	simm.s32 $0x1;
	[sflag:s21] =	ssyncadd.s32 $0xFFFFFFD8  }
0x103: {  	[tilespmem:s23], [sflag:$0x5] =	stream.indirect.gather [hbm4b:s20+s25], $0x80, s6, s25, $0xb8;
	[tilespmem:$0x1A900] =	vst v63  }
0x104: {  	_ =	swait.ge [sflag:s26], $0x1400  }
0x105: {  	[sflag:s26] =	ssyncset.done $0x0  }
0x106: {  	[sflag:s26] =	ssyncadd.s32 $0xFFFFEC00  }
0x107: {  	_ =	swait.ge [sflag:s7], $0x28  }
0x108: {  	[sflag:s7] =	ssyncset.done $0x0  }
0x109: {  	[sflag:s7] =	ssyncadd.s32 $0xFFFFFFD8  }
0x10a: {  	[spmem:s28] =	stream.indirect.scatter.add.f32 [tilespmem:s2], [sflag:$0x10], $0x80, s10, s25, $0xb8;
	[tilespmem:$0x1A900] =	vst v63  }
0x10b: {  	_ =	swait.ge [sflag:s9], $0x1400  }
0x10c: {  	[sflag:s9] =	ssyncset.done $0x0  }
0x10d: {  	s10 =	simm.s32 $0x2;
	[sflag:s9] =	ssyncadd.s32 $0xFFFFEC00  }
0x10e: {  	_ =	swait.ge [sflag:s10], $0x1400  }
0x10f: {  	[sflag:s10] =	ssyncset.done $0x0  }
0x110: {  	[sflag:s10] =	ssyncadd.s32 $0xFFFFEC00  }
0x111: {  	_ =	swait.ge [sflag:s14], $0x28  }
0x112: {  	[sflag:s14] =	ssyncset.done $0x0  }
0x113: {  	[sflag:s14] =	ssyncadd.s32 $0xFFFFFFD8  }
0x114: {  	[spmem:s28] =	stream.indirect.scatter.add.f32 [tilespmem:s17], [sflag:$0x10], $0x80, s11, s25, $0xb8;
	[tilespmem:$0x1A900] =	vst v63  }
0x115: {  	_ =	swait.ge [sflag:s9], $0x1400  }
0x116: {  	[sflag:s9] =	ssyncset.done $0x0  }
0x117: {  	s11 =	simm.s32 $0x3;
	[sflag:s9] =	ssyncadd.s32 $0xFFFFEC00  }
0x118: {  	_ =	swait.ge [sflag:s11], $0x1400  }
0x119: {  	[sflag:s11] =	ssyncset.done $0x0  }
0x11a: {  	[sflag:s11] =	ssyncadd.s32 $0xFFFFEC00  }
0x11b: {  	_ =	swait.ge [sflag:s30], $0x28  }
0x11c: {  	[sflag:s30] =	ssyncset.done $0x0  }
0x11d: {  	[sflag:s30] =	ssyncadd.s32 $0xFFFFFFD8  }
0x11e: {  	[spmem:s28] =	stream.indirect.scatter.add.f32 [tilespmem:s18], [sflag:$0x10], $0x80, s19, s25, $0xb8;
	[tilespmem:$0x1A900] =	vst v63  }
0x11f: {  	_ =	swait.ge [sflag:s9], $0x1400  }
0x120: {  	[sflag:s9] =	ssyncset.done $0x0  }
0x121: {  	s21 =	smov.u32 s28;
	s28 =	simm.s32 $0x4;
	[sflag:s9] =	ssyncadd.s32 $0xFFFFEC00  }
0x122: {  	_ =	swait.ge [sflag:s28], $0x1400  }
0x123: {  	[sflag:s28] =	ssyncset.done $0x0  }
0x124: {  	[sflag:s28] =	ssyncadd.s32 $0xFFFFEC00  }
0x125: {  	_ =	swait.ge [sflag:s24], $0x28  }
0x126: {  	[sflag:s24] =	ssyncset.done $0x0  }
0x127: {  	[sflag:s24] =	ssyncadd.s32 $0xFFFFFFD8  }
0x128: {  	[spmem:s21] =	stream.indirect.scatter.add.f32 [tilespmem:s8], [sflag:$0x10], $0x80, s13, s25, $0xb8;
	[tilespmem:$0x1A900] =	vst v63  }
0x129: {  	_ =	swait.ge [sflag:s9], $0x1400  }
0x12a: {  	[sflag:s9] =	ssyncset.done $0x0  }
0x12b: {  	s8 =	simm.s32 $0x5;
	[sflag:s9] =	ssyncadd.s32 $0xFFFFEC00  }
0x12c: {  	_ =	swait.ge [sflag:s8], $0x1400  }
0x12d: {  	[sflag:s8] =	ssyncset.done $0x0  }
0x12e: {  	[sflag:s8] =	ssyncadd.s32 $0xFFFFEC00  }
0x12f: {  	_ =	swait.ge [sflag:s22], $0x28  }
0x130: {  	[sflag:s22] =	ssyncset.done $0x0  }
0x131: {  	[sflag:s22] =	ssyncadd.s32 $0xFFFFFFD8  }
0x132: {  	[spmem:s21] =	stream.indirect.scatter.add.f32 [tilespmem:s23], [sflag:$0x10], $0x80, s1, s25, $0xb8;
	[tilespmem:$0x1A900] =	vst v63  }
0x133: {  	s12 =	simm.s32 $0x32;
	_ =	swait.ge [sflag:s9], $0x1400  }
0x134: {  	s15 =	simm.s32 $0x19;
	s16 =	rddreg [dreg:$0x8];
	[sflag:s9] =	ssyncset.done $0x0  }
.LBB2_4:
0x135: {  	[sflag:s9] =	ssyncadd.s32 $0xFFFFEC00  }
0x136: {  	s17 =	rddreg [dreg:$0x3];
	s16 =	sadd.s32 s15, s16;
	s0 =	simm.s32 $0x6400  }
0x137: {  	[tilespmem:s0], [sflag:$0x6] =	stream.linear.gather [hbm4b:s16+s2], $0x28, $0x38;
	[tilespmem:$0x1A900] =	vst v63  }
0x138: {  	s18 =	rddreg [dreg:$0xc];
	s3 =	sadd.s32 s15, s17  }
0x139: {  	[tilespmem:s29], [sflag:$0xB] =	stream.linear.gather [hbm4b:s3+s2], $0x28, $0x38;
	[tilespmem:$0x1A900] =	vst v63  }
0x13a: {  	s4 =	rddreg [dreg:$0x7];
	s5 =	sadd.s32 s15, s18;
	s3 =	simm.s32 $0x6480  }
0x13b: {  	[tilespmem:s3], [sflag:$0x7] =	stream.linear.gather [hbm4b:s5+s2], $0x28, $0x38;
	[tilespmem:$0x1A900] =	vst v63  }
0x13c: {  	s6 =	rddreg [dreg:$0xb];
	s26 =	simm.s32 $0x6700;
	s17 =	sadd.s32 s15, s4  }
0x13d: {  	[tilespmem:s26], [sflag:$0xC] =	stream.linear.gather [hbm4b:s17+s2], $0x28, $0x38;
	[tilespmem:$0x1A900] =	vst v63  }
0x13e: {  	s19 =	rddreg [dreg:$0x6];
	s23 =	sadd.s32 s15, s6;
	s4 =	simm.s32 $0x6500  }
0x13f: {  	[tilespmem:s4], [sflag:$0x8] =	stream.linear.gather [hbm4b:s23+s2], $0x28, $0x38;
	[tilespmem:$0x1A900] =	vst v63  }
0x140: {  	s1 =	rddreg [dreg:$0xa];
	s5 =	sadd.s32 s15, s19;
	s19 =	simm.s32 $0x6780  }
0x141: {  	[tilespmem:s19], [sflag:$0xD] =	stream.linear.gather [hbm4b:s5+s2], $0x28, $0x38;
	[tilespmem:$0x1A900] =	vst v63  }
0x142: {  	s6 =	rddreg [dreg:$0x5];
	s23 =	sadd.s32 s15, s1;
	s5 =	simm.s32 $0x6580  }
0x143: {  	[tilespmem:s5], [sflag:$0x9] =	stream.linear.gather [hbm4b:s23+s2], $0x28, $0x38;
	[tilespmem:$0x1A900] =	vst v63  }
0x144: {  	s6 =	sadd.s32 s15, s6;
	s1 =	rddreg [dreg:$0x9];
	s23 =	simm.s32 $0x6800  }
0x145: {  	[tilespmem:s23], [sflag:$0xE] =	stream.linear.gather [hbm4b:s6+s2], $0x28, $0x38;
	[tilespmem:$0x1A900] =	vst v63  }
0x146: {  	s17 =	rddreg [dreg:$0x4];
	s1 =	sadd.s32 s15, s1;
	s6 =	simm.s32 $0x6600  }
0x147: {  	[tilespmem:s6], [sflag:$0xA] =	stream.linear.gather [hbm4b:s1+s2], $0x28, $0x38;
	[tilespmem:$0x1A900] =	vst v63  }
0x148: {  	s16 =	sadd.s32 s15, s17;
	s1 =	simm.s32 $0x6880  }
0x149: {  	[tilespmem:s1], [sflag:$0xF] =	stream.linear.gather [hbm4b:s16+s2], $0x28, $0x38;
	[tilespmem:$0x1A900] =	vst v63  }
0x14a: {  	_ =	swait.ge [sflag:s31], $0x28  }
0x14b: {  	[sflag:s31] =	ssyncset.done $0x0  }
0x14c: {  	s16 =	simm.s32 $0x7;
	[sflag:s31] =	ssyncadd.s32 $0xFFFFFFD8  }
0x14d: {  	[tilespmem:s2], [sflag:$0x1] =	stream.indirect.gather [hbm4b:s20+s25], $0x80, s0, s25, $0xb8;
	[tilespmem:$0x1A900] =	vst v63  }
0x14e: {  	_ =	swait.ge [sflag:s16], $0x28  }
0x14f: {  	s13 =	smov.u32 s12;
	s17 =	simm.s32 $0x1400;
	[sflag:s16] =	ssyncset.done $0x0  }
0x150: {  	s15 =	smov.u32 s13;
	s13 =	simm.s32 $0x8;
	[sflag:s16] =	ssyncadd.s32 $0xFFFFFFD8  }
0x151: {  	[tilespmem:s17], [sflag:$0x2] =	stream.indirect.gather [hbm4b:s20+s25], $0x80, s3, s25, $0xb8;
	[tilespmem:$0x1A900] =	vst v63  }
0x152: {  	_ =	swait.ge [sflag:s13], $0x28  }
0x153: {  	[sflag:s13] =	ssyncset.done $0x0  }
0x154: {  	s18 =	simm.s32 $0x2800;
	s16 =	simm.s32 $0x9;
	[sflag:s13] =	ssyncadd.s32 $0xFFFFFFD8  }
0x155: {  	[tilespmem:s18], [sflag:$0x3] =	stream.indirect.gather [hbm4b:s20+s25], $0x80, s4, s25, $0xb8;
	[tilespmem:$0x1A900] =	vst v63  }
0x156: {  	_ =	swait.ge [sflag:s16], $0x28  }
0x157: {  	[sflag:s16] =	ssyncset.done $0x0  }
0x158: {  	s3 =	simm.s32 $0x3C00;
	s4 =	simm.s32 $0xA;
	[sflag:s16] =	ssyncadd.s32 $0xFFFFFFD8  }
0x159: {  	[tilespmem:s3], [sflag:$0x4] =	stream.indirect.gather [hbm4b:s20+s25], $0x80, s5, s25, $0xb8;
	[tilespmem:$0x1A900] =	vst v63  }
0x15a: {  	_ =	swait.ge [sflag:s4], $0x28  }
0x15b: {  	[sflag:s4] =	ssyncset.done $0x0  }
0x15c: {  	s5 =	simm.s32 $0x5000;
	[sflag:s4] =	ssyncadd.s32 $0xFFFFFFD8  }
0x15d: {  	[tilespmem:s5], [sflag:$0x5] =	stream.indirect.gather [hbm4b:s20+s25], $0x80, s6, s25, $0xb8;
	[tilespmem:$0x1A900] =	vst v63  }
0x15e: {  	s6 =	simm.s32 $0x1  }
0x15f: {  	_ =	swait.ge [sflag:s6], $0x1400  }
0x160: {  	[sflag:s6] =	ssyncset.done $0x0  }
0x161: {  	[sflag:s6] =	ssyncadd.s32 $0xFFFFEC00  }
0x162: {  	_ =	swait.ge [sflag:s7], $0x28  }
0x163: {  	[sflag:s7] =	ssyncset.done $0x0  }
0x164: {  	[sflag:s7] =	ssyncadd.s32 $0xFFFFFFD8  }
0x165: {  	[spmem:s21] =	stream.indirect.scatter.add.f32 [tilespmem:s2], [sflag:$0x10], $0x80, s29, s25, $0xb8;
	[tilespmem:$0x1A900] =	vst v63  }
0x166: {  	_ =	swait.ge [sflag:s9], $0x1400  }
0x167: {  	[sflag:s9] =	ssyncset.done $0x0  }
0x168: {  	[sflag:s9] =	ssyncadd.s32 $0xFFFFEC00  }
0x169: {  	_ =	swait.ge [sflag:s10], $0x1400  }
0x16a: {  	[sflag:s10] =	ssyncset.done $0x0  }
0x16b: {  	[sflag:s10] =	ssyncadd.s32 $0xFFFFEC00  }
0x16c: {  	_ =	swait.ge [sflag:s14], $0x28  }
0x16d: {  	[sflag:s14] =	ssyncset.done $0x0  }
0x16e: {  	[sflag:s14] =	ssyncadd.s32 $0xFFFFFFD8  }
0x16f: {  	[spmem:s21] =	stream.indirect.scatter.add.f32 [tilespmem:s17], [sflag:$0x10], $0x80, s26, s25, $0xb8;
	[tilespmem:$0x1A900] =	vst v63  }
0x170: {  	_ =	swait.ge [sflag:s9], $0x1400  }
0x171: {  	[sflag:s9] =	ssyncset.done $0x0  }
0x172: {  	[sflag:s9] =	ssyncadd.s32 $0xFFFFEC00  }
0x173: {  	_ =	swait.ge [sflag:s11], $0x1400  }
0x174: {  	[sflag:s11] =	ssyncset.done $0x0  }
0x175: {  	[sflag:s11] =	ssyncadd.s32 $0xFFFFEC00  }
0x176: {  	_ =	swait.ge [sflag:s30], $0x28  }
0x177: {  	[sflag:s30] =	ssyncset.done $0x0  }
0x178: {  	[sflag:s30] =	ssyncadd.s32 $0xFFFFFFD8  }
0x179: {  	[spmem:s21] =	stream.indirect.scatter.add.f32 [tilespmem:s18], [sflag:$0x10], $0x80, s19, s25, $0xb8;
	[tilespmem:$0x1A900] =	vst v63  }
0x17a: {  	_ =	swait.ge [sflag:s9], $0x1400  }
0x17b: {  	[sflag:s9] =	ssyncset.done $0x0  }
0x17c: {  	[sflag:s9] =	ssyncadd.s32 $0xFFFFEC00  }
0x17d: {  	_ =	swait.ge [sflag:s28], $0x1400  }
0x17e: {  	[sflag:s28] =	ssyncset.done $0x0  }
0x17f: {  	[sflag:s28] =	ssyncadd.s32 $0xFFFFEC00  }
0x180: {  	_ =	swait.ge [sflag:s24], $0x28  }
0x181: {  	[sflag:s24] =	ssyncset.done $0x0  }
0x182: {  	[sflag:s24] =	ssyncadd.s32 $0xFFFFFFD8  }
0x183: {  	[spmem:s21] =	stream.indirect.scatter.add.f32 [tilespmem:s3], [sflag:$0x10], $0x80, s23, s25, $0xb8;
	[tilespmem:$0x1A900] =	vst v63  }
0x184: {  	_ =	swait.ge [sflag:s9], $0x1400  }
0x185: {  	[sflag:s9] =	ssyncset.done $0x0  }
0x186: {  	[sflag:s9] =	ssyncadd.s32 $0xFFFFEC00  }
0x187: {  	_ =	swait.ge [sflag:s8], $0x1400  }
0x188: {  	[sflag:s8] =	ssyncset.done $0x0  }
0x189: {  	[sflag:s8] =	ssyncadd.s32 $0xFFFFEC00  }
0x18a: {  	p0 =	sne.s32 s12, $0x258;
	_ =	swait.ge [sflag:s22], $0x28  }
.Ltmp1:
0x18b: {  	[sflag:s22] =	ssyncset.done $0x0;
	(pc) =	sbr.rel @p0 .LBB2_4-.Ltmp1, $4  }
0x18c: {  	[sflag:s22] =	ssyncadd.s32 $0xFFFFFFD8  }
0x18d: {  	[spmem:s21] =	stream.indirect.scatter.add.f32 [tilespmem:s5], [sflag:$0x10], $0x80, s1, s25, $0xb8;
	[tilespmem:$0x1A900] =	vst v63  }
0x18e: {  	_ =	swait.ge [sflag:s9], $0x1400  }
0x18f: {  	s12 =	sadd.s32 $0x19, s12;
	s16 =	rddreg [dreg:$0x8];
	[sflag:s9] =	ssyncset.done $0x0  }
0x190: {  	s12 =	rddreg [dreg:$0x3]  }
0x191: {  	[sflag:s9] =	ssyncadd.s32 $0xFFFFEC00;
	s13 =	sadd.s32 s15, s16;
	s0 =	simm.s32 $0x6400  }
0x192: {  	[tilespmem:s0], [sflag:$0x6] =	stream.linear.gather [hbm4b:s13+s2], $0x28, $0x38;
	[tilespmem:$0x1A900] =	vst v63  }
0x193: {  	s3 =	rddreg [dreg:$0xc];
	s26 =	simm.s32 $0x6680;
	s12 =	sadd.s32 s15, s12  }
0x194: {  	[tilespmem:s26], [sflag:$0xB] =	stream.linear.gather [hbm4b:s12+s2], $0x28, $0x38;
	[tilespmem:$0x1A900] =	vst v63  }
0x195: {  	s4 =	rddreg [dreg:$0x7];
	s13 =	sadd.s32 s15, s3;
	s3 =	simm.s32 $0x6480  }
0x196: {  	[tilespmem:s3], [sflag:$0x7] =	stream.linear.gather [hbm4b:s13+s2], $0x28, $0x38;
	[tilespmem:$0x1A900] =	vst v63  }
0x197: {  	s5 =	rddreg [dreg:$0xb];
	s23 =	simm.s32 $0x6700;
	s12 =	sadd.s32 s15, s4  }
0x198: {  	[tilespmem:s23], [sflag:$0xC] =	stream.linear.gather [hbm4b:s12+s2], $0x28, $0x38;
	[tilespmem:$0x1A900] =	vst v63  }
0x199: {  	s6 =	rddreg [dreg:$0x6];
	s4 =	simm.s32 $0x6500;
	s13 =	sadd.s32 s15, s5  }
0x19a: {  	[tilespmem:s4], [sflag:$0x8] =	stream.linear.gather [hbm4b:s13+s2], $0x28, $0x38;
	[tilespmem:$0x1A900] =	vst v63  }
0x19b: {  	s16 =	rddreg [dreg:$0xa];
	s19 =	simm.s32 $0x6780;
	s12 =	sadd.s32 s15, s6  }
0x19c: {  	[tilespmem:s19], [sflag:$0xD] =	stream.linear.gather [hbm4b:s12+s2], $0x28, $0x38;
	[tilespmem:$0x1A900] =	vst v63  }
0x19d: {  	s1 =	rddreg [dreg:$0x5];
	s5 =	simm.s32 $0x6580;
	s13 =	sadd.s32 s15, s16  }
0x19e: {  	[tilespmem:s5], [sflag:$0x9] =	stream.linear.gather [hbm4b:s13+s2], $0x28, $0x38;
	[tilespmem:$0x1A900] =	vst v63  }
0x19f: {  	s6 =	rddreg [dreg:$0x9];
	s16 =	simm.s32 $0x6800;
	s12 =	sadd.s32 s15, s1  }
0x1a0: {  	[tilespmem:s16], [sflag:$0xE] =	stream.linear.gather [hbm4b:s12+s2], $0x28, $0x38;
	[tilespmem:$0x1A900] =	vst v63  }
0x1a1: {  	s1 =	rddreg [dreg:$0x4];
	s13 =	sadd.s32 s15, s6;
	s6 =	simm.s32 $0x6600  }
0x1a2: {  	[tilespmem:s6], [sflag:$0xA] =	stream.linear.gather [hbm4b:s13+s2], $0x28, $0x38;
	[tilespmem:$0x1A900] =	vst v63  }
0x1a3: {  	s12 =	sadd.s32 s15, s1;
	s1 =	simm.s32 $0x6880  }
0x1a4: {  	[tilespmem:s1], [sflag:$0xF] =	stream.linear.gather [hbm4b:s12+s2], $0x28, $0x38;
	[tilespmem:$0x1A900] =	vst v63  }
0x1a5: {  	_ =	swait.ge [sflag:s31], $0x28  }
0x1a6: {  	[sflag:s31] =	ssyncset.done $0x0  }
0x1a7: {  	s15 =	simm.s32 $0x7;
	[sflag:s31] =	ssyncadd.s32 $0xFFFFFFD8  }
0x1a8: {  	[tilespmem:s2], [sflag:$0x1] =	stream.indirect.gather [hbm4b:s20+s25], $0x80, s0, s25, $0xb8;
	[tilespmem:$0x1A900] =	vst v63  }
0x1a9: {  	_ =	swait.ge [sflag:s15], $0x28  }
0x1aa: {  	[sflag:s15] =	ssyncset.done $0x0  }
0x1ab: {  	[sflag:s15] =	ssyncadd.s32 $0xFFFFFFD8  }
0x1ac: {  	[tilespmem:s17], [sflag:$0x2] =	stream.indirect.gather [hbm4b:s20+s25], $0x80, s3, s25, $0xb8;
	[tilespmem:$0x1A900] =	vst v63  }
0x1ad: {  	s3 =	simm.s32 $0x8  }
0x1ae: {  	_ =	swait.ge [sflag:s3], $0x28  }
0x1af: {  	[sflag:s3] =	ssyncset.done $0x0  }
0x1b0: {  	[sflag:s3] =	ssyncadd.s32 $0xFFFFFFD8  }
0x1b1: {  	[tilespmem:s18], [sflag:$0x3] =	stream.indirect.gather [hbm4b:s20+s25], $0x80, s4, s25, $0xb8;
	[tilespmem:$0x1A900] =	vst v63  }
0x1b2: {  	s4 =	simm.s32 $0x9  }
0x1b3: {  	_ =	swait.ge [sflag:s4], $0x28  }
0x1b4: {  	[sflag:s4] =	ssyncset.done $0x0  }
0x1b5: {  	s12 =	simm.s32 $0xA;
	s3 =	simm.s32 $0x3C00;
	[sflag:s4] =	ssyncadd.s32 $0xFFFFFFD8  }
0x1b6: {  	[tilespmem:s3], [sflag:$0x4] =	stream.indirect.gather [hbm4b:s20+s25], $0x80, s5, s25, $0xb8;
	[tilespmem:$0x1A900] =	vst v63  }
0x1b7: {  	_ =	swait.ge [sflag:s12], $0x28  }
0x1b8: {  	[sflag:s12] =	ssyncset.done $0x0  }
0x1b9: {  	s13 =	simm.s32 $0x1;
	s0 =	simm.s32 $0x5000;
	[sflag:s12] =	ssyncadd.s32 $0xFFFFFFD8  }
0x1ba: {  	[tilespmem:s0], [sflag:$0x5] =	stream.indirect.gather [hbm4b:s20+s25], $0x80, s6, s25, $0xb8;
	[tilespmem:$0x1A900] =	vst v63  }
0x1bb: {  	_ =	swait.ge [sflag:s13], $0x1400  }
0x1bc: {  	[sflag:s13] =	ssyncset.done $0x0  }
0x1bd: {  	[sflag:s13] =	ssyncadd.s32 $0xFFFFEC00  }
0x1be: {  	_ =	swait.ge [sflag:s7], $0x28  }
0x1bf: {  	[sflag:s7] =	ssyncset.done $0x0  }
0x1c0: {  	[sflag:s7] =	ssyncadd.s32 $0xFFFFFFD8  }
0x1c1: {  	[spmem:s21] =	stream.indirect.scatter.add.f32 [tilespmem:s2], [sflag:$0x10], $0x80, s26, s25, $0xb8;
	[tilespmem:$0x1A900] =	vst v63  }
0x1c2: {  	_ =	swait.ge [sflag:s9], $0x1400  }
0x1c3: {  	[sflag:s9] =	ssyncset.done $0x0  }
0x1c4: {  	[sflag:s9] =	ssyncadd.s32 $0xFFFFEC00  }
0x1c5: {  	_ =	swait.ge [sflag:s10], $0x1400  }
0x1c6: {  	[sflag:s10] =	ssyncset.done $0x0  }
0x1c7: {  	[sflag:s10] =	ssyncadd.s32 $0xFFFFEC00  }
0x1c8: {  	_ =	swait.ge [sflag:s14], $0x28  }
0x1c9: {  	[sflag:s14] =	ssyncset.done $0x0  }
0x1ca: {  	[sflag:s14] =	ssyncadd.s32 $0xFFFFFFD8  }
0x1cb: {  	[spmem:s21] =	stream.indirect.scatter.add.f32 [tilespmem:s17], [sflag:$0x10], $0x80, s23, s25, $0xb8;
	[tilespmem:$0x1A900] =	vst v63  }
0x1cc: {  	_ =	swait.ge [sflag:s9], $0x1400  }
0x1cd: {  	[sflag:s9] =	ssyncset.done $0x0  }
0x1ce: {  	[sflag:s9] =	ssyncadd.s32 $0xFFFFEC00  }
0x1cf: {  	_ =	swait.ge [sflag:s11], $0x1400  }
0x1d0: {  	[sflag:s11] =	ssyncset.done $0x0  }
0x1d1: {  	[sflag:s11] =	ssyncadd.s32 $0xFFFFEC00  }
0x1d2: {  	_ =	swait.ge [sflag:s30], $0x28  }
0x1d3: {  	[sflag:s30] =	ssyncset.done $0x0  }
0x1d4: {  	[sflag:s30] =	ssyncadd.s32 $0xFFFFFFD8  }
0x1d5: {  	[spmem:s21] =	stream.indirect.scatter.add.f32 [tilespmem:s18], [sflag:$0x10], $0x80, s19, s25, $0xb8;
	[tilespmem:$0x1A900] =	vst v63  }
0x1d6: {  	_ =	swait.ge [sflag:s9], $0x1400  }
0x1d7: {  	[sflag:s9] =	ssyncset.done $0x0  }
0x1d8: {  	[sflag:s9] =	ssyncadd.s32 $0xFFFFEC00  }
0x1d9: {  	_ =	swait.ge [sflag:s28], $0x1400  }
0x1da: {  	[sflag:s28] =	ssyncset.done $0x0  }
0x1db: {  	[sflag:s28] =	ssyncadd.s32 $0xFFFFEC00  }
0x1dc: {  	_ =	swait.ge [sflag:s24], $0x28  }
0x1dd: {  	[sflag:s24] =	ssyncset.done $0x0  }
0x1de: {  	[sflag:s24] =	ssyncadd.s32 $0xFFFFFFD8  }
0x1df: {  	[spmem:s21] =	stream.indirect.scatter.add.f32 [tilespmem:s3], [sflag:$0x10], $0x80, s16, s25, $0xb8;
	[tilespmem:$0x1A900] =	vst v63  }
0x1e0: {  	_ =	swait.ge [sflag:s9], $0x1400  }
0x1e1: {  	[sflag:s9] =	ssyncset.done $0x0  }
0x1e2: {  	[sflag:s9] =	ssyncadd.s32 $0xFFFFEC00  }
0x1e3: {  	_ =	swait.ge [sflag:s8], $0x1400  }
0x1e4: {  	[sflag:s8] =	ssyncset.done $0x0  }
0x1e5: {  	[sflag:s8] =	ssyncadd.s32 $0xFFFFEC00  }
0x1e6: {  	_ =	swait.ge [sflag:s22], $0x28  }
0x1e7: {  	[sflag:s22] =	ssyncset.done $0x0  }
0x1e8: {  	[sflag:s22] =	ssyncadd.s32 $0xFFFFFFD8  }
0x1e9: {  	[spmem:s21] =	stream.indirect.scatter.add.f32 [tilespmem:s0], [sflag:$0x10], $0x80, s1, s25, $0xb8;
	[tilespmem:$0x1A900] =	vst v63  }
0x1ea: {  	_ =	swait.ge [sflag:s9], $0x1400  }
0x1eb: {  	[sflag:s9] =	ssyncset.done $0x0  }
0x1ec: {  	[sflag:s9] =	ssyncadd.s32 $0xFFFFEC00  }
0x1ed: {  	[bflag:$0x0] =	sbarrier.arrive $0xFFFF  }
0x1ee: {  	s15 =	rddreg [dreg:$0x1d]  }
0x1ef: {  	[tilespmem:s2], [sflag:$0x10] =	stream.linear.gather [spmem:s15], $0x1400, $0x38;
	[tilespmem:$0x1A900] =	vst v63  }
0x1f0: {  	_ =	swait.ge [sflag:s9], $0x1400  }
0x1f1: {  	[sflag:s9] =	ssyncset.done $0x0  }
0x1f2: {  	s16 =	rddreg [dreg:$0xd];
	[sflag:s9] =	ssyncadd.s32 $0xFFFFEC00  }
0x1f3: {  	[hbm4b:s16+s2] =	stream.linear.scatter [tilespmem:s2], [sflag:$0x10], $0x1400, $0x38;
	[tilespmem:$0x1A900] =	vst v63  }
0x1f4: {  	_ =	swait.ge [sflag:s9], $0x1400  }
0x1f5: {  	[sflag:s9] =	ssyncset.done $0x0  }
0x1f6: {  	s19 =	rddreg [dreg:$0x1e];
	[sflag:s9] =	ssyncadd.s32 $0xFFFFEC00  }
0x1f7: {  	[tilespmem:s17], [sflag:$0x10] =	stream.linear.gather [spmem:s19], $0x1400, $0x38;
	[tilespmem:$0x1A900] =	vst v63  }
0x1f8: {  	_ =	swait.ge [sflag:s9], $0x1400  }
0x1f9: {  	[sflag:s9] =	ssyncset.done $0x0  }
0x1fa: {  	s23 =	rddreg [dreg:$0xe];
	[sflag:s9] =	ssyncadd.s32 $0xFFFFEC00  }
0x1fb: {  	[hbm4b:s23+s2] =	stream.linear.scatter [tilespmem:s17], [sflag:$0x10], $0x1400, $0x38;
	[tilespmem:$0x1A900] =	vst v63  }
0x1fc: {  	_ =	swait.ge [sflag:s9], $0x1400  }
0x1fd: {  	[sflag:s9] =	ssyncset.done $0x0  }
0x1fe: {  	s26 =	rddreg [dreg:$0x1f];
	[sflag:s9] =	ssyncadd.s32 $0xFFFFEC00  }
0x1ff: {  	[tilespmem:s18], [sflag:$0x10] =	stream.linear.gather [spmem:s26], $0x1400, $0x38;
	[tilespmem:$0x1A900] =	vst v63  }
0x200: {  	_ =	swait.ge [sflag:s9], $0x1400  }
0x201: {  	[sflag:s9] =	ssyncset.done $0x0  }
0x202: {  	s1 =	rddreg [dreg:$0xf];
	[sflag:s9] =	ssyncadd.s32 $0xFFFFEC00  }
0x203: {  	[hbm4b:s1+s2] =	stream.linear.scatter [tilespmem:s18], [sflag:$0x10], $0x1400, $0x38;
	[tilespmem:$0x1A900] =	vst v63  }
0x204: {  	_ =	swait.ge [sflag:s9], $0x1400  }
0x205: {  	s4 =	sld [smem:$0x7F0]  }
0x206: {  	[sflag:s9] =	ssyncset.done $0x0  }
0x207: {  	[sflag:s9] =	ssyncadd.s32 $0xFFFFEC00  }
0x208: {  	[tilespmem:s3], [sflag:$0x10] =	stream.linear.gather [spmem:s4], $0x1400, $0x38;
	[tilespmem:$0x1A900] =	vst v63  }
0x209: {  	_ =	swait.ge [sflag:s9], $0x1400  }
0x20a: {  	[sflag:s9] =	ssyncset.done $0x0  }
0x20b: {  	s5 =	rddreg [dreg:$0x10];
	[sflag:s9] =	ssyncadd.s32 $0xFFFFEC00  }
0x20c: {  	[hbm4b:s5+s2] =	stream.linear.scatter [tilespmem:s3], [sflag:$0x10], $0x1400, $0x38;
	[tilespmem:$0x1A900] =	vst v63  }
0x20d: {  	_ =	swait.ge [sflag:s9], $0x1400  }
0x20e: {  	s6 =	sld [smem:$0x7F1]  }
0x20f: {  	[sflag:s9] =	ssyncset.done $0x0  }
0x210: {  	[sflag:s9] =	ssyncadd.s32 $0xFFFFEC00  }
0x211: {  	[tilespmem:s0], [sflag:$0x10] =	stream.linear.gather [spmem:s6], $0x1400, $0x38;
	[tilespmem:$0x1A900] =	vst v63  }
0x212: {  	_ =	swait.ge [sflag:s9], $0x1400  }
0x213: {  	[sflag:s9] =	ssyncset.done $0x0  }
0x214: {  	s8 =	rddreg [dreg:$0x11];
	[sflag:s9] =	ssyncadd.s32 $0xFFFFEC00  }
0x215: {  	[hbm4b:s8+s2] =	stream.linear.scatter [tilespmem:s0], [sflag:$0x10], $0x1400, $0x38;
	[tilespmem:$0x1A900] =	vst v63  }
0x216: {  	_ =	swait.ge [sflag:s9], $0x1400  }
0x217: {  	s10 =	sld [smem:$0x7F2]  }
0x218: {  	[sflag:s9] =	ssyncset.done $0x0  }
0x219: {  	[sflag:s9] =	ssyncadd.s32 $0xFFFFEC00  }
0x21a: {  	[tilespmem:s2], [sflag:$0x10] =	stream.linear.gather [spmem:s10], $0x1400, $0x38;
	[tilespmem:$0x1A900] =	vst v63  }
0x21b: {  	_ =	swait.ge [sflag:s9], $0x1400  }
0x21c: {  	[sflag:s9] =	ssyncset.done $0x0  }
0x21d: {  	s11 =	rddreg [dreg:$0x12];
	[sflag:s9] =	ssyncadd.s32 $0xFFFFEC00  }
0x21e: {  	[hbm4b:s11+s2] =	stream.linear.scatter [tilespmem:s2], [sflag:$0x10], $0x1400, $0x38;
	[tilespmem:$0x1A900] =	vst v63  }
0x21f: {  	_ =	swait.ge [sflag:s9], $0x1400  }
0x220: {  	s13 =	sld [smem:$0x7F3]  }
0x221: {  	[sflag:s9] =	ssyncset.done $0x0  }
0x222: {  	[sflag:s9] =	ssyncadd.s32 $0xFFFFEC00  }
0x223: {  	[tilespmem:s17], [sflag:$0x10] =	stream.linear.gather [spmem:s13], $0x1400, $0x38;
	[tilespmem:$0x1A900] =	vst v63  }
0x224: {  	_ =	swait.ge [sflag:s9], $0x1400  }
0x225: {  	[sflag:s9] =	ssyncset.done $0x0  }
0x226: {  	s15 =	rddreg [dreg:$0x13];
	[sflag:s9] =	ssyncadd.s32 $0xFFFFEC00  }
0x227: {  	[hbm4b:s15+s2] =	stream.linear.scatter [tilespmem:s17], [sflag:$0x10], $0x1400, $0x38;
	[tilespmem:$0x1A900] =	vst v63  }
0x228: {  	_ =	swait.ge [sflag:s9], $0x1400  }
0x229: {  	s16 =	sld [smem:$0x7F4]  }
0x22a: {  	[sflag:s9] =	ssyncset.done $0x0  }
0x22b: {  	[sflag:s9] =	ssyncadd.s32 $0xFFFFEC00  }
0x22c: {  	[tilespmem:s18], [sflag:$0x10] =	stream.linear.gather [spmem:s16], $0x1400, $0x38;
	[tilespmem:$0x1A900] =	vst v63  }
0x22d: {  	_ =	swait.ge [sflag:s9], $0x1400  }
0x22e: {  	[sflag:s9] =	ssyncset.done $0x0  }
0x22f: {  	s19 =	rddreg [dreg:$0x14];
	[sflag:s9] =	ssyncadd.s32 $0xFFFFEC00  }
0x230: {  	[hbm4b:s19+s2] =	stream.linear.scatter [tilespmem:s18], [sflag:$0x10], $0x1400, $0x38;
	[tilespmem:$0x1A900] =	vst v63  }
0x231: {  	_ =	swait.ge [sflag:s9], $0x1400  }
0x232: {  	s23 =	sld [smem:$0x7F5]  }
0x233: {  	[sflag:s9] =	ssyncset.done $0x0  }
0x234: {  	[sflag:s9] =	ssyncadd.s32 $0xFFFFEC00  }
0x235: {  	[tilespmem:s3], [sflag:$0x10] =	stream.linear.gather [spmem:s23], $0x1400, $0x38;
	[tilespmem:$0x1A900] =	vst v63  }
0x236: {  	_ =	swait.ge [sflag:s9], $0x1400  }
0x237: {  	[sflag:s9] =	ssyncset.done $0x0  }
0x238: {  	s26 =	rddreg [dreg:$0x15];
	[sflag:s9] =	ssyncadd.s32 $0xFFFFEC00  }
0x239: {  	[hbm4b:s26+s2] =	stream.linear.scatter [tilespmem:s3], [sflag:$0x10], $0x1400, $0x38;
	[tilespmem:$0x1A900] =	vst v63  }
0x23a: {  	_ =	swait.ge [sflag:s9], $0x1400  }
0x23b: {  	s1 =	sld [smem:$0x7F6]  }
0x23c: {  	[sflag:s9] =	ssyncset.done $0x0  }
0x23d: {  	[sflag:s9] =	ssyncadd.s32 $0xFFFFEC00  }
0x23e: {  	[tilespmem:s0], [sflag:$0x10] =	stream.linear.gather [spmem:s1], $0x1400, $0x38;
	[tilespmem:$0x1A900] =	vst v63  }
0x23f: {  	_ =	swait.ge [sflag:s9], $0x1400  }
0x240: {  	[sflag:s9] =	ssyncset.done $0x0  }
0x241: {  	s4 =	rddreg [dreg:$0x16];
	[sflag:s9] =	ssyncadd.s32 $0xFFFFEC00  }
0x242: {  	[hbm4b:s4+s2] =	stream.linear.scatter [tilespmem:s0], [sflag:$0x10], $0x1400, $0x38;
	[tilespmem:$0x1A900] =	vst v63  }
0x243: {  	_ =	swait.ge [sflag:s9], $0x1400  }
0x244: {  	s5 =	sld [smem:$0x7F7]  }
0x245: {  	[sflag:s9] =	ssyncset.done $0x0  }
0x246: {  	[sflag:s9] =	ssyncadd.s32 $0xFFFFEC00  }
0x247: {  	[tilespmem:s2], [sflag:$0x10] =	stream.linear.gather [spmem:s5], $0x1400, $0x38;
	[tilespmem:$0x1A900] =	vst v63  }
0x248: {  	_ =	swait.ge [sflag:s9], $0x1400  }
0x249: {  	[sflag:s9] =	ssyncset.done $0x0  }
0x24a: {  	s6 =	rddreg [dreg:$0x17];
	[sflag:s9] =	ssyncadd.s32 $0xFFFFEC00  }
0x24b: {  	[hbm4b:s6+s2] =	stream.linear.scatter [tilespmem:s2], [sflag:$0x10], $0x1400, $0x38;
	[tilespmem:$0x1A900] =	vst v63  }
0x24c: {  	_ =	swait.ge [sflag:s9], $0x1400  }
0x24d: {  	s8 =	sld [smem:$0x7F8]  }
0x24e: {  	[sflag:s9] =	ssyncset.done $0x0  }
0x24f: {  	[sflag:s9] =	ssyncadd.s32 $0xFFFFEC00  }
0x250: {  	[tilespmem:s17], [sflag:$0x10] =	stream.linear.gather [spmem:s8], $0x1400, $0x38;
	[tilespmem:$0x1A900] =	vst v63  }
0x251: {  	_ =	swait.ge [sflag:s9], $0x1400  }
0x252: {  	[sflag:s9] =	ssyncset.done $0x0  }
0x253: {  	s10 =	rddreg [dreg:$0x18];
	[sflag:s9] =	ssyncadd.s32 $0xFFFFEC00  }
0x254: {  	[hbm4b:s10+s2] =	stream.linear.scatter [tilespmem:s17], [sflag:$0x10], $0x1400, $0x38;
	[tilespmem:$0x1A900] =	vst v63  }
0x255: {  	_ =	swait.ge [sflag:s9], $0x1400  }
0x256: {  	s1 =	sld [smem:$0x7FB]  }
0x257: {  	[sflag:s9] =	ssyncset.done $0x0  }
0x258: {  	[sflag:s9] =	ssyncadd.s32 $0xFFFFEC00  }
0x259: {  	[tilespmem:s18], [sflag:$0x10] =	stream.linear.gather [spmem:s1], $0x1400, $0x38;
	[tilespmem:$0x1A900] =	vst v63  }
0x25a: {  	_ =	swait.ge [sflag:s9], $0x1400  }
0x25b: {  	[sflag:s9] =	ssyncset.done $0x0  }
0x25c: {  	s11 =	rddreg [dreg:$0x19];
	[sflag:s9] =	ssyncadd.s32 $0xFFFFEC00  }
0x25d: {  	[hbm4b:s11+s2] =	stream.linear.scatter [tilespmem:s18], [sflag:$0x10], $0x1400, $0x38;
	[tilespmem:$0x1A900] =	vst v63  }
0x25e: {  	_ =	swait.ge [sflag:s9], $0x1400  }
0x25f: {  	s17 =	sld [smem:$0x7FC]  }
0x260: {  	[sflag:s9] =	ssyncset.done $0x0  }
0x261: {  	[sflag:s9] =	ssyncadd.s32 $0xFFFFEC00  }
0x262: {  	[tilespmem:s3], [sflag:$0x10] =	stream.linear.gather [spmem:s17], $0x1400, $0x38;
	[tilespmem:$0x1A900] =	vst v63  }
0x263: {  	_ =	swait.ge [sflag:s9], $0x1400  }
0x264: {  	[sflag:s9] =	ssyncset.done $0x0  }
0x265: {  	s13 =	rddreg [dreg:$0x1a];
	[sflag:s9] =	ssyncadd.s32 $0xFFFFEC00  }
0x266: {  	[hbm4b:s13+s2] =	stream.linear.scatter [tilespmem:s3], [sflag:$0x10], $0x1400, $0x38;
	[tilespmem:$0x1A900] =	vst v63  }
0x267: {  	_ =	swait.ge [sflag:s9], $0x1400  }
0x268: {  	s18 =	sld [smem:$0x7FD]  }
0x269: {  	[sflag:s9] =	ssyncset.done $0x0  }
0x26a: {  	[sflag:s9] =	ssyncadd.s32 $0xFFFFEC00  }
0x26b: {  	[tilespmem:s0], [sflag:$0x10] =	stream.linear.gather [spmem:s18], $0x1400, $0x38;
	[tilespmem:$0x1A900] =	vst v63  }
0x26c: {  	_ =	swait.ge [sflag:s9], $0x1400  }
0x26d: {  	[sflag:s9] =	ssyncset.done $0x0  }
0x26e: {  	s15 =	rddreg [dreg:$0x1b];
	[sflag:s9] =	ssyncadd.s32 $0xFFFFEC00  }
0x26f: {  	[hbm4b:s15+s2] =	stream.linear.scatter [tilespmem:s0], [sflag:$0x10], $0x1400, $0x38;
	[tilespmem:$0x1A900] =	vst v63  }
0x270: {  	_ =	swait.ge [sflag:s9], $0x1400  }
0x271: {  	s16 =	sld [smem:$0x7F9]  }
0x272: {  	[sflag:s9] =	ssyncset.done $0x0  }
0x273: {  	[sflag:s9] =	ssyncadd.s32 $0xFFFFEC00  }
0x274: {  	[tilespmem:s2], [sflag:$0x10] =	stream.linear.gather [spmem:s16], $0x1400, $0x38;
	[tilespmem:$0x1A900] =	vst v63  }
0x275: {  	_ =	swait.ge [sflag:s9], $0x1400  }
0x276: {  	[sflag:s9] =	ssyncset.done $0x0  }
0x277: {  	s19 =	rddreg [dreg:$0x1c];
	[sflag:s9] =	ssyncadd.s32 $0xFFFFEC00  }
0x278: {  	[hbm4b:s19+s2] =	stream.linear.scatter [tilespmem:s2], [sflag:$0x10], $0x1400, $0x38;
	[tilespmem:$0x1A900] =	vst v63  }
0x279: {  	_ =	swait.ge [sflag:s9], $0x1400  }
0x27a: {  	s23 =	sld [smem:$0x7EF]  }
0x27b: {  	s26 =	sld [smem:$0x7FA];
	_ =	sdelay $0x1  }
0x27c: {  	s0 =	sadd.s32 $0x1, s23  }
0x27d: {  	p0 =	sne.s32 s0, s26  }
.Ltmp2:
0x27e: {  	_ = 	snop;
	(pc) =	sbr.rel @p0 .LBB2_1-.Ltmp2, $3  }
0x27f: {  	_ =	sdelay $0x1  }
0x280: {  	[sflag:s9] =	ssyncset.done $0x0  }
0x281: {  	s28 =	smov.u32 s21;
	[sflag:s9] =	ssyncadd.s32 $0xFFFFEC00  }
0x282: {  	_ =	sfence.sel $0x180000  }
0x283: {  	[bflag:$0x0] =	sbarrier.arrive $0xFFFF  }
0x284: {  	_ =	strace $0x9000004D  }
0x285: {  	s0 =	stileid.u32;
	[bflag:$0x2] =	sbarrier.arrive $0xFFFF  }
0x286: {  	p0 =	sne.s32 s0, $0x0;
	s0 =	rddreg [dreg:$0x2]  }
0x287: {  	s0 =	sadd.s32 @!p0 $0x100000, s0  }
0x288: {  	[sflag:s0] =	ssyncadd.tile.s32 @!p0 $0x1;
	_ =	shalt  }
.Lfunc_end2:
_tile_overlayer_lowered:
.L_overlay_start_2:
0x289: {  	(tag) =	ssettag $0x2  }
0x28a: {  	s0 =	rddreg [dreg:$0x0];
	s2 =	stileid.u32  }
0x28b: {  	s1 =	rddreg [dreg:$0x1];
	p0 =	sne.s32 s2, $0x0  }
0x28c: {  	s3 =	rddreg [dreg:$0x2];
	[bflag:$0x3] =	sbarrier.arrive $0xFFFF;
	s2 =	simm.s32 @!p0 $0x1C10  }
0x28d: {  	[timem:s3], [sflag:s2] =	dma.local @!p0 [hbm:s0], s1  }
0x28e: {  	s0 =	simm.s32 @!p0 $0x10  }
0x28f: {  	_ =	swait.ge @!p0 [sflag:s0], s1  }
0x290: {  	s1 =	ssub.s32 @!p0 $0x0, s1;
	[sflag:s0] =	ssyncset.done @!p0 $0x0  }
0x291: {  	[sflag:s0] =	ssyncadd.s32 @!p0 s1  }
0x292: {  	[bflag:$0x3] =	sbarrier.arrive $0xFFFF  }
0x293: {  	_ =	shalt  }

// kernel: kernel.8.cloned.1.call-start
scs
__scs_entry_jumppad:
0x0: {  	(pc) =	sbr.rel $0x88, $3  }
0x1: {  	(tag) =	ssettag $0x0;
	lr =	simm.s32 $0x1  }
0x2: {  	[smem:$0x3F99] =	sst lr;
	_ =	strace $0xD0000000  }
0x3: {  	_ = 	snop  }
0x4: {  	_ = 	snop  }
0x5: {  	_ = 	snop  }
0x6: {  	_ = 	snop  }
0x7: {  	_ = 	snop  }
__scs_overlays_trampoline_lowered:
0x8: {  	[smem:$0x3FA8] =	sst s0  }
0x9: {  	[smem:$0x3FA9] =	sst s1  }
0xa: {  	[smem:$0x3FAA] =	sst s2  }
0xb: {  	[smem:$0x3FAB] =	sst s3  }
0xc: {  	[smem:$0x3FAC] =	sst s4  }
0xd: {  	[smem:$0x3FAD] =	sst s5  }
0xe: {  	[smem:$0x3FAE] =	sst s6  }
0xf: {  	[smem:$0x3FAF] =	sst s7  }
0x10: {  	[smem:$0x3FB0] =	sst s8  }
0x11: {  	[smem:$0x3FB1] =	sst s9;
	s0 =	simm.s32 @!p0 $0x0  }
0x12: {  	s1 =	sld [smem:$0x3F97];
	s0 =	simm.s32 @p0 $0x1  }
0x13: {  	[smem:$0x3FB2] =	sst s0;
	s0 =	simm.s32 @!p1 $0x0  }
0x14: {  	s2 =	sld [smem:$0x3F96];
	s0 =	simm.s32 @p1 $0x1  }
0x15: {  	[smem:$0x3FB3] =	sst s0;
	s0 =	simm.s32 @!p2 $0x0  }
0x16: {  	s3 =	sld [smem:$0x3FDB];
	s0 =	simm.s32 @p2 $0x1  }
0x17: {  	s4 =	simm.s32 $0x1BF5;
	[smem:$0x3FB5] =	sst s0  }
0x18: {  	s0 =	sld [smem:$0x3F98];
	_ =	swait.ge [sflag:s4], $0x0  }
0x19: {  	s7 =	sld [smem:$0x3F99]  }
0x1a: {  	s8 =	sadd.s32 $0xFFFFE003, lr  }
0x1b: {  	s9 =	sadd.s32 $0xFFFFFEF7, lr;
	s5 =	simm.s32 $0xFFFFFFFF;
	p2 =	slt.u32 s8, $0xFFFFF086  }
0x1c: {  	p1 =	slt.u32 s9, $0xF7A;
	s5 =	simm.s32 @!p2 $0x0  }
0x1d: {  	s5 =	simm.s32 @p1 $0x1;
	p0 =	seq.s32 s7, s2  }
0x1e: {  	s7 =	smul.u32 @!p0 $0xF7A, s2;
	p2 =	seq.s32 @!p0 s5, $0x0  }
0x1f: {  	s9 =	smul.u32 $0xF7A, s1;
	s8 =	simm.s32 @!p0 $0x1BF5;
	p2 =	por !p2, p0  }
0x20: {  	[sflag:s8] =	ssyncset.s32 @!p0 $0xFFFFF086;
	s6 =	sadd.s32 @!p0 s3, s7;
	s7 =	simm.s32 @!p0 $0x108  }
0x21: {  	s3 =	sadd.s32 s3, s9;
	s6 =	sadd.s32 @!p0 $0x88, s6;
	s7 =	simm.s32 @p2 $0x1082  }
0x22: {  	[simem:s7], [sflag:s8] =	dma.local @!p0 [hbm:s6], $0xF7A  }
0x23: {  	s9 =	sor.u32 $0xD0000000, s2;
	s6 =	simm.s32 $0x108;
	_ =	swait.ge @!p0 [sflag:s8], $0x0  }
0x24: {  	s3 =	sadd.s32 $0x88, s3;
	s6 =	simm.s32 @!p1 $0x1082;
	[sflag:s4] =	ssyncset.s32 $0xFFFFF086  }
0x25: {  	[simem:s6], [sflag:s4] =	dma.local [hbm:s3], $0xF7A  }
0x26: {  	[smem:$0x3F99] =	sst s1;
	(tag) =	ssettag s2;
	_ =	strace s9  }
0x27: {  	s1 =	sld [smem:$0x3FA9]  }
0x28: {  	s2 =	sld [smem:$0x3FAA]  }
0x29: {  	s4 =	sld [smem:$0x3FAC]  }
0x2a: {  	p0 =	seq.s32 s5, $0x0;
	s5 =	sld [smem:$0x3FAD]  }
0x2b: {  	s6 =	sld [smem:$0x3FAE]  }
0x2c: {  	s7 =	sld [smem:$0x3FAF]  }
0x2d: {  	s3 =	simm.s32 $0x108;
	s8 =	sld [smem:$0x3FB0]  }
0x2e: {  	s3 =	simm.s32 @!p0 $0x1082;
	s9 =	sld [smem:$0x3FB1]  }
0x2f: {  	lr =	sadd.s32 s0, s3;
	s0 =	sld [smem:$0x3FA8]  }
0x30: {  	s3 =	sld [smem:$0x3FAB]  }
0x31: {  	[smem:$0x3FB4] =	sst s10  }
0x32: {  	s10 =	sld [smem:$0x3FB2];
	_ =	sdelay $0x3  }
0x33: {  	p0 =	seq.s32 s10, $0x1;
	s10 =	sld [smem:$0x3FB4];
	_ =	sdelay $0x3  }
0x34: {  	[smem:$0x3FB4] =	sst s10  }
0x35: {  	s10 =	sld [smem:$0x3FB3];
	_ =	sdelay $0x3  }
0x36: {  	p1 =	seq.s32 s10, $0x1;
	s10 =	sld [smem:$0x3FB4];
	_ =	sdelay $0x3  }
0x37: {  	[smem:$0x3FB4] =	sst s10  }
0x38: {  	s10 =	sld [smem:$0x3FB5]  }
0x39: {  	_ = 	snop;
	(pc) =	sbr.ind lr, $3  }
0x3a: {  	_ = 	snop  }
0x3b: {  	_ = 	snop  }
0x3c: {  	p2 =	seq.s32 s10, $0x1;
	s10 =	sld [smem:$0x3FB4]  }
0x3d: {  	_ =	shalt  }
0x3e: {  	_ =	shalt  }
0x3f: {  	_ =	shalt  }
0x40: {  	_ =	shalt  }
0x41: {  	_ =	shalt  }
0x42: {  	_ =	shalt  }
0x43: {  	_ =	shalt  }
0x44: {  	_ =	shalt  }
0x45: {  	_ =	shalt  }
0x46: {  	_ =	shalt  }
0x47: {  	_ =	shalt  }
0x48: {  	_ =	shalt  }
0x49: {  	_ =	shalt  }
0x4a: {  	_ =	shalt  }
0x4b: {  	_ =	shalt  }
0x4c: {  	_ =	shalt  }
0x4d: {  	_ =	shalt  }
0x4e: {  	_ =	shalt  }
0x4f: {  	_ =	shalt  }
0x50: {  	_ =	shalt  }
0x51: {  	_ =	shalt  }
0x52: {  	_ =	shalt  }
0x53: {  	_ =	shalt  }
0x54: {  	_ =	shalt  }
0x55: {  	_ =	shalt  }
0x56: {  	_ =	shalt  }
0x57: {  	_ =	shalt  }
0x58: {  	_ =	shalt  }
0x59: {  	_ =	shalt  }
0x5a: {  	_ =	shalt  }
0x5b: {  	_ =	shalt  }
0x5c: {  	_ =	shalt  }
0x5d: {  	_ =	shalt  }
0x5e: {  	_ =	shalt  }
0x5f: {  	_ =	shalt  }
0x60: {  	_ =	shalt  }
0x61: {  	_ =	shalt  }
0x62: {  	_ =	shalt  }
0x63: {  	_ =	shalt  }
0x64: {  	_ =	shalt  }
0x65: {  	_ =	shalt  }
0x66: {  	_ =	shalt  }
0x67: {  	_ =	shalt  }
0x68: {  	_ =	shalt  }
0x69: {  	_ =	shalt  }
0x6a: {  	_ =	shalt  }
0x6b: {  	_ =	shalt  }
0x6c: {  	_ =	shalt  }
0x6d: {  	_ =	shalt  }
0x6e: {  	_ =	shalt  }
0x6f: {  	_ =	shalt  }
0x70: {  	_ =	shalt  }
0x71: {  	_ =	shalt  }
0x72: {  	_ =	shalt  }
0x73: {  	_ =	shalt  }
0x74: {  	_ =	shalt  }
0x75: {  	_ =	shalt  }
0x76: {  	_ =	shalt  }
0x77: {  	_ =	shalt  }
0x78: {  	_ =	shalt  }
0x79: {  	_ =	shalt  }
0x7a: {  	_ =	shalt  }
0x7b: {  	_ =	shalt  }
0x7c: {  	_ =	shalt  }
0x7d: {  	_ =	shalt  }
0x7e: {  	_ =	shalt  }
0x7f: {  	_ =	shalt  }
0x80: {  	_ =	shalt  }
0x81: {  	_ =	shalt  }
0x82: {  	_ =	shalt  }
0x83: {  	_ =	shalt  }
0x84: {  	_ =	shalt  }
0x85: {  	_ =	shalt  }
0x86: {  	_ =	shalt  }
0x87: {  	_ =	shalt  }
.Lfunc_end0:
.L_simem_size_0:
called_computation_lowered:
.L_overlay_start_0:
0x88: {  	s2 =	sld [smem:$0x3FD9]  }
0x89: {  	s3 =	sld [smem:$0x3FFE];
	_ =	sdelay $0x1  }
0x8a: {  	s1 =	srdreg.scid  }
0x8b: {  	s0 =	sand.u32 $0x1, s1  }
0x8c: {  	s16 =	sshll.u32 s0, $0xA;
	s2 =	sadd.s32 s3, s2  }
0x8d: {  	s2 =	sadd.s32 s2, s16  }
0x8e: {  	[smem:$0x3FC0] =	sst s2  }
0x8f: {  	_ = 	snop  }
0x90: {  	(tm) =	ssettm $0x1  }
0x91: {  	s17 =	sld [smem:$0x3FFB];
	_ =	sdelay $0x3  }
0x92: {  	_ =	strace s17  }
0x93: {  	s2 =	sld [smem:$0x3FFC];
	_ =	sdelay $0x3  }
0x94: {  	_ =	strace s2  }
0x95: {  	s2 =	sld [smem:$0x3FFD];
	_ =	sdelay $0x3  }
0x96: {  	_ =	strace s2  }
0x97: {  	_ =	strace $0x8FFFFFFF  }
0x98: {  	s18 =	sld [smem:$0x3FDB];
	_ =	sdelay $0x1  }
0x99: {  	s19 =	simm.s32 $_scs_section_size  }
0x9a: {  	s4 =	simm.s32 $_size__tile_overlayer_lowered;
	s5 =	simm.s32 $_tile_overlayer_lowered  }
0x9b: {  	s22 =	simm.s32 $0x1BFF;
	s21 =	sshll.u32 s5, $0x1;
	s2 =	sadd.s32 s19, s18  }
0x9c: {  	s6 =	simm.s32 $0x0;
	s20 =	sshll.u32 s4, $0x1;
	s4 =	sadd.s32 s21, s2  }
0x9d: {  	[timem:s6], [sflag:s22] =	dma.local [hbm:s4], s20  }
0x9e: {  	_ =	swait.ge [sflag:s22], s20  }
0x9f: {  	s3 =	ssub.s32 $0x0, s20;
	[sflag:s22] =	ssyncset.done $0x0  }
0xa0: {  	[sflag:s22] =	ssyncadd.s32 s3;
	_ =	sdelay $0x1  }
0xa1: {  	s23 =	simm.s32 $0x1B8B  }
0xa2: {  	_ =	swait.ge [sflag:s23], $0x1  }
0xa3: {  	[sflag:s23] =	ssyncset.done $0x0  }
0xa4: {  	s25 =	simm.s32 $0x1B8E;
	s24 =	sld [smem:$0x3FFE];
	[sflag:s23] =	ssyncadd.s32 $0xFFFFFFFF  }
0xa5: {  	s26 =	simm.s32 $execute0_lowered;
	[smem:$0x3FD2] =	sst s25  }
0xa6: {  	s4 =	sshll.u32 s26, $0x1;
	_ =	strace $0x80000046;
	[dreg:$0x1] =	wrdreg $0xFFFFFFFF  }
0xa7: {  	s28 =	simm.s32 $_size_execute0_lowered;
	s2 =	sadd.s32 s2, s4;
	[dreg:$0x0] =	wrdreg $0x0  }
0xa8: {  	s4 =	sshll.u32 s28, $0x1;
	[dreg:$0x2] =	wrdreg s2  }
0xa9: {  	[dreg:$0x3] =	wrdreg s4  }
0xaa: {  	[dreg:$0x4] =	wrdreg $0xC0  }
0xab: {  	_ =	task [dreg:s6], $0x5FFFF  }
0xac: {  	[dreg:$0x1] =	wrdreg $0xFFFFFFFF  }
0xad: {  	[dreg:$0x0] =	wrdreg $0x60  }
0xae: {  	[dreg:$0x2] =	wrdreg s24  }
0xaf: {  	[dreg:$0x3] =	wrdreg $0x9  }
0xb0: {  	_ =	task.clear_ibuf [dreg:s6], $0x4FFFF;
	_ =	strace $0x90000046  }
0xb1: {  	s29 =	simm.s32 $0x9;
	_ =	strace $0x80000048  }
0xb2: {  	_ =	swait.ge [sflag:s29], $0x1  }
0xb3: {  	[sflag:s29] =	ssyncadd.s32 $0xFFFFFFFF  }
0xb4: {  	_ =	strace $0x90000048  }
0xb5: {  	_ =	sfence  }
0xb6: {  	s30 =	sld [smem:$0x0];
	_ =	sdelay $0x2  }
0xb7: {  	s31 =	sshll.u32 s1, $0xD;
	s1 =	sshrl.u32 s1, $0x2  }
0xb8: {  	s3 =	sand.u32 $0x4000, s31;
	s1 =	sadd.s32 s1, s30  }
0xb9: {  	s0 =	sor.u32 s3, s0;
	s1 =	sshll.u32 s1, $0x11  }
0xba: {  	s0 =	sor.u32 s1, s0  }
0xbb: {  	s0 =	sadd.s32 $0x8F2B, s0  }
0xbc: {  	[sflag:s0] =	ssyncadd.remote.s32 $0x1  }
0xbd: {  	_ =	sfence.sel $0xFFFF  }
0xbe: {  	[dreg:$0x0] =	wrdreg $0xFFFFFFFF;
	(pc) =	sbr.abs _section_cstart, $3  }
0xbf: {  	[dreg:$0x1] =	wrdreg $0xFFFFFFFF  }
0xc0: {  	_ =	task.clear_ibuf [dreg:s6], $0x2FFFF;
	_ =	strace $0x9FFFFFFF  }
0xc1: {  	(tm) =	ssettm $0x7FFFFFFF  }
tec
execute0_lowered:
.L_overlay_start_1:
0x0: {  	(tag) =	ssettag $0x1  }
0x1: {  	s0 =	srdreg.scid;
	s5 =	rddreg [dreg:$0x0]  }
0x2: {  	s1 =	rddreg [dreg:$0x1];
	s3 =	sand.u32 $0x1, s0  }
0x3: {  	s2 =	simm.s32 $0x0;
	s0 =	stileid.u32;
	s4 =	smul.u32 $0x4E200, s3  }
0x4: {  	[smem:$0x7FF] =	sst s2;
	s6 =	smul.u32 $0x2710, s0  }
0x5: {  	s9 =	simm.s32 $0x0;
	s7 =	sshll.u32 s3, $0x4;
	_ =	strace $0x80000047  }
0x6: {  	s3 =	ssub.s32 $0x2, s3;
	s31 =	sor.u32 s0, s7;
	s4 =	sadd.s32 s6, s4  }
0x7: {  	s8 =	sshrl.u32 s3, $0x1;
	s7 =	smul.u32 $0x28100, s31;
	s4 =	sshrl.u32 s4, $0x3  }
0x8: {  	s6 =	smul.u32 $0x5020, s31;
	s8 =	ssub.s32 s3, s8;
	s4 =	sadd.s32 s4, s5  }
0x9: {  	s5 =	sadd.s32 $0x10800, s5;
	s7 =	sshrl.u32 s7, $0x3;
	s3 =	sadd.s32 $0x1C00, s4  }
0xa: {  	v0 =	vimm.f32 $0.0e+00;
	v1 =	vlaneseq.u32;
	s7 =	sadd.s32 s5, s7;
	s4 =	sadd.s32 s5, s6;
	s6 =	smax.u32 s8, $0x1  }
0xb: {  	v2 =	vimm.f32 $1.000000000e+00;
	v3 =	vor.u32 $0xFFFEC000, v1;
	v4 =	vor.u32 $0x14000, v1;
	s8 =	simm.s32 $0x2780;
	s5 =	sadd.s32 $0x2810, s7;
	s7 =	simm.s32 $0x1  }
.LBB2_1:
0xc: {  	[tilespmem:s2], [sflag:$0x1] =	stream.linear.gather [hbm4b:s3+s2], $0x2710, $0x38;
	[tilespmem:$0x16800] =	vst v63  }
0xd: {  	_ =	swait.ge [sflag:s7], $0x2710  }
0xe: {  	[sflag:s7] =	ssyncset.done $0x0  }
0xf: {  	s10 =	simm.s32 $0x0;
	s11 =	simm.s32 $0x200;
	[sflag:s7] =	ssyncadd.s32 $0xFFFFD8F0  }
.LBB2_2:
0x10: {  	p0 =	sne.s32 s11, $0x50000;
	[tilespmem:s10+$0x27F0] =	vst v0  }
0x11: {  	[tilespmem:s10+$0x2780] =	vst v0  }
0x12: {  	[tilespmem:s10+$0x2790] =	vst v0  }
.Ltmp0:
0x13: {  	[tilespmem:s10+$0x27A0] =	vst v0;
	(pc) =	sbr.rel @p0 .LBB2_2-.Ltmp0, $4  }
0x14: {  	[tilespmem:s10+$0x27B0] =	vst v0  }
0x15: {  	[tilespmem:s10+$0x27C0] =	vst v0  }
0x16: {  	[tilespmem:s10+$0x27D0] =	vst v0  }
0x17: {  	[tilespmem:s10+$0x27E0] =	vst v0;
	s10 =	sshra.s32 s11, $0x2;
	s11 =	sadd.s32 $0x200, s11  }
0x18: {  	[tilespmem:s10+$0x27F0] =	vst v0  }
0x19: {  	[tilespmem:s10+$0x2780] =	vst v0  }
0x1a: {  	[tilespmem:s10+$0x2790] =	vst v0  }
0x1b: {  	[tilespmem:s10+$0x27A0] =	vst v0  }
0x1c: {  	[tilespmem:s10+$0x27B0] =	vst v0  }
0x1d: {  	[tilespmem:s10+$0x27C0] =	vst v0  }
0x1e: {  	[tilespmem:s10+$0x27D0] =	vst v0  }
0x1f: {  	[tilespmem:s10+$0x27E0] =	vst v0;
	s11 =	simm.s32 $0x0;
	s10 =	simm.s32 $0x40  }
.LBB2_4:
0x20: {  	p0 =	sne.s32 s10, $0x9C00;
	v5 =	vld [tilespmem:s11+$0x0];
	_ =	sdelay $0x4  }
0x21: {  	v5 =	vmin.u32 v5, $0x1400  }
0x22: {  	v5 =	vshll.u32 v5, $0x4  }
0x23: {  	v5 =	vor.u32 v1, v5  }
.Ltmp1:
0x24: {  	(pc) =	sbr.rel @p0 .LBB2_4-.Ltmp1, $2  }
0x25: {  	_ =	sdelay $0x2  }
0x26: {  	s11 =	sshra.s32 s10, $0x2;
	s10 =	sadd.s32 $0x40, s10;
	[tilespmem:v5+s8+$0x0] =	vst.idx.add.f32.msk $0xffff, v2  }
0x27: {  	v5 =	vld [tilespmem:s11+$0x0];
	_ =	sdelay $0x4  }
0x28: {  	v5 =	vmin.u32 v5, $0x1400  }
0x29: {  	v5 =	vshll.u32 v5, $0x4  }
0x2a: {  	v5 =	vor.u32 v1, v5;
	_ =	sdelay $0x4  }
0x2b: {  	s10 =	simm.s32 $0x0;
	[tilespmem:v5+s8+$0x0] =	vst.idx.add.f32.msk $0xffff, v2  }
0x2c: {  	[hbm4b:s4+s10] =	stream.linear.scatter [tilespmem:s8], [sflag:$0x1], $0x14080, $0x38;
	[tilespmem:$0x16800] =	vst v63  }
0x2d: {  	_ =	swait.ge [sflag:s7], $0x14080  }
0x2e: {  	[sflag:s7] =	ssyncset.done $0x0  }
0x2f: {  	s11 =	simm.s32 $0x200;
	s10 =	simm.s32 $0x0;
	[sflag:s7] =	ssyncadd.s32 $0xFFFEBF80  }
.LBB2_6:
0x30: {  	p0 =	sne.s32 s11, $0x50000;
	[tilespmem:s10+$0x27F0] =	vst v0  }
0x31: {  	[tilespmem:s10+$0x2780] =	vst v0  }
0x32: {  	[tilespmem:s10+$0x2790] =	vst v0  }
.Ltmp2:
0x33: {  	[tilespmem:s10+$0x27A0] =	vst v0;
	(pc) =	sbr.rel @p0 .LBB2_6-.Ltmp2, $4  }
0x34: {  	[tilespmem:s10+$0x27B0] =	vst v0  }
0x35: {  	[tilespmem:s10+$0x27C0] =	vst v0  }
0x36: {  	[tilespmem:s10+$0x27D0] =	vst v0  }
0x37: {  	[tilespmem:s10+$0x27E0] =	vst v0;
	s10 =	sshra.s32 s11, $0x2;
	s11 =	sadd.s32 $0x200, s11  }
0x38: {  	[tilespmem:s10+$0x27F0] =	vst v0  }
0x39: {  	[tilespmem:s10+$0x2780] =	vst v0  }
0x3a: {  	[tilespmem:s10+$0x2790] =	vst v0  }
0x3b: {  	[tilespmem:s10+$0x27A0] =	vst v0  }
0x3c: {  	[tilespmem:s10+$0x27B0] =	vst v0  }
0x3d: {  	[tilespmem:s10+$0x27C0] =	vst v0  }
0x3e: {  	[tilespmem:s10+$0x27D0] =	vst v0  }
0x3f: {  	[tilespmem:s10+$0x27E0] =	vst v0;
	s11 =	simm.s32 $0x0;
	s10 =	simm.s32 $0x40  }
.LBB2_8:
0x40: {  	p0 =	sne.s32 s10, $0x9C00;
	v5 =	vld [tilespmem:s11+$0x0];
	_ =	sdelay $0x4  }
0x41: {  	v6 =	vadd.s32 $0xFFFFEC00, v5;
	v5 =	vshll.u32 v5, $0x4  }
0x42: {  	vm0 =	vlt.u32 v6, $0x1400;
	v5 =	vadd.s32 v3, v5  }
0x43: {  	v5 =	vsel vm0, v5, v4  }
.Ltmp3:
0x44: {  	(pc) =	sbr.rel @p0 .LBB2_8-.Ltmp3, $2  }
0x45: {  	_ =	sdelay $0x2  }
0x46: {  	s11 =	sshra.s32 s10, $0x2;
	s10 =	sadd.s32 $0x40, s10;
	[tilespmem:v5+s8+$0x0] =	vst.idx.add.f32.msk $0xffff, v2  }
0x47: {  	v5 =	vld [tilespmem:s11+$0x0];
	_ =	sdelay $0x4  }
0x48: {  	v6 =	vadd.s32 $0xFFFFEC00, v5;
	v5 =	vshll.u32 v5, $0x4  }
0x49: {  	vm0 =	vlt.u32 v6, $0x1400;
	v5 =	vadd.s32 v3, v5  }
0x4a: {  	v5 =	vsel vm0, v5, v4;
	_ =	sdelay $0x2  }
0x4b: {  	s9 =	sadd.s32 $0x1, s9  }
0x4c: {  	p0 =	sne.s32 s9, s6  }
.Ltmp4:
0x4d: {  	[tilespmem:v5+s8+$0x0] =	vst.idx.add.f32.msk $0xffff, v2;
	(pc) =	sbr.rel @p0 .LBB2_1-.Ltmp4, $4  }
0x4e: {  	[hbm4b:s5+s2] =	stream.linear.scatter [tilespmem:s8], [sflag:$0x1], $0x14080, $0x38;
	[tilespmem:$0x16800] =	vst v63  }
0x4f: {  	_ =	swait.ge [sflag:s7], $0x14080  }
0x50: {  	[sflag:s7] =	ssyncset.done $0x0  }
0x51: {  	[sflag:s7] =	ssyncadd.s32 $0xFFFEBF80  }
0x52: {  	_ =	sfence.sel $0x180000  }
0x53: {  	[bflag:$0x0] =	sbarrier.arrive $0xFFFF  }
0x54: {  	p0 =	sne.s32 s0, $0x0;
	_ =	strace $0x90000047  }
0x55: {  	s0 =	sadd.s32 @!p0 $0x100000, s1;
	[bflag:$0x2] =	sbarrier.arrive $0xFFFF  }
0x56: {  	[sflag:s0] =	ssyncadd.tile.s32 @!p0 $0x1;
	_ =	shalt  }
.Lfunc_end2:
_tile_overlayer_lowered:
.L_overlay_start_2:
0x57: {  	(tag) =	ssettag $0x2  }
0x58: {  	s0 =	rddreg [dreg:$0x0];
	s2 =	stileid.u32  }
0x59: {  	s1 =	rddreg [dreg:$0x1];
	p0 =	sne.s32 s2, $0x0  }
0x5a: {  	s3 =	rddreg [dreg:$0x2];
	[bflag:$0x3] =	sbarrier.arrive $0xFFFF;
	s2 =	simm.s32 @!p0 $0x1C01  }
0x5b: {  	[timem:s3], [sflag:s2] =	dma.local @!p0 [hbm:s0], s1  }
0x5c: {  	s0 =	simm.s32 @!p0 $0x1  }
0x5d: {  	_ =	swait.ge @!p0 [sflag:s0], s1  }
0x5e: {  	s1 =	ssub.s32 @!p0 $0x0, s1;
	[sflag:s0] =	ssyncset.done @!p0 $0x0  }
0x5f: {  	[sflag:s0] =	ssyncadd.s32 @!p0 s1  }
0x60: {  	[bflag:$0x3] =	sbarrier.arrive $0xFFFF  }
0x61: {  	_ =	shalt  }

</sc_bundles>
